<compile_context>
chip_gen: v7x
topology: tpu7x:2x2x1
jax: 0.10.2.dev20260603
libtpu: 0.0.44.dev20260713+nightly
codegen_flags: <defaults>
</compile_context>

<pallas_src>
import functools

import jax
import jax.numpy as jnp
from jax import lax
from jax.experimental import pallas as pl
from jax.experimental.pallas import tpu as pltpu
from jax.experimental.pallas import tpu_sc as plsc

B = 4
S = 2048
D = 2048
NC = 2
NS = 16
NW = NC * NS
PRW = S // NW
C = 4
NCHUNK = PRW // C
L = 16
UNROLL = 8
NBUF = 3

_mesh = plsc.VectorSubcoreMesh(core_axis_name="c", subcore_axis_name="s")


@functools.partial(
    pl.kernel,
    mesh=_mesh,
    out_type=jax.ShapeDtypeStruct((B, S, D), jnp.float32),
    scratch_types=[
        pltpu.VMEM((NBUF, C, D), jnp.float32),
        pltpu.VMEM((NBUF, B, C, D), jnp.float32),
        pltpu.SemaphoreType.DMA((NBUF,)),
        pltpu.SemaphoreType.DMA((NBUF,)),
    ],
)
def _sc_add(x_hbm, pos_hbm, out_hbm, pos_v, xb_v, ld_sem, st_sem):
    wid = lax.axis_index("s") * NC + lax.axis_index("c")
    pos_row0 = wid * PRW

    def start_load(i, s):
        r = pos_row0 + i * C
        pltpu.async_copy(pos_hbm.at[pl.ds(r, C), :], pos_v.at[s], ld_sem.at[s])
        for b in range(B):
            pltpu.async_copy(
                x_hbm.at[b, pl.ds(r, C), :], xb_v.at[s, b], ld_sem.at[s])

    def wait_load(s):
        pltpu.make_async_copy(
            pos_hbm.at[pl.ds(0, C), :], pos_v.at[s], ld_sem.at[s]).wait()
        for b in range(B):
            pltpu.make_async_copy(
                x_hbm.at[0, pl.ds(0, C), :], xb_v.at[s, b], ld_sem.at[s]).wait()

    def start_store(i, s):
        r = pos_row0 + i * C
        for b in range(B):
            pltpu.async_copy(
                xb_v.at[s, b], out_hbm.at[b, pl.ds(r, C), :], st_sem.at[s])

    def wait_store(s):
        for b in range(B):
            pltpu.make_async_copy(
                xb_v.at[s, b], out_hbm.at[0, pl.ds(0, C), :],
                st_sem.at[s]).wait()

    def compute(s):
        def add_body(k, carry):
            base = k * (L * UNROLL)
            for row in range(C):
                for j in range(UNROLL):
                    sl = pl.ds(base + j * L, L)
                    pv = pos_v[s, row, sl]
                    for b in range(B):
                        xb_v[s, b, row, sl] = xb_v[s, b, row, sl] + pv
            return carry

        lax.fori_loop(0, D // (L * UNROLL), add_body, 0)

    start_load(0, 0)

    def chunk_body(i, carry):
        s = lax.rem(i, NBUF)
        sn = lax.rem(i + 1, NBUF)

        @pl.when(i >= NBUF - 1)
        def _():
            wait_store(sn)

        @pl.when(i + 1 < NCHUNK)
        def _():
            start_load(i + 1, sn)

        wait_load(s)
        compute(s)
        start_store(i, s)
        return carry

    lax.fori_loop(0, NCHUNK, chunk_body, 0)
    wait_store((NCHUNK - 2) % NBUF)
    wait_store((NCHUNK - 1) % NBUF)


def kernel(x, pos_emb):
    return _sc_add(x, pos_emb)

# --- scband reference (transcript-rebuilt; emitter-appended) ---
"""Pipeline reference for scband-position-embedding-53815940218947 (READ-ONLY COPY).

The authoritative reference and input builder live on the scoring server;
editing this copy changes nothing except your own understanding.
"""

import jax, jax.numpy as jnp
import numpy as np

MAXLEN = 2048
EMBED_DIM = 2048
BATCH = 4
SEQ = 2048


def setup_inputs(seed: int = 0) -> dict:
    key = jax.random.key(seed)
    k1, k2 = jax.random.split(key)
    x = jax.random.normal(k1, (BATCH, SEQ, EMBED_DIM), dtype=jnp.float32)
    # keras.layers.Embedding default init: uniform in [-0.05, 0.05]
    pos_emb = jax.random.uniform(k2, (MAXLEN, EMBED_DIM), minval=-0.05, maxval=0.05, dtype=jnp.float32)
    return {"x": x, "pos_emb": pos_emb}


def reference(x, pos_emb):
    # Faithful translation of the keras layer:
    #   maxlen = tf.shape(x)[-1]
    #   positions = tf.range(0, maxlen)
    #   return x + self.pos_emb(positions)
    # NOTE: the original code uses the LAST dim of x as the position count;
    # shapes were chosen with seq_len == embed_dim == 2048 so the literal
    # semantics broadcast correctly, matching the TF behavior exactly.
    maxlen = x.shape[-1]
    positions = jnp.arange(0, maxlen)
    pos_vecs = jnp.take(pos_emb, positions, axis=0)  # [maxlen, embed_dim]
    return x + pos_vecs

if __name__ == "__main__":
    import jax
    _d = setup_inputs()
    print(jax.jit(kernel)(*tuple(_d.values())))

</pallas_src>

<mosaic_0001>
#map = affine_map<(d0, d1) -> (0, 0, 0)>
#map1 = affine_map<(d0, d1) -> (0, 0)>
module attributes {stable_mosaic.version = 14 : i64} {
  func.func @_sc_add(%arg0: i32, %arg1: i32, %arg2: memref<4x2048x2048xf32, #tpu.memory_space<hbm>>, %arg3: memref<2048x2048xf32, #tpu.memory_space<hbm>>, %arg4: memref<4x2048x2048xf32, #tpu.memory_space<hbm>>, %arg5: memref<3x4x2048xf32, #tpu.memory_space<vmem>>, %arg6: memref<3x4x4x2048xf32, #tpu.memory_space<vmem>>, %arg7: memref<3x!tpu.dma_semaphore, #tpu.memory_space<semaphore_mem>>, %arg8: memref<3x!tpu.dma_semaphore, #tpu.memory_space<semaphore_mem>>) attributes {dimension_semantics = [#tpu.dimension_semantics<core_parallel>, #tpu.dimension_semantics<subcore_parallel>], iteration_bounds = array<i64: 2, 16>, scalar_prefetch = 0 : i64, scratch_operands = 4 : i64, tpu.core_type = #tpu.core_type<sc_vector_subcore>, window_params = [{transform_indices = #map}, {transform_indices = #map1}, {transform_indices = #map}]} {
    %mul3A = arith.constant 2 : i32
    %mul3A_0 = arith.muli %arg1, %mul3A : i32
    %add3A = arith.addi %mul3A_0, %arg0 : i32
    %mul3A_1 = arith.constant 64 : i32
    %mul3A_2 = arith.muli %add3A, %mul3A_1 : i32
    %add3A_3 = arith.constant 0 : i32
    %add3A_4 = arith.addi %mul3A_2, %add3A_3 : i32
    %dma_start3A = arith.constant 0 : i32
    %dma_start3A_5 = arith.constant 0 : i32
    %dma_start3A_6 = arith.constant 0 : i32
    %dma_start3A_7 = arith.constant 0 : i32
    %dma_start3A_8 = tpu.memref_slice %arg5[%dma_start3A, %dma_start3A_6, %dma_start3A_7] : memref<3x4x2048xf32, #tpu.memory_space<vmem>> -> memref<1x4x2048xf32, #tpu.memory_space<vmem>>
    %dma_start3A_9 = tpu.memref_squeeze %dma_start3A_8 : memref<1x4x2048xf32, #tpu.memory_space<vmem>> -> memref<4x2048xf32, #tpu.memory_space<vmem>>
    %dma_start3A_10 = arith.constant 0 : i32
    %dma_start3A_11 = tpu.memref_slice %arg3[%add3A_4, %dma_start3A_10] : memref<2048x2048xf32, #tpu.memory_space<hbm>> -> memref<4x2048xf32, #tpu.memory_space<hbm>>
    %dma_start3A_12 = tpu.memref_slice %arg7[%dma_start3A_5] : memref<3x!tpu.dma_semaphore, #tpu.memory_space<semaphore_mem>> -> memref<1x!tpu.dma_semaphore, #tpu.memory_space<semaphore_mem>>
    %dma_start3A_13 = tpu.memref_squeeze %dma_start3A_12 : memref<1x!tpu.dma_semaphore, #tpu.memory_space<semaphore_mem>> -> memref<!tpu.dma_semaphore, #tpu.memory_space<semaphore_mem>>
    %dma_start3A_14 = arith.constant 0 : i32
    %dma_start3A_15 = arith.constant 0 : i32
    %dma_start3A_16 = tpu.memref_slice %arg5[%dma_start3A, %dma_start3A_14, %dma_start3A_15] : memref<3x4x2048xf32, #tpu.memory_space<vmem>> -> memref<1x4x2048xf32, #tpu.memory_space<vmem>>
    %dma_start3A_17 = tpu.memref_squeeze %dma_start3A_16 : memref<1x4x2048xf32, #tpu.memory_space<vmem>> -> memref<4x2048xf32, #tpu.memory_space<vmem>>
    %dma_start3A_18 = arith.constant 0 : i32
    %dma_start3A_19 = tpu.memref_slice %arg3[%add3A_4, %dma_start3A_18] : memref<2048x2048xf32, #tpu.memory_space<hbm>> -> memref<4x2048xf32, #tpu.memory_space<hbm>>
    tpu.enqueue_dma source(%dma_start3A_19 : memref<4x2048xf32, #tpu.memory_space<hbm>>) target(%dma_start3A_17 : memref<4x2048xf32, #tpu.memory_space<vmem>>) target_semaphore(%dma_start3A_13 : memref<!tpu.dma_semaphore, #tpu.memory_space<semaphore_mem>>)
    %dma_start3A_20 = arith.constant 0 : i32
    %dma_start3A_21 = arith.constant 0 : i32
    %dma_start3A_22 = arith.constant 0 : i32
    %dma_start3A_23 = arith.constant 0 : i32
    %dma_start3A_24 = arith.constant 0 : i32
    %dma_start3A_25 = arith.constant 0 : i32
    %dma_start3A_26 = tpu.memref_slice %arg6[%dma_start3A_21, %dma_start3A_22, %dma_start3A_24, %dma_start3A_25] : memref<3x4x4x2048xf32, #tpu.memory_space<vmem>> -> memref<1x1x4x2048xf32, #tpu.memory_space<vmem>>
    %dma_start3A_27 = tpu.memref_squeeze %dma_start3A_26 : memref<1x1x4x2048xf32, #tpu.memory_space<vmem>> -> memref<4x2048xf32, #tpu.memory_space<vmem>>
    %dma_start3A_28 = arith.constant 0 : i32
    %dma_start3A_29 = tpu.memref_slice %arg2[%dma_start3A_20, %add3A_4, %dma_start3A_28] : memref<4x2048x2048xf32, #tpu.memory_space<hbm>> -> memref<1x4x2048xf32, #tpu.memory_space<hbm>>
    %dma_start3A_30 = tpu.memref_squeeze %dma_start3A_29 : memref<1x4x2048xf32, #tpu.memory_space<hbm>> -> memref<4x2048xf32, #tpu.memory_space<hbm>>
    %dma_start3A_31 = tpu.memref_slice %arg7[%dma_start3A_23] : memref<3x!tpu.dma_semaphore, #tpu.memory_space<semaphore_mem>> -> memref<1x!tpu.dma_semaphore, #tpu.memory_space<semaphore_mem>>
    %dma_start3A_32 = tpu.memref_squeeze %dma_start3A_31 : memref<1x!tpu.dma_semaphore, #tpu.memory_space<semaphore_mem>> -> memref<!tpu.dma_semaphore, #tpu.memory_space<semaphore_mem>>
    %dma_start3A_33 = arith.constant 0 : i32
    %dma_start3A_34 = arith.constant 0 : i32
    %dma_start3A_35 = tpu.memref_slice %arg6[%dma_start3A_21, %dma_start3A_22, %dma_start3A_33, %dma_start3A_34] : memref<3x4x4x2048xf32, #tpu.memory_space<vmem>> -> memref<1x1x4x2048xf32, #tpu.memory_space<vmem>>
    %dma_start3A_36 = tpu.memref_squeeze %dma_start3A_35 : memref<1x1x4x2048xf32, #tpu.memory_space<vmem>> -> memref<4x2048xf32, #tpu.memory_space<vmem>>
    %dma_start3A_37 = arith.constant 0 : i32
    %dma_start3A_38 = tpu.memref_slice %arg2[%dma_start3A_20, %add3A_4, %dma_start3A_37] : memref<4x2048x2048xf32, #tpu.memory_space<hbm>> -> memref<1x4x2048xf32, #tpu.memory_space<hbm>>
    %dma_start3A_39 = tpu.memref_squeeze %dma_start3A_38 : memref<1x4x2048xf32, #tpu.memory_space<hbm>> -> memref<4x2048xf32, #tpu.memory_space<hbm>>
    tpu.enqueue_dma source(%dma_start3A_39 : memref<4x2048xf32, #tpu.memory_space<hbm>>) target(%dma_start3A_36 : memref<4x2048xf32, #tpu.memory_space<vmem>>) target_semaphore(%dma_start3A_32 : memref<!tpu.dma_semaphore, #tpu.memory_space<semaphore_mem>>)
    %dma_start3A_40 = arith.constant 1 : i32
    %dma_start3A_41 = arith.constant 0 : i32
    %dma_start3A_42 = arith.constant 1 : i32
    %dma_start3A_43 = arith.constant 0 : i32
    %dma_start3A_44 = arith.constant 0 : i32
    %dma_start3A_45 = arith.constant 0 : i32
    %dma_start3A_46 = tpu.memref_slice %arg6[%dma_start3A_41, %dma_start3A_42, %dma_start3A_44, %dma_start3A_45] : memref<3x4x4x2048xf32, #tpu.memory_space<vmem>> -> memref<1x1x4x2048xf32, #tpu.memory_space<vmem>>
    %dma_start3A_47 = tpu.memref_squeeze %dma_start3A_46 : memref<1x1x4x2048xf32, #tpu.memory_space<vmem>> -> memref<4x2048xf32, #tpu.memory_space<vmem>>
    %dma_start3A_48 = arith.constant 0 : i32
    %dma_start3A_49 = tpu.memref_slice %arg2[%dma_start3A_40, %add3A_4, %dma_start3A_48] : memref<4x2048x2048xf32, #tpu.memory_space<hbm>> -> memref<1x4x2048xf32, #tpu.memory_space<hbm>>
    %dma_start3A_50 = tpu.memref_squeeze %dma_start3A_49 : memref<1x4x2048xf32, #tpu.memory_space<hbm>> -> memref<4x2048xf32, #tpu.memory_space<hbm>>
    %dma_start3A_51 = tpu.memref_slice %arg7[%dma_start3A_43] : memref<3x!tpu.dma_semaphore, #tpu.memory_space<semaphore_mem>> -> memref<1x!tpu.dma_semaphore, #tpu.memory_space<semaphore_mem>>
    %dma_start3A_52 = tpu.memref_squeeze %dma_start3A_51 : memref<1x!tpu.dma_semaphore, #tpu.memory_space<semaphore_mem>> -> memref<!tpu.dma_semaphore, #tpu.memory_space<semaphore_mem>>
    %dma_start3A_53 = arith.constant 0 : i32
    %dma_start3A_54 = arith.constant 0 : i32
    %dma_start3A_55 = tpu.memref_slice %arg6[%dma_start3A_41, %dma_start3A_42, %dma_start3A_53, %dma_start3A_54] : memref<3x4x4x2048xf32, #tpu.memory_space<vmem>> -> memref<1x1x4x2048xf32, #tpu.memory_space<vmem>>
    %dma_start3A_56 = tpu.memref_squeeze %dma_start3A_55 : memref<1x1x4x2048xf32, #tpu.memory_space<vmem>> -> memref<4x2048xf32, #tpu.memory_space<vmem>>
    %dma_start3A_57 = arith.constant 0 : i32
    %dma_start3A_58 = tpu.memref_slice %arg2[%dma_start3A_40, %add3A_4, %dma_start3A_57] : memref<4x2048x2048xf32, #tpu.memory_space<hbm>> -> memref<1x4x2048xf32, #tpu.memory_space<hbm>>
    %dma_start3A_59 = tpu.memref_squeeze %dma_start3A_58 : memref<1x4x2048xf32, #tpu.memory_space<hbm>> -> memref<4x2048xf32, #tpu.memory_space<hbm>>
    tpu.enqueue_dma source(%dma_start3A_59 : memref<4x2048xf32, #tpu.memory_space<hbm>>) target(%dma_start3A_56 : memref<4x2048xf32, #tpu.memory_space<vmem>>) target_semaphore(%dma_start3A_52 : memref<!tpu.dma_semaphore, #tpu.memory_space<semaphore_mem>>)
    %dma_start3A_60 = arith.constant 2 : i32
    %dma_start3A_61 = arith.constant 0 : i32
    %dma_start3A_62 = arith.constant 2 : i32
    %dma_start3A_63 = arith.constant 0 : i32
    %dma_start3A_64 = arith.constant 0 : i32
    %dma_start3A_65 = arith.constant 0 : i32
    %dma_start3A_66 = tpu.memref_slice %arg6[%dma_start3A_61, %dma_start3A_62, %dma_start3A_64, %dma_start3A_65] : memref<3x4x4x2048xf32, #tpu.memory_space<vmem>> -> memref<1x1x4x2048xf32, #tpu.memory_space<vmem>>
    %dma_start3A_67 = tpu.memref_squeeze %dma_start3A_66 : memref<1x1x4x2048xf32, #tpu.memory_space<vmem>> -> memref<4x2048xf32, #tpu.memory_space<vmem>>
    %dma_start3A_68 = arith.constant 0 : i32
    %dma_start3A_69 = tpu.memref_slice %arg2[%dma_start3A_60, %add3A_4, %dma_start3A_68] : memref<4x2048x2048xf32, #tpu.memory_space<hbm>> -> memref<1x4x2048xf32, #tpu.memory_space<hbm>>
    %dma_start3A_70 = tpu.memref_squeeze %dma_start3A_69 : memref<1x4x2048xf32, #tpu.memory_space<hbm>> -> memref<4x2048xf32, #tpu.memory_space<hbm>>
    %dma_start3A_71 = tpu.memref_slice %arg7[%dma_start3A_63] : memref<3x!tpu.dma_semaphore, #tpu.memory_space<semaphore_mem>> -> memref<1x!tpu.dma_semaphore, #tpu.memory_space<semaphore_mem>>
    %dma_start3A_72 = tpu.memref_squeeze %dma_start3A_71 : memref<1x!tpu.dma_semaphore, #tpu.memory_space<semaphore_mem>> -> memref<!tpu.dma_semaphore, #tpu.memory_space<semaphore_mem>>
    %dma_start3A_73 = arith.constant 0 : i32
    %dma_start3A_74 = arith.constant 0 : i32
    %dma_start3A_75 = tpu.memref_slice %arg6[%dma_start3A_61, %dma_start3A_62, %dma_start3A_73, %dma_start3A_74] : memref<3x4x4x2048xf32, #tpu.memory_space<vmem>> -> memref<1x1x4x2048xf32, #tpu.memory_space<vmem>>
    %dma_start3A_76 = tpu.memref_squeeze %dma_start3A_75 : memref<1x1x4x2048xf32, #tpu.memory_space<vmem>> -> memref<4x2048xf32, #tpu.memory_space<vmem>>
    %dma_start3A_77 = arith.constant 0 : i32
    %dma_start3A_78 = tpu.memref_slice %arg2[%dma_start3A_60, %add3A_4, %dma_start3A_77] : memref<4x2048x2048xf32, #tpu.memory_space<hbm>> -> memref<1x4x2048xf32, #tpu.memory_space<hbm>>
    %dma_start3A_79 = tpu.memref_squeeze %dma_start3A_78 : memref<1x4x2048xf32, #tpu.memory_space<hbm>> -> memref<4x2048xf32, #tpu.memory_space<hbm>>
    tpu.enqueue_dma source(%dma_start3A_79 : memref<4x2048xf32, #tpu.memory_space<hbm>>) target(%dma_start3A_76 : memref<4x2048xf32, #tpu.memory_space<vmem>>) target_semaphore(%dma_start3A_72 : memref<!tpu.dma_semaphore, #tpu.memory_space<semaphore_mem>>)
    %dma_start3A_80 = arith.constant 3 : i32
    %dma_start3A_81 = arith.constant 0 : i32
    %dma_start3A_82 = arith.constant 3 : i32
    %dma_start3A_83 = arith.constant 0 : i32
    %dma_start3A_84 = arith.constant 0 : i32
    %dma_start3A_85 = arith.constant 0 : i32
    %dma_start3A_86 = tpu.memref_slice %arg6[%dma_start3A_81, %dma_start3A_82, %dma_start3A_84, %dma_start3A_85] : memref<3x4x4x2048xf32, #tpu.memory_space<vmem>> -> memref<1x1x4x2048xf32, #tpu.memory_space<vmem>>
    %dma_start3A_87 = tpu.memref_squeeze %dma_start3A_86 : memref<1x1x4x2048xf32, #tpu.memory_space<vmem>> -> memref<4x2048xf32, #tpu.memory_space<vmem>>
    %dma_start3A_88 = arith.constant 0 : i32
    %dma_start3A_89 = tpu.memref_slice %arg2[%dma_start3A_80, %add3A_4, %dma_start3A_88] : memref<4x2048x2048xf32, #tpu.memory_space<hbm>> -> memref<1x4x2048xf32, #tpu.memory_space<hbm>>
    %dma_start3A_90 = tpu.memref_squeeze %dma_start3A_89 : memref<1x4x2048xf32, #tpu.memory_space<hbm>> -> memref<4x2048xf32, #tpu.memory_space<hbm>>
    %dma_start3A_91 = tpu.memref_slice %arg7[%dma_start3A_83] : memref<3x!tpu.dma_semaphore, #tpu.memory_space<semaphore_mem>> -> memref<1x!tpu.dma_semaphore, #tpu.memory_space<semaphore_mem>>
    %dma_start3A_92 = tpu.memref_squeeze %dma_start3A_91 : memref<1x!tpu.dma_semaphore, #tpu.memory_space<semaphore_mem>> -> memref<!tpu.dma_semaphore, #tpu.memory_space<semaphore_mem>>
    %dma_start3A_93 = arith.constant 0 : i32
    %dma_start3A_94 = arith.constant 0 : i32
    %dma_start3A_95 = tpu.memref_slice %arg6[%dma_start3A_81, %dma_start3A_82, %dma_start3A_93, %dma_start3A_94] : memref<3x4x4x2048xf32, #tpu.memory_space<vmem>> -> memref<1x1x4x2048xf32, #tpu.memory_space<vmem>>
    %dma_start3A_96 = tpu.memref_squeeze %dma_start3A_95 : memref<1x1x4x2048xf32, #tpu.memory_space<vmem>> -> memref<4x2048xf32, #tpu.memory_space<vmem>>
    %dma_start3A_97 = arith.constant 0 : i32
    %dma_start3A_98 = tpu.memref_slice %arg2[%dma_start3A_80, %add3A_4, %dma_start3A_97] : memref<4x2048x2048xf32, #tpu.memory_space<hbm>> -> memref<1x4x2048xf32, #tpu.memory_space<hbm>>
    %dma_start3A_99 = tpu.memref_squeeze %dma_start3A_98 : memref<1x4x2048xf32, #tpu.memory_space<hbm>> -> memref<4x2048xf32, #tpu.memory_space<hbm>>
    tpu.enqueue_dma source(%dma_start3A_99 : memref<4x2048xf32, #tpu.memory_space<hbm>>) target(%dma_start3A_96 : memref<4x2048xf32, #tpu.memory_space<vmem>>) target_semaphore(%dma_start3A_92 : memref<!tpu.dma_semaphore, #tpu.memory_space<semaphore_mem>>)
    %scan3A = arith.constant 0 : i32
    %scan3A_100 = arith.constant 0 : i32
    %scan3A_101 = arith.constant 16 : i32
    %scan3A_102 = arith.addi %scan3A_100, %scan3A_101 : i32
    %scan3A_103 = arith.constant 1 : i32
    scf.for %scan3A_280 = %scan3A_100 to %scan3A_102 step %scan3A_103  : i32 {
      %rem3A = arith.constant 3 : i32
      %rem3A_281 = arith.remsi %scan3A_280, %rem3A : i32
      %add3A_282 = arith.constant 1 : i32
      %add3A_283 = arith.addi %scan3A_280, %add3A_282 : i32
      %rem3A_284 = arith.constant 3 : i32
      %rem3A_285 = arith.remsi %add3A_283, %rem3A_284 : i32
      %ge3A = arith.constant 2 : i32
      %ge3A_286 = arith.cmpi sge, %scan3A_280, %ge3A : i32
      %convert_element_type3A = arith.extui %ge3A_286 : i1 to i32
      %cond3A = arith.constant 0 : i32
      %cond3A_287 = arith.cmpi ne, %convert_element_type3A, %cond3A : i32
      scf.if %cond3A_287 {
        %dma_wait3A_471 = arith.constant 0 : i32
        %dma_wait3A_472 = arith.constant 0 : i32
        %dma_wait3A_473 = arith.constant 0 : i32
        %dma_wait3A_474 = arith.constant 0 : i32
        %dma_wait3A_475 = tpu.memref_slice %arg6[%rem3A_285, %dma_wait3A_471, %dma_wait3A_473, %dma_wait3A_474] : memref<3x4x4x2048xf32, #tpu.memory_space<vmem>> -> memref<1x1x4x2048xf32, #tpu.memory_space<vmem>>
        %dma_wait3A_476 = tpu.memref_squeeze %dma_wait3A_475 : memref<1x1x4x2048xf32, #tpu.memory_space<vmem>> -> memref<4x2048xf32, #tpu.memory_space<vmem>>
        %dma_wait3A_477 = arith.constant 0 : i32
        %dma_wait3A_478 = arith.constant 0 : i32
        %dma_wait3A_479 = tpu.memref_slice %arg4[%dma_wait3A_472, %dma_wait3A_477, %dma_wait3A_478] : memref<4x2048x2048xf32, #tpu.memory_space<hbm>> -> memref<1x4x2048xf32, #tpu.memory_space<hbm>>
        %dma_wait3A_480 = tpu.memref_squeeze %dma_wait3A_479 : memref<1x4x2048xf32, #tpu.memory_space<hbm>> -> memref<4x2048xf32, #tpu.memory_space<hbm>>
        %dma_wait3A_481 = tpu.memref_slice %arg8[%rem3A_285] : memref<3x!tpu.dma_semaphore, #tpu.memory_space<semaphore_mem>> -> memref<1x!tpu.dma_semaphore, #tpu.memory_space<semaphore_mem>>
        %dma_wait3A_482 = tpu.memref_squeeze %dma_wait3A_481 : memref<1x!tpu.dma_semaphore, #tpu.memory_space<semaphore_mem>> -> memref<!tpu.dma_semaphore, #tpu.memory_space<semaphore_mem>>
        %dma_wait3A_483 = arith.constant 0 : i32
        %dma_wait3A_484 = arith.constant 0 : i32
        %dma_wait3A_485 = tpu.memref_slice %arg4[%dma_wait3A_472, %dma_wait3A_483, %dma_wait3A_484] : memref<4x2048x2048xf32, #tpu.memory_space<hbm>> -> memref<1x4x2048xf32, #tpu.memory_space<hbm>>
        %dma_wait3A_486 = tpu.memref_squeeze %dma_wait3A_485 : memref<1x4x2048xf32, #tpu.memory_space<hbm>> -> memref<4x2048xf32, #tpu.memory_space<hbm>>
        %dma_wait3A_487 = arith.constant 0 : i32
        %dma_wait3A_488 = arith.constant 0 : i32
        %dma_wait3A_489 = tpu.memref_slice %arg6[%rem3A_285, %dma_wait3A_471, %dma_wait3A_487, %dma_wait3A_488] : memref<3x4x4x2048xf32, #tpu.memory_space<vmem>> -> memref<1x1x4x2048xf32, #tpu.memory_space<vmem>>
        %dma_wait3A_490 = tpu.memref_squeeze %dma_wait3A_489 : memref<1x1x4x2048xf32, #tpu.memory_space<vmem>> -> memref<4x2048xf32, #tpu.memory_space<vmem>>
        tpu.wait_dma2 semaphore(%dma_wait3A_482 : memref<!tpu.dma_semaphore, #tpu.memory_space<semaphore_mem>>) src(%dma_wait3A_490 : memref<4x2048xf32, #tpu.memory_space<vmem>>) dst(%dma_wait3A_486 : memref<4x2048xf32, #tpu.memory_space<hbm>>)
        %dma_wait3A_491 = arith.constant 1 : i32
        %dma_wait3A_492 = arith.constant 0 : i32
        %dma_wait3A_493 = arith.constant 0 : i32
        %dma_wait3A_494 = arith.constant 0 : i32
        %dma_wait3A_495 = tpu.memref_slice %arg6[%rem3A_285, %dma_wait3A_491, %dma_wait3A_493, %dma_wait3A_494] : memref<3x4x4x2048xf32, #tpu.memory_space<vmem>> -> memref<1x1x4x2048xf32, #tpu.memory_space<vmem>>
        %dma_wait3A_496 = tpu.memref_squeeze %dma_wait3A_495 : memref<1x1x4x2048xf32, #tpu.memory_space<vmem>> -> memref<4x2048xf32, #tpu.memory_space<vmem>>
        %dma_wait3A_497 = arith.constant 0 : i32
        %dma_wait3A_498 = arith.constant 0 : i32
        %dma_wait3A_499 = tpu.memref_slice %arg4[%dma_wait3A_492, %dma_wait3A_497, %dma_wait3A_498] : memref<4x2048x2048xf32, #tpu.memory_space<hbm>> -> memref<1x4x2048xf32, #tpu.memory_space<hbm>>
        %dma_wait3A_500 = tpu.memref_squeeze %dma_wait3A_499 : memref<1x4x2048xf32, #tpu.memory_space<hbm>> -> memref<4x2048xf32, #tpu.memory_space<hbm>>
        %dma_wait3A_501 = tpu.memref_slice %arg8[%rem3A_285] : memref<3x!tpu.dma_semaphore, #tpu.memory_space<semaphore_mem>> -> memref<1x!tpu.dma_semaphore, #tpu.memory_space<semaphore_mem>>
        %dma_wait3A_502 = tpu.memref_squeeze %dma_wait3A_501 : memref<1x!tpu.dma_semaphore, #tpu.memory_space<semaphore_mem>> -> memref<!tpu.dma_semaphore, #tpu.memory_space<semaphore_mem>>
        %dma_wait3A_503 = arith.constant 0 : i32
        %dma_wait3A_504 = arith.constant 0 : i32
        %dma_wait3A_505 = tpu.memref_slice %arg4[%dma_wait3A_492, %dma_wait3A_503, %dma_wait3A_504] : memref<4x2048x2048xf32, #tpu.memory_space<hbm>> -> memref<1x4x2048xf32, #tpu.memory_space<hbm>>
        %dma_wait3A_506 = tpu.memref_squeeze %dma_wait3A_505 : memref<1x4x2048xf32, #tpu.memory_space<hbm>> -> memref<4x2048xf32, #tpu.memory_space<hbm>>
        %dma_wait3A_507 = arith.constant 0 : i32
        %dma_wait3A_508 = arith.constant 0 : i32
        %dma_wait3A_509 = tpu.memref_slice %arg6[%rem3A_285, %dma_wait3A_491, %dma_wait3A_507, %dma_wait3A_508] : memref<3x4x4x2048xf32, #tpu.memory_space<vmem>> -> memref<1x1x4x2048xf32, #tpu.memory_space<vmem>>
        %dma_wait3A_510 = tpu.memref_squeeze %dma_wait3A_509 : memref<1x1x4x2048xf32, #tpu.memory_space<vmem>> -> memref<4x2048xf32, #tpu.memory_space<vmem>>
        tpu.wait_dma2 semaphore(%dma_wait3A_502 : memref<!tpu.dma_semaphore, #tpu.memory_space<semaphore_mem>>) src(%dma_wait3A_510 : memref<4x2048xf32, #tpu.memory_space<vmem>>) dst(%dma_wait3A_506 : memref<4x2048xf32, #tpu.memory_space<hbm>>)
        %dma_wait3A_511 = arith.constant 2 : i32
        %dma_wait3A_512 = arith.constant 0 : i32
        %dma_wait3A_513 = arith.constant 0 : i32
        %dma_wait3A_514 = arith.constant 0 : i32
        %dma_wait3A_515 = tpu.memref_slice %arg6[%rem3A_285, %dma_wait3A_511, %dma_wait3A_513, %dma_wait3A_514] : memref<3x4x4x2048xf32, #tpu.memory_space<vmem>> -> memref<1x1x4x2048xf32, #tpu.memory_space<vmem>>
        %dma_wait3A_516 = tpu.memref_squeeze %dma_wait3A_515 : memref<1x1x4x2048xf32, #tpu.memory_space<vmem>> -> memref<4x2048xf32, #tpu.memory_space<vmem>>
        %dma_wait3A_517 = arith.constant 0 : i32
        %dma_wait3A_518 = arith.constant 0 : i32
        %dma_wait3A_519 = tpu.memref_slice %arg4[%dma_wait3A_512, %dma_wait3A_517, %dma_wait3A_518] : memref<4x2048x2048xf32, #tpu.memory_space<hbm>> -> memref<1x4x2048xf32, #tpu.memory_space<hbm>>
        %dma_wait3A_520 = tpu.memref_squeeze %dma_wait3A_519 : memref<1x4x2048xf32, #tpu.memory_space<hbm>> -> memref<4x2048xf32, #tpu.memory_space<hbm>>
        %dma_wait3A_521 = tpu.memref_slice %arg8[%rem3A_285] : memref<3x!tpu.dma_semaphore, #tpu.memory_space<semaphore_mem>> -> memref<1x!tpu.dma_semaphore, #tpu.memory_space<semaphore_mem>>
        %dma_wait3A_522 = tpu.memref_squeeze %dma_wait3A_521 : memref<1x!tpu.dma_semaphore, #tpu.memory_space<semaphore_mem>> -> memref<!tpu.dma_semaphore, #tpu.memory_space<semaphore_mem>>
        %dma_wait3A_523 = arith.constant 0 : i32
        %dma_wait3A_524 = arith.constant 0 : i32
        %dma_wait3A_525 = tpu.memref_slice %arg4[%dma_wait3A_512, %dma_wait3A_523, %dma_wait3A_524] : memref<4x2048x2048xf32, #tpu.memory_space<hbm>> -> memref<1x4x2048xf32, #tpu.memory_space<hbm>>
        %dma_wait3A_526 = tpu.memref_squeeze %dma_wait3A_525 : memref<1x4x2048xf32, #tpu.memory_space<hbm>> -> memref<4x2048xf32, #tpu.memory_space<hbm>>
        %dma_wait3A_527 = arith.constant 0 : i32
        %dma_wait3A_528 = arith.constant 0 : i32
        %dma_wait3A_529 = tpu.memref_slice %arg6[%rem3A_285, %dma_wait3A_511, %dma_wait3A_527, %dma_wait3A_528] : memref<3x4x4x2048xf32, #tpu.memory_space<vmem>> -> memref<1x1x4x2048xf32, #tpu.memory_space<vmem>>
        %dma_wait3A_530 = tpu.memref_squeeze %dma_wait3A_529 : memref<1x1x4x2048xf32, #tpu.memory_space<vmem>> -> memref<4x2048xf32, #tpu.memory_space<vmem>>
        tpu.wait_dma2 semaphore(%dma_wait3A_522 : memref<!tpu.dma_semaphore, #tpu.memory_space<semaphore_mem>>) src(%dma_wait3A_530 : memref<4x2048xf32, #tpu.memory_space<vmem>>) dst(%dma_wait3A_526 : memref<4x2048xf32, #tpu.memory_space<hbm>>)
        %dma_wait3A_531 = arith.constant 3 : i32
        %dma_wait3A_532 = arith.constant 0 : i32
        %dma_wait3A_533 = arith.constant 0 : i32
        %dma_wait3A_534 = arith.constant 0 : i32
        %dma_wait3A_535 = tpu.memref_slice %arg6[%rem3A_285, %dma_wait3A_531, %dma_wait3A_533, %dma_wait3A_534] : memref<3x4x4x2048xf32, #tpu.memory_space<vmem>> -> memref<1x1x4x2048xf32, #tpu.memory_space<vmem>>
        %dma_wait3A_536 = tpu.memref_squeeze %dma_wait3A_535 : memref<1x1x4x2048xf32, #tpu.memory_space<vmem>> -> memref<4x2048xf32, #tpu.memory_space<vmem>>
        %dma_wait3A_537 = arith.constant 0 : i32
        %dma_wait3A_538 = arith.constant 0 : i32
        %dma_wait3A_539 = tpu.memref_slice %arg4[%dma_wait3A_532, %dma_wait3A_537, %dma_wait3A_538] : memref<4x2048x2048xf32, #tpu.memory_space<hbm>> -> memref<1x4x2048xf32, #tpu.memory_space<hbm>>
        %dma_wait3A_540 = tpu.memref_squeeze %dma_wait3A_539 : memref<1x4x2048xf32, #tpu.memory_space<hbm>> -> memref<4x2048xf32, #tpu.memory_space<hbm>>
        %dma_wait3A_541 = tpu.memref_slice %arg8[%rem3A_285] : memref<3x!tpu.dma_semaphore, #tpu.memory_space<semaphore_mem>> -> memref<1x!tpu.dma_semaphore, #tpu.memory_space<semaphore_mem>>
        %dma_wait3A_542 = tpu.memref_squeeze %dma_wait3A_541 : memref<1x!tpu.dma_semaphore, #tpu.memory_space<semaphore_mem>> -> memref<!tpu.dma_semaphore, #tpu.memory_space<semaphore_mem>>
        %dma_wait3A_543 = arith.constant 0 : i32
        %dma_wait3A_544 = arith.constant 0 : i32
        %dma_wait3A_545 = tpu.memref_slice %arg4[%dma_wait3A_532, %dma_wait3A_543, %dma_wait3A_544] : memref<4x2048x2048xf32, #tpu.memory_space<hbm>> -> memref<1x4x2048xf32, #tpu.memory_space<hbm>>
        %dma_wait3A_546 = tpu.memref_squeeze %dma_wait3A_545 : memref<1x4x2048xf32, #tpu.memory_space<hbm>> -> memref<4x2048xf32, #tpu.memory_space<hbm>>
        %dma_wait3A_547 = arith.constant 0 : i32
        %dma_wait3A_548 = arith.constant 0 : i32
        %dma_wait3A_549 = tpu.memref_slice %arg6[%rem3A_285, %dma_wait3A_531, %dma_wait3A_547, %dma_wait3A_548] : memref<3x4x4x2048xf32, #tpu.memory_space<vmem>> -> memref<1x1x4x2048xf32, #tpu.memory_space<vmem>>
        %dma_wait3A_550 = tpu.memref_squeeze %dma_wait3A_549 : memref<1x1x4x2048xf32, #tpu.memory_space<vmem>> -> memref<4x2048xf32, #tpu.memory_space<vmem>>
        tpu.wait_dma2 semaphore(%dma_wait3A_542 : memref<!tpu.dma_semaphore, #tpu.memory_space<semaphore_mem>>) src(%dma_wait3A_550 : memref<4x2048xf32, #tpu.memory_space<vmem>>) dst(%dma_wait3A_546 : memref<4x2048xf32, #tpu.memory_space<hbm>>)
      } else {
      }
      %add3A_288 = arith.constant 1 : i32
      %add3A_289 = arith.addi %scan3A_280, %add3A_288 : i32
      %lt3A = arith.constant 16 : i32
      %lt3A_290 = arith.cmpi slt, %add3A_289, %lt3A : i32
      %convert_element_type3A_291 = arith.extui %lt3A_290 : i1 to i32
      %cond3A_292 = arith.constant 0 : i32
      %cond3A_293 = arith.cmpi ne, %convert_element_type3A_291, %cond3A_292 : i32
      scf.if %cond3A_293 {
        %add3A_471 = arith.constant 1 : i32
        %add3A_472 = arith.addi %scan3A_280, %add3A_471 : i32
        %mul3A_473 = arith.constant 4 : i32
        %mul3A_474 = arith.muli %add3A_472, %mul3A_473 : i32
        %add3A_475 = arith.addi %mul3A_2, %mul3A_474 : i32
        %dma_start3A_476 = arith.constant 0 : i32
        %dma_start3A_477 = arith.constant 0 : i32
        %dma_start3A_478 = tpu.memref_slice %arg5[%rem3A_285, %dma_start3A_476, %dma_start3A_477] : memref<3x4x2048xf32, #tpu.memory_space<vmem>> -> memref<1x4x2048xf32, #tpu.memory_space<vmem>>
        %dma_start3A_479 = tpu.memref_squeeze %dma_start3A_478 : memref<1x4x2048xf32, #tpu.memory_space<vmem>> -> memref<4x2048xf32, #tpu.memory_space<vmem>>
        %dma_start3A_480 = arith.constant 0 : i32
        %dma_start3A_481 = tpu.memref_slice %arg3[%add3A_475, %dma_start3A_480] : memref<2048x2048xf32, #tpu.memory_space<hbm>> -> memref<4x2048xf32, #tpu.memory_space<hbm>>
        %dma_start3A_482 = tpu.memref_slice %arg7[%rem3A_285] : memref<3x!tpu.dma_semaphore, #tpu.memory_space<semaphore_mem>> -> memref<1x!tpu.dma_semaphore, #tpu.memory_space<semaphore_mem>>
        %dma_start3A_483 = tpu.memref_squeeze %dma_start3A_482 : memref<1x!tpu.dma_semaphore, #tpu.memory_space<semaphore_mem>> -> memref<!tpu.dma_semaphore, #tpu.memory_space<semaphore_mem>>
        %dma_start3A_484 = arith.constant 0 : i32
        %dma_start3A_485 = arith.constant 0 : i32
        %dma_start3A_486 = tpu.memref_slice %arg5[%rem3A_285, %dma_start3A_484, %dma_start3A_485] : memref<3x4x2048xf32, #tpu.memory_space<vmem>> -> memref<1x4x2048xf32, #tpu.memory_space<vmem>>
        %dma_start3A_487 = tpu.memref_squeeze %dma_start3A_486 : memref<1x4x2048xf32, #tpu.memory_space<vmem>> -> memref<4x2048xf32, #tpu.memory_space<vmem>>
        %dma_start3A_488 = arith.constant 0 : i32
        %dma_start3A_489 = tpu.memref_slice %arg3[%add3A_475, %dma_start3A_488] : memref<2048x2048xf32, #tpu.memory_space<hbm>> -> memref<4x2048xf32, #tpu.memory_space<hbm>>
        tpu.enqueue_dma source(%dma_start3A_489 : memref<4x2048xf32, #tpu.memory_space<hbm>>) target(%dma_start3A_487 : memref<4x2048xf32, #tpu.memory_space<vmem>>) target_semaphore(%dma_start3A_483 : memref<!tpu.dma_semaphore, #tpu.memory_space<semaphore_mem>>)
        %dma_start3A_490 = arith.constant 0 : i32
        %dma_start3A_491 = arith.constant 0 : i32
        %dma_start3A_492 = arith.constant 0 : i32
        %dma_start3A_493 = arith.constant 0 : i32
        %dma_start3A_494 = tpu.memref_slice %arg6[%rem3A_285, %dma_start3A_491, %dma_start3A_492, %dma_start3A_493] : memref<3x4x4x2048xf32, #tpu.memory_space<vmem>> -> memref<1x1x4x2048xf32, #tpu.memory_space<vmem>>
        %dma_start3A_495 = tpu.memref_squeeze %dma_start3A_494 : memref<1x1x4x2048xf32, #tpu.memory_space<vmem>> -> memref<4x2048xf32, #tpu.memory_space<vmem>>
        %dma_start3A_496 = arith.constant 0 : i32
        %dma_start3A_497 = tpu.memref_slice %arg2[%dma_start3A_490, %add3A_475, %dma_start3A_496] : memref<4x2048x2048xf32, #tpu.memory_space<hbm>> -> memref<1x4x2048xf32, #tpu.memory_space<hbm>>
        %dma_start3A_498 = tpu.memref_squeeze %dma_start3A_497 : memref<1x4x2048xf32, #tpu.memory_space<hbm>> -> memref<4x2048xf32, #tpu.memory_space<hbm>>
        %dma_start3A_499 = tpu.memref_slice %arg7[%rem3A_285] : memref<3x!tpu.dma_semaphore, #tpu.memory_space<semaphore_mem>> -> memref<1x!tpu.dma_semaphore, #tpu.memory_space<semaphore_mem>>
        %dma_start3A_500 = tpu.memref_squeeze %dma_start3A_499 : memref<1x!tpu.dma_semaphore, #tpu.memory_space<semaphore_mem>> -> memref<!tpu.dma_semaphore, #tpu.memory_space<semaphore_mem>>
        %dma_start3A_501 = arith.constant 0 : i32
        %dma_start3A_502 = arith.constant 0 : i32
        %dma_start3A_503 = tpu.memref_slice %arg6[%rem3A_285, %dma_start3A_491, %dma_start3A_501, %dma_start3A_502] : memref<3x4x4x2048xf32, #tpu.memory_space<vmem>> -> memref<1x1x4x2048xf32, #tpu.memory_space<vmem>>
        %dma_start3A_504 = tpu.memref_squeeze %dma_start3A_503 : memref<1x1x4x2048xf32, #tpu.memory_space<vmem>> -> memref<4x2048xf32, #tpu.memory_space<vmem>>
        %dma_start3A_505 = arith.constant 0 : i32
        %dma_start3A_506 = tpu.memref_slice %arg2[%dma_start3A_490, %add3A_475, %dma_start3A_505] : memref<4x2048x2048xf32, #tpu.memory_space<hbm>> -> memref<1x4x2048xf32, #tpu.memory_space<hbm>>
        %dma_start3A_507 = tpu.memref_squeeze %dma_start3A_506 : memref<1x4x2048xf32, #tpu.memory_space<hbm>> -> memref<4x2048xf32, #tpu.memory_space<hbm>>
        tpu.enqueue_dma source(%dma_start3A_507 : memref<4x2048xf32, #tpu.memory_space<hbm>>) target(%dma_start3A_504 : memref<4x2048xf32, #tpu.memory_space<vmem>>) target_semaphore(%dma_start3A_500 : memref<!tpu.dma_semaphore, #tpu.memory_space<semaphore_mem>>)
        %dma_start3A_508 = arith.constant 1 : i32
        %dma_start3A_509 = arith.constant 1 : i32
        %dma_start3A_510 = arith.constant 0 : i32
        %dma_start3A_511 = arith.constant 0 : i32
        %dma_start3A_512 = tpu.memref_slice %arg6[%rem3A_285, %dma_start3A_509, %dma_start3A_510, %dma_start3A_511] : memref<3x4x4x2048xf32, #tpu.memory_space<vmem>> -> memref<1x1x4x2048xf32, #tpu.memory_space<vmem>>
        %dma_start3A_513 = tpu.memref_squeeze %dma_start3A_512 : memref<1x1x4x2048xf32, #tpu.memory_space<vmem>> -> memref<4x2048xf32, #tpu.memory_space<vmem>>
        %dma_start3A_514 = arith.constant 0 : i32
        %dma_start3A_515 = tpu.memref_slice %arg2[%dma_start3A_508, %add3A_475, %dma_start3A_514] : memref<4x2048x2048xf32, #tpu.memory_space<hbm>> -> memref<1x4x2048xf32, #tpu.memory_space<hbm>>
        %dma_start3A_516 = tpu.memref_squeeze %dma_start3A_515 : memref<1x4x2048xf32, #tpu.memory_space<hbm>> -> memref<4x2048xf32, #tpu.memory_space<hbm>>
        %dma_start3A_517 = tpu.memref_slice %arg7[%rem3A_285] : memref<3x!tpu.dma_semaphore, #tpu.memory_space<semaphore_mem>> -> memref<1x!tpu.dma_semaphore, #tpu.memory_space<semaphore_mem>>
        %dma_start3A_518 = tpu.memref_squeeze %dma_start3A_517 : memref<1x!tpu.dma_semaphore, #tpu.memory_space<semaphore_mem>> -> memref<!tpu.dma_semaphore, #tpu.memory_space<semaphore_mem>>
        %dma_start3A_519 = arith.constant 0 : i32
        %dma_start3A_520 = arith.constant 0 : i32
        %dma_start3A_521 = tpu.memref_slice %arg6[%rem3A_285, %dma_start3A_509, %dma_start3A_519, %dma_start3A_520] : memref<3x4x4x2048xf32, #tpu.memory_space<vmem>> -> memref<1x1x4x2048xf32, #tpu.memory_space<vmem>>
        %dma_start3A_522 = tpu.memref_squeeze %dma_start3A_521 : memref<1x1x4x2048xf32, #tpu.memory_space<vmem>> -> memref<4x2048xf32, #tpu.memory_space<vmem>>
        %dma_start3A_523 = arith.constant 0 : i32
        %dma_start3A_524 = tpu.memref_slice %arg2[%dma_start3A_508, %add3A_475, %dma_start3A_523] : memref<4x2048x2048xf32, #tpu.memory_space<hbm>> -> memref<1x4x2048xf32, #tpu.memory_space<hbm>>
        %dma_start3A_525 = tpu.memref_squeeze %dma_start3A_524 : memref<1x4x2048xf32, #tpu.memory_space<hbm>> -> memref<4x2048xf32, #tpu.memory_space<hbm>>
        tpu.enqueue_dma source(%dma_start3A_525 : memref<4x2048xf32, #tpu.memory_space<hbm>>) target(%dma_start3A_522 : memref<4x2048xf32, #tpu.memory_space<vmem>>) target_semaphore(%dma_start3A_518 : memref<!tpu.dma_semaphore, #tpu.memory_space<semaphore_mem>>)
        %dma_start3A_526 = arith.constant 2 : i32
        %dma_start3A_527 = arith.constant 2 : i32
        %dma_start3A_528 = arith.constant 0 : i32
        %dma_start3A_529 = arith.constant 0 : i32
        %dma_start3A_530 = tpu.memref_slice %arg6[%rem3A_285, %dma_start3A_527, %dma_start3A_528, %dma_start3A_529] : memref<3x4x4x2048xf32, #tpu.memory_space<vmem>> -> memref<1x1x4x2048xf32, #tpu.memory_space<vmem>>
        %dma_start3A_531 = tpu.memref_squeeze %dma_start3A_530 : memref<1x1x4x2048xf32, #tpu.memory_space<vmem>> -> memref<4x2048xf32, #tpu.memory_space<vmem>>
        %dma_start3A_532 = arith.constant 0 : i32
        %dma_start3A_533 = tpu.memref_slice %arg2[%dma_start3A_526, %add3A_475, %dma_start3A_532] : memref<4x2048x2048xf32, #tpu.memory_space<hbm>> -> memref<1x4x2048xf32, #tpu.memory_space<hbm>>
        %dma_start3A_534 = tpu.memref_squeeze %dma_start3A_533 : memref<1x4x2048xf32, #tpu.memory_space<hbm>> -> memref<4x2048xf32, #tpu.memory_space<hbm>>
        %dma_start3A_535 = tpu.memref_slice %arg7[%rem3A_285] : memref<3x!tpu.dma_semaphore, #tpu.memory_space<semaphore_mem>> -> memref<1x!tpu.dma_semaphore, #tpu.memory_space<semaphore_mem>>
        %dma_start3A_536 = tpu.memref_squeeze %dma_start3A_535 : memref<1x!tpu.dma_semaphore, #tpu.memory_space<semaphore_mem>> -> memref<!tpu.dma_semaphore, #tpu.memory_space<semaphore_mem>>
        %dma_start3A_537 = arith.constant 0 : i32
        %dma_start3A_538 = arith.constant 0 : i32
        %dma_start3A_539 = tpu.memref_slice %arg6[%rem3A_285, %dma_start3A_527, %dma_start3A_537, %dma_start3A_538] : memref<3x4x4x2048xf32, #tpu.memory_space<vmem>> -> memref<1x1x4x2048xf32, #tpu.memory_space<vmem>>
        %dma_start3A_540 = tpu.memref_squeeze %dma_start3A_539 : memref<1x1x4x2048xf32, #tpu.memory_space<vmem>> -> memref<4x2048xf32, #tpu.memory_space<vmem>>
        %dma_start3A_541 = arith.constant 0 : i32
        %dma_start3A_542 = tpu.memref_slice %arg2[%dma_start3A_526, %add3A_475, %dma_start3A_541] : memref<4x2048x2048xf32, #tpu.memory_space<hbm>> -> memref<1x4x2048xf32, #tpu.memory_space<hbm>>
        %dma_start3A_543 = tpu.memref_squeeze %dma_start3A_542 : memref<1x4x2048xf32, #tpu.memory_space<hbm>> -> memref<4x2048xf32, #tpu.memory_space<hbm>>
        tpu.enqueue_dma source(%dma_start3A_543 : memref<4x2048xf32, #tpu.memory_space<hbm>>) target(%dma_start3A_540 : memref<4x2048xf32, #tpu.memory_space<vmem>>) target_semaphore(%dma_start3A_536 : memref<!tpu.dma_semaphore, #tpu.memory_space<semaphore_mem>>)
        %dma_start3A_544 = arith.constant 3 : i32
        %dma_start3A_545 = arith.constant 3 : i32
        %dma_start3A_546 = arith.constant 0 : i32
        %dma_start3A_547 = arith.constant 0 : i32
        %dma_start3A_548 = tpu.memref_slice %arg6[%rem3A_285, %dma_start3A_545, %dma_start3A_546, %dma_start3A_547] : memref<3x4x4x2048xf32, #tpu.memory_space<vmem>> -> memref<1x1x4x2048xf32, #tpu.memory_space<vmem>>
        %dma_start3A_549 = tpu.memref_squeeze %dma_start3A_548 : memref<1x1x4x2048xf32, #tpu.memory_space<vmem>> -> memref<4x2048xf32, #tpu.memory_space<vmem>>
        %dma_start3A_550 = arith.constant 0 : i32
        %dma_start3A_551 = tpu.memref_slice %arg2[%dma_start3A_544, %add3A_475, %dma_start3A_550] : memref<4x2048x2048xf32, #tpu.memory_space<hbm>> -> memref<1x4x2048xf32, #tpu.memory_space<hbm>>
        %dma_start3A_552 = tpu.memref_squeeze %dma_start3A_551 : memref<1x4x2048xf32, #tpu.memory_space<hbm>> -> memref<4x2048xf32, #tpu.memory_space<hbm>>
        %dma_start3A_553 = tpu.memref_slice %arg7[%rem3A_285] : memref<3x!tpu.dma_semaphore, #tpu.memory_space<semaphore_mem>> -> memref<1x!tpu.dma_semaphore, #tpu.memory_space<semaphore_mem>>
        %dma_start3A_554 = tpu.memref_squeeze %dma_start3A_553 : memref<1x!tpu.dma_semaphore, #tpu.memory_space<semaphore_mem>> -> memref<!tpu.dma_semaphore, #tpu.memory_space<semaphore_mem>>
        %dma_start3A_555 = arith.constant 0 : i32
        %dma_start3A_556 = arith.constant 0 : i32
        %dma_start3A_557 = tpu.memref_slice %arg6[%rem3A_285, %dma_start3A_545, %dma_start3A_555, %dma_start3A_556] : memref<3x4x4x2048xf32, #tpu.memory_space<vmem>> -> memref<1x1x4x2048xf32, #tpu.memory_space<vmem>>
        %dma_start3A_558 = tpu.memref_squeeze %dma_start3A_557 : memref<1x1x4x2048xf32, #tpu.memory_space<vmem>> -> memref<4x2048xf32, #tpu.memory_space<vmem>>
        %dma_start3A_559 = arith.constant 0 : i32
        %dma_start3A_560 = tpu.memref_slice %arg2[%dma_start3A_544, %add3A_475, %dma_start3A_559] : memref<4x2048x2048xf32, #tpu.memory_space<hbm>> -> memref<1x4x2048xf32, #tpu.memory_space<hbm>>
        %dma_start3A_561 = tpu.memref_squeeze %dma_start3A_560 : memref<1x4x2048xf32, #tpu.memory_space<hbm>> -> memref<4x2048xf32, #tpu.memory_space<hbm>>
        tpu.enqueue_dma source(%dma_start3A_561 : memref<4x2048xf32, #tpu.memory_space<hbm>>) target(%dma_start3A_558 : memref<4x2048xf32, #tpu.memory_space<vmem>>) target_semaphore(%dma_start3A_554 : memref<!tpu.dma_semaphore, #tpu.memory_space<semaphore_mem>>)
      } else {
      }
      %dma_wait3A_294 = arith.constant 0 : i32
      %dma_wait3A_295 = arith.constant 0 : i32
      %dma_wait3A_296 = tpu.memref_slice %arg5[%rem3A_281, %dma_wait3A_294, %dma_wait3A_295] : memref<3x4x2048xf32, #tpu.memory_space<vmem>> -> memref<1x4x2048xf32, #tpu.memory_space<vmem>>
      %dma_wait3A_297 = tpu.memref_squeeze %dma_wait3A_296 : memref<1x4x2048xf32, #tpu.memory_space<vmem>> -> memref<4x2048xf32, #tpu.memory_space<vmem>>
      %dma_wait3A_298 = arith.constant 0 : i32
      %dma_wait3A_299 = arith.constant 0 : i32
      %dma_wait3A_300 = tpu.memref_slice %arg3[%dma_wait3A_298, %dma_wait3A_299] : memref<2048x2048xf32, #tpu.memory_space<hbm>> -> memref<4x2048xf32, #tpu.memory_space<hbm>>
      %dma_wait3A_301 = tpu.memref_slice %arg7[%rem3A_281] : memref<3x!tpu.dma_semaphore, #tpu.memory_space<semaphore_mem>> -> memref<1x!tpu.dma_semaphore, #tpu.memory_space<semaphore_mem>>
      %dma_wait3A_302 = tpu.memref_squeeze %dma_wait3A_301 : memref<1x!tpu.dma_semaphore, #tpu.memory_space<semaphore_mem>> -> memref<!tpu.dma_semaphore, #tpu.memory_space<semaphore_mem>>
      %dma_wait3A_303 = arith.constant 0 : i32
      %dma_wait3A_304 = arith.constant 0 : i32
      %dma_wait3A_305 = tpu.memref_slice %arg5[%rem3A_281, %dma_wait3A_303, %dma_wait3A_304] : memref<3x4x2048xf32, #tpu.memory_space<vmem>> -> memref<1x4x2048xf32, #tpu.memory_space<vmem>>
      %dma_wait3A_306 = tpu.memref_squeeze %dma_wait3A_305 : memref<1x4x2048xf32, #tpu.memory_space<vmem>> -> memref<4x2048xf32, #tpu.memory_space<vmem>>
      %dma_wait3A_307 = arith.constant 0 : i32
      %dma_wait3A_308 = arith.constant 0 : i32
      %dma_wait3A_309 = tpu.memref_slice %arg3[%dma_wait3A_307, %dma_wait3A_308] : memref<2048x2048xf32, #tpu.memory_space<hbm>> -> memref<4x2048xf32, #tpu.memory_space<hbm>>
      tpu.wait_dma2 semaphore(%dma_wait3A_302 : memref<!tpu.dma_semaphore, #tpu.memory_space<semaphore_mem>>) src(%dma_wait3A_309 : memref<4x2048xf32, #tpu.memory_space<hbm>>) dst(%dma_wait3A_306 : memref<4x2048xf32, #tpu.memory_space<vmem>>)
      %dma_wait3A_310 = arith.constant 0 : i32
      %dma_wait3A_311 = arith.constant 0 : i32
      %dma_wait3A_312 = arith.constant 0 : i32
      %dma_wait3A_313 = arith.constant 0 : i32
      %dma_wait3A_314 = tpu.memref_slice %arg6[%rem3A_281, %dma_wait3A_311, %dma_wait3A_312, %dma_wait3A_313] : memref<3x4x4x2048xf32, #tpu.memory_space<vmem>> -> memref<1x1x4x2048xf32, #tpu.memory_space<vmem>>
      %dma_wait3A_315 = tpu.memref_squeeze %dma_wait3A_314 : memref<1x1x4x2048xf32, #tpu.memory_space<vmem>> -> memref<4x2048xf32, #tpu.memory_space<vmem>>
      %dma_wait3A_316 = arith.constant 0 : i32
      %dma_wait3A_317 = arith.constant 0 : i32
      %dma_wait3A_318 = tpu.memref_slice %arg2[%dma_wait3A_310, %dma_wait3A_316, %dma_wait3A_317] : memref<4x2048x2048xf32, #tpu.memory_space<hbm>> -> memref<1x4x2048xf32, #tpu.memory_space<hbm>>
      %dma_wait3A_319 = tpu.memref_squeeze %dma_wait3A_318 : memref<1x4x2048xf32, #tpu.memory_space<hbm>> -> memref<4x2048xf32, #tpu.memory_space<hbm>>
      %dma_wait3A_320 = tpu.memref_slice %arg7[%rem3A_281] : memref<3x!tpu.dma_semaphore, #tpu.memory_space<semaphore_mem>> -> memref<1x!tpu.dma_semaphore, #tpu.memory_space<semaphore_mem>>
      %dma_wait3A_321 = tpu.memref_squeeze %dma_wait3A_320 : memref<1x!tpu.dma_semaphore, #tpu.memory_space<semaphore_mem>> -> memref<!tpu.dma_semaphore, #tpu.memory_space<semaphore_mem>>
      %dma_wait3A_322 = arith.constant 0 : i32
      %dma_wait3A_323 = arith.constant 0 : i32
      %dma_wait3A_324 = tpu.memref_slice %arg6[%rem3A_281, %dma_wait3A_311, %dma_wait3A_322, %dma_wait3A_323] : memref<3x4x4x2048xf32, #tpu.memory_space<vmem>> -> memref<1x1x4x2048xf32, #tpu.memory_space<vmem>>
      %dma_wait3A_325 = tpu.memref_squeeze %dma_wait3A_324 : memref<1x1x4x2048xf32, #tpu.memory_space<vmem>> -> memref<4x2048xf32, #tpu.memory_space<vmem>>
      %dma_wait3A_326 = arith.constant 0 : i32
      %dma_wait3A_327 = arith.constant 0 : i32
      %dma_wait3A_328 = tpu.memref_slice %arg2[%dma_wait3A_310, %dma_wait3A_326, %dma_wait3A_327] : memref<4x2048x2048xf32, #tpu.memory_space<hbm>> -> memref<1x4x2048xf32, #tpu.memory_space<hbm>>
      %dma_wait3A_329 = tpu.memref_squeeze %dma_wait3A_328 : memref<1x4x2048xf32, #tpu.memory_space<hbm>> -> memref<4x2048xf32, #tpu.memory_space<hbm>>
      tpu.wait_dma2 semaphore(%dma_wait3A_321 : memref<!tpu.dma_semaphore, #tpu.memory_space<semaphore_mem>>) src(%dma_wait3A_329 : memref<4x2048xf32, #tpu.memory_space<hbm>>) dst(%dma_wait3A_325 : memref<4x2048xf32, #tpu.memory_space<vmem>>)
      %dma_wait3A_330 = arith.constant 0 : i32
      %dma_wait3A_331 = arith.constant 1 : i32
      %dma_wait3A_332 = arith.constant 0 : i32
      %dma_wait3A_333 = arith.constant 0 : i32
      %dma_wait3A_334 = tpu.memref_slice %arg6[%rem3A_281, %dma_wait3A_331, %dma_wait3A_332, %dma_wait3A_333] : memref<3x4x4x2048xf32, #tpu.memory_space<vmem>> -> memref<1x1x4x2048xf32, #tpu.memory_space<vmem>>
      %dma_wait3A_335 = tpu.memref_squeeze %dma_wait3A_334 : memref<1x1x4x2048xf32, #tpu.memory_space<vmem>> -> memref<4x2048xf32, #tpu.memory_space<vmem>>
      %dma_wait3A_336 = arith.constant 0 : i32
      %dma_wait3A_337 = arith.constant 0 : i32
      %dma_wait3A_338 = tpu.memref_slice %arg2[%dma_wait3A_330, %dma_wait3A_336, %dma_wait3A_337] : memref<4x2048x2048xf32, #tpu.memory_space<hbm>> -> memref<1x4x2048xf32, #tpu.memory_space<hbm>>
      %dma_wait3A_339 = tpu.memref_squeeze %dma_wait3A_338 : memref<1x4x2048xf32, #tpu.memory_space<hbm>> -> memref<4x2048xf32, #tpu.memory_space<hbm>>
      %dma_wait3A_340 = tpu.memref_slice %arg7[%rem3A_281] : memref<3x!tpu.dma_semaphore, #tpu.memory_space<semaphore_mem>> -> memref<1x!tpu.dma_semaphore, #tpu.memory_space<semaphore_mem>>
      %dma_wait3A_341 = tpu.memref_squeeze %dma_wait3A_340 : memref<1x!tpu.dma_semaphore, #tpu.memory_space<semaphore_mem>> -> memref<!tpu.dma_semaphore, #tpu.memory_space<semaphore_mem>>
      %dma_wait3A_342 = arith.constant 0 : i32
      %dma_wait3A_343 = arith.constant 0 : i32
      %dma_wait3A_344 = tpu.memref_slice %arg6[%rem3A_281, %dma_wait3A_331, %dma_wait3A_342, %dma_wait3A_343] : memref<3x4x4x2048xf32, #tpu.memory_space<vmem>> -> memref<1x1x4x2048xf32, #tpu.memory_space<vmem>>
      %dma_wait3A_345 = tpu.memref_squeeze %dma_wait3A_344 : memref<1x1x4x2048xf32, #tpu.memory_space<vmem>> -> memref<4x2048xf32, #tpu.memory_space<vmem>>
      %dma_wait3A_346 = arith.constant 0 : i32
      %dma_wait3A_347 = arith.constant 0 : i32
      %dma_wait3A_348 = tpu.memref_slice %arg2[%dma_wait3A_330, %dma_wait3A_346, %dma_wait3A_347] : memref<4x2048x2048xf32, #tpu.memory_space<hbm>> -> memref<1x4x2048xf32, #tpu.memory_space<hbm>>
      %dma_wait3A_349 = tpu.memref_squeeze %dma_wait3A_348 : memref<1x4x2048xf32, #tpu.memory_space<hbm>> -> memref<4x2048xf32, #tpu.memory_space<hbm>>
      tpu.wait_dma2 semaphore(%dma_wait3A_341 : memref<!tpu.dma_semaphore, #tpu.memory_space<semaphore_mem>>) src(%dma_wait3A_349 : memref<4x2048xf32, #tpu.memory_space<hbm>>) dst(%dma_wait3A_345 : memref<4x2048xf32, #tpu.memory_space<vmem>>)
      %dma_wait3A_350 = arith.constant 0 : i32
      %dma_wait3A_351 = arith.constant 2 : i32
      %dma_wait3A_352 = arith.constant 0 : i32
      %dma_wait3A_353 = arith.constant 0 : i32
      %dma_wait3A_354 = tpu.memref_slice %arg6[%rem3A_281, %dma_wait3A_351, %dma_wait3A_352, %dma_wait3A_353] : memref<3x4x4x2048xf32, #tpu.memory_space<vmem>> -> memref<1x1x4x2048xf32, #tpu.memory_space<vmem>>
      %dma_wait3A_355 = tpu.memref_squeeze %dma_wait3A_354 : memref<1x1x4x2048xf32, #tpu.memory_space<vmem>> -> memref<4x2048xf32, #tpu.memory_space<vmem>>
      %dma_wait3A_356 = arith.constant 0 : i32
      %dma_wait3A_357 = arith.constant 0 : i32
      %dma_wait3A_358 = tpu.memref_slice %arg2[%dma_wait3A_350, %dma_wait3A_356, %dma_wait3A_357] : memref<4x2048x2048xf32, #tpu.memory_space<hbm>> -> memref<1x4x2048xf32, #tpu.memory_space<hbm>>
      %dma_wait3A_359 = tpu.memref_squeeze %dma_wait3A_358 : memref<1x4x2048xf32, #tpu.memory_space<hbm>> -> memref<4x2048xf32, #tpu.memory_space<hbm>>
      %dma_wait3A_360 = tpu.memref_slice %arg7[%rem3A_281] : memref<3x!tpu.dma_semaphore, #tpu.memory_space<semaphore_mem>> -> memref<1x!tpu.dma_semaphore, #tpu.memory_space<semaphore_mem>>
      %dma_wait3A_361 = tpu.memref_squeeze %dma_wait3A_360 : memref<1x!tpu.dma_semaphore, #tpu.memory_space<semaphore_mem>> -> memref<!tpu.dma_semaphore, #tpu.memory_space<semaphore_mem>>
      %dma_wait3A_362 = arith.constant 0 : i32
      %dma_wait3A_363 = arith.constant 0 : i32
      %dma_wait3A_364 = tpu.memref_slice %arg6[%rem3A_281, %dma_wait3A_351, %dma_wait3A_362, %dma_wait3A_363] : memref<3x4x4x2048xf32, #tpu.memory_space<vmem>> -> memref<1x1x4x2048xf32, #tpu.memory_space<vmem>>
      %dma_wait3A_365 = tpu.memref_squeeze %dma_wait3A_364 : memref<1x1x4x2048xf32, #tpu.memory_space<vmem>> -> memref<4x2048xf32, #tpu.memory_space<vmem>>
      %dma_wait3A_366 = arith.constant 0 : i32
      %dma_wait3A_367 = arith.constant 0 : i32
      %dma_wait3A_368 = tpu.memref_slice %arg2[%dma_wait3A_350, %dma_wait3A_366, %dma_wait3A_367] : memref<4x2048x2048xf32, #tpu.memory_space<hbm>> -> memref<1x4x2048xf32, #tpu.memory_space<hbm>>
      %dma_wait3A_369 = tpu.memref_squeeze %dma_wait3A_368 : memref<1x4x2048xf32, #tpu.memory_space<hbm>> -> memref<4x2048xf32, #tpu.memory_space<hbm>>
      tpu.wait_dma2 semaphore(%dma_wait3A_361 : memref<!tpu.dma_semaphore, #tpu.memory_space<semaphore_mem>>) src(%dma_wait3A_369 : memref<4x2048xf32, #tpu.memory_space<hbm>>) dst(%dma_wait3A_365 : memref<4x2048xf32, #tpu.memory_space<vmem>>)
      %dma_wait3A_370 = arith.constant 0 : i32
      %dma_wait3A_371 = arith.constant 3 : i32
      %dma_wait3A_372 = arith.constant 0 : i32
      %dma_wait3A_373 = arith.constant 0 : i32
      %dma_wait3A_374 = tpu.memref_slice %arg6[%rem3A_281, %dma_wait3A_371, %dma_wait3A_372, %dma_wait3A_373] : memref<3x4x4x2048xf32, #tpu.memory_space<vmem>> -> memref<1x1x4x2048xf32, #tpu.memory_space<vmem>>
      %dma_wait3A_375 = tpu.memref_squeeze %dma_wait3A_374 : memref<1x1x4x2048xf32, #tpu.memory_space<vmem>> -> memref<4x2048xf32, #tpu.memory_space<vmem>>
      %dma_wait3A_376 = arith.constant 0 : i32
      %dma_wait3A_377 = arith.constant 0 : i32
      %dma_wait3A_378 = tpu.memref_slice %arg2[%dma_wait3A_370, %dma_wait3A_376, %dma_wait3A_377] : memref<4x2048x2048xf32, #tpu.memory_space<hbm>> -> memref<1x4x2048xf32, #tpu.memory_space<hbm>>
      %dma_wait3A_379 = tpu.memref_squeeze %dma_wait3A_378 : memref<1x4x2048xf32, #tpu.memory_space<hbm>> -> memref<4x2048xf32, #tpu.memory_space<hbm>>
      %dma_wait3A_380 = tpu.memref_slice %arg7[%rem3A_281] : memref<3x!tpu.dma_semaphore, #tpu.memory_space<semaphore_mem>> -> memref<1x!tpu.dma_semaphore, #tpu.memory_space<semaphore_mem>>
      %dma_wait3A_381 = tpu.memref_squeeze %dma_wait3A_380 : memref<1x!tpu.dma_semaphore, #tpu.memory_space<semaphore_mem>> -> memref<!tpu.dma_semaphore, #tpu.memory_space<semaphore_mem>>
      %dma_wait3A_382 = arith.constant 0 : i32
      %dma_wait3A_383 = arith.constant 0 : i32
      %dma_wait3A_384 = tpu.memref_slice %arg6[%rem3A_281, %dma_wait3A_371, %dma_wait3A_382, %dma_wait3A_383] : memref<3x4x4x2048xf32, #tpu.memory_space<vmem>> -> memref<1x1x4x2048xf32, #tpu.memory_space<vmem>>
      %dma_wait3A_385 = tpu.memref_squeeze %dma_wait3A_384 : memref<1x1x4x2048xf32, #tpu.memory_space<vmem>> -> memref<4x2048xf32, #tpu.memory_space<vmem>>
      %dma_wait3A_386 = arith.constant 0 : i32
      %dma_wait3A_387 = arith.constant 0 : i32
      %dma_wait3A_388 = tpu.memref_slice %arg2[%dma_wait3A_370, %dma_wait3A_386, %dma_wait3A_387] : memref<4x2048x2048xf32, #tpu.memory_space<hbm>> -> memref<1x4x2048xf32, #tpu.memory_space<hbm>>
      %dma_wait3A_389 = tpu.memref_squeeze %dma_wait3A_388 : memref<1x4x2048xf32, #tpu.memory_space<hbm>> -> memref<4x2048xf32, #tpu.memory_space<hbm>>
      tpu.wait_dma2 semaphore(%dma_wait3A_381 : memref<!tpu.dma_semaphore, #tpu.memory_space<semaphore_mem>>) src(%dma_wait3A_389 : memref<4x2048xf32, #tpu.memory_space<hbm>>) dst(%dma_wait3A_385 : memref<4x2048xf32, #tpu.memory_space<vmem>>)
      %scan3A_390 = arith.constant 0 : i32
      %scan3A_391 = arith.constant 0 : i32
      %scan3A_392 = arith.constant 16 : i32
      %scan3A_393 = arith.addi %scan3A_391, %scan3A_392 : i32
      %scan3A_394 = arith.constant 1 : i32
      scf.for %scan3A_471 = %scan3A_391 to %scan3A_393 step %scan3A_394  : i32 {
        %mul3A_472 = arith.constant 128 : i32
        %mul3A_473 = arith.muli %scan3A_471, %mul3A_472 : i32
        %add3A_474 = arith.constant 0 : i32
        %add3A_475 = arith.addi %mul3A_473, %add3A_474 : i32
        %get3A = arith.constant 0 : i32
        %get3A_476 = arith.index_cast %rem3A_281 : i32 to index
        %get3A_477 = arith.index_cast %get3A : i32 to index
        %get3A_478 = arith.index_cast %add3A_475 : i32 to index
        %get3A_479 = tpu.vector_load %arg5[%get3A_476, %get3A_477, %get3A_478] {strides = array<i32>} : memref<3x4x2048xf32, #tpu.memory_space<vmem>>, vector<1x1x16xf32>,
        %get3A_480 = vector.shape_cast %get3A_479 : vector<1x1x16xf32> to vector<16xf32>
        %get3A_481 = arith.constant 0 : i32
        %get3A_482 = arith.constant 0 : i32
        %get3A_483 = arith.index_cast %rem3A_281 : i32 to index
        %get3A_484 = arith.index_cast %get3A_481 : i32 to index
        %get3A_485 = arith.index_cast %get3A_482 : i32 to index
        %get3A_486 = arith.index_cast %add3A_475 : i32 to index
        %get3A_487 = tpu.vector_load %arg6[%get3A_483, %get3A_484, %get3A_485, %get3A_486] {strides = array<i32>} : memref<3x4x4x2048xf32, #tpu.memory_space<vmem>>, vector<1x1x1x16xf32>,
        %get3A_488 = vector.shape_cast %get3A_487 : vector<1x1x1x16xf32> to vector<16xf32>
        %add3A_489 = arith.addf %get3A_488, %get3A_480 : vector<16xf32>
        %swap3A = arith.constant 0 : i32
        %swap3A_490 = arith.constant 0 : i32
        %swap3A_491 = arith.index_cast %rem3A_281 : i32 to index
        %swap3A_492 = arith.index_cast %swap3A : i32 to index
        %swap3A_493 = arith.index_cast %swap3A_490 : i32 to index
        %swap3A_494 = arith.index_cast %add3A_475 : i32 to index
        %swap3A_495 = tpu.vector_load %arg6[%swap3A_491, %swap3A_492, %swap3A_493, %swap3A_494] {strides = array<i32>} : memref<3x4x4x2048xf32, #tpu.memory_space<vmem>>, vector<1x1x1x16xf32>,
        %swap3A_496 = vector.shape_cast %swap3A_495 : vector<1x1x1x16xf32> to vector<16xf32>
        %swap3A_497 = vector.shape_cast %add3A_489 : vector<16xf32> to vector<1x1x1x16xf32>
        tpu.vector_store %arg6[%swap3A_491, %swap3A_492, %swap3A_493, %swap3A_494], %swap3A_497 {strides = array<i32>} : memref<3x4x4x2048xf32, #tpu.memory_space<vmem>>, vector<1x1x1x16xf32>,
        %get3A_498 = arith.constant 1 : i32
        %get3A_499 = arith.constant 0 : i32
        %get3A_500 = arith.index_cast %rem3A_281 : i32 to index
        %get3A_501 = arith.index_cast %get3A_498 : i32 to index
        %get3A_502 = arith.index_cast %get3A_499 : i32 to index
        %get3A_503 = arith.index_cast %add3A_475 : i32 to index
        %get3A_504 = tpu.vector_load %arg6[%get3A_500, %get3A_501, %get3A_502, %get3A_503] {strides = array<i32>} : memref<3x4x4x2048xf32, #tpu.memory_space<vmem>>, vector<1x1x1x16xf32>,
        %get3A_505 = vector.shape_cast %get3A_504 : vector<1x1x1x16xf32> to vector<16xf32>
        %add3A_506 = arith.addf %get3A_505, %get3A_480 : vector<16xf32>
        %swap3A_507 = arith.constant 1 : i32
        %swap3A_508 = arith.constant 0 : i32
        %swap3A_509 = arith.index_cast %rem3A_281 : i32 to index
        %swap3A_510 = arith.index_cast %swap3A_507 : i32 to index
        %swap3A_511 = arith.index_cast %swap3A_508 : i32 to index
        %swap3A_512 = arith.index_cast %add3A_475 : i32 to index
        %swap3A_513 = tpu.vector_load %arg6[%swap3A_509, %swap3A_510, %swap3A_511, %swap3A_512] {strides = array<i32>} : memref<3x4x4x2048xf32, #tpu.memory_space<vmem>>, vector<1x1x1x16xf32>,
        %swap3A_514 = vector.shape_cast %swap3A_513 : vector<1x1x1x16xf32> to vector<16xf32>
        %swap3A_515 = vector.shape_cast %add3A_506 : vector<16xf32> to vector<1x1x1x16xf32>
        tpu.vector_store %arg6[%swap3A_509, %swap3A_510, %swap3A_511, %swap3A_512], %swap3A_515 {strides = array<i32>} : memref<3x4x4x2048xf32, #tpu.memory_space<vmem>>, vector<1x1x1x16xf32>,
        %get3A_516 = arith.constant 2 : i32
        %get3A_517 = arith.constant 0 : i32
        %get3A_518 = arith.index_cast %rem3A_281 : i32 to index
        %get3A_519 = arith.index_cast %get3A_516 : i32 to index
        %get3A_520 = arith.index_cast %get3A_517 : i32 to index
        %get3A_521 = arith.index_cast %add3A_475 : i32 to index
        %get3A_522 = tpu.vector_load %arg6[%get3A_518, %get3A_519, %get3A_520, %get3A_521] {strides = array<i32>} : memref<3x4x4x2048xf32, #tpu.memory_space<vmem>>, vector<1x1x1x16xf32>,
        %get3A_523 = vector.shape_cast %get3A_522 : vector<1x1x1x16xf32> to vector<16xf32>
        %add3A_524 = arith.addf %get3A_523, %get3A_480 : vector<16xf32>
        %swap3A_525 = arith.constant 2 : i32
        %swap3A_526 = arith.constant 0 : i32
        %swap3A_527 = arith.index_cast %rem3A_281 : i32 to index
        %swap3A_528 = arith.index_cast %swap3A_525 : i32 to index
        %swap3A_529 = arith.index_cast %swap3A_526 : i32 to index
        %swap3A_530 = arith.index_cast %add3A_475 : i32 to index
        %swap3A_531 = tpu.vector_load %arg6[%swap3A_527, %swap3A_528, %swap3A_529, %swap3A_530] {strides = array<i32>} : memref<3x4x4x2048xf32, #tpu.memory_space<vmem>>, vector<1x1x1x16xf32>,
        %swap3A_532 = vector.shape_cast %swap3A_531 : vector<1x1x1x16xf32> to vector<16xf32>
        %swap3A_533 = vector.shape_cast %add3A_524 : vector<16xf32> to vector<1x1x1x16xf32>
        tpu.vector_store %arg6[%swap3A_527, %swap3A_528, %swap3A_529, %swap3A_530], %swap3A_533 {strides = array<i32>} : memref<3x4x4x2048xf32, #tpu.memory_space<vmem>>, vector<1x1x1x16xf32>,
        %get3A_534 = arith.constant 3 : i32
        %get3A_535 = arith.constant 0 : i32
        %get3A_536 = arith.index_cast %rem3A_281 : i32 to index
        %get3A_537 = arith.index_cast %get3A_534 : i32 to index
        %get3A_538 = arith.index_cast %get3A_535 : i32 to index
        %get3A_539 = arith.index_cast %add3A_475 : i32 to index
        %get3A_540 = tpu.vector_load %arg6[%get3A_536, %get3A_537, %get3A_538, %get3A_539] {strides = array<i32>} : memref<3x4x4x2048xf32, #tpu.memory_space<vmem>>, vector<1x1x1x16xf32>,
        %get3A_541 = vector.shape_cast %get3A_540 : vector<1x1x1x16xf32> to vector<16xf32>
        %add3A_542 = arith.addf %get3A_541, %get3A_480 : vector<16xf32>
        %swap3A_543 = arith.constant 3 : i32
        %swap3A_544 = arith.constant 0 : i32
        %swap3A_545 = arith.index_cast %rem3A_281 : i32 to index
        %swap3A_546 = arith.index_cast %swap3A_543 : i32 to index
        %swap3A_547 = arith.index_cast %swap3A_544 : i32 to index
        %swap3A_548 = arith.index_cast %add3A_475 : i32 to index
        %swap3A_549 = tpu.vector_load %arg6[%swap3A_545, %swap3A_546, %swap3A_547, %swap3A_548] {strides = array<i32>} : memref<3x4x4x2048xf32, #tpu.memory_space<vmem>>, vector<1x1x1x16xf32>,
        %swap3A_550 = vector.shape_cast %swap3A_549 : vector<1x1x1x16xf32> to vector<16xf32>
        %swap3A_551 = vector.shape_cast %add3A_542 : vector<16xf32> to vector<1x1x1x16xf32>
        tpu.vector_store %arg6[%swap3A_545, %swap3A_546, %swap3A_547, %swap3A_548], %swap3A_551 {strides = array<i32>} : memref<3x4x4x2048xf32, #tpu.memory_space<vmem>>, vector<1x1x1x16xf32>,
        %add3A_552 = arith.constant 16 : i32
        %add3A_553 = arith.addi %mul3A_473, %add3A_552 : i32
        %get3A_554 = arith.constant 0 : i32
        %get3A_555 = arith.index_cast %rem3A_281 : i32 to index
        %get3A_556 = arith.index_cast %get3A_554 : i32 to index
        %get3A_557 = arith.index_cast %add3A_553 : i32 to index
        %get3A_558 = tpu.vector_load %arg5[%get3A_555, %get3A_556, %get3A_557] {strides = array<i32>} : memref<3x4x2048xf32, #tpu.memory_space<vmem>>, vector<1x1x16xf32>,
        %get3A_559 = vector.shape_cast %get3A_558 : vector<1x1x16xf32> to vector<16xf32>
        %get3A_560 = arith.constant 0 : i32
        %get3A_561 = arith.constant 0 : i32
        %get3A_562 = arith.index_cast %rem3A_281 : i32 to index
        %get3A_563 = arith.index_cast %get3A_560 : i32 to index
        %get3A_564 = arith.index_cast %get3A_561 : i32 to index
        %get3A_565 = arith.index_cast %add3A_553 : i32 to index
        %get3A_566 = tpu.vector_load %arg6[%get3A_562, %get3A_563, %get3A_564, %get3A_565] {strides = array<i32>} : memref<3x4x4x2048xf32, #tpu.memory_space<vmem>>, vector<1x1x1x16xf32>,
        %get3A_567 = vector.shape_cast %get3A_566 : vector<1x1x1x16xf32> to vector<16xf32>
        %add3A_568 = arith.addf %get3A_567, %get3A_559 : vector<16xf32>
        %swap3A_569 = arith.constant 0 : i32
        %swap3A_570 = arith.constant 0 : i32
        %swap3A_571 = arith.index_cast %rem3A_281 : i32 to index
        %swap3A_572 = arith.index_cast %swap3A_569 : i32 to index
        %swap3A_573 = arith.index_cast %swap3A_570 : i32 to index
        %swap3A_574 = arith.index_cast %add3A_553 : i32 to index
        %swap3A_575 = tpu.vector_load %arg6[%swap3A_571, %swap3A_572, %swap3A_573, %swap3A_574] {strides = array<i32>} : memref<3x4x4x2048xf32, #tpu.memory_space<vmem>>, vector<1x1x1x16xf32>,
        %swap3A_576 = vector.shape_cast %swap3A_575 : vector<1x1x1x16xf32> to vector<16xf32>
        %swap3A_577 = vector.shape_cast %add3A_568 : vector<16xf32> to vector<1x1x1x16xf32>
        tpu.vector_store %arg6[%swap3A_571, %swap3A_572, %swap3A_573, %swap3A_574], %swap3A_577 {strides = array<i32>} : memref<3x4x4x2048xf32, #tpu.memory_space<vmem>>, vector<1x1x1x16xf32>,
        %get3A_578 = arith.constant 1 : i32
        %get3A_579 = arith.constant 0 : i32
        %get3A_580 = arith.index_cast %rem3A_281 : i32 to index
        %get3A_581 = arith.index_cast %get3A_578 : i32 to index
        %get3A_582 = arith.index_cast %get3A_579 : i32 to index
        %get3A_583 = arith.index_cast %add3A_553 : i32 to index
        %get3A_584 = tpu.vector_load %arg6[%get3A_580, %get3A_581, %get3A_582, %get3A_583] {strides = array<i32>} : memref<3x4x4x2048xf32, #tpu.memory_space<vmem>>, vector<1x1x1x16xf32>,
        %get3A_585 = vector.shape_cast %get3A_584 : vector<1x1x1x16xf32> to vector<16xf32>
        %add3A_586 = arith.addf %get3A_585, %get3A_559 : vector<16xf32>
        %swap3A_587 = arith.constant 1 : i32
        %swap3A_588 = arith.constant 0 : i32
        %swap3A_589 = arith.index_cast %rem3A_281 : i32 to index
        %swap3A_590 = arith.index_cast %swap3A_587 : i32 to index
        %swap3A_591 = arith.index_cast %swap3A_588 : i32 to index
        %swap3A_592 = arith.index_cast %add3A_553 : i32 to index
        %swap3A_593 = tpu.vector_load %arg6[%swap3A_589, %swap3A_590, %swap3A_591, %swap3A_592] {strides = array<i32>} : memref<3x4x4x2048xf32, #tpu.memory_space<vmem>>, vector<1x1x1x16xf32>,
        %swap3A_594 = vector.shape_cast %swap3A_593 : vector<1x1x1x16xf32> to vector<16xf32>
        %swap3A_595 = vector.shape_cast %add3A_586 : vector<16xf32> to vector<1x1x1x16xf32>
        tpu.vector_store %arg6[%swap3A_589, %swap3A_590, %swap3A_591, %swap3A_592], %swap3A_595 {strides = array<i32>} : memref<3x4x4x2048xf32, #tpu.memory_space<vmem>>, vector<1x1x1x16xf32>,
        %get3A_596 = arith.constant 2 : i32
        %get3A_597 = arith.constant 0 : i32
        %get3A_598 = arith.index_cast %rem3A_281 : i32 to index
        %get3A_599 = arith.index_cast %get3A_596 : i32 to index
        %get3A_600 = arith.index_cast %get3A_597 : i32 to index
        %get3A_601 = arith.index_cast %add3A_553 : i32 to index
        %get3A_602 = tpu.vector_load %arg6[%get3A_598, %get3A_599, %get3A_600, %get3A_601] {strides = array<i32>} : memref<3x4x4x2048xf32, #tpu.memory_space<vmem>>, vector<1x1x1x16xf32>,
        %get3A_603 = vector.shape_cast %get3A_602 : vector<1x1x1x16xf32> to vector<16xf32>
        %add3A_604 = arith.addf %get3A_603, %get3A_559 : vector<16xf32>
        %swap3A_605 = arith.constant 2 : i32
        %swap3A_606 = arith.constant 0 : i32
        %swap3A_607 = arith.index_cast %rem3A_281 : i32 to index
        %swap3A_608 = arith.index_cast %swap3A_605 : i32 to index
        %swap3A_609 = arith.index_cast %swap3A_606 : i32 to index
        %swap3A_610 = arith.index_cast %add3A_553 : i32 to index
        %swap3A_611 = tpu.vector_load %arg6[%swap3A_607, %swap3A_608, %swap3A_609, %swap3A_610] {strides = array<i32>} : memref<3x4x4x2048xf32, #tpu.memory_space<vmem>>, vector<1x1x1x16xf32>,
        %swap3A_612 = vector.shape_cast %swap3A_611 : vector<1x1x1x16xf32> to vector<16xf32>
        %swap3A_613 = vector.shape_cast %add3A_604 : vector<16xf32> to vector<1x1x1x16xf32>
        tpu.vector_store %arg6[%swap3A_607, %swap3A_608, %swap3A_609, %swap3A_610], %swap3A_613 {strides = array<i32>} : memref<3x4x4x2048xf32, #tpu.memory_space<vmem>>, vector<1x1x1x16xf32>,
        %get3A_614 = arith.constant 3 : i32
        %get3A_615 = arith.constant 0 : i32
        %get3A_616 = arith.index_cast %rem3A_281 : i32 to index
        %get3A_617 = arith.index_cast %get3A_614 : i32 to index
        %get3A_618 = arith.index_cast %get3A_615 : i32 to index
        %get3A_619 = arith.index_cast %add3A_553 : i32 to index
        %get3A_620 = tpu.vector_load %arg6[%get3A_616, %get3A_617, %get3A_618, %get3A_619] {strides = array<i32>} : memref<3x4x4x2048xf32, #tpu.memory_space<vmem>>, vector<1x1x1x16xf32>,
        %get3A_621 = vector.shape_cast %get3A_620 : vector<1x1x1x16xf32> to vector<16xf32>
        %add3A_622 = arith.addf %get3A_621, %get3A_559 : vector<16xf32>
        %swap3A_623 = arith.constant 3 : i32
        %swap3A_624 = arith.constant 0 : i32
        %swap3A_625 = arith.index_cast %rem3A_281 : i32 to index
        %swap3A_626 = arith.index_cast %swap3A_623 : i32 to index
        %swap3A_627 = arith.index_cast %swap3A_624 : i32 to index
        %swap3A_628 = arith.index_cast %add3A_553 : i32 to index
        %swap3A_629 = tpu.vector_load %arg6[%swap3A_625, %swap3A_626, %swap3A_627, %swap3A_628] {strides = array<i32>} : memref<3x4x4x2048xf32, #tpu.memory_space<vmem>>, vector<1x1x1x16xf32>,
        %swap3A_630 = vector.shape_cast %swap3A_629 : vector<1x1x1x16xf32> to vector<16xf32>
        %swap3A_631 = vector.shape_cast %add3A_622 : vector<16xf32> to vector<1x1x1x16xf32>
        tpu.vector_store %arg6[%swap3A_625, %swap3A_626, %swap3A_627, %swap3A_628], %swap3A_631 {strides = array<i32>} : memref<3x4x4x2048xf32, #tpu.memory_space<vmem>>, vector<1x1x1x16xf32>,
        %add3A_632 = arith.constant 32 : i32
        %add3A_633 = arith.addi %mul3A_473, %add3A_632 : i32
        %get3A_634 = arith.constant 0 : i32
        %get3A_635 = arith.index_cast %rem3A_281 : i32 to index
        %get3A_636 = arith.index_cast %get3A_634 : i32 to index
        %get3A_637 = arith.index_cast %add3A_633 : i32 to index
        %get3A_638 = tpu.vector_load %arg5[%get3A_635, %get3A_636, %get3A_637] {strides = array<i32>} : memref<3x4x2048xf32, #tpu.memory_space<vmem>>, vector<1x1x16xf32>,
        %get3A_639 = vector.shape_cast %get3A_638 : vector<1x1x16xf32> to vector<16xf32>
        %get3A_640 = arith.constant 0 : i32
        %get3A_641 = arith.constant 0 : i32
        %get3A_642 = arith.index_cast %rem3A_281 : i32 to index
        %get3A_643 = arith.index_cast %get3A_640 : i32 to index
        %get3A_644 = arith.index_cast %get3A_641 : i32 to index
        %get3A_645 = arith.index_cast %add3A_633 : i32 to index
        %get3A_646 = tpu.vector_load %arg6[%get3A_642, %get3A_643, %get3A_644, %get3A_645] {strides = array<i32>} : memref<3x4x4x2048xf32, #tpu.memory_space<vmem>>, vector<1x1x1x16xf32>,
        %get3A_647 = vector.shape_cast %get3A_646 : vector<1x1x1x16xf32> to vector<16xf32>
        %add3A_648 = arith.addf %get3A_647, %get3A_639 : vector<16xf32>
        %swap3A_649 = arith.constant 0 : i32
        %swap3A_650 = arith.constant 0 : i32
        %swap3A_651 = arith.index_cast %rem3A_281 : i32 to index
        %swap3A_652 = arith.index_cast %swap3A_649 : i32 to index
        %swap3A_653 = arith.index_cast %swap3A_650 : i32 to index
        %swap3A_654 = arith.index_cast %add3A_633 : i32 to index
        %swap3A_655 = tpu.vector_load %arg6[%swap3A_651, %swap3A_652, %swap3A_653, %swap3A_654] {strides = array<i32>} : memref<3x4x4x2048xf32, #tpu.memory_space<vmem>>, vector<1x1x1x16xf32>,
        %swap3A_656 = vector.shape_cast %swap3A_655 : vector<1x1x1x16xf32> to vector<16xf32>
        %swap3A_657 = vector.shape_cast %add3A_648 : vector<16xf32> to vector<1x1x1x16xf32>
        tpu.vector_store %arg6[%swap3A_651, %swap3A_652, %swap3A_653, %swap3A_654], %swap3A_657 {strides = array<i32>} : memref<3x4x4x2048xf32, #tpu.memory_space<vmem>>, vector<1x1x1x16xf32>,
        %get3A_658 = arith.constant 1 : i32
        %get3A_659 = arith.constant 0 : i32
        %get3A_660 = arith.index_cast %rem3A_281 : i32 to index
        %get3A_661 = arith.index_cast %get3A_658 : i32 to index
        %get3A_662 = arith.index_cast %get3A_659 : i32 to index
        %get3A_663 = arith.index_cast %add3A_633 : i32 to index
        %get3A_664 = tpu.vector_load %arg6[%get3A_660, %get3A_661, %get3A_662, %get3A_663] {strides = array<i32>} : memref<3x4x4x2048xf32, #tpu.memory_space<vmem>>, vector<1x1x1x16xf32>,
        %get3A_665 = vector.shape_cast %get3A_664 : vector<1x1x1x16xf32> to vector<16xf32>
        %add3A_666 = arith.addf %get3A_665, %get3A_639 : vector<16xf32>
        %swap3A_667 = arith.constant 1 : i32
        %swap3A_668 = arith.constant 0 : i32
        %swap3A_669 = arith.index_cast %rem3A_281 : i32 to index
        %swap3A_670 = arith.index_cast %swap3A_667 : i32 to index
        %swap3A_671 = arith.index_cast %swap3A_668 : i32 to index
        %swap3A_672 = arith.index_cast %add3A_633 : i32 to index
        %swap3A_673 = tpu.vector_load %arg6[%swap3A_669, %swap3A_670, %swap3A_671, %swap3A_672] {strides = array<i32>} : memref<3x4x4x2048xf32, #tpu.memory_space<vmem>>, vector<1x1x1x16xf32>,
        %swap3A_674 = vector.shape_cast %swap3A_673 : vector<1x1x1x16xf32> to vector<16xf32>
        %swap3A_675 = vector.shape_cast %add3A_666 : vector<16xf32> to vector<1x1x1x16xf32>
        tpu.vector_store %arg6[%swap3A_669, %swap3A_670, %swap3A_671, %swap3A_672], %swap3A_675 {strides = array<i32>} : memref<3x4x4x2048xf32, #tpu.memory_space<vmem>>, vector<1x1x1x16xf32>,
        %get3A_676 = arith.constant 2 : i32
        %get3A_677 = arith.constant 0 : i32
        %get3A_678 = arith.index_cast %rem3A_281 : i32 to index
        %get3A_679 = arith.index_cast %get3A_676 : i32 to index
        %get3A_680 = arith.index_cast %get3A_677 : i32 to index
        %get3A_681 = arith.index_cast %add3A_633 : i32 to index
        %get3A_682 = tpu.vector_load %arg6[%get3A_678, %get3A_679, %get3A_680, %get3A_681] {strides = array<i32>} : memref<3x4x4x2048xf32, #tpu.memory_space<vmem>>, vector<1x1x1x16xf32>,
        %get3A_683 = vector.shape_cast %get3A_682 : vector<1x1x1x16xf32> to vector<16xf32>
        %add3A_684 = arith.addf %get3A_683, %get3A_639 : vector<16xf32>
        %swap3A_685 = arith.constant 2 : i32
        %swap3A_686 = arith.constant 0 : i32
        %swap3A_687 = arith.index_cast %rem3A_281 : i32 to index
        %swap3A_688 = arith.index_cast %swap3A_685 : i32 to index
        %swap3A_689 = arith.index_cast %swap3A_686 : i32 to index
        %swap3A_690 = arith.index_cast %add3A_633 : i32 to index
        %swap3A_691 = tpu.vector_load %arg6[%swap3A_687, %swap3A_688, %swap3A_689, %swap3A_690] {strides = array<i32>} : memref<3x4x4x2048xf32, #tpu.memory_space<vmem>>, vector<1x1x1x16xf32>,
        %swap3A_692 = vector.shape_cast %swap3A_691 : vector<1x1x1x16xf32> to vector<16xf32>
        %swap3A_693 = vector.shape_cast %add3A_684 : vector<16xf32> to vector<1x1x1x16xf32>
        tpu.vector_store %arg6[%swap3A_687, %swap3A_688, %swap3A_689, %swap3A_690], %swap3A_693 {strides = array<i32>} : memref<3x4x4x2048xf32, #tpu.memory_space<vmem>>, vector<1x1x1x16xf32>,
        %get3A_694 = arith.constant 3 : i32
        %get3A_695 = arith.constant 0 : i32
        %get3A_696 = arith.index_cast %rem3A_281 : i32 to index
        %get3A_697 = arith.index_cast %get3A_694 : i32 to index
        %get3A_698 = arith.index_cast %get3A_695 : i32 to index
        %get3A_699 = arith.index_cast %add3A_633 : i32 to index
        %get3A_700 = tpu.vector_load %arg6[%get3A_696, %get3A_697, %get3A_698, %get3A_699] {strides = array<i32>} : memref<3x4x4x2048xf32, #tpu.memory_space<vmem>>, vector<1x1x1x16xf32>,
        %get3A_701 = vector.shape_cast %get3A_700 : vector<1x1x1x16xf32> to vector<16xf32>
        %add3A_702 = arith.addf %get3A_701, %get3A_639 : vector<16xf32>
        %swap3A_703 = arith.constant 3 : i32
        %swap3A_704 = arith.constant 0 : i32
        %swap3A_705 = arith.index_cast %rem3A_281 : i32 to index
        %swap3A_706 = arith.index_cast %swap3A_703 : i32 to index
        %swap3A_707 = arith.index_cast %swap3A_704 : i32 to index
        %swap3A_708 = arith.index_cast %add3A_633 : i32 to index
        %swap3A_709 = tpu.vector_load %arg6[%swap3A_705, %swap3A_706, %swap3A_707, %swap3A_708] {strides = array<i32>} : memref<3x4x4x2048xf32, #tpu.memory_space<vmem>>, vector<1x1x1x16xf32>,
        %swap3A_710 = vector.shape_cast %swap3A_709 : vector<1x1x1x16xf32> to vector<16xf32>
        %swap3A_711 = vector.shape_cast %add3A_702 : vector<16xf32> to vector<1x1x1x16xf32>
        tpu.vector_store %arg6[%swap3A_705, %swap3A_706, %swap3A_707, %swap3A_708], %swap3A_711 {strides = array<i32>} : memref<3x4x4x2048xf32, #tpu.memory_space<vmem>>, vector<1x1x1x16xf32>,
        %add3A_712 = arith.constant 48 : i32
        %add3A_713 = arith.addi %mul3A_473, %add3A_712 : i32
        %get3A_714 = arith.constant 0 : i32
        %get3A_715 = arith.index_cast %rem3A_281 : i32 to index
        %get3A_716 = arith.index_cast %get3A_714 : i32 to index
        %get3A_717 = arith.index_cast %add3A_713 : i32 to index
        %get3A_718 = tpu.vector_load %arg5[%get3A_715, %get3A_716, %get3A_717] {strides = array<i32>} : memref<3x4x2048xf32, #tpu.memory_space<vmem>>, vector<1x1x16xf32>,
        %get3A_719 = vector.shape_cast %get3A_718 : vector<1x1x16xf32> to vector<16xf32>
        %get3A_720 = arith.constant 0 : i32
        %get3A_721 = arith.constant 0 : i32
        %get3A_722 = arith.index_cast %rem3A_281 : i32 to index
        %get3A_723 = arith.index_cast %get3A_720 : i32 to index
        %get3A_724 = arith.index_cast %get3A_721 : i32 to index
        %get3A_725 = arith.index_cast %add3A_713 : i32 to index
        %get3A_726 = tpu.vector_load %arg6[%get3A_722, %get3A_723, %get3A_724, %get3A_725] {strides = array<i32>} : memref<3x4x4x2048xf32, #tpu.memory_space<vmem>>, vector<1x1x1x16xf32>,
        %get3A_727 = vector.shape_cast %get3A_726 : vector<1x1x1x16xf32> to vector<16xf32>
        %add3A_728 = arith.addf %get3A_727, %get3A_719 : vector<16xf32>
        %swap3A_729 = arith.constant 0 : i32
        %swap3A_730 = arith.constant 0 : i32
        %swap3A_731 = arith.index_cast %rem3A_281 : i32 to index
        %swap3A_732 = arith.index_cast %swap3A_729 : i32 to index
        %swap3A_733 = arith.index_cast %swap3A_730 : i32 to index
        %swap3A_734 = arith.index_cast %add3A_713 : i32 to index
        %swap3A_735 = tpu.vector_load %arg6[%swap3A_731, %swap3A_732, %swap3A_733, %swap3A_734] {strides = array<i32>} : memref<3x4x4x2048xf32, #tpu.memory_space<vmem>>, vector<1x1x1x16xf32>,
        %swap3A_736 = vector.shape_cast %swap3A_735 : vector<1x1x1x16xf32> to vector<16xf32>
        %swap3A_737 = vector.shape_cast %add3A_728 : vector<16xf32> to vector<1x1x1x16xf32>
        tpu.vector_store %arg6[%swap3A_731, %swap3A_732, %swap3A_733, %swap3A_734], %swap3A_737 {strides = array<i32>} : memref<3x4x4x2048xf32, #tpu.memory_space<vmem>>, vector<1x1x1x16xf32>,
        %get3A_738 = arith.constant 1 : i32
        %get3A_739 = arith.constant 0 : i32
        %get3A_740 = arith.index_cast %rem3A_281 : i32 to index
        %get3A_741 = arith.index_cast %get3A_738 : i32 to index
        %get3A_742 = arith.index_cast %get3A_739 : i32 to index
        %get3A_743 = arith.index_cast %add3A_713 : i32 to index
        %get3A_744 = tpu.vector_load %arg6[%get3A_740, %get3A_741, %get3A_742, %get3A_743] {strides = array<i32>} : memref<3x4x4x2048xf32, #tpu.memory_space<vmem>>, vector<1x1x1x16xf32>,
        %get3A_745 = vector.shape_cast %get3A_744 : vector<1x1x1x16xf32> to vector<16xf32>
        %add3A_746 = arith.addf %get3A_745, %get3A_719 : vector<16xf32>
        %swap3A_747 = arith.constant 1 : i32
        %swap3A_748 = arith.constant 0 : i32
        %swap3A_749 = arith.index_cast %rem3A_281 : i32 to index
        %swap3A_750 = arith.index_cast %swap3A_747 : i32 to index
        %swap3A_751 = arith.index_cast %swap3A_748 : i32 to index
        %swap3A_752 = arith.index_cast %add3A_713 : i32 to index
        %swap3A_753 = tpu.vector_load %arg6[%swap3A_749, %swap3A_750, %swap3A_751, %swap3A_752] {strides = array<i32>} : memref<3x4x4x2048xf32, #tpu.memory_space<vmem>>, vector<1x1x1x16xf32>,
        %swap3A_754 = vector.shape_cast %swap3A_753 : vector<1x1x1x16xf32> to vector<16xf32>
        %swap3A_755 = vector.shape_cast %add3A_746 : vector<16xf32> to vector<1x1x1x16xf32>
        tpu.vector_store %arg6[%swap3A_749, %swap3A_750, %swap3A_751, %swap3A_752], %swap3A_755 {strides = array<i32>} : memref<3x4x4x2048xf32, #tpu.memory_space<vmem>>, vector<1x1x1x16xf32>,
        %get3A_756 = arith.constant 2 : i32
        %get3A_757 = arith.constant 0 : i32
        %get3A_758 = arith.index_cast %rem3A_281 : i32 to index
        %get3A_759 = arith.index_cast %get3A_756 : i32 to index
        %get3A_760 = arith.index_cast %get3A_757 : i32 to index
        %get3A_761 = arith.index_cast %add3A_713 : i32 to index
        %get3A_762 = tpu.vector_load %arg6[%get3A_758, %get3A_759, %get3A_760, %get3A_761] {strides = array<i32>} : memref<3x4x4x2048xf32, #tpu.memory_space<vmem>>, vector<1x1x1x16xf32>,
        %get3A_763 = vector.shape_cast %get3A_762 : vector<1x1x1x16xf32> to vector<16xf32>
        %add3A_764 = arith.addf %get3A_763, %get3A_719 : vector<16xf32>
        %swap3A_765 = arith.constant 2 : i32
        %swap3A_766 = arith.constant 0 : i32
        %swap3A_767 = arith.index_cast %rem3A_281 : i32 to index
        %swap3A_768 = arith.index_cast %swap3A_765 : i32 to index
        %swap3A_769 = arith.index_cast %swap3A_766 : i32 to index
        %swap3A_770 = arith.index_cast %add3A_713 : i32 to index
        %swap3A_771 = tpu.vector_load %arg6[%swap3A_767, %swap3A_768, %swap3A_769, %swap3A_770] {strides = array<i32>} : memref<3x4x4x2048xf32, #tpu.memory_space<vmem>>, vector<1x1x1x16xf32>,
        %swap3A_772 = vector.shape_cast %swap3A_771 : vector<1x1x1x16xf32> to vector<16xf32>
        %swap3A_773 = vector.shape_cast %add3A_764 : vector<16xf32> to vector<1x1x1x16xf32>
        tpu.vector_store %arg6[%swap3A_767, %swap3A_768, %swap3A_769, %swap3A_770], %swap3A_773 {strides = array<i32>} : memref<3x4x4x2048xf32, #tpu.memory_space<vmem>>, vector<1x1x1x16xf32>,
        %get3A_774 = arith.constant 3 : i32
        %get3A_775 = arith.constant 0 : i32
        %get3A_776 = arith.index_cast %rem3A_281 : i32 to index
        %get3A_777 = arith.index_cast %get3A_774 : i32 to index
        %get3A_778 = arith.index_cast %get3A_775 : i32 to index
        %get3A_779 = arith.index_cast %add3A_713 : i32 to index
        %get3A_780 = tpu.vector_load %arg6[%get3A_776, %get3A_777, %get3A_778, %get3A_779] {strides = array<i32>} : memref<3x4x4x2048xf32, #tpu.memory_space<vmem>>, vector<1x1x1x16xf32>,
        %get3A_781 = vector.shape_cast %get3A_780 : vector<1x1x1x16xf32> to vector<16xf32>
        %add3A_782 = arith.addf %get3A_781, %get3A_719 : vector<16xf32>
        %swap3A_783 = arith.constant 3 : i32
        %swap3A_784 = arith.constant 0 : i32
        %swap3A_785 = arith.index_cast %rem3A_281 : i32 to index
        %swap3A_786 = arith.index_cast %swap3A_783 : i32 to index
        %swap3A_787 = arith.index_cast %swap3A_784 : i32 to index
        %swap3A_788 = arith.index_cast %add3A_713 : i32 to index
        %swap3A_789 = tpu.vector_load %arg6[%swap3A_785, %swap3A_786, %swap3A_787, %swap3A_788] {strides = array<i32>} : memref<3x4x4x2048xf32, #tpu.memory_space<vmem>>, vector<1x1x1x16xf32>,
        %swap3A_790 = vector.shape_cast %swap3A_789 : vector<1x1x1x16xf32> to vector<16xf32>
        %swap3A_791 = vector.shape_cast %add3A_782 : vector<16xf32> to vector<1x1x1x16xf32>
        tpu.vector_store %arg6[%swap3A_785, %swap3A_786, %swap3A_787, %swap3A_788], %swap3A_791 {strides = array<i32>} : memref<3x4x4x2048xf32, #tpu.memory_space<vmem>>, vector<1x1x1x16xf32>,
        %add3A_792 = arith.constant 64 : i32
        %add3A_793 = arith.addi %mul3A_473, %add3A_792 : i32
        %get3A_794 = arith.constant 0 : i32
        %get3A_795 = arith.index_cast %rem3A_281 : i32 to index
        %get3A_796 = arith.index_cast %get3A_794 : i32 to index
        %get3A_797 = arith.index_cast %add3A_793 : i32 to index
        %get3A_798 = tpu.vector_load %arg5[%get3A_795, %get3A_796, %get3A_797] {strides = array<i32>} : memref<3x4x2048xf32, #tpu.memory_space<vmem>>, vector<1x1x16xf32>,
        %get3A_799 = vector.shape_cast %get3A_798 : vector<1x1x16xf32> to vector<16xf32>
        %get3A_800 = arith.constant 0 : i32
        %get3A_801 = arith.constant 0 : i32
        %get3A_802 = arith.index_cast %rem3A_281 : i32 to index
        %get3A_803 = arith.index_cast %get3A_800 : i32 to index
        %get3A_804 = arith.index_cast %get3A_801 : i32 to index
        %get3A_805 = arith.index_cast %add3A_793 : i32 to index
        %get3A_806 = tpu.vector_load %arg6[%get3A_802, %get3A_803, %get3A_804, %get3A_805] {strides = array<i32>} : memref<3x4x4x2048xf32, #tpu.memory_space<vmem>>, vector<1x1x1x16xf32>,
        %get3A_807 = vector.shape_cast %get3A_806 : vector<1x1x1x16xf32> to vector<16xf32>
        %add3A_808 = arith.addf %get3A_807, %get3A_799 : vector<16xf32>
        %swap3A_809 = arith.constant 0 : i32
        %swap3A_810 = arith.constant 0 : i32
        %swap3A_811 = arith.index_cast %rem3A_281 : i32 to index
        %swap3A_812 = arith.index_cast %swap3A_809 : i32 to index
        %swap3A_813 = arith.index_cast %swap3A_810 : i32 to index
        %swap3A_814 = arith.index_cast %add3A_793 : i32 to index
        %swap3A_815 = tpu.vector_load %arg6[%swap3A_811, %swap3A_812, %swap3A_813, %swap3A_814] {strides = array<i32>} : memref<3x4x4x2048xf32, #tpu.memory_space<vmem>>, vector<1x1x1x16xf32>,
        %swap3A_816 = vector.shape_cast %swap3A_815 : vector<1x1x1x16xf32> to vector<16xf32>
        %swap3A_817 = vector.shape_cast %add3A_808 : vector<16xf32> to vector<1x1x1x16xf32>
        tpu.vector_store %arg6[%swap3A_811, %swap3A_812, %swap3A_813, %swap3A_814], %swap3A_817 {strides = array<i32>} : memref<3x4x4x2048xf32, #tpu.memory_space<vmem>>, vector<1x1x1x16xf32>,
        %get3A_818 = arith.constant 1 : i32
        %get3A_819 = arith.constant 0 : i32
        %get3A_820 = arith.index_cast %rem3A_281 : i32 to index
        %get3A_821 = arith.index_cast %get3A_818 : i32 to index
        %get3A_822 = arith.index_cast %get3A_819 : i32 to index
        %get3A_823 = arith.index_cast %add3A_793 : i32 to index
        %get3A_824 = tpu.vector_load %arg6[%get3A_820, %get3A_821, %get3A_822, %get3A_823] {strides = array<i32>} : memref<3x4x4x2048xf32, #tpu.memory_space<vmem>>, vector<1x1x1x16xf32>,
        %get3A_825 = vector.shape_cast %get3A_824 : vector<1x1x1x16xf32> to vector<16xf32>
        %add3A_826 = arith.addf %get3A_825, %get3A_799 : vector<16xf32>
        %swap3A_827 = arith.constant 1 : i32
        %swap3A_828 = arith.constant 0 : i32
        %swap3A_829 = arith.index_cast %rem3A_281 : i32 to index
        %swap3A_830 = arith.index_cast %swap3A_827 : i32 to index
        %swap3A_831 = arith.index_cast %swap3A_828 : i32 to index
        %swap3A_832 = arith.index_cast %add3A_793 : i32 to index
        %swap3A_833 = tpu.vector_load %arg6[%swap3A_829, %swap3A_830, %swap3A_831, %swap3A_832] {strides = array<i32>} : memref<3x4x4x2048xf32, #tpu.memory_space<vmem>>, vector<1x1x1x16xf32>,
        %swap3A_834 = vector.shape_cast %swap3A_833 : vector<1x1x1x16xf32> to vector<16xf32>
        %swap3A_835 = vector.shape_cast %add3A_826 : vector<16xf32> to vector<1x1x1x16xf32>
        tpu.vector_store %arg6[%swap3A_829, %swap3A_830, %swap3A_831, %swap3A_832], %swap3A_835 {strides = array<i32>} : memref<3x4x4x2048xf32, #tpu.memory_space<vmem>>, vector<1x1x1x16xf32>,
        %get3A_836 = arith.constant 2 : i32
        %get3A_837 = arith.constant 0 : i32
        %get3A_838 = arith.index_cast %rem3A_281 : i32 to index
        %get3A_839 = arith.index_cast %get3A_836 : i32 to index
        %get3A_840 = arith.index_cast %get3A_837 : i32 to index
        %get3A_841 = arith.index_cast %add3A_793 : i32 to index
        %get3A_842 = tpu.vector_load %arg6[%get3A_838, %get3A_839, %get3A_840, %get3A_841] {strides = array<i32>} : memref<3x4x4x2048xf32, #tpu.memory_space<vmem>>, vector<1x1x1x16xf32>,
        %get3A_843 = vector.shape_cast %get3A_842 : vector<1x1x1x16xf32> to vector<16xf32>
        %add3A_844 = arith.addf %get3A_843, %get3A_799 : vector<16xf32>
        %swap3A_845 = arith.constant 2 : i32
        %swap3A_846 = arith.constant 0 : i32
        %swap3A_847 = arith.index_cast %rem3A_281 : i32 to index
        %swap3A_848 = arith.index_cast %swap3A_845 : i32 to index
        %swap3A_849 = arith.index_cast %swap3A_846 : i32 to index
        %swap3A_850 = arith.index_cast %add3A_793 : i32 to index
        %swap3A_851 = tpu.vector_load %arg6[%swap3A_847, %swap3A_848, %swap3A_849, %swap3A_850] {strides = array<i32>} : memref<3x4x4x2048xf32, #tpu.memory_space<vmem>>, vector<1x1x1x16xf32>,
        %swap3A_852 = vector.shape_cast %swap3A_851 : vector<1x1x1x16xf32> to vector<16xf32>
        %swap3A_853 = vector.shape_cast %add3A_844 : vector<16xf32> to vector<1x1x1x16xf32>
        tpu.vector_store %arg6[%swap3A_847, %swap3A_848, %swap3A_849, %swap3A_850], %swap3A_853 {strides = array<i32>} : memref<3x4x4x2048xf32, #tpu.memory_space<vmem>>, vector<1x1x1x16xf32>,
        %get3A_854 = arith.constant 3 : i32
        %get3A_855 = arith.constant 0 : i32
        %get3A_856 = arith.index_cast %rem3A_281 : i32 to index
        %get3A_857 = arith.index_cast %get3A_854 : i32 to index
        %get3A_858 = arith.index_cast %get3A_855 : i32 to index
        %get3A_859 = arith.index_cast %add3A_793 : i32 to index
        %get3A_860 = tpu.vector_load %arg6[%get3A_856, %get3A_857, %get3A_858, %get3A_859] {strides = array<i32>} : memref<3x4x4x2048xf32, #tpu.memory_space<vmem>>, vector<1x1x1x16xf32>,
        %get3A_861 = vector.shape_cast %get3A_860 : vector<1x1x1x16xf32> to vector<16xf32>
        %add3A_862 = arith.addf %get3A_861, %get3A_799 : vector<16xf32>
        %swap3A_863 = arith.constant 3 : i32
        %swap3A_864 = arith.constant 0 : i32
        %swap3A_865 = arith.index_cast %rem3A_281 : i32 to index
        %swap3A_866 = arith.index_cast %swap3A_863 : i32 to index
        %swap3A_867 = arith.index_cast %swap3A_864 : i32 to index
        %swap3A_868 = arith.index_cast %add3A_793 : i32 to index
        %swap3A_869 = tpu.vector_load %arg6[%swap3A_865, %swap3A_866, %swap3A_867, %swap3A_868] {strides = array<i32>} : memref<3x4x4x2048xf32, #tpu.memory_space<vmem>>, vector<1x1x1x16xf32>,
        %swap3A_870 = vector.shape_cast %swap3A_869 : vector<1x1x1x16xf32> to vector<16xf32>
        %swap3A_871 = vector.shape_cast %add3A_862 : vector<16xf32> to vector<1x1x1x16xf32>
        tpu.vector_store %arg6[%swap3A_865, %swap3A_866, %swap3A_867, %swap3A_868], %swap3A_871 {strides = array<i32>} : memref<3x4x4x2048xf32, #tpu.memory_space<vmem>>, vector<1x1x1x16xf32>,
        %add3A_872 = arith.constant 80 : i32
        %add3A_873 = arith.addi %mul3A_473, %add3A_872 : i32
        %get3A_874 = arith.constant 0 : i32
        %get3A_875 = arith.index_cast %rem3A_281 : i32 to index
        %get3A_876 = arith.index_cast %get3A_874 : i32 to index
        %get3A_877 = arith.index_cast %add3A_873 : i32 to index
        %get3A_878 = tpu.vector_load %arg5[%get3A_875, %get3A_876, %get3A_877] {strides = array<i32>} : memref<3x4x2048xf32, #tpu.memory_space<vmem>>, vector<1x1x16xf32>,
        %get3A_879 = vector.shape_cast %get3A_878 : vector<1x1x16xf32> to vector<16xf32>
        %get3A_880 = arith.constant 0 : i32
        %get3A_881 = arith.constant 0 : i32
        %get3A_882 = arith.index_cast %rem3A_281 : i32 to index
        %get3A_883 = arith.index_cast %get3A_880 : i32 to index
        %get3A_884 = arith.index_cast %get3A_881 : i32 to index
        %get3A_885 = arith.index_cast %add3A_873 : i32 to index
        %get3A_886 = tpu.vector_load %arg6[%get3A_882, %get3A_883, %get3A_884, %get3A_885] {strides = array<i32>} : memref<3x4x4x2048xf32, #tpu.memory_space<vmem>>, vector<1x1x1x16xf32>,
        %get3A_887 = vector.shape_cast %get3A_886 : vector<1x1x1x16xf32> to vector<16xf32>
        %add3A_888 = arith.addf %get3A_887, %get3A_879 : vector<16xf32>
        %swap3A_889 = arith.constant 0 : i32
        %swap3A_890 = arith.constant 0 : i32
        %swap3A_891 = arith.index_cast %rem3A_281 : i32 to index
        %swap3A_892 = arith.index_cast %swap3A_889 : i32 to index
        %swap3A_893 = arith.index_cast %swap3A_890 : i32 to index
        %swap3A_894 = arith.index_cast %add3A_873 : i32 to index
        %swap3A_895 = tpu.vector_load %arg6[%swap3A_891, %swap3A_892, %swap3A_893, %swap3A_894] {strides = array<i32>} : memref<3x4x4x2048xf32, #tpu.memory_space<vmem>>, vector<1x1x1x16xf32>,
        %swap3A_896 = vector.shape_cast %swap3A_895 : vector<1x1x1x16xf32> to vector<16xf32>
        %swap3A_897 = vector.shape_cast %add3A_888 : vector<16xf32> to vector<1x1x1x16xf32>
        tpu.vector_store %arg6[%swap3A_891, %swap3A_892, %swap3A_893, %swap3A_894], %swap3A_897 {strides = array<i32>} : memref<3x4x4x2048xf32, #tpu.memory_space<vmem>>, vector<1x1x1x16xf32>,
        %get3A_898 = arith.constant 1 : i32
        %get3A_899 = arith.constant 0 : i32
        %get3A_900 = arith.index_cast %rem3A_281 : i32 to index
        %get3A_901 = arith.index_cast %get3A_898 : i32 to index
        %get3A_902 = arith.index_cast %get3A_899 : i32 to index
        %get3A_903 = arith.index_cast %add3A_873 : i32 to index
        %get3A_904 = tpu.vector_load %arg6[%get3A_900, %get3A_901, %get3A_902, %get3A_903] {strides = array<i32>} : memref<3x4x4x2048xf32, #tpu.memory_space<vmem>>, vector<1x1x1x16xf32>,
        %get3A_905 = vector.shape_cast %get3A_904 : vector<1x1x1x16xf32> to vector<16xf32>
        %add3A_906 = arith.addf %get3A_905, %get3A_879 : vector<16xf32>
        %swap3A_907 = arith.constant 1 : i32
        %swap3A_908 = arith.constant 0 : i32
        %swap3A_909 = arith.index_cast %rem3A_281 : i32 to index
        %swap3A_910 = arith.index_cast %swap3A_907 : i32 to index
        %swap3A_911 = arith.index_cast %swap3A_908 : i32 to index
        %swap3A_912 = arith.index_cast %add3A_873 : i32 to index
        %swap3A_913 = tpu.vector_load %arg6[%swap3A_909, %swap3A_910, %swap3A_911, %swap3A_912] {strides = array<i32>} : memref<3x4x4x2048xf32, #tpu.memory_space<vmem>>, vector<1x1x1x16xf32>,
        %swap3A_914 = vector.shape_cast %swap3A_913 : vector<1x1x1x16xf32> to vector<16xf32>
        %swap3A_915 = vector.shape_cast %add3A_906 : vector<16xf32> to vector<1x1x1x16xf32>
        tpu.vector_store %arg6[%swap3A_909, %swap3A_910, %swap3A_911, %swap3A_912], %swap3A_915 {strides = array<i32>} : memref<3x4x4x2048xf32, #tpu.memory_space<vmem>>, vector<1x1x1x16xf32>,
        %get3A_916 = arith.constant 2 : i32
        %get3A_917 = arith.constant 0 : i32
        %get3A_918 = arith.index_cast %rem3A_281 : i32 to index
        %get3A_919 = arith.index_cast %get3A_916 : i32 to index
        %get3A_920 = arith.index_cast %get3A_917 : i32 to index
        %get3A_921 = arith.index_cast %add3A_873 : i32 to index
        %get3A_922 = tpu.vector_load %arg6[%get3A_918, %get3A_919, %get3A_920, %get3A_921] {strides = array<i32>} : memref<3x4x4x2048xf32, #tpu.memory_space<vmem>>, vector<1x1x1x16xf32>,
        %get3A_923 = vector.shape_cast %get3A_922 : vector<1x1x1x16xf32> to vector<16xf32>
        %add3A_924 = arith.addf %get3A_923, %get3A_879 : vector<16xf32>
        %swap3A_925 = arith.constant 2 : i32
        %swap3A_926 = arith.constant 0 : i32
        %swap3A_927 = arith.index_cast %rem3A_281 : i32 to index
        %swap3A_928 = arith.index_cast %swap3A_925 : i32 to index
        %swap3A_929 = arith.index_cast %swap3A_926 : i32 to index
        %swap3A_930 = arith.index_cast %add3A_873 : i32 to index
        %swap3A_931 = tpu.vector_load %arg6[%swap3A_927, %swap3A_928, %swap3A_929, %swap3A_930] {strides = array<i32>} : memref<3x4x4x2048xf32, #tpu.memory_space<vmem>>, vector<1x1x1x16xf32>,
        %swap3A_932 = vector.shape_cast %swap3A_931 : vector<1x1x1x16xf32> to vector<16xf32>
        %swap3A_933 = vector.shape_cast %add3A_924 : vector<16xf32> to vector<1x1x1x16xf32>
        tpu.vector_store %arg6[%swap3A_927, %swap3A_928, %swap3A_929, %swap3A_930], %swap3A_933 {strides = array<i32>} : memref<3x4x4x2048xf32, #tpu.memory_space<vmem>>, vector<1x1x1x16xf32>,
        %get3A_934 = arith.constant 3 : i32
        %get3A_935 = arith.constant 0 : i32
        %get3A_936 = arith.index_cast %rem3A_281 : i32 to index
        %get3A_937 = arith.index_cast %get3A_934 : i32 to index
        %get3A_938 = arith.index_cast %get3A_935 : i32 to index
        %get3A_939 = arith.index_cast %add3A_873 : i32 to index
        %get3A_940 = tpu.vector_load %arg6[%get3A_936, %get3A_937, %get3A_938, %get3A_939] {strides = array<i32>} : memref<3x4x4x2048xf32, #tpu.memory_space<vmem>>, vector<1x1x1x16xf32>,
        %get3A_941 = vector.shape_cast %get3A_940 : vector<1x1x1x16xf32> to vector<16xf32>
        %add3A_942 = arith.addf %get3A_941, %get3A_879 : vector<16xf32>
        %swap3A_943 = arith.constant 3 : i32
        %swap3A_944 = arith.constant 0 : i32
        %swap3A_945 = arith.index_cast %rem3A_281 : i32 to index
        %swap3A_946 = arith.index_cast %swap3A_943 : i32 to index
        %swap3A_947 = arith.index_cast %swap3A_944 : i32 to index
        %swap3A_948 = arith.index_cast %add3A_873 : i32 to index
        %swap3A_949 = tpu.vector_load %arg6[%swap3A_945, %swap3A_946, %swap3A_947, %swap3A_948] {strides = array<i32>} : memref<3x4x4x2048xf32, #tpu.memory_space<vmem>>, vector<1x1x1x16xf32>,
        %swap3A_950 = vector.shape_cast %swap3A_949 : vector<1x1x1x16xf32> to vector<16xf32>
        %swap3A_951 = vector.shape_cast %add3A_942 : vector<16xf32> to vector<1x1x1x16xf32>
        tpu.vector_store %arg6[%swap3A_945, %swap3A_946, %swap3A_947, %swap3A_948], %swap3A_951 {strides = array<i32>} : memref<3x4x4x2048xf32, #tpu.memory_space<vmem>>, vector<1x1x1x16xf32>,
        %add3A_952 = arith.constant 96 : i32
        %add3A_953 = arith.addi %mul3A_473, %add3A_952 : i32
        %get3A_954 = arith.constant 0 : i32
        %get3A_955 = arith.index_cast %rem3A_281 : i32 to index
        %get3A_956 = arith.index_cast %get3A_954 : i32 to index
        %get3A_957 = arith.index_cast %add3A_953 : i32 to index
        %get3A_958 = tpu.vector_load %arg5[%get3A_955, %get3A_956, %get3A_957] {strides = array<i32>} : memref<3x4x2048xf32, #tpu.memory_space<vmem>>, vector<1x1x16xf32>,
        %get3A_959 = vector.shape_cast %get3A_958 : vector<1x1x16xf32> to vector<16xf32>
        %get3A_960 = arith.constant 0 : i32
        %get3A_961 = arith.constant 0 : i32
        %get3A_962 = arith.index_cast %rem3A_281 : i32 to index
        %get3A_963 = arith.index_cast %get3A_960 : i32 to index
        %get3A_964 = arith.index_cast %get3A_961 : i32 to index
        %get3A_965 = arith.index_cast %add3A_953 : i32 to index
        %get3A_966 = tpu.vector_load %arg6[%get3A_962, %get3A_963, %get3A_964, %get3A_965] {strides = array<i32>} : memref<3x4x4x2048xf32, #tpu.memory_space<vmem>>, vector<1x1x1x16xf32>,
        %get3A_967 = vector.shape_cast %get3A_966 : vector<1x1x1x16xf32> to vector<16xf32>
        %add3A_968 = arith.addf %get3A_967, %get3A_959 : vector<16xf32>
        %swap3A_969 = arith.constant 0 : i32
        %swap3A_970 = arith.constant 0 : i32
        %swap3A_971 = arith.index_cast %rem3A_281 : i32 to index
        %swap3A_972 = arith.index_cast %swap3A_969 : i32 to index
        %swap3A_973 = arith.index_cast %swap3A_970 : i32 to index
        %swap3A_974 = arith.index_cast %add3A_953 : i32 to index
        %swap3A_975 = tpu.vector_load %arg6[%swap3A_971, %swap3A_972, %swap3A_973, %swap3A_974] {strides = array<i32>} : memref<3x4x4x2048xf32, #tpu.memory_space<vmem>>, vector<1x1x1x16xf32>,
        %swap3A_976 = vector.shape_cast %swap3A_975 : vector<1x1x1x16xf32> to vector<16xf32>
        %swap3A_977 = vector.shape_cast %add3A_968 : vector<16xf32> to vector<1x1x1x16xf32>
        tpu.vector_store %arg6[%swap3A_971, %swap3A_972, %swap3A_973, %swap3A_974], %swap3A_977 {strides = array<i32>} : memref<3x4x4x2048xf32, #tpu.memory_space<vmem>>, vector<1x1x1x16xf32>,
        %get3A_978 = arith.constant 1 : i32
        %get3A_979 = arith.constant 0 : i32
        %get3A_980 = arith.index_cast %rem3A_281 : i32 to index
        %get3A_981 = arith.index_cast %get3A_978 : i32 to index
        %get3A_982 = arith.index_cast %get3A_979 : i32 to index
        %get3A_983 = arith.index_cast %add3A_953 : i32 to index
        %get3A_984 = tpu.vector_load %arg6[%get3A_980, %get3A_981, %get3A_982, %get3A_983] {strides = array<i32>} : memref<3x4x4x2048xf32, #tpu.memory_space<vmem>>, vector<1x1x1x16xf32>,
        %get3A_985 = vector.shape_cast %get3A_984 : vector<1x1x1x16xf32> to vector<16xf32>
        %add3A_986 = arith.addf %get3A_985, %get3A_959 : vector<16xf32>
        %swap3A_987 = arith.constant 1 : i32
        %swap3A_988 = arith.constant 0 : i32
        %swap3A_989 = arith.index_cast %rem3A_281 : i32 to index
        %swap3A_990 = arith.index_cast %swap3A_987 : i32 to index
        %swap3A_991 = arith.index_cast %swap3A_988 : i32 to index
        %swap3A_992 = arith.index_cast %add3A_953 : i32 to index
        %swap3A_993 = tpu.vector_load %arg6[%swap3A_989, %swap3A_990, %swap3A_991, %swap3A_992] {strides = array<i32>} : memref<3x4x4x2048xf32, #tpu.memory_space<vmem>>, vector<1x1x1x16xf32>,
        %swap3A_994 = vector.shape_cast %swap3A_993 : vector<1x1x1x16xf32> to vector<16xf32>
        %swap3A_995 = vector.shape_cast %add3A_986 : vector<16xf32> to vector<1x1x1x16xf32>
        tpu.vector_store %arg6[%swap3A_989, %swap3A_990, %swap3A_991, %swap3A_992], %swap3A_995 {strides = array<i32>} : memref<3x4x4x2048xf32, #tpu.memory_space<vmem>>, vector<1x1x1x16xf32>,
        %get3A_996 = arith.constant 2 : i32
        %get3A_997 = arith.constant 0 : i32
        %get3A_998 = arith.index_cast %rem3A_281 : i32 to index
        %get3A_999 = arith.index_cast %get3A_996 : i32 to index
        %get3A_1000 = arith.index_cast %get3A_997 : i32 to index
        %get3A_1001 = arith.index_cast %add3A_953 : i32 to index
        %get3A_1002 = tpu.vector_load %arg6[%get3A_998, %get3A_999, %get3A_1000, %get3A_1001] {strides = array<i32>} : memref<3x4x4x2048xf32, #tpu.memory_space<vmem>>, vector<1x1x1x16xf32>,
        %get3A_1003 = vector.shape_cast %get3A_1002 : vector<1x1x1x16xf32> to vector<16xf32>
        %add3A_1004 = arith.addf %get3A_1003, %get3A_959 : vector<16xf32>
        %swap3A_1005 = arith.constant 2 : i32
        %swap3A_1006 = arith.constant 0 : i32
        %swap3A_1007 = arith.index_cast %rem3A_281 : i32 to index
        %swap3A_1008 = arith.index_cast %swap3A_1005 : i32 to index
        %swap3A_1009 = arith.index_cast %swap3A_1006 : i32 to index
        %swap3A_1010 = arith.index_cast %add3A_953 : i32 to index
        %swap3A_1011 = tpu.vector_load %arg6[%swap3A_1007, %swap3A_1008, %swap3A_1009, %swap3A_1010] {strides = array<i32>} : memref<3x4x4x2048xf32, #tpu.memory_space<vmem>>, vector<1x1x1x16xf32>,
        %swap3A_1012 = vector.shape_cast %swap3A_1011 : vector<1x1x1x16xf32> to vector<16xf32>
        %swap3A_1013 = vector.shape_cast %add3A_1004 : vector<16xf32> to vector<1x1x1x16xf32>
        tpu.vector_store %arg6[%swap3A_1007, %swap3A_1008, %swap3A_1009, %swap3A_1010], %swap3A_1013 {strides = array<i32>} : memref<3x4x4x2048xf32, #tpu.memory_space<vmem>>, vector<1x1x1x16xf32>,
        %get3A_1014 = arith.constant 3 : i32
        %get3A_1015 = arith.constant 0 : i32
        %get3A_1016 = arith.index_cast %rem3A_281 : i32 to index
        %get3A_1017 = arith.index_cast %get3A_1014 : i32 to index
        %get3A_1018 = arith.index_cast %get3A_1015 : i32 to index
        %get3A_1019 = arith.index_cast %add3A_953 : i32 to index
        %get3A_1020 = tpu.vector_load %arg6[%get3A_1016, %get3A_1017, %get3A_1018, %get3A_1019] {strides = array<i32>} : memref<3x4x4x2048xf32, #tpu.memory_space<vmem>>, vector<1x1x1x16xf32>,
        %get3A_1021 = vector.shape_cast %get3A_1020 : vector<1x1x1x16xf32> to vector<16xf32>
        %add3A_1022 = arith.addf %get3A_1021, %get3A_959 : vector<16xf32>
        %swap3A_1023 = arith.constant 3 : i32
        %swap3A_1024 = arith.constant 0 : i32
        %swap3A_1025 = arith.index_cast %rem3A_281 : i32 to index
        %swap3A_1026 = arith.index_cast %swap3A_1023 : i32 to index
        %swap3A_1027 = arith.index_cast %swap3A_1024 : i32 to index
        %swap3A_1028 = arith.index_cast %add3A_953 : i32 to index
        %swap3A_1029 = tpu.vector_load %arg6[%swap3A_1025, %swap3A_1026, %swap3A_1027, %swap3A_1028] {strides = array<i32>} : memref<3x4x4x2048xf32, #tpu.memory_space<vmem>>, vector<1x1x1x16xf32>,
        %swap3A_1030 = vector.shape_cast %swap3A_1029 : vector<1x1x1x16xf32> to vector<16xf32>
        %swap3A_1031 = vector.shape_cast %add3A_1022 : vector<16xf32> to vector<1x1x1x16xf32>
        tpu.vector_store %arg6[%swap3A_1025, %swap3A_1026, %swap3A_1027, %swap3A_1028], %swap3A_1031 {strides = array<i32>} : memref<3x4x4x2048xf32, #tpu.memory_space<vmem>>, vector<1x1x1x16xf32>,
        %add3A_1032 = arith.constant 112 : i32
        %add3A_1033 = arith.addi %mul3A_473, %add3A_1032 : i32
        %get3A_1034 = arith.constant 0 : i32
        %get3A_1035 = arith.index_cast %rem3A_281 : i32 to index
        %get3A_1036 = arith.index_cast %get3A_1034 : i32 to index
        %get3A_1037 = arith.index_cast %add3A_1033 : i32 to index
        %get3A_1038 = tpu.vector_load %arg5[%get3A_1035, %get3A_1036, %get3A_1037] {strides = array<i32>} : memref<3x4x2048xf32, #tpu.memory_space<vmem>>, vector<1x1x16xf32>,
        %get3A_1039 = vector.shape_cast %get3A_1038 : vector<1x1x16xf32> to vector<16xf32>
        %get3A_1040 = arith.constant 0 : i32
        %get3A_1041 = arith.constant 0 : i32
        %get3A_1042 = arith.index_cast %rem3A_281 : i32 to index
        %get3A_1043 = arith.index_cast %get3A_1040 : i32 to index
        %get3A_1044 = arith.index_cast %get3A_1041 : i32 to index
        %get3A_1045 = arith.index_cast %add3A_1033 : i32 to index
        %get3A_1046 = tpu.vector_load %arg6[%get3A_1042, %get3A_1043, %get3A_1044, %get3A_1045] {strides = array<i32>} : memref<3x4x4x2048xf32, #tpu.memory_space<vmem>>, vector<1x1x1x16xf32>,
        %get3A_1047 = vector.shape_cast %get3A_1046 : vector<1x1x1x16xf32> to vector<16xf32>
        %add3A_1048 = arith.addf %get3A_1047, %get3A_1039 : vector<16xf32>
        %swap3A_1049 = arith.constant 0 : i32
        %swap3A_1050 = arith.constant 0 : i32
        %swap3A_1051 = arith.index_cast %rem3A_281 : i32 to index
        %swap3A_1052 = arith.index_cast %swap3A_1049 : i32 to index
        %swap3A_1053 = arith.index_cast %swap3A_1050 : i32 to index
        %swap3A_1054 = arith.index_cast %add3A_1033 : i32 to index
        %swap3A_1055 = tpu.vector_load %arg6[%swap3A_1051, %swap3A_1052, %swap3A_1053, %swap3A_1054] {strides = array<i32>} : memref<3x4x4x2048xf32, #tpu.memory_space<vmem>>, vector<1x1x1x16xf32>,
        %swap3A_1056 = vector.shape_cast %swap3A_1055 : vector<1x1x1x16xf32> to vector<16xf32>
        %swap3A_1057 = vector.shape_cast %add3A_1048 : vector<16xf32> to vector<1x1x1x16xf32>
        tpu.vector_store %arg6[%swap3A_1051, %swap3A_1052, %swap3A_1053, %swap3A_1054], %swap3A_1057 {strides = array<i32>} : memref<3x4x4x2048xf32, #tpu.memory_space<vmem>>, vector<1x1x1x16xf32>,
        %get3A_1058 = arith.constant 1 : i32
        %get3A_1059 = arith.constant 0 : i32
        %get3A_1060 = arith.index_cast %rem3A_281 : i32 to index
        %get3A_1061 = arith.index_cast %get3A_1058 : i32 to index
        %get3A_1062 = arith.index_cast %get3A_1059 : i32 to index
        %get3A_1063 = arith.index_cast %add3A_1033 : i32 to index
        %get3A_1064 = tpu.vector_load %arg6[%get3A_1060, %get3A_1061, %get3A_1062, %get3A_1063] {strides = array<i32>} : memref<3x4x4x2048xf32, #tpu.memory_space<vmem>>, vector<1x1x1x16xf32>,
        %get3A_1065 = vector.shape_cast %get3A_1064 : vector<1x1x1x16xf32> to vector<16xf32>
        %add3A_1066 = arith.addf %get3A_1065, %get3A_1039 : vector<16xf32>
        %swap3A_1067 = arith.constant 1 : i32
        %swap3A_1068 = arith.constant 0 : i32
        %swap3A_1069 = arith.index_cast %rem3A_281 : i32 to index
        %swap3A_1070 = arith.index_cast %swap3A_1067 : i32 to index
        %swap3A_1071 = arith.index_cast %swap3A_1068 : i32 to index
        %swap3A_1072 = arith.index_cast %add3A_1033 : i32 to index
        %swap3A_1073 = tpu.vector_load %arg6[%swap3A_1069, %swap3A_1070, %swap3A_1071, %swap3A_1072] {strides = array<i32>} : memref<3x4x4x2048xf32, #tpu.memory_space<vmem>>, vector<1x1x1x16xf32>,
        %swap3A_1074 = vector.shape_cast %swap3A_1073 : vector<1x1x1x16xf32> to vector<16xf32>
        %swap3A_1075 = vector.shape_cast %add3A_1066 : vector<16xf32> to vector<1x1x1x16xf32>
        tpu.vector_store %arg6[%swap3A_1069, %swap3A_1070, %swap3A_1071, %swap3A_1072], %swap3A_1075 {strides = array<i32>} : memref<3x4x4x2048xf32, #tpu.memory_space<vmem>>, vector<1x1x1x16xf32>,
        %get3A_1076 = arith.constant 2 : i32
        %get3A_1077 = arith.constant 0 : i32
        %get3A_1078 = arith.index_cast %rem3A_281 : i32 to index
        %get3A_1079 = arith.index_cast %get3A_1076 : i32 to index
        %get3A_1080 = arith.index_cast %get3A_1077 : i32 to index
        %get3A_1081 = arith.index_cast %add3A_1033 : i32 to index
        %get3A_1082 = tpu.vector_load %arg6[%get3A_1078, %get3A_1079, %get3A_1080, %get3A_1081] {strides = array<i32>} : memref<3x4x4x2048xf32, #tpu.memory_space<vmem>>, vector<1x1x1x16xf32>,
        %get3A_1083 = vector.shape_cast %get3A_1082 : vector<1x1x1x16xf32> to vector<16xf32>
        %add3A_1084 = arith.addf %get3A_1083, %get3A_1039 : vector<16xf32>
        %swap3A_1085 = arith.constant 2 : i32
        %swap3A_1086 = arith.constant 0 : i32
        %swap3A_1087 = arith.index_cast %rem3A_281 : i32 to index
        %swap3A_1088 = arith.index_cast %swap3A_1085 : i32 to index
        %swap3A_1089 = arith.index_cast %swap3A_1086 : i32 to index
        %swap3A_1090 = arith.index_cast %add3A_1033 : i32 to index
        %swap3A_1091 = tpu.vector_load %arg6[%swap3A_1087, %swap3A_1088, %swap3A_1089, %swap3A_1090] {strides = array<i32>} : memref<3x4x4x2048xf32, #tpu.memory_space<vmem>>, vector<1x1x1x16xf32>,
        %swap3A_1092 = vector.shape_cast %swap3A_1091 : vector<1x1x1x16xf32> to vector<16xf32>
        %swap3A_1093 = vector.shape_cast %add3A_1084 : vector<16xf32> to vector<1x1x1x16xf32>
        tpu.vector_store %arg6[%swap3A_1087, %swap3A_1088, %swap3A_1089, %swap3A_1090], %swap3A_1093 {strides = array<i32>} : memref<3x4x4x2048xf32, #tpu.memory_space<vmem>>, vector<1x1x1x16xf32>,
        %get3A_1094 = arith.constant 3 : i32
        %get3A_1095 = arith.constant 0 : i32
        %get3A_1096 = arith.index_cast %rem3A_281 : i32 to index
        %get3A_1097 = arith.index_cast %get3A_1094 : i32 to index
        %get3A_1098 = arith.index_cast %get3A_1095 : i32 to index
        %get3A_1099 = arith.index_cast %add3A_1033 : i32 to index
        %get3A_1100 = tpu.vector_load %arg6[%get3A_1096, %get3A_1097, %get3A_1098, %get3A_1099] {strides = array<i32>} : memref<3x4x4x2048xf32, #tpu.memory_space<vmem>>, vector<1x1x1x16xf32>,
        %get3A_1101 = vector.shape_cast %get3A_1100 : vector<1x1x1x16xf32> to vector<16xf32>
        %add3A_1102 = arith.addf %get3A_1101, %get3A_1039 : vector<16xf32>
        %swap3A_1103 = arith.constant 3 : i32
        %swap3A_1104 = arith.constant 0 : i32
        %swap3A_1105 = arith.index_cast %rem3A_281 : i32 to index
        %swap3A_1106 = arith.index_cast %swap3A_1103 : i32 to index
        %swap3A_1107 = arith.index_cast %swap3A_1104 : i32 to index
        %swap3A_1108 = arith.index_cast %add3A_1033 : i32 to index
        %swap3A_1109 = tpu.vector_load %arg6[%swap3A_1105, %swap3A_1106, %swap3A_1107, %swap3A_1108] {strides = array<i32>} : memref<3x4x4x2048xf32, #tpu.memory_space<vmem>>, vector<1x1x1x16xf32>,
        %swap3A_1110 = vector.shape_cast %swap3A_1109 : vector<1x1x1x16xf32> to vector<16xf32>
        %swap3A_1111 = vector.shape_cast %add3A_1102 : vector<16xf32> to vector<1x1x1x16xf32>
        tpu.vector_store %arg6[%swap3A_1105, %swap3A_1106, %swap3A_1107, %swap3A_1108], %swap3A_1111 {strides = array<i32>} : memref<3x4x4x2048xf32, #tpu.memory_space<vmem>>, vector<1x1x1x16xf32>,
        %add3A_1112 = arith.constant 0 : i32
        %add3A_1113 = arith.addi %mul3A_473, %add3A_1112 : i32
        %get3A_1114 = arith.constant 1 : i32
        %get3A_1115 = arith.index_cast %rem3A_281 : i32 to index
        %get3A_1116 = arith.index_cast %get3A_1114 : i32 to index
        %get3A_1117 = arith.index_cast %add3A_1113 : i32 to index
        %get3A_1118 = tpu.vector_load %arg5[%get3A_1115, %get3A_1116, %get3A_1117] {strides = array<i32>} : memref<3x4x2048xf32, #tpu.memory_space<vmem>>, vector<1x1x16xf32>,
        %get3A_1119 = vector.shape_cast %get3A_1118 : vector<1x1x16xf32> to vector<16xf32>
        %get3A_1120 = arith.constant 0 : i32
        %get3A_1121 = arith.constant 1 : i32
        %get3A_1122 = arith.index_cast %rem3A_281 : i32 to index
        %get3A_1123 = arith.index_cast %get3A_1120 : i32 to index
        %get3A_1124 = arith.index_cast %get3A_1121 : i32 to index
        %get3A_1125 = arith.index_cast %add3A_1113 : i32 to index
        %get3A_1126 = tpu.vector_load %arg6[%get3A_1122, %get3A_1123, %get3A_1124, %get3A_1125] {strides = array<i32>} : memref<3x4x4x2048xf32, #tpu.memory_space<vmem>>, vector<1x1x1x16xf32>,
        %get3A_1127 = vector.shape_cast %get3A_1126 : vector<1x1x1x16xf32> to vector<16xf32>
        %add3A_1128 = arith.addf %get3A_1127, %get3A_1119 : vector<16xf32>
        %swap3A_1129 = arith.constant 0 : i32
        %swap3A_1130 = arith.constant 1 : i32
        %swap3A_1131 = arith.index_cast %rem3A_281 : i32 to index
        %swap3A_1132 = arith.index_cast %swap3A_1129 : i32 to index
        %swap3A_1133 = arith.index_cast %swap3A_1130 : i32 to index
        %swap3A_1134 = arith.index_cast %add3A_1113 : i32 to index
        %swap3A_1135 = tpu.vector_load %arg6[%swap3A_1131, %swap3A_1132, %swap3A_1133, %swap3A_1134] {strides = array<i32>} : memref<3x4x4x2048xf32, #tpu.memory_space<vmem>>, vector<1x1x1x16xf32>,
        %swap3A_1136 = vector.shape_cast %swap3A_1135 : vector<1x1x1x16xf32> to vector<16xf32>
        %swap3A_1137 = vector.shape_cast %add3A_1128 : vector<16xf32> to vector<1x1x1x16xf32>
        tpu.vector_store %arg6[%swap3A_1131, %swap3A_1132, %swap3A_1133, %swap3A_1134], %swap3A_1137 {strides = array<i32>} : memref<3x4x4x2048xf32, #tpu.memory_space<vmem>>, vector<1x1x1x16xf32>,
        %get3A_1138 = arith.constant 1 : i32
        %get3A_1139 = arith.constant 1 : i32
        %get3A_1140 = arith.index_cast %rem3A_281 : i32 to index
        %get3A_1141 = arith.index_cast %get3A_1138 : i32 to index
        %get3A_1142 = arith.index_cast %get3A_1139 : i32 to index
        %get3A_1143 = arith.index_cast %add3A_1113 : i32 to index
        %get3A_1144 = tpu.vector_load %arg6[%get3A_1140, %get3A_1141, %get3A_1142, %get3A_1143] {strides = array<i32>} : memref<3x4x4x2048xf32, #tpu.memory_space<vmem>>, vector<1x1x1x16xf32>,
        %get3A_1145 = vector.shape_cast %get3A_1144 : vector<1x1x1x16xf32> to vector<16xf32>
        %add3A_1146 = arith.addf %get3A_1145, %get3A_1119 : vector<16xf32>
        %swap3A_1147 = arith.constant 1 : i32
        %swap3A_1148 = arith.constant 1 : i32
        %swap3A_1149 = arith.index_cast %rem3A_281 : i32 to index
        %swap3A_1150 = arith.index_cast %swap3A_1147 : i32 to index
        %swap3A_1151 = arith.index_cast %swap3A_1148 : i32 to index
        %swap3A_1152 = arith.index_cast %add3A_1113 : i32 to index
        %swap3A_1153 = tpu.vector_load %arg6[%swap3A_1149, %swap3A_1150, %swap3A_1151, %swap3A_1152] {strides = array<i32>} : memref<3x4x4x2048xf32, #tpu.memory_space<vmem>>, vector<1x1x1x16xf32>,
        %swap3A_1154 = vector.shape_cast %swap3A_1153 : vector<1x1x1x16xf32> to vector<16xf32>
        %swap3A_1155 = vector.shape_cast %add3A_1146 : vector<16xf32> to vector<1x1x1x16xf32>
        tpu.vector_store %arg6[%swap3A_1149, %swap3A_1150, %swap3A_1151, %swap3A_1152], %swap3A_1155 {strides = array<i32>} : memref<3x4x4x2048xf32, #tpu.memory_space<vmem>>, vector<1x1x1x16xf32>,
        %get3A_1156 = arith.constant 2 : i32
        %get3A_1157 = arith.constant 1 : i32
        %get3A_1158 = arith.index_cast %rem3A_281 : i32 to index
        %get3A_1159 = arith.index_cast %get3A_1156 : i32 to index
        %get3A_1160 = arith.index_cast %get3A_1157 : i32 to index
        %get3A_1161 = arith.index_cast %add3A_1113 : i32 to index
        %get3A_1162 = tpu.vector_load %arg6[%get3A_1158, %get3A_1159, %get3A_1160, %get3A_1161] {strides = array<i32>} : memref<3x4x4x2048xf32, #tpu.memory_space<vmem>>, vector<1x1x1x16xf32>,
        %get3A_1163 = vector.shape_cast %get3A_1162 : vector<1x1x1x16xf32> to vector<16xf32>
        %add3A_1164 = arith.addf %get3A_1163, %get3A_1119 : vector<16xf32>
        %swap3A_1165 = arith.constant 2 : i32
        %swap3A_1166 = arith.constant 1 : i32
        %swap3A_1167 = arith.index_cast %rem3A_281 : i32 to index
        %swap3A_1168 = arith.index_cast %swap3A_1165 : i32 to index
        %swap3A_1169 = arith.index_cast %swap3A_1166 : i32 to index
        %swap3A_1170 = arith.index_cast %add3A_1113 : i32 to index
        %swap3A_1171 = tpu.vector_load %arg6[%swap3A_1167, %swap3A_1168, %swap3A_1169, %swap3A_1170] {strides = array<i32>} : memref<3x4x4x2048xf32, #tpu.memory_space<vmem>>, vector<1x1x1x16xf32>,
        %swap3A_1172 = vector.shape_cast %swap3A_1171 : vector<1x1x1x16xf32> to vector<16xf32>
        %swap3A_1173 = vector.shape_cast %add3A_1164 : vector<16xf32> to vector<1x1x1x16xf32>
        tpu.vector_store %arg6[%swap3A_1167, %swap3A_1168, %swap3A_1169, %swap3A_1170], %swap3A_1173 {strides = array<i32>} : memref<3x4x4x2048xf32, #tpu.memory_space<vmem>>, vector<1x1x1x16xf32>,
        %get3A_1174 = arith.constant 3 : i32
        %get3A_1175 = arith.constant 1 : i32
        %get3A_1176 = arith.index_cast %rem3A_281 : i32 to index
        %get3A_1177 = arith.index_cast %get3A_1174 : i32 to index
        %get3A_1178 = arith.index_cast %get3A_1175 : i32 to index
        %get3A_1179 = arith.index_cast %add3A_1113 : i32 to index
        %get3A_1180 = tpu.vector_load %arg6[%get3A_1176, %get3A_1177, %get3A_1178, %get3A_1179] {strides = array<i32>} : memref<3x4x4x2048xf32, #tpu.memory_space<vmem>>, vector<1x1x1x16xf32>,
        %get3A_1181 = vector.shape_cast %get3A_1180 : vector<1x1x1x16xf32> to vector<16xf32>
        %add3A_1182 = arith.addf %get3A_1181, %get3A_1119 : vector<16xf32>
        %swap3A_1183 = arith.constant 3 : i32
        %swap3A_1184 = arith.constant 1 : i32
        %swap3A_1185 = arith.index_cast %rem3A_281 : i32 to index
        %swap3A_1186 = arith.index_cast %swap3A_1183 : i32 to index
        %swap3A_1187 = arith.index_cast %swap3A_1184 : i32 to index
        %swap3A_1188 = arith.index_cast %add3A_1113 : i32 to index
        %swap3A_1189 = tpu.vector_load %arg6[%swap3A_1185, %swap3A_1186, %swap3A_1187, %swap3A_1188] {strides = array<i32>} : memref<3x4x4x2048xf32, #tpu.memory_space<vmem>>, vector<1x1x1x16xf32>,
        %swap3A_1190 = vector.shape_cast %swap3A_1189 : vector<1x1x1x16xf32> to vector<16xf32>
        %swap3A_1191 = vector.shape_cast %add3A_1182 : vector<16xf32> to vector<1x1x1x16xf32>
        tpu.vector_store %arg6[%swap3A_1185, %swap3A_1186, %swap3A_1187, %swap3A_1188], %swap3A_1191 {strides = array<i32>} : memref<3x4x4x2048xf32, #tpu.memory_space<vmem>>, vector<1x1x1x16xf32>,
        %add3A_1192 = arith.constant 16 : i32
        %add3A_1193 = arith.addi %mul3A_473, %add3A_1192 : i32
        %get3A_1194 = arith.constant 1 : i32
        %get3A_1195 = arith.index_cast %rem3A_281 : i32 to index
        %get3A_1196 = arith.index_cast %get3A_1194 : i32 to index
        %get3A_1197 = arith.index_cast %add3A_1193 : i32 to index
        %get3A_1198 = tpu.vector_load %arg5[%get3A_1195, %get3A_1196, %get3A_1197] {strides = array<i32>} : memref<3x4x2048xf32, #tpu.memory_space<vmem>>, vector<1x1x16xf32>,
        %get3A_1199 = vector.shape_cast %get3A_1198 : vector<1x1x16xf32> to vector<16xf32>
        %get3A_1200 = arith.constant 0 : i32
        %get3A_1201 = arith.constant 1 : i32
        %get3A_1202 = arith.index_cast %rem3A_281 : i32 to index
        %get3A_1203 = arith.index_cast %get3A_1200 : i32 to index
        %get3A_1204 = arith.index_cast %get3A_1201 : i32 to index
        %get3A_1205 = arith.index_cast %add3A_1193 : i32 to index
        %get3A_1206 = tpu.vector_load %arg6[%get3A_1202, %get3A_1203, %get3A_1204, %get3A_1205] {strides = array<i32>} : memref<3x4x4x2048xf32, #tpu.memory_space<vmem>>, vector<1x1x1x16xf32>,
        %get3A_1207 = vector.shape_cast %get3A_1206 : vector<1x1x1x16xf32> to vector<16xf32>
        %add3A_1208 = arith.addf %get3A_1207, %get3A_1199 : vector<16xf32>
        %swap3A_1209 = arith.constant 0 : i32
        %swap3A_1210 = arith.constant 1 : i32
        %swap3A_1211 = arith.index_cast %rem3A_281 : i32 to index
        %swap3A_1212 = arith.index_cast %swap3A_1209 : i32 to index
        %swap3A_1213 = arith.index_cast %swap3A_1210 : i32 to index
        %swap3A_1214 = arith.index_cast %add3A_1193 : i32 to index
        %swap3A_1215 = tpu.vector_load %arg6[%swap3A_1211, %swap3A_1212, %swap3A_1213, %swap3A_1214] {strides = array<i32>} : memref<3x4x4x2048xf32, #tpu.memory_space<vmem>>, vector<1x1x1x16xf32>,
        %swap3A_1216 = vector.shape_cast %swap3A_1215 : vector<1x1x1x16xf32> to vector<16xf32>
        %swap3A_1217 = vector.shape_cast %add3A_1208 : vector<16xf32> to vector<1x1x1x16xf32>
        tpu.vector_store %arg6[%swap3A_1211, %swap3A_1212, %swap3A_1213, %swap3A_1214], %swap3A_1217 {strides = array<i32>} : memref<3x4x4x2048xf32, #tpu.memory_space<vmem>>, vector<1x1x1x16xf32>,
        %get3A_1218 = arith.constant 1 : i32
        %get3A_1219 = arith.constant 1 : i32
        %get3A_1220 = arith.index_cast %rem3A_281 : i32 to index
        %get3A_1221 = arith.index_cast %get3A_1218 : i32 to index
        %get3A_1222 = arith.index_cast %get3A_1219 : i32 to index
        %get3A_1223 = arith.index_cast %add3A_1193 : i32 to index
        %get3A_1224 = tpu.vector_load %arg6[%get3A_1220, %get3A_1221, %get3A_1222, %get3A_1223] {strides = array<i32>} : memref<3x4x4x2048xf32, #tpu.memory_space<vmem>>, vector<1x1x1x16xf32>,
        %get3A_1225 = vector.shape_cast %get3A_1224 : vector<1x1x1x16xf32> to vector<16xf32>
        %add3A_1226 = arith.addf %get3A_1225, %get3A_1199 : vector<16xf32>
        %swap3A_1227 = arith.constant 1 : i32
        %swap3A_1228 = arith.constant 1 : i32
        %swap3A_1229 = arith.index_cast %rem3A_281 : i32 to index
        %swap3A_1230 = arith.index_cast %swap3A_1227 : i32 to index
        %swap3A_1231 = arith.index_cast %swap3A_1228 : i32 to index
        %swap3A_1232 = arith.index_cast %add3A_1193 : i32 to index
        %swap3A_1233 = tpu.vector_load %arg6[%swap3A_1229, %swap3A_1230, %swap3A_1231, %swap3A_1232] {strides = array<i32>} : memref<3x4x4x2048xf32, #tpu.memory_space<vmem>>, vector<1x1x1x16xf32>,
        %swap3A_1234 = vector.shape_cast %swap3A_1233 : vector<1x1x1x16xf32> to vector<16xf32>
        %swap3A_1235 = vector.shape_cast %add3A_1226 : vector<16xf32> to vector<1x1x1x16xf32>
        tpu.vector_store %arg6[%swap3A_1229, %swap3A_1230, %swap3A_1231, %swap3A_1232], %swap3A_1235 {strides = array<i32>} : memref<3x4x4x2048xf32, #tpu.memory_space<vmem>>, vector<1x1x1x16xf32>,
        %get3A_1236 = arith.constant 2 : i32
        %get3A_1237 = arith.constant 1 : i32
        %get3A_1238 = arith.index_cast %rem3A_281 : i32 to index
        %get3A_1239 = arith.index_cast %get3A_1236 : i32 to index
        %get3A_1240 = arith.index_cast %get3A_1237 : i32 to index
        %get3A_1241 = arith.index_cast %add3A_1193 : i32 to index
        %get3A_1242 = tpu.vector_load %arg6[%get3A_1238, %get3A_1239, %get3A_1240, %get3A_1241] {strides = array<i32>} : memref<3x4x4x2048xf32, #tpu.memory_space<vmem>>, vector<1x1x1x16xf32>,
        %get3A_1243 = vector.shape_cast %get3A_1242 : vector<1x1x1x16xf32> to vector<16xf32>
        %add3A_1244 = arith.addf %get3A_1243, %get3A_1199 : vector<16xf32>
        %swap3A_1245 = arith.constant 2 : i32
        %swap3A_1246 = arith.constant 1 : i32
        %swap3A_1247 = arith.index_cast %rem3A_281 : i32 to index
        %swap3A_1248 = arith.index_cast %swap3A_1245 : i32 to index
        %swap3A_1249 = arith.index_cast %swap3A_1246 : i32 to index
        %swap3A_1250 = arith.index_cast %add3A_1193 : i32 to index
        %swap3A_1251 = tpu.vector_load %arg6[%swap3A_1247, %swap3A_1248, %swap3A_1249, %swap3A_1250] {strides = array<i32>} : memref<3x4x4x2048xf32, #tpu.memory_space<vmem>>, vector<1x1x1x16xf32>,
        %swap3A_1252 = vector.shape_cast %swap3A_1251 : vector<1x1x1x16xf32> to vector<16xf32>
        %swap3A_1253 = vector.shape_cast %add3A_1244 : vector<16xf32> to vector<1x1x1x16xf32>
        tpu.vector_store %arg6[%swap3A_1247, %swap3A_1248, %swap3A_1249, %swap3A_1250], %swap3A_1253 {strides = array<i32>} : memref<3x4x4x2048xf32, #tpu.memory_space<vmem>>, vector<1x1x1x16xf32>,
        %get3A_1254 = arith.constant 3 : i32
        %get3A_1255 = arith.constant 1 : i32
        %get3A_1256 = arith.index_cast %rem3A_281 : i32 to index
        %get3A_1257 = arith.index_cast %get3A_1254 : i32 to index
        %get3A_1258 = arith.index_cast %get3A_1255 : i32 to index
        %get3A_1259 = arith.index_cast %add3A_1193 : i32 to index
        %get3A_1260 = tpu.vector_load %arg6[%get3A_1256, %get3A_1257, %get3A_1258, %get3A_1259] {strides = array<i32>} : memref<3x4x4x2048xf32, #tpu.memory_space<vmem>>, vector<1x1x1x16xf32>,
        %get3A_1261 = vector.shape_cast %get3A_1260 : vector<1x1x1x16xf32> to vector<16xf32>
        %add3A_1262 = arith.addf %get3A_1261, %get3A_1199 : vector<16xf32>
        %swap3A_1263 = arith.constant 3 : i32
        %swap3A_1264 = arith.constant 1 : i32
        %swap3A_1265 = arith.index_cast %rem3A_281 : i32 to index
        %swap3A_1266 = arith.index_cast %swap3A_1263 : i32 to index
        %swap3A_1267 = arith.index_cast %swap3A_1264 : i32 to index
        %swap3A_1268 = arith.index_cast %add3A_1193 : i32 to index
        %swap3A_1269 = tpu.vector_load %arg6[%swap3A_1265, %swap3A_1266, %swap3A_1267, %swap3A_1268] {strides = array<i32>} : memref<3x4x4x2048xf32, #tpu.memory_space<vmem>>, vector<1x1x1x16xf32>,
        %swap3A_1270 = vector.shape_cast %swap3A_1269 : vector<1x1x1x16xf32> to vector<16xf32>
        %swap3A_1271 = vector.shape_cast %add3A_1262 : vector<16xf32> to vector<1x1x1x16xf32>
        tpu.vector_store %arg6[%swap3A_1265, %swap3A_1266, %swap3A_1267, %swap3A_1268], %swap3A_1271 {strides = array<i32>} : memref<3x4x4x2048xf32, #tpu.memory_space<vmem>>, vector<1x1x1x16xf32>,
        %add3A_1272 = arith.constant 32 : i32
        %add3A_1273 = arith.addi %mul3A_473, %add3A_1272 : i32
        %get3A_1274 = arith.constant 1 : i32
        %get3A_1275 = arith.index_cast %rem3A_281 : i32 to index
        %get3A_1276 = arith.index_cast %get3A_1274 : i32 to index
        %get3A_1277 = arith.index_cast %add3A_1273 : i32 to index
        %get3A_1278 = tpu.vector_load %arg5[%get3A_1275, %get3A_1276, %get3A_1277] {strides = array<i32>} : memref<3x4x2048xf32, #tpu.memory_space<vmem>>, vector<1x1x16xf32>,
        %get3A_1279 = vector.shape_cast %get3A_1278 : vector<1x1x16xf32> to vector<16xf32>
        %get3A_1280 = arith.constant 0 : i32
        %get3A_1281 = arith.constant 1 : i32
        %get3A_1282 = arith.index_cast %rem3A_281 : i32 to index
        %get3A_1283 = arith.index_cast %get3A_1280 : i32 to index
        %get3A_1284 = arith.index_cast %get3A_1281 : i32 to index
        %get3A_1285 = arith.index_cast %add3A_1273 : i32 to index
        %get3A_1286 = tpu.vector_load %arg6[%get3A_1282, %get3A_1283, %get3A_1284, %get3A_1285] {strides = array<i32>} : memref<3x4x4x2048xf32, #tpu.memory_space<vmem>>, vector<1x1x1x16xf32>,
        %get3A_1287 = vector.shape_cast %get3A_1286 : vector<1x1x1x16xf32> to vector<16xf32>
        %add3A_1288 = arith.addf %get3A_1287, %get3A_1279 : vector<16xf32>
        %swap3A_1289 = arith.constant 0 : i32
        %swap3A_1290 = arith.constant 1 : i32
        %swap3A_1291 = arith.index_cast %rem3A_281 : i32 to index
        %swap3A_1292 = arith.index_cast %swap3A_1289 : i32 to index
        %swap3A_1293 = arith.index_cast %swap3A_1290 : i32 to index
        %swap3A_1294 = arith.index_cast %add3A_1273 : i32 to index
        %swap3A_1295 = tpu.vector_load %arg6[%swap3A_1291, %swap3A_1292, %swap3A_1293, %swap3A_1294] {strides = array<i32>} : memref<3x4x4x2048xf32, #tpu.memory_space<vmem>>, vector<1x1x1x16xf32>,
        %swap3A_1296 = vector.shape_cast %swap3A_1295 : vector<1x1x1x16xf32> to vector<16xf32>
        %swap3A_1297 = vector.shape_cast %add3A_1288 : vector<16xf32> to vector<1x1x1x16xf32>
        tpu.vector_store %arg6[%swap3A_1291, %swap3A_1292, %swap3A_1293, %swap3A_1294], %swap3A_1297 {strides = array<i32>} : memref<3x4x4x2048xf32, #tpu.memory_space<vmem>>, vector<1x1x1x16xf32>,
        %get3A_1298 = arith.constant 1 : i32
        %get3A_1299 = arith.constant 1 : i32
        %get3A_1300 = arith.index_cast %rem3A_281 : i32 to index
        %get3A_1301 = arith.index_cast %get3A_1298 : i32 to index
        %get3A_1302 = arith.index_cast %get3A_1299 : i32 to index
        %get3A_1303 = arith.index_cast %add3A_1273 : i32 to index
        %get3A_1304 = tpu.vector_load %arg6[%get3A_1300, %get3A_1301, %get3A_1302, %get3A_1303] {strides = array<i32>} : memref<3x4x4x2048xf32, #tpu.memory_space<vmem>>, vector<1x1x1x16xf32>,
        %get3A_1305 = vector.shape_cast %get3A_1304 : vector<1x1x1x16xf32> to vector<16xf32>
        %add3A_1306 = arith.addf %get3A_1305, %get3A_1279 : vector<16xf32>
        %swap3A_1307 = arith.constant 1 : i32
        %swap3A_1308 = arith.constant 1 : i32
        %swap3A_1309 = arith.index_cast %rem3A_281 : i32 to index
        %swap3A_1310 = arith.index_cast %swap3A_1307 : i32 to index
        %swap3A_1311 = arith.index_cast %swap3A_1308 : i32 to index
        %swap3A_1312 = arith.index_cast %add3A_1273 : i32 to index
        %swap3A_1313 = tpu.vector_load %arg6[%swap3A_1309, %swap3A_1310, %swap3A_1311, %swap3A_1312] {strides = array<i32>} : memref<3x4x4x2048xf32, #tpu.memory_space<vmem>>, vector<1x1x1x16xf32>,
        %swap3A_1314 = vector.shape_cast %swap3A_1313 : vector<1x1x1x16xf32> to vector<16xf32>
        %swap3A_1315 = vector.shape_cast %add3A_1306 : vector<16xf32> to vector<1x1x1x16xf32>
        tpu.vector_store %arg6[%swap3A_1309, %swap3A_1310, %swap3A_1311, %swap3A_1312], %swap3A_1315 {strides = array<i32>} : memref<3x4x4x2048xf32, #tpu.memory_space<vmem>>, vector<1x1x1x16xf32>,
        %get3A_1316 = arith.constant 2 : i32
        %get3A_1317 = arith.constant 1 : i32
        %get3A_1318 = arith.index_cast %rem3A_281 : i32 to index
        %get3A_1319 = arith.index_cast %get3A_1316 : i32 to index
        %get3A_1320 = arith.index_cast %get3A_1317 : i32 to index
        %get3A_1321 = arith.index_cast %add3A_1273 : i32 to index
        %get3A_1322 = tpu.vector_load %arg6[%get3A_1318, %get3A_1319, %get3A_1320, %get3A_1321] {strides = array<i32>} : memref<3x4x4x2048xf32, #tpu.memory_space<vmem>>, vector<1x1x1x16xf32>,
        %get3A_1323 = vector.shape_cast %get3A_1322 : vector<1x1x1x16xf32> to vector<16xf32>
        %add3A_1324 = arith.addf %get3A_1323, %get3A_1279 : vector<16xf32>
        %swap3A_1325 = arith.constant 2 : i32
        %swap3A_1326 = arith.constant 1 : i32
        %swap3A_1327 = arith.index_cast %rem3A_281 : i32 to index
        %swap3A_1328 = arith.index_cast %swap3A_1325 : i32 to index
        %swap3A_1329 = arith.index_cast %swap3A_1326 : i32 to index
        %swap3A_1330 = arith.index_cast %add3A_1273 : i32 to index
        %swap3A_1331 = tpu.vector_load %arg6[%swap3A_1327, %swap3A_1328, %swap3A_1329, %swap3A_1330] {strides = array<i32>} : memref<3x4x4x2048xf32, #tpu.memory_space<vmem>>, vector<1x1x1x16xf32>,
        %swap3A_1332 = vector.shape_cast %swap3A_1331 : vector<1x1x1x16xf32> to vector<16xf32>
        %swap3A_1333 = vector.shape_cast %add3A_1324 : vector<16xf32> to vector<1x1x1x16xf32>
        tpu.vector_store %arg6[%swap3A_1327, %swap3A_1328, %swap3A_1329, %swap3A_1330], %swap3A_1333 {strides = array<i32>} : memref<3x4x4x2048xf32, #tpu.memory_space<vmem>>, vector<1x1x1x16xf32>,
        %get3A_1334 = arith.constant 3 : i32
        %get3A_1335 = arith.constant 1 : i32
        %get3A_1336 = arith.index_cast %rem3A_281 : i32 to index
        %get3A_1337 = arith.index_cast %get3A_1334 : i32 to index
        %get3A_1338 = arith.index_cast %get3A_1335 : i32 to index
        %get3A_1339 = arith.index_cast %add3A_1273 : i32 to index
        %get3A_1340 = tpu.vector_load %arg6[%get3A_1336, %get3A_1337, %get3A_1338, %get3A_1339] {strides = array<i32>} : memref<3x4x4x2048xf32, #tpu.memory_space<vmem>>, vector<1x1x1x16xf32>,
        %get3A_1341 = vector.shape_cast %get3A_1340 : vector<1x1x1x16xf32> to vector<16xf32>
        %add3A_1342 = arith.addf %get3A_1341, %get3A_1279 : vector<16xf32>
        %swap3A_1343 = arith.constant 3 : i32
        %swap3A_1344 = arith.constant 1 : i32
        %swap3A_1345 = arith.index_cast %rem3A_281 : i32 to index
        %swap3A_1346 = arith.index_cast %swap3A_1343 : i32 to index
        %swap3A_1347 = arith.index_cast %swap3A_1344 : i32 to index
        %swap3A_1348 = arith.index_cast %add3A_1273 : i32 to index
        %swap3A_1349 = tpu.vector_load %arg6[%swap3A_1345, %swap3A_1346, %swap3A_1347, %swap3A_1348] {strides = array<i32>} : memref<3x4x4x2048xf32, #tpu.memory_space<vmem>>, vector<1x1x1x16xf32>,
        %swap3A_1350 = vector.shape_cast %swap3A_1349 : vector<1x1x1x16xf32> to vector<16xf32>
        %swap3A_1351 = vector.shape_cast %add3A_1342 : vector<16xf32> to vector<1x1x1x16xf32>
        tpu.vector_store %arg6[%swap3A_1345, %swap3A_1346, %swap3A_1347, %swap3A_1348], %swap3A_1351 {strides = array<i32>} : memref<3x4x4x2048xf32, #tpu.memory_space<vmem>>, vector<1x1x1x16xf32>,
        %add3A_1352 = arith.constant 48 : i32
        %add3A_1353 = arith.addi %mul3A_473, %add3A_1352 : i32
        %get3A_1354 = arith.constant 1 : i32
        %get3A_1355 = arith.index_cast %rem3A_281 : i32 to index
        %get3A_1356 = arith.index_cast %get3A_1354 : i32 to index
        %get3A_1357 = arith.index_cast %add3A_1353 : i32 to index
        %get3A_1358 = tpu.vector_load %arg5[%get3A_1355, %get3A_1356, %get3A_1357] {strides = array<i32>} : memref<3x4x2048xf32, #tpu.memory_space<vmem>>, vector<1x1x16xf32>,
        %get3A_1359 = vector.shape_cast %get3A_1358 : vector<1x1x16xf32> to vector<16xf32>
        %get3A_1360 = arith.constant 0 : i32
        %get3A_1361 = arith.constant 1 : i32
        %get3A_1362 = arith.index_cast %rem3A_281 : i32 to index
        %get3A_1363 = arith.index_cast %get3A_1360 : i32 to index
        %get3A_1364 = arith.index_cast %get3A_1361 : i32 to index
        %get3A_1365 = arith.index_cast %add3A_1353 : i32 to index
        %get3A_1366 = tpu.vector_load %arg6[%get3A_1362, %get3A_1363, %get3A_1364, %get3A_1365] {strides = array<i32>} : memref<3x4x4x2048xf32, #tpu.memory_space<vmem>>, vector<1x1x1x16xf32>,
        %get3A_1367 = vector.shape_cast %get3A_1366 : vector<1x1x1x16xf32> to vector<16xf32>
        %add3A_1368 = arith.addf %get3A_1367, %get3A_1359 : vector<16xf32>
        %swap3A_1369 = arith.constant 0 : i32
        %swap3A_1370 = arith.constant 1 : i32
        %swap3A_1371 = arith.index_cast %rem3A_281 : i32 to index
        %swap3A_1372 = arith.index_cast %swap3A_1369 : i32 to index
        %swap3A_1373 = arith.index_cast %swap3A_1370 : i32 to index
        %swap3A_1374 = arith.index_cast %add3A_1353 : i32 to index
        %swap3A_1375 = tpu.vector_load %arg6[%swap3A_1371, %swap3A_1372, %swap3A_1373, %swap3A_1374] {strides = array<i32>} : memref<3x4x4x2048xf32, #tpu.memory_space<vmem>>, vector<1x1x1x16xf32>,
        %swap3A_1376 = vector.shape_cast %swap3A_1375 : vector<1x1x1x16xf32> to vector<16xf32>
        %swap3A_1377 = vector.shape_cast %add3A_1368 : vector<16xf32> to vector<1x1x1x16xf32>
        tpu.vector_store %arg6[%swap3A_1371, %swap3A_1372, %swap3A_1373, %swap3A_1374], %swap3A_1377 {strides = array<i32>} : memref<3x4x4x2048xf32, #tpu.memory_space<vmem>>, vector<1x1x1x16xf32>,
        %get3A_1378 = arith.constant 1 : i32
        %get3A_1379 = arith.constant 1 : i32
        %get3A_1380 = arith.index_cast %rem3A_281 : i32 to index
        %get3A_1381 = arith.index_cast %get3A_1378 : i32 to index
        %get3A_1382 = arith.index_cast %get3A_1379 : i32 to index
        %get3A_1383 = arith.index_cast %add3A_1353 : i32 to index
        %get3A_1384 = tpu.vector_load %arg6[%get3A_1380, %get3A_1381, %get3A_1382, %get3A_1383] {strides = array<i32>} : memref<3x4x4x2048xf32, #tpu.memory_space<vmem>>, vector<1x1x1x16xf32>,
        %get3A_1385 = vector.shape_cast %get3A_1384 : vector<1x1x1x16xf32> to vector<16xf32>
        %add3A_1386 = arith.addf %get3A_1385, %get3A_1359 : vector<16xf32>
        %swap3A_1387 = arith.constant 1 : i32
        %swap3A_1388 = arith.constant 1 : i32
        %swap3A_1389 = arith.index_cast %rem3A_281 : i32 to index
        %swap3A_1390 = arith.index_cast %swap3A_1387 : i32 to index
        %swap3A_1391 = arith.index_cast %swap3A_1388 : i32 to index
        %swap3A_1392 = arith.index_cast %add3A_1353 : i32 to index
        %swap3A_1393 = tpu.vector_load %arg6[%swap3A_1389, %swap3A_1390, %swap3A_1391, %swap3A_1392] {strides = array<i32>} : memref<3x4x4x2048xf32, #tpu.memory_space<vmem>>, vector<1x1x1x16xf32>,
        %swap3A_1394 = vector.shape_cast %swap3A_1393 : vector<1x1x1x16xf32> to vector<16xf32>
        %swap3A_1395 = vector.shape_cast %add3A_1386 : vector<16xf32> to vector<1x1x1x16xf32>
        tpu.vector_store %arg6[%swap3A_1389, %swap3A_1390, %swap3A_1391, %swap3A_1392], %swap3A_1395 {strides = array<i32>} : memref<3x4x4x2048xf32, #tpu.memory_space<vmem>>, vector<1x1x1x16xf32>,
        %get3A_1396 = arith.constant 2 : i32
        %get3A_1397 = arith.constant 1 : i32
        %get3A_1398 = arith.index_cast %rem3A_281 : i32 to index
        %get3A_1399 = arith.index_cast %get3A_1396 : i32 to index
        %get3A_1400 = arith.index_cast %get3A_1397 : i32 to index
        %get3A_1401 = arith.index_cast %add3A_1353 : i32 to index
        %get3A_1402 = tpu.vector_load %arg6[%get3A_1398, %get3A_1399, %get3A_1400, %get3A_1401] {strides = array<i32>} : memref<3x4x4x2048xf32, #tpu.memory_space<vmem>>, vector<1x1x1x16xf32>,
        %get3A_1403 = vector.shape_cast %get3A_1402 : vector<1x1x1x16xf32> to vector<16xf32>
        %add3A_1404 = arith.addf %get3A_1403, %get3A_1359 : vector<16xf32>
        %swap3A_1405 = arith.constant 2 : i32
        %swap3A_1406 = arith.constant 1 : i32
        %swap3A_1407 = arith.index_cast %rem3A_281 : i32 to index
        %swap3A_1408 = arith.index_cast %swap3A_1405 : i32 to index
        %swap3A_1409 = arith.index_cast %swap3A_1406 : i32 to index
        %swap3A_1410 = arith.index_cast %add3A_1353 : i32 to index
        %swap3A_1411 = tpu.vector_load %arg6[%swap3A_1407, %swap3A_1408, %swap3A_1409, %swap3A_1410] {strides = array<i32>} : memref<3x4x4x2048xf32, #tpu.memory_space<vmem>>, vector<1x1x1x16xf32>,
        %swap3A_1412 = vector.shape_cast %swap3A_1411 : vector<1x1x1x16xf32> to vector<16xf32>
        %swap3A_1413 = vector.shape_cast %add3A_1404 : vector<16xf32> to vector<1x1x1x16xf32>
        tpu.vector_store %arg6[%swap3A_1407, %swap3A_1408, %swap3A_1409, %swap3A_1410], %swap3A_1413 {strides = array<i32>} : memref<3x4x4x2048xf32, #tpu.memory_space<vmem>>, vector<1x1x1x16xf32>,
        %get3A_1414 = arith.constant 3 : i32
        %get3A_1415 = arith.constant 1 : i32
        %get3A_1416 = arith.index_cast %rem3A_281 : i32 to index
        %get3A_1417 = arith.index_cast %get3A_1414 : i32 to index
        %get3A_1418 = arith.index_cast %get3A_1415 : i32 to index
        %get3A_1419 = arith.index_cast %add3A_1353 : i32 to index
        %get3A_1420 = tpu.vector_load %arg6[%get3A_1416, %get3A_1417, %get3A_1418, %get3A_1419] {strides = array<i32>} : memref<3x4x4x2048xf32, #tpu.memory_space<vmem>>, vector<1x1x1x16xf32>,
        %get3A_1421 = vector.shape_cast %get3A_1420 : vector<1x1x1x16xf32> to vector<16xf32>
        %add3A_1422 = arith.addf %get3A_1421, %get3A_1359 : vector<16xf32>
        %swap3A_1423 = arith.constant 3 : i32
        %swap3A_1424 = arith.constant 1 : i32
        %swap3A_1425 = arith.index_cast %rem3A_281 : i32 to index
        %swap3A_1426 = arith.index_cast %swap3A_1423 : i32 to index
        %swap3A_1427 = arith.index_cast %swap3A_1424 : i32 to index
        %swap3A_1428 = arith.index_cast %add3A_1353 : i32 to index
        %swap3A_1429 = tpu.vector_load %arg6[%swap3A_1425, %swap3A_1426, %swap3A_1427, %swap3A_1428] {strides = array<i32>} : memref<3x4x4x2048xf32, #tpu.memory_space<vmem>>, vector<1x1x1x16xf32>,
        %swap3A_1430 = vector.shape_cast %swap3A_1429 : vector<1x1x1x16xf32> to vector<16xf32>
        %swap3A_1431 = vector.shape_cast %add3A_1422 : vector<16xf32> to vector<1x1x1x16xf32>
        tpu.vector_store %arg6[%swap3A_1425, %swap3A_1426, %swap3A_1427, %swap3A_1428], %swap3A_1431 {strides = array<i32>} : memref<3x4x4x2048xf32, #tpu.memory_space<vmem>>, vector<1x1x1x16xf32>,
        %add3A_1432 = arith.constant 64 : i32
        %add3A_1433 = arith.addi %mul3A_473, %add3A_1432 : i32
        %get3A_1434 = arith.constant 1 : i32
        %get3A_1435 = arith.index_cast %rem3A_281 : i32 to index
        %get3A_1436 = arith.index_cast %get3A_1434 : i32 to index
        %get3A_1437 = arith.index_cast %add3A_1433 : i32 to index
        %get3A_1438 = tpu.vector_load %arg5[%get3A_1435, %get3A_1436, %get3A_1437] {strides = array<i32>} : memref<3x4x2048xf32, #tpu.memory_space<vmem>>, vector<1x1x16xf32>,
        %get3A_1439 = vector.shape_cast %get3A_1438 : vector<1x1x16xf32> to vector<16xf32>
        %get3A_1440 = arith.constant 0 : i32
        %get3A_1441 = arith.constant 1 : i32
        %get3A_1442 = arith.index_cast %rem3A_281 : i32 to index
        %get3A_1443 = arith.index_cast %get3A_1440 : i32 to index
        %get3A_1444 = arith.index_cast %get3A_1441 : i32 to index
        %get3A_1445 = arith.index_cast %add3A_1433 : i32 to index
        %get3A_1446 = tpu.vector_load %arg6[%get3A_1442, %get3A_1443, %get3A_1444, %get3A_1445] {strides = array<i32>} : memref<3x4x4x2048xf32, #tpu.memory_space<vmem>>, vector<1x1x1x16xf32>,
        %get3A_1447 = vector.shape_cast %get3A_1446 : vector<1x1x1x16xf32> to vector<16xf32>
        %add3A_1448 = arith.addf %get3A_1447, %get3A_1439 : vector<16xf32>
        %swap3A_1449 = arith.constant 0 : i32
        %swap3A_1450 = arith.constant 1 : i32
        %swap3A_1451 = arith.index_cast %rem3A_281 : i32 to index
        %swap3A_1452 = arith.index_cast %swap3A_1449 : i32 to index
        %swap3A_1453 = arith.index_cast %swap3A_1450 : i32 to index
        %swap3A_1454 = arith.index_cast %add3A_1433 : i32 to index
        %swap3A_1455 = tpu.vector_load %arg6[%swap3A_1451, %swap3A_1452, %swap3A_1453, %swap3A_1454] {strides = array<i32>} : memref<3x4x4x2048xf32, #tpu.memory_space<vmem>>, vector<1x1x1x16xf32>,
        %swap3A_1456 = vector.shape_cast %swap3A_1455 : vector<1x1x1x16xf32> to vector<16xf32>
        %swap3A_1457 = vector.shape_cast %add3A_1448 : vector<16xf32> to vector<1x1x1x16xf32>
        tpu.vector_store %arg6[%swap3A_1451, %swap3A_1452, %swap3A_1453, %swap3A_1454], %swap3A_1457 {strides = array<i32>} : memref<3x4x4x2048xf32, #tpu.memory_space<vmem>>, vector<1x1x1x16xf32>,
        %get3A_1458 = arith.constant 1 : i32
        %get3A_1459 = arith.constant 1 : i32
        %get3A_1460 = arith.index_cast %rem3A_281 : i32 to index
        %get3A_1461 = arith.index_cast %get3A_1458 : i32 to index
        %get3A_1462 = arith.index_cast %get3A_1459 : i32 to index
        %get3A_1463 = arith.index_cast %add3A_1433 : i32 to index
        %get3A_1464 = tpu.vector_load %arg6[%get3A_1460, %get3A_1461, %get3A_1462, %get3A_1463] {strides = array<i32>} : memref<3x4x4x2048xf32, #tpu.memory_space<vmem>>, vector<1x1x1x16xf32>,
        %get3A_1465 = vector.shape_cast %get3A_1464 : vector<1x1x1x16xf32> to vector<16xf32>
        %add3A_1466 = arith.addf %get3A_1465, %get3A_1439 : vector<16xf32>
        %swap3A_1467 = arith.constant 1 : i32
        %swap3A_1468 = arith.constant 1 : i32
        %swap3A_1469 = arith.index_cast %rem3A_281 : i32 to index
        %swap3A_1470 = arith.index_cast %swap3A_1467 : i32 to index
        %swap3A_1471 = arith.index_cast %swap3A_1468 : i32 to index
        %swap3A_1472 = arith.index_cast %add3A_1433 : i32 to index
        %swap3A_1473 = tpu.vector_load %arg6[%swap3A_1469, %swap3A_1470, %swap3A_1471, %swap3A_1472] {strides = array<i32>} : memref<3x4x4x2048xf32, #tpu.memory_space<vmem>>, vector<1x1x1x16xf32>,
        %swap3A_1474 = vector.shape_cast %swap3A_1473 : vector<1x1x1x16xf32> to vector<16xf32>
        %swap3A_1475 = vector.shape_cast %add3A_1466 : vector<16xf32> to vector<1x1x1x16xf32>
        tpu.vector_store %arg6[%swap3A_1469, %swap3A_1470, %swap3A_1471, %swap3A_1472], %swap3A_1475 {strides = array<i32>} : memref<3x4x4x2048xf32, #tpu.memory_space<vmem>>, vector<1x1x1x16xf32>,
        %get3A_1476 = arith.constant 2 : i32
        %get3A_1477 = arith.constant 1 : i32
        %get3A_1478 = arith.index_cast %rem3A_281 : i32 to index
        %get3A_1479 = arith.index_cast %get3A_1476 : i32 to index
        %get3A_1480 = arith.index_cast %get3A_1477 : i32 to index
        %get3A_1481 = arith.index_cast %add3A_1433 : i32 to index
        %get3A_1482 = tpu.vector_load %arg6[%get3A_1478, %get3A_1479, %get3A_1480, %get3A_1481] {strides = array<i32>} : memref<3x4x4x2048xf32, #tpu.memory_space<vmem>>, vector<1x1x1x16xf32>,
        %get3A_1483 = vector.shape_cast %get3A_1482 : vector<1x1x1x16xf32> to vector<16xf32>
        %add3A_1484 = arith.addf %get3A_1483, %get3A_1439 : vector<16xf32>
        %swap3A_1485 = arith.constant 2 : i32
        %swap3A_1486 = arith.constant 1 : i32
        %swap3A_1487 = arith.index_cast %rem3A_281 : i32 to index
        %swap3A_1488 = arith.index_cast %swap3A_1485 : i32 to index
        %swap3A_1489 = arith.index_cast %swap3A_1486 : i32 to index
        %swap3A_1490 = arith.index_cast %add3A_1433 : i32 to index
        %swap3A_1491 = tpu.vector_load %arg6[%swap3A_1487, %swap3A_1488, %swap3A_1489, %swap3A_1490] {strides = array<i32>} : memref<3x4x4x2048xf32, #tpu.memory_space<vmem>>, vector<1x1x1x16xf32>,
        %swap3A_1492 = vector.shape_cast %swap3A_1491 : vector<1x1x1x16xf32> to vector<16xf32>
        %swap3A_1493 = vector.shape_cast %add3A_1484 : vector<16xf32> to vector<1x1x1x16xf32>
        tpu.vector_store %arg6[%swap3A_1487, %swap3A_1488, %swap3A_1489, %swap3A_1490], %swap3A_1493 {strides = array<i32>} : memref<3x4x4x2048xf32, #tpu.memory_space<vmem>>, vector<1x1x1x16xf32>,
        %get3A_1494 = arith.constant 3 : i32
        %get3A_1495 = arith.constant 1 : i32
        %get3A_1496 = arith.index_cast %rem3A_281 : i32 to index
        %get3A_1497 = arith.index_cast %get3A_1494 : i32 to index
        %get3A_1498 = arith.index_cast %get3A_1495 : i32 to index
        %get3A_1499 = arith.index_cast %add3A_1433 : i32 to index
        %get3A_1500 = tpu.vector_load %arg6[%get3A_1496, %get3A_1497, %get3A_1498, %get3A_1499] {strides = array<i32>} : memref<3x4x4x2048xf32, #tpu.memory_space<vmem>>, vector<1x1x1x16xf32>,
        %get3A_1501 = vector.shape_cast %get3A_1500 : vector<1x1x1x16xf32> to vector<16xf32>
        %add3A_1502 = arith.addf %get3A_1501, %get3A_1439 : vector<16xf32>
        %swap3A_1503 = arith.constant 3 : i32
        %swap3A_1504 = arith.constant 1 : i32
        %swap3A_1505 = arith.index_cast %rem3A_281 : i32 to index
        %swap3A_1506 = arith.index_cast %swap3A_1503 : i32 to index
        %swap3A_1507 = arith.index_cast %swap3A_1504 : i32 to index
        %swap3A_1508 = arith.index_cast %add3A_1433 : i32 to index
        %swap3A_1509 = tpu.vector_load %arg6[%swap3A_1505, %swap3A_1506, %swap3A_1507, %swap3A_1508] {strides = array<i32>} : memref<3x4x4x2048xf32, #tpu.memory_space<vmem>>, vector<1x1x1x16xf32>,
        %swap3A_1510 = vector.shape_cast %swap3A_1509 : vector<1x1x1x16xf32> to vector<16xf32>
        %swap3A_1511 = vector.shape_cast %add3A_1502 : vector<16xf32> to vector<1x1x1x16xf32>
        tpu.vector_store %arg6[%swap3A_1505, %swap3A_1506, %swap3A_1507, %swap3A_1508], %swap3A_1511 {strides = array<i32>} : memref<3x4x4x2048xf32, #tpu.memory_space<vmem>>, vector<1x1x1x16xf32>,
        %add3A_1512 = arith.constant 80 : i32
        %add3A_1513 = arith.addi %mul3A_473, %add3A_1512 : i32
        %get3A_1514 = arith.constant 1 : i32
        %get3A_1515 = arith.index_cast %rem3A_281 : i32 to index
        %get3A_1516 = arith.index_cast %get3A_1514 : i32 to index
        %get3A_1517 = arith.index_cast %add3A_1513 : i32 to index
        %get3A_1518 = tpu.vector_load %arg5[%get3A_1515, %get3A_1516, %get3A_1517] {strides = array<i32>} : memref<3x4x2048xf32, #tpu.memory_space<vmem>>, vector<1x1x16xf32>,
        %get3A_1519 = vector.shape_cast %get3A_1518 : vector<1x1x16xf32> to vector<16xf32>
        %get3A_1520 = arith.constant 0 : i32
        %get3A_1521 = arith.constant 1 : i32
        %get3A_1522 = arith.index_cast %rem3A_281 : i32 to index
        %get3A_1523 = arith.index_cast %get3A_1520 : i32 to index
        %get3A_1524 = arith.index_cast %get3A_1521 : i32 to index
        %get3A_1525 = arith.index_cast %add3A_1513 : i32 to index
        %get3A_1526 = tpu.vector_load %arg6[%get3A_1522, %get3A_1523, %get3A_1524, %get3A_1525] {strides = array<i32>} : memref<3x4x4x2048xf32, #tpu.memory_space<vmem>>, vector<1x1x1x16xf32>,
        %get3A_1527 = vector.shape_cast %get3A_1526 : vector<1x1x1x16xf32> to vector<16xf32>
        %add3A_1528 = arith.addf %get3A_1527, %get3A_1519 : vector<16xf32>
        %swap3A_1529 = arith.constant 0 : i32
        %swap3A_1530 = arith.constant 1 : i32
        %swap3A_1531 = arith.index_cast %rem3A_281 : i32 to index
        %swap3A_1532 = arith.index_cast %swap3A_1529 : i32 to index
        %swap3A_1533 = arith.index_cast %swap3A_1530 : i32 to index
        %swap3A_1534 = arith.index_cast %add3A_1513 : i32 to index
        %swap3A_1535 = tpu.vector_load %arg6[%swap3A_1531, %swap3A_1532, %swap3A_1533, %swap3A_1534] {strides = array<i32>} : memref<3x4x4x2048xf32, #tpu.memory_space<vmem>>, vector<1x1x1x16xf32>,
        %swap3A_1536 = vector.shape_cast %swap3A_1535 : vector<1x1x1x16xf32> to vector<16xf32>
        %swap3A_1537 = vector.shape_cast %add3A_1528 : vector<16xf32> to vector<1x1x1x16xf32>
        tpu.vector_store %arg6[%swap3A_1531, %swap3A_1532, %swap3A_1533, %swap3A_1534], %swap3A_1537 {strides = array<i32>} : memref<3x4x4x2048xf32, #tpu.memory_space<vmem>>, vector<1x1x1x16xf32>,
        %get3A_1538 = arith.constant 1 : i32
        %get3A_1539 = arith.constant 1 : i32
        %get3A_1540 = arith.index_cast %rem3A_281 : i32 to index
        %get3A_1541 = arith.index_cast %get3A_1538 : i32 to index
        %get3A_1542 = arith.index_cast %get3A_1539 : i32 to index
        %get3A_1543 = arith.index_cast %add3A_1513 : i32 to index
        %get3A_1544 = tpu.vector_load %arg6[%get3A_1540, %get3A_1541, %get3A_1542, %get3A_1543] {strides = array<i32>} : memref<3x4x4x2048xf32, #tpu.memory_space<vmem>>, vector<1x1x1x16xf32>,
        %get3A_1545 = vector.shape_cast %get3A_1544 : vector<1x1x1x16xf32> to vector<16xf32>
        %add3A_1546 = arith.addf %get3A_1545, %get3A_1519 : vector<16xf32>
        %swap3A_1547 = arith.constant 1 : i32
        %swap3A_1548 = arith.constant 1 : i32
        %swap3A_1549 = arith.index_cast %rem3A_281 : i32 to index
        %swap3A_1550 = arith.index_cast %swap3A_1547 : i32 to index
        %swap3A_1551 = arith.index_cast %swap3A_1548 : i32 to index
        %swap3A_1552 = arith.index_cast %add3A_1513 : i32 to index
        %swap3A_1553 = tpu.vector_load %arg6[%swap3A_1549, %swap3A_1550, %swap3A_1551, %swap3A_1552] {strides = array<i32>} : memref<3x4x4x2048xf32, #tpu.memory_space<vmem>>, vector<1x1x1x16xf32>,
        %swap3A_1554 = vector.shape_cast %swap3A_1553 : vector<1x1x1x16xf32> to vector<16xf32>
        %swap3A_1555 = vector.shape_cast %add3A_1546 : vector<16xf32> to vector<1x1x1x16xf32>
        tpu.vector_store %arg6[%swap3A_1549, %swap3A_1550, %swap3A_1551, %swap3A_1552], %swap3A_1555 {strides = array<i32>} : memref<3x4x4x2048xf32, #tpu.memory_space<vmem>>, vector<1x1x1x16xf32>,
        %get3A_1556 = arith.constant 2 : i32
        %get3A_1557 = arith.constant 1 : i32
        %get3A_1558 = arith.index_cast %rem3A_281 : i32 to index
        %get3A_1559 = arith.index_cast %get3A_1556 : i32 to index
        %get3A_1560 = arith.index_cast %get3A_1557 : i32 to index
        %get3A_1561 = arith.index_cast %add3A_1513 : i32 to index
        %get3A_1562 = tpu.vector_load %arg6[%get3A_1558, %get3A_1559, %get3A_1560, %get3A_1561] {strides = array<i32>} : memref<3x4x4x2048xf32, #tpu.memory_space<vmem>>, vector<1x1x1x16xf32>,
        %get3A_1563 = vector.shape_cast %get3A_1562 : vector<1x1x1x16xf32> to vector<16xf32>
        %add3A_1564 = arith.addf %get3A_1563, %get3A_1519 : vector<16xf32>
        %swap3A_1565 = arith.constant 2 : i32
        %swap3A_1566 = arith.constant 1 : i32
        %swap3A_1567 = arith.index_cast %rem3A_281 : i32 to index
        %swap3A_1568 = arith.index_cast %swap3A_1565 : i32 to index
        %swap3A_1569 = arith.index_cast %swap3A_1566 : i32 to index
        %swap3A_1570 = arith.index_cast %add3A_1513 : i32 to index
        %swap3A_1571 = tpu.vector_load %arg6[%swap3A_1567, %swap3A_1568, %swap3A_1569, %swap3A_1570] {strides = array<i32>} : memref<3x4x4x2048xf32, #tpu.memory_space<vmem>>, vector<1x1x1x16xf32>,
        %swap3A_1572 = vector.shape_cast %swap3A_1571 : vector<1x1x1x16xf32> to vector<16xf32>
        %swap3A_1573 = vector.shape_cast %add3A_1564 : vector<16xf32> to vector<1x1x1x16xf32>
        tpu.vector_store %arg6[%swap3A_1567, %swap3A_1568, %swap3A_1569, %swap3A_1570], %swap3A_1573 {strides = array<i32>} : memref<3x4x4x2048xf32, #tpu.memory_space<vmem>>, vector<1x1x1x16xf32>,
        %get3A_1574 = arith.constant 3 : i32
        %get3A_1575 = arith.constant 1 : i32
        %get3A_1576 = arith.index_cast %rem3A_281 : i32 to index
        %get3A_1577 = arith.index_cast %get3A_1574 : i32 to index
        %get3A_1578 = arith.index_cast %get3A_1575 : i32 to index
        %get3A_1579 = arith.index_cast %add3A_1513 : i32 to index
        %get3A_1580 = tpu.vector_load %arg6[%get3A_1576, %get3A_1577, %get3A_1578, %get3A_1579] {strides = array<i32>} : memref<3x4x4x2048xf32, #tpu.memory_space<vmem>>, vector<1x1x1x16xf32>,
        %get3A_1581 = vector.shape_cast %get3A_1580 : vector<1x1x1x16xf32> to vector<16xf32>
        %add3A_1582 = arith.addf %get3A_1581, %get3A_1519 : vector<16xf32>
        %swap3A_1583 = arith.constant 3 : i32
        %swap3A_1584 = arith.constant 1 : i32
        %swap3A_1585 = arith.index_cast %rem3A_281 : i32 to index
        %swap3A_1586 = arith.index_cast %swap3A_1583 : i32 to index
        %swap3A_1587 = arith.index_cast %swap3A_1584 : i32 to index
        %swap3A_1588 = arith.index_cast %add3A_1513 : i32 to index
        %swap3A_1589 = tpu.vector_load %arg6[%swap3A_1585, %swap3A_1586, %swap3A_1587, %swap3A_1588] {strides = array<i32>} : memref<3x4x4x2048xf32, #tpu.memory_space<vmem>>, vector<1x1x1x16xf32>,
        %swap3A_1590 = vector.shape_cast %swap3A_1589 : vector<1x1x1x16xf32> to vector<16xf32>
        %swap3A_1591 = vector.shape_cast %add3A_1582 : vector<16xf32> to vector<1x1x1x16xf32>
        tpu.vector_store %arg6[%swap3A_1585, %swap3A_1586, %swap3A_1587, %swap3A_1588], %swap3A_1591 {strides = array<i32>} : memref<3x4x4x2048xf32, #tpu.memory_space<vmem>>, vector<1x1x1x16xf32>,
        %add3A_1592 = arith.constant 96 : i32
        %add3A_1593 = arith.addi %mul3A_473, %add3A_1592 : i32
        %get3A_1594 = arith.constant 1 : i32
        %get3A_1595 = arith.index_cast %rem3A_281 : i32 to index
        %get3A_1596 = arith.index_cast %get3A_1594 : i32 to index
        %get3A_1597 = arith.index_cast %add3A_1593 : i32 to index
        %get3A_1598 = tpu.vector_load %arg5[%get3A_1595, %get3A_1596, %get3A_1597] {strides = array<i32>} : memref<3x4x2048xf32, #tpu.memory_space<vmem>>, vector<1x1x16xf32>,
        %get3A_1599 = vector.shape_cast %get3A_1598 : vector<1x1x16xf32> to vector<16xf32>
        %get3A_1600 = arith.constant 0 : i32
        %get3A_1601 = arith.constant 1 : i32
        %get3A_1602 = arith.index_cast %rem3A_281 : i32 to index
        %get3A_1603 = arith.index_cast %get3A_1600 : i32 to index
        %get3A_1604 = arith.index_cast %get3A_1601 : i32 to index
        %get3A_1605 = arith.index_cast %add3A_1593 : i32 to index
        %get3A_1606 = tpu.vector_load %arg6[%get3A_1602, %get3A_1603, %get3A_1604, %get3A_1605] {strides = array<i32>} : memref<3x4x4x2048xf32, #tpu.memory_space<vmem>>, vector<1x1x1x16xf32>,
        %get3A_1607 = vector.shape_cast %get3A_1606 : vector<1x1x1x16xf32> to vector<16xf32>
        %add3A_1608 = arith.addf %get3A_1607, %get3A_1599 : vector<16xf32>
        %swap3A_1609 = arith.constant 0 : i32
        %swap3A_1610 = arith.constant 1 : i32
        %swap3A_1611 = arith.index_cast %rem3A_281 : i32 to index
        %swap3A_1612 = arith.index_cast %swap3A_1609 : i32 to index
        %swap3A_1613 = arith.index_cast %swap3A_1610 : i32 to index
        %swap3A_1614 = arith.index_cast %add3A_1593 : i32 to index
        %swap3A_1615 = tpu.vector_load %arg6[%swap3A_1611, %swap3A_1612, %swap3A_1613, %swap3A_1614] {strides = array<i32>} : memref<3x4x4x2048xf32, #tpu.memory_space<vmem>>, vector<1x1x1x16xf32>,
        %swap3A_1616 = vector.shape_cast %swap3A_1615 : vector<1x1x1x16xf32> to vector<16xf32>
        %swap3A_1617 = vector.shape_cast %add3A_1608 : vector<16xf32> to vector<1x1x1x16xf32>
        tpu.vector_store %arg6[%swap3A_1611, %swap3A_1612, %swap3A_1613, %swap3A_1614], %swap3A_1617 {strides = array<i32>} : memref<3x4x4x2048xf32, #tpu.memory_space<vmem>>, vector<1x1x1x16xf32>,
        %get3A_1618 = arith.constant 1 : i32
        %get3A_1619 = arith.constant 1 : i32
        %get3A_1620 = arith.index_cast %rem3A_281 : i32 to index
        %get3A_1621 = arith.index_cast %get3A_1618 : i32 to index
        %get3A_1622 = arith.index_cast %get3A_1619 : i32 to index
        %get3A_1623 = arith.index_cast %add3A_1593 : i32 to index
        %get3A_1624 = tpu.vector_load %arg6[%get3A_1620, %get3A_1621, %get3A_1622, %get3A_1623] {strides = array<i32>} : memref<3x4x4x2048xf32, #tpu.memory_space<vmem>>, vector<1x1x1x16xf32>,
        %get3A_1625 = vector.shape_cast %get3A_1624 : vector<1x1x1x16xf32> to vector<16xf32>
        %add3A_1626 = arith.addf %get3A_1625, %get3A_1599 : vector<16xf32>
        %swap3A_1627 = arith.constant 1 : i32
        %swap3A_1628 = arith.constant 1 : i32
        %swap3A_1629 = arith.index_cast %rem3A_281 : i32 to index
        %swap3A_1630 = arith.index_cast %swap3A_1627 : i32 to index
        %swap3A_1631 = arith.index_cast %swap3A_1628 : i32 to index
        %swap3A_1632 = arith.index_cast %add3A_1593 : i32 to index
        %swap3A_1633 = tpu.vector_load %arg6[%swap3A_1629, %swap3A_1630, %swap3A_1631, %swap3A_1632] {strides = array<i32>} : memref<3x4x4x2048xf32, #tpu.memory_space<vmem>>, vector<1x1x1x16xf32>,
        %swap3A_1634 = vector.shape_cast %swap3A_1633 : vector<1x1x1x16xf32> to vector<16xf32>
        %swap3A_1635 = vector.shape_cast %add3A_1626 : vector<16xf32> to vector<1x1x1x16xf32>
        tpu.vector_store %arg6[%swap3A_1629, %swap3A_1630, %swap3A_1631, %swap3A_1632], %swap3A_1635 {strides = array<i32>} : memref<3x4x4x2048xf32, #tpu.memory_space<vmem>>, vector<1x1x1x16xf32>,
        %get3A_1636 = arith.constant 2 : i32
        %get3A_1637 = arith.constant 1 : i32
        %get3A_1638 = arith.index_cast %rem3A_281 : i32 to index
        %get3A_1639 = arith.index_cast %get3A_1636 : i32 to index
        %get3A_1640 = arith.index_cast %get3A_1637 : i32 to index
        %get3A_1641 = arith.index_cast %add3A_1593 : i32 to index
        %get3A_1642 = tpu.vector_load %arg6[%get3A_1638, %get3A_1639, %get3A_1640, %get3A_1641] {strides = array<i32>} : memref<3x4x4x2048xf32, #tpu.memory_space<vmem>>, vector<1x1x1x16xf32>,
        %get3A_1643 = vector.shape_cast %get3A_1642 : vector<1x1x1x16xf32> to vector<16xf32>
        %add3A_1644 = arith.addf %get3A_1643, %get3A_1599 : vector<16xf32>
        %swap3A_1645 = arith.constant 2 : i32
        %swap3A_1646 = arith.constant 1 : i32
        %swap3A_1647 = arith.index_cast %rem3A_281 : i32 to index
        %swap3A_1648 = arith.index_cast %swap3A_1645 : i32 to index
        %swap3A_1649 = arith.index_cast %swap3A_1646 : i32 to index
        %swap3A_1650 = arith.index_cast %add3A_1593 : i32 to index
        %swap3A_1651 = tpu.vector_load %arg6[%swap3A_1647, %swap3A_1648, %swap3A_1649, %swap3A_1650] {strides = array<i32>} : memref<3x4x4x2048xf32, #tpu.memory_space<vmem>>, vector<1x1x1x16xf32>,
        %swap3A_1652 = vector.shape_cast %swap3A_1651 : vector<1x1x1x16xf32> to vector<16xf32>
        %swap3A_1653 = vector.shape_cast %add3A_1644 : vector<16xf32> to vector<1x1x1x16xf32>
        tpu.vector_store %arg6[%swap3A_1647, %swap3A_1648, %swap3A_1649, %swap3A_1650], %swap3A_1653 {strides = array<i32>} : memref<3x4x4x2048xf32, #tpu.memory_space<vmem>>, vector<1x1x1x16xf32>,
        %get3A_1654 = arith.constant 3 : i32
        %get3A_1655 = arith.constant 1 : i32
        %get3A_1656 = arith.index_cast %rem3A_281 : i32 to index
        %get3A_1657 = arith.index_cast %get3A_1654 : i32 to index
        %get3A_1658 = arith.index_cast %get3A_1655 : i32 to index
        %get3A_1659 = arith.index_cast %add3A_1593 : i32 to index
        %get3A_1660 = tpu.vector_load %arg6[%get3A_1656, %get3A_1657, %get3A_1658, %get3A_1659] {strides = array<i32>} : memref<3x4x4x2048xf32, #tpu.memory_space<vmem>>, vector<1x1x1x16xf32>,
        %get3A_1661 = vector.shape_cast %get3A_1660 : vector<1x1x1x16xf32> to vector<16xf32>
        %add3A_1662 = arith.addf %get3A_1661, %get3A_1599 : vector<16xf32>
        %swap3A_1663 = arith.constant 3 : i32
        %swap3A_1664 = arith.constant 1 : i32
        %swap3A_1665 = arith.index_cast %rem3A_281 : i32 to index
        %swap3A_1666 = arith.index_cast %swap3A_1663 : i32 to index
        %swap3A_1667 = arith.index_cast %swap3A_1664 : i32 to index
        %swap3A_1668 = arith.index_cast %add3A_1593 : i32 to index
        %swap3A_1669 = tpu.vector_load %arg6[%swap3A_1665, %swap3A_1666, %swap3A_1667, %swap3A_1668] {strides = array<i32>} : memref<3x4x4x2048xf32, #tpu.memory_space<vmem>>, vector<1x1x1x16xf32>,
        %swap3A_1670 = vector.shape_cast %swap3A_1669 : vector<1x1x1x16xf32> to vector<16xf32>
        %swap3A_1671 = vector.shape_cast %add3A_1662 : vector<16xf32> to vector<1x1x1x16xf32>
        tpu.vector_store %arg6[%swap3A_1665, %swap3A_1666, %swap3A_1667, %swap3A_1668], %swap3A_1671 {strides = array<i32>} : memref<3x4x4x2048xf32, #tpu.memory_space<vmem>>, vector<1x1x1x16xf32>,
        %add3A_1672 = arith.constant 112 : i32
        %add3A_1673 = arith.addi %mul3A_473, %add3A_1672 : i32
        %get3A_1674 = arith.constant 1 : i32
        %get3A_1675 = arith.index_cast %rem3A_281 : i32 to index
        %get3A_1676 = arith.index_cast %get3A_1674 : i32 to index
        %get3A_1677 = arith.index_cast %add3A_1673 : i32 to index
        %get3A_1678 = tpu.vector_load %arg5[%get3A_1675, %get3A_1676, %get3A_1677] {strides = array<i32>} : memref<3x4x2048xf32, #tpu.memory_space<vmem>>, vector<1x1x16xf32>,
        %get3A_1679 = vector.shape_cast %get3A_1678 : vector<1x1x16xf32> to vector<16xf32>
        %get3A_1680 = arith.constant 0 : i32
        %get3A_1681 = arith.constant 1 : i32
        %get3A_1682 = arith.index_cast %rem3A_281 : i32 to index
        %get3A_1683 = arith.index_cast %get3A_1680 : i32 to index
        %get3A_1684 = arith.index_cast %get3A_1681 : i32 to index
        %get3A_1685 = arith.index_cast %add3A_1673 : i32 to index
        %get3A_1686 = tpu.vector_load %arg6[%get3A_1682, %get3A_1683, %get3A_1684, %get3A_1685] {strides = array<i32>} : memref<3x4x4x2048xf32, #tpu.memory_space<vmem>>, vector<1x1x1x16xf32>,
        %get3A_1687 = vector.shape_cast %get3A_1686 : vector<1x1x1x16xf32> to vector<16xf32>
        %add3A_1688 = arith.addf %get3A_1687, %get3A_1679 : vector<16xf32>
        %swap3A_1689 = arith.constant 0 : i32
        %swap3A_1690 = arith.constant 1 : i32
        %swap3A_1691 = arith.index_cast %rem3A_281 : i32 to index
        %swap3A_1692 = arith.index_cast %swap3A_1689 : i32 to index
        %swap3A_1693 = arith.index_cast %swap3A_1690 : i32 to index
        %swap3A_1694 = arith.index_cast %add3A_1673 : i32 to index
        %swap3A_1695 = tpu.vector_load %arg6[%swap3A_1691, %swap3A_1692, %swap3A_1693, %swap3A_1694] {strides = array<i32>} : memref<3x4x4x2048xf32, #tpu.memory_space<vmem>>, vector<1x1x1x16xf32>,
        %swap3A_1696 = vector.shape_cast %swap3A_1695 : vector<1x1x1x16xf32> to vector<16xf32>
        %swap3A_1697 = vector.shape_cast %add3A_1688 : vector<16xf32> to vector<1x1x1x16xf32>
        tpu.vector_store %arg6[%swap3A_1691, %swap3A_1692, %swap3A_1693, %swap3A_1694], %swap3A_1697 {strides = array<i32>} : memref<3x4x4x2048xf32, #tpu.memory_space<vmem>>, vector<1x1x1x16xf32>,
        %get3A_1698 = arith.constant 1 : i32
        %get3A_1699 = arith.constant 1 : i32
        %get3A_1700 = arith.index_cast %rem3A_281 : i32 to index
        %get3A_1701 = arith.index_cast %get3A_1698 : i32 to index
        %get3A_1702 = arith.index_cast %get3A_1699 : i32 to index
        %get3A_1703 = arith.index_cast %add3A_1673 : i32 to index
        %get3A_1704 = tpu.vector_load %arg6[%get3A_1700, %get3A_1701, %get3A_1702, %get3A_1703] {strides = array<i32>} : memref<3x4x4x2048xf32, #tpu.memory_space<vmem>>, vector<1x1x1x16xf32>,
        %get3A_1705 = vector.shape_cast %get3A_1704 : vector<1x1x1x16xf32> to vector<16xf32>
        %add3A_1706 = arith.addf %get3A_1705, %get3A_1679 : vector<16xf32>
        %swap3A_1707 = arith.constant 1 : i32
        %swap3A_1708 = arith.constant 1 : i32
        %swap3A_1709 = arith.index_cast %rem3A_281 : i32 to index
        %swap3A_1710 = arith.index_cast %swap3A_1707 : i32 to index
        %swap3A_1711 = arith.index_cast %swap3A_1708 : i32 to index
        %swap3A_1712 = arith.index_cast %add3A_1673 : i32 to index
        %swap3A_1713 = tpu.vector_load %arg6[%swap3A_1709, %swap3A_1710, %swap3A_1711, %swap3A_1712] {strides = array<i32>} : memref<3x4x4x2048xf32, #tpu.memory_space<vmem>>, vector<1x1x1x16xf32>,
        %swap3A_1714 = vector.shape_cast %swap3A_1713 : vector<1x1x1x16xf32> to vector<16xf32>
        %swap3A_1715 = vector.shape_cast %add3A_1706 : vector<16xf32> to vector<1x1x1x16xf32>
        tpu.vector_store %arg6[%swap3A_1709, %swap3A_1710, %swap3A_1711, %swap3A_1712], %swap3A_1715 {strides = array<i32>} : memref<3x4x4x2048xf32, #tpu.memory_space<vmem>>, vector<1x1x1x16xf32>,
        %get3A_1716 = arith.constant 2 : i32
        %get3A_1717 = arith.constant 1 : i32
        %get3A_1718 = arith.index_cast %rem3A_281 : i32 to index
        %get3A_1719 = arith.index_cast %get3A_1716 : i32 to index
        %get3A_1720 = arith.index_cast %get3A_1717 : i32 to index
        %get3A_1721 = arith.index_cast %add3A_1673 : i32 to index
        %get3A_1722 = tpu.vector_load %arg6[%get3A_1718, %get3A_1719, %get3A_1720, %get3A_1721] {strides = array<i32>} : memref<3x4x4x2048xf32, #tpu.memory_space<vmem>>, vector<1x1x1x16xf32>,
        %get3A_1723 = vector.shape_cast %get3A_1722 : vector<1x1x1x16xf32> to vector<16xf32>
        %add3A_1724 = arith.addf %get3A_1723, %get3A_1679 : vector<16xf32>
        %swap3A_1725 = arith.constant 2 : i32
        %swap3A_1726 = arith.constant 1 : i32
        %swap3A_1727 = arith.index_cast %rem3A_281 : i32 to index
        %swap3A_1728 = arith.index_cast %swap3A_1725 : i32 to index
        %swap3A_1729 = arith.index_cast %swap3A_1726 : i32 to index
        %swap3A_1730 = arith.index_cast %add3A_1673 : i32 to index
        %swap3A_1731 = tpu.vector_load %arg6[%swap3A_1727, %swap3A_1728, %swap3A_1729, %swap3A_1730] {strides = array<i32>} : memref<3x4x4x2048xf32, #tpu.memory_space<vmem>>, vector<1x1x1x16xf32>,
        %swap3A_1732 = vector.shape_cast %swap3A_1731 : vector<1x1x1x16xf32> to vector<16xf32>
        %swap3A_1733 = vector.shape_cast %add3A_1724 : vector<16xf32> to vector<1x1x1x16xf32>
        tpu.vector_store %arg6[%swap3A_1727, %swap3A_1728, %swap3A_1729, %swap3A_1730], %swap3A_1733 {strides = array<i32>} : memref<3x4x4x2048xf32, #tpu.memory_space<vmem>>, vector<1x1x1x16xf32>,
        %get3A_1734 = arith.constant 3 : i32
        %get3A_1735 = arith.constant 1 : i32
        %get3A_1736 = arith.index_cast %rem3A_281 : i32 to index
        %get3A_1737 = arith.index_cast %get3A_1734 : i32 to index
        %get3A_1738 = arith.index_cast %get3A_1735 : i32 to index
        %get3A_1739 = arith.index_cast %add3A_1673 : i32 to index
        %get3A_1740 = tpu.vector_load %arg6[%get3A_1736, %get3A_1737, %get3A_1738, %get3A_1739] {strides = array<i32>} : memref<3x4x4x2048xf32, #tpu.memory_space<vmem>>, vector<1x1x1x16xf32>,
        %get3A_1741 = vector.shape_cast %get3A_1740 : vector<1x1x1x16xf32> to vector<16xf32>
        %add3A_1742 = arith.addf %get3A_1741, %get3A_1679 : vector<16xf32>
        %swap3A_1743 = arith.constant 3 : i32
        %swap3A_1744 = arith.constant 1 : i32
        %swap3A_1745 = arith.index_cast %rem3A_281 : i32 to index
        %swap3A_1746 = arith.index_cast %swap3A_1743 : i32 to index
        %swap3A_1747 = arith.index_cast %swap3A_1744 : i32 to index
        %swap3A_1748 = arith.index_cast %add3A_1673 : i32 to index
        %swap3A_1749 = tpu.vector_load %arg6[%swap3A_1745, %swap3A_1746, %swap3A_1747, %swap3A_1748] {strides = array<i32>} : memref<3x4x4x2048xf32, #tpu.memory_space<vmem>>, vector<1x1x1x16xf32>,
        %swap3A_1750 = vector.shape_cast %swap3A_1749 : vector<1x1x1x16xf32> to vector<16xf32>
        %swap3A_1751 = vector.shape_cast %add3A_1742 : vector<16xf32> to vector<1x1x1x16xf32>
        tpu.vector_store %arg6[%swap3A_1745, %swap3A_1746, %swap3A_1747, %swap3A_1748], %swap3A_1751 {strides = array<i32>} : memref<3x4x4x2048xf32, #tpu.memory_space<vmem>>, vector<1x1x1x16xf32>,
        %add3A_1752 = arith.constant 0 : i32
        %add3A_1753 = arith.addi %mul3A_473, %add3A_1752 : i32
        %get3A_1754 = arith.constant 2 : i32
        %get3A_1755 = arith.index_cast %rem3A_281 : i32 to index
        %get3A_1756 = arith.index_cast %get3A_1754 : i32 to index
        %get3A_1757 = arith.index_cast %add3A_1753 : i32 to index
        %get3A_1758 = tpu.vector_load %arg5[%get3A_1755, %get3A_1756, %get3A_1757] {strides = array<i32>} : memref<3x4x2048xf32, #tpu.memory_space<vmem>>, vector<1x1x16xf32>,
        %get3A_1759 = vector.shape_cast %get3A_1758 : vector<1x1x16xf32> to vector<16xf32>
        %get3A_1760 = arith.constant 0 : i32
        %get3A_1761 = arith.constant 2 : i32
        %get3A_1762 = arith.index_cast %rem3A_281 : i32 to index
        %get3A_1763 = arith.index_cast %get3A_1760 : i32 to index
        %get3A_1764 = arith.index_cast %get3A_1761 : i32 to index
        %get3A_1765 = arith.index_cast %add3A_1753 : i32 to index
        %get3A_1766 = tpu.vector_load %arg6[%get3A_1762, %get3A_1763, %get3A_1764, %get3A_1765] {strides = array<i32>} : memref<3x4x4x2048xf32, #tpu.memory_space<vmem>>, vector<1x1x1x16xf32>,
        %get3A_1767 = vector.shape_cast %get3A_1766 : vector<1x1x1x16xf32> to vector<16xf32>
        %add3A_1768 = arith.addf %get3A_1767, %get3A_1759 : vector<16xf32>
        %swap3A_1769 = arith.constant 0 : i32
        %swap3A_1770 = arith.constant 2 : i32
        %swap3A_1771 = arith.index_cast %rem3A_281 : i32 to index
        %swap3A_1772 = arith.index_cast %swap3A_1769 : i32 to index
        %swap3A_1773 = arith.index_cast %swap3A_1770 : i32 to index
        %swap3A_1774 = arith.index_cast %add3A_1753 : i32 to index
        %swap3A_1775 = tpu.vector_load %arg6[%swap3A_1771, %swap3A_1772, %swap3A_1773, %swap3A_1774] {strides = array<i32>} : memref<3x4x4x2048xf32, #tpu.memory_space<vmem>>, vector<1x1x1x16xf32>,
        %swap3A_1776 = vector.shape_cast %swap3A_1775 : vector<1x1x1x16xf32> to vector<16xf32>
        %swap3A_1777 = vector.shape_cast %add3A_1768 : vector<16xf32> to vector<1x1x1x16xf32>
        tpu.vector_store %arg6[%swap3A_1771, %swap3A_1772, %swap3A_1773, %swap3A_1774], %swap3A_1777 {strides = array<i32>} : memref<3x4x4x2048xf32, #tpu.memory_space<vmem>>, vector<1x1x1x16xf32>,
        %get3A_1778 = arith.constant 1 : i32
        %get3A_1779 = arith.constant 2 : i32
        %get3A_1780 = arith.index_cast %rem3A_281 : i32 to index
        %get3A_1781 = arith.index_cast %get3A_1778 : i32 to index
        %get3A_1782 = arith.index_cast %get3A_1779 : i32 to index
        %get3A_1783 = arith.index_cast %add3A_1753 : i32 to index
        %get3A_1784 = tpu.vector_load %arg6[%get3A_1780, %get3A_1781, %get3A_1782, %get3A_1783] {strides = array<i32>} : memref<3x4x4x2048xf32, #tpu.memory_space<vmem>>, vector<1x1x1x16xf32>,
        %get3A_1785 = vector.shape_cast %get3A_1784 : vector<1x1x1x16xf32> to vector<16xf32>
        %add3A_1786 = arith.addf %get3A_1785, %get3A_1759 : vector<16xf32>
        %swap3A_1787 = arith.constant 1 : i32
        %swap3A_1788 = arith.constant 2 : i32
        %swap3A_1789 = arith.index_cast %rem3A_281 : i32 to index
        %swap3A_1790 = arith.index_cast %swap3A_1787 : i32 to index
        %swap3A_1791 = arith.index_cast %swap3A_1788 : i32 to index
        %swap3A_1792 = arith.index_cast %add3A_1753 : i32 to index
        %swap3A_1793 = tpu.vector_load %arg6[%swap3A_1789, %swap3A_1790, %swap3A_1791, %swap3A_1792] {strides = array<i32>} : memref<3x4x4x2048xf32, #tpu.memory_space<vmem>>, vector<1x1x1x16xf32>,
        %swap3A_1794 = vector.shape_cast %swap3A_1793 : vector<1x1x1x16xf32> to vector<16xf32>
        %swap3A_1795 = vector.shape_cast %add3A_1786 : vector<16xf32> to vector<1x1x1x16xf32>
        tpu.vector_store %arg6[%swap3A_1789, %swap3A_1790, %swap3A_1791, %swap3A_1792], %swap3A_1795 {strides = array<i32>} : memref<3x4x4x2048xf32, #tpu.memory_space<vmem>>, vector<1x1x1x16xf32>,
        %get3A_1796 = arith.constant 2 : i32
        %get3A_1797 = arith.constant 2 : i32
        %get3A_1798 = arith.index_cast %rem3A_281 : i32 to index
        %get3A_1799 = arith.index_cast %get3A_1796 : i32 to index
        %get3A_1800 = arith.index_cast %get3A_1797 : i32 to index
        %get3A_1801 = arith.index_cast %add3A_1753 : i32 to index
        %get3A_1802 = tpu.vector_load %arg6[%get3A_1798, %get3A_1799, %get3A_1800, %get3A_1801] {strides = array<i32>} : memref<3x4x4x2048xf32, #tpu.memory_space<vmem>>, vector<1x1x1x16xf32>,
        %get3A_1803 = vector.shape_cast %get3A_1802 : vector<1x1x1x16xf32> to vector<16xf32>
        %add3A_1804 = arith.addf %get3A_1803, %get3A_1759 : vector<16xf32>
        %swap3A_1805 = arith.constant 2 : i32
        %swap3A_1806 = arith.constant 2 : i32
        %swap3A_1807 = arith.index_cast %rem3A_281 : i32 to index
        %swap3A_1808 = arith.index_cast %swap3A_1805 : i32 to index
        %swap3A_1809 = arith.index_cast %swap3A_1806 : i32 to index
        %swap3A_1810 = arith.index_cast %add3A_1753 : i32 to index
        %swap3A_1811 = tpu.vector_load %arg6[%swap3A_1807, %swap3A_1808, %swap3A_1809, %swap3A_1810] {strides = array<i32>} : memref<3x4x4x2048xf32, #tpu.memory_space<vmem>>, vector<1x1x1x16xf32>,
        %swap3A_1812 = vector.shape_cast %swap3A_1811 : vector<1x1x1x16xf32> to vector<16xf32>
        %swap3A_1813 = vector.shape_cast %add3A_1804 : vector<16xf32> to vector<1x1x1x16xf32>
        tpu.vector_store %arg6[%swap3A_1807, %swap3A_1808, %swap3A_1809, %swap3A_1810], %swap3A_1813 {strides = array<i32>} : memref<3x4x4x2048xf32, #tpu.memory_space<vmem>>, vector<1x1x1x16xf32>,
        %get3A_1814 = arith.constant 3 : i32
        %get3A_1815 = arith.constant 2 : i32
        %get3A_1816 = arith.index_cast %rem3A_281 : i32 to index
        %get3A_1817 = arith.index_cast %get3A_1814 : i32 to index
        %get3A_1818 = arith.index_cast %get3A_1815 : i32 to index
        %get3A_1819 = arith.index_cast %add3A_1753 : i32 to index
        %get3A_1820 = tpu.vector_load %arg6[%get3A_1816, %get3A_1817, %get3A_1818, %get3A_1819] {strides = array<i32>} : memref<3x4x4x2048xf32, #tpu.memory_space<vmem>>, vector<1x1x1x16xf32>,
        %get3A_1821 = vector.shape_cast %get3A_1820 : vector<1x1x1x16xf32> to vector<16xf32>
        %add3A_1822 = arith.addf %get3A_1821, %get3A_1759 : vector<16xf32>
        %swap3A_1823 = arith.constant 3 : i32
        %swap3A_1824 = arith.constant 2 : i32
        %swap3A_1825 = arith.index_cast %rem3A_281 : i32 to index
        %swap3A_1826 = arith.index_cast %swap3A_1823 : i32 to index
        %swap3A_1827 = arith.index_cast %swap3A_1824 : i32 to index
        %swap3A_1828 = arith.index_cast %add3A_1753 : i32 to index
        %swap3A_1829 = tpu.vector_load %arg6[%swap3A_1825, %swap3A_1826, %swap3A_1827, %swap3A_1828] {strides = array<i32>} : memref<3x4x4x2048xf32, #tpu.memory_space<vmem>>, vector<1x1x1x16xf32>,
        %swap3A_1830 = vector.shape_cast %swap3A_1829 : vector<1x1x1x16xf32> to vector<16xf32>
        %swap3A_1831 = vector.shape_cast %add3A_1822 : vector<16xf32> to vector<1x1x1x16xf32>
        tpu.vector_store %arg6[%swap3A_1825, %swap3A_1826, %swap3A_1827, %swap3A_1828], %swap3A_1831 {strides = array<i32>} : memref<3x4x4x2048xf32, #tpu.memory_space<vmem>>, vector<1x1x1x16xf32>,
        %add3A_1832 = arith.constant 16 : i32
        %add3A_1833 = arith.addi %mul3A_473, %add3A_1832 : i32
        %get3A_1834 = arith.constant 2 : i32
        %get3A_1835 = arith.index_cast %rem3A_281 : i32 to index
        %get3A_1836 = arith.index_cast %get3A_1834 : i32 to index
        %get3A_1837 = arith.index_cast %add3A_1833 : i32 to index
        %get3A_1838 = tpu.vector_load %arg5[%get3A_1835, %get3A_1836, %get3A_1837] {strides = array<i32>} : memref<3x4x2048xf32, #tpu.memory_space<vmem>>, vector<1x1x16xf32>,
        %get3A_1839 = vector.shape_cast %get3A_1838 : vector<1x1x16xf32> to vector<16xf32>
        %get3A_1840 = arith.constant 0 : i32
        %get3A_1841 = arith.constant 2 : i32
        %get3A_1842 = arith.index_cast %rem3A_281 : i32 to index
        %get3A_1843 = arith.index_cast %get3A_1840 : i32 to index
        %get3A_1844 = arith.index_cast %get3A_1841 : i32 to index
        %get3A_1845 = arith.index_cast %add3A_1833 : i32 to index
        %get3A_1846 = tpu.vector_load %arg6[%get3A_1842, %get3A_1843, %get3A_1844, %get3A_1845] {strides = array<i32>} : memref<3x4x4x2048xf32, #tpu.memory_space<vmem>>, vector<1x1x1x16xf32>,
        %get3A_1847 = vector.shape_cast %get3A_1846 : vector<1x1x1x16xf32> to vector<16xf32>
        %add3A_1848 = arith.addf %get3A_1847, %get3A_1839 : vector<16xf32>
        %swap3A_1849 = arith.constant 0 : i32
        %swap3A_1850 = arith.constant 2 : i32
        %swap3A_1851 = arith.index_cast %rem3A_281 : i32 to index
        %swap3A_1852 = arith.index_cast %swap3A_1849 : i32 to index
        %swap3A_1853 = arith.index_cast %swap3A_1850 : i32 to index
        %swap3A_1854 = arith.index_cast %add3A_1833 : i32 to index
        %swap3A_1855 = tpu.vector_load %arg6[%swap3A_1851, %swap3A_1852, %swap3A_1853, %swap3A_1854] {strides = array<i32>} : memref<3x4x4x2048xf32, #tpu.memory_space<vmem>>, vector<1x1x1x16xf32>,
        %swap3A_1856 = vector.shape_cast %swap3A_1855 : vector<1x1x1x16xf32> to vector<16xf32>
        %swap3A_1857 = vector.shape_cast %add3A_1848 : vector<16xf32> to vector<1x1x1x16xf32>
        tpu.vector_store %arg6[%swap3A_1851, %swap3A_1852, %swap3A_1853, %swap3A_1854], %swap3A_1857 {strides = array<i32>} : memref<3x4x4x2048xf32, #tpu.memory_space<vmem>>, vector<1x1x1x16xf32>,
        %get3A_1858 = arith.constant 1 : i32
        %get3A_1859 = arith.constant 2 : i32
        %get3A_1860 = arith.index_cast %rem3A_281 : i32 to index
        %get3A_1861 = arith.index_cast %get3A_1858 : i32 to index
        %get3A_1862 = arith.index_cast %get3A_1859 : i32 to index
        %get3A_1863 = arith.index_cast %add3A_1833 : i32 to index
        %get3A_1864 = tpu.vector_load %arg6[%get3A_1860, %get3A_1861, %get3A_1862, %get3A_1863] {strides = array<i32>} : memref<3x4x4x2048xf32, #tpu.memory_space<vmem>>, vector<1x1x1x16xf32>,
        %get3A_1865 = vector.shape_cast %get3A_1864 : vector<1x1x1x16xf32> to vector<16xf32>
        %add3A_1866 = arith.addf %get3A_1865, %get3A_1839 : vector<16xf32>
        %swap3A_1867 = arith.constant 1 : i32
        %swap3A_1868 = arith.constant 2 : i32
        %swap3A_1869 = arith.index_cast %rem3A_281 : i32 to index
        %swap3A_1870 = arith.index_cast %swap3A_1867 : i32 to index
        %swap3A_1871 = arith.index_cast %swap3A_1868 : i32 to index
        %swap3A_1872 = arith.index_cast %add3A_1833 : i32 to index
        %swap3A_1873 = tpu.vector_load %arg6[%swap3A_1869, %swap3A_1870, %swap3A_1871, %swap3A_1872] {strides = array<i32>} : memref<3x4x4x2048xf32, #tpu.memory_space<vmem>>, vector<1x1x1x16xf32>,
        %swap3A_1874 = vector.shape_cast %swap3A_1873 : vector<1x1x1x16xf32> to vector<16xf32>
        %swap3A_1875 = vector.shape_cast %add3A_1866 : vector<16xf32> to vector<1x1x1x16xf32>
        tpu.vector_store %arg6[%swap3A_1869, %swap3A_1870, %swap3A_1871, %swap3A_1872], %swap3A_1875 {strides = array<i32>} : memref<3x4x4x2048xf32, #tpu.memory_space<vmem>>, vector<1x1x1x16xf32>,
        %get3A_1876 = arith.constant 2 : i32
        %get3A_1877 = arith.constant 2 : i32
        %get3A_1878 = arith.index_cast %rem3A_281 : i32 to index
        %get3A_1879 = arith.index_cast %get3A_1876 : i32 to index
        %get3A_1880 = arith.index_cast %get3A_1877 : i32 to index
        %get3A_1881 = arith.index_cast %add3A_1833 : i32 to index
        %get3A_1882 = tpu.vector_load %arg6[%get3A_1878, %get3A_1879, %get3A_1880, %get3A_1881] {strides = array<i32>} : memref<3x4x4x2048xf32, #tpu.memory_space<vmem>>, vector<1x1x1x16xf32>,
        %get3A_1883 = vector.shape_cast %get3A_1882 : vector<1x1x1x16xf32> to vector<16xf32>
        %add3A_1884 = arith.addf %get3A_1883, %get3A_1839 : vector<16xf32>
        %swap3A_1885 = arith.constant 2 : i32
        %swap3A_1886 = arith.constant 2 : i32
        %swap3A_1887 = arith.index_cast %rem3A_281 : i32 to index
        %swap3A_1888 = arith.index_cast %swap3A_1885 : i32 to index
        %swap3A_1889 = arith.index_cast %swap3A_1886 : i32 to index
        %swap3A_1890 = arith.index_cast %add3A_1833 : i32 to index
        %swap3A_1891 = tpu.vector_load %arg6[%swap3A_1887, %swap3A_1888, %swap3A_1889, %swap3A_1890] {strides = array<i32>} : memref<3x4x4x2048xf32, #tpu.memory_space<vmem>>, vector<1x1x1x16xf32>,
        %swap3A_1892 = vector.shape_cast %swap3A_1891 : vector<1x1x1x16xf32> to vector<16xf32>
        %swap3A_1893 = vector.shape_cast %add3A_1884 : vector<16xf32> to vector<1x1x1x16xf32>
        tpu.vector_store %arg6[%swap3A_1887, %swap3A_1888, %swap3A_1889, %swap3A_1890], %swap3A_1893 {strides = array<i32>} : memref<3x4x4x2048xf32, #tpu.memory_space<vmem>>, vector<1x1x1x16xf32>,
        %get3A_1894 = arith.constant 3 : i32
        %get3A_1895 = arith.constant 2 : i32
        %get3A_1896 = arith.index_cast %rem3A_281 : i32 to index
        %get3A_1897 = arith.index_cast %get3A_1894 : i32 to index
        %get3A_1898 = arith.index_cast %get3A_1895 : i32 to index
        %get3A_1899 = arith.index_cast %add3A_1833 : i32 to index
        %get3A_1900 = tpu.vector_load %arg6[%get3A_1896, %get3A_1897, %get3A_1898, %get3A_1899] {strides = array<i32>} : memref<3x4x4x2048xf32, #tpu.memory_space<vmem>>, vector<1x1x1x16xf32>,
        %get3A_1901 = vector.shape_cast %get3A_1900 : vector<1x1x1x16xf32> to vector<16xf32>
        %add3A_1902 = arith.addf %get3A_1901, %get3A_1839 : vector<16xf32>
        %swap3A_1903 = arith.constant 3 : i32
        %swap3A_1904 = arith.constant 2 : i32
        %swap3A_1905 = arith.index_cast %rem3A_281 : i32 to index
        %swap3A_1906 = arith.index_cast %swap3A_1903 : i32 to index
        %swap3A_1907 = arith.index_cast %swap3A_1904 : i32 to index
        %swap3A_1908 = arith.index_cast %add3A_1833 : i32 to index
        %swap3A_1909 = tpu.vector_load %arg6[%swap3A_1905, %swap3A_1906, %swap3A_1907, %swap3A_1908] {strides = array<i32>} : memref<3x4x4x2048xf32, #tpu.memory_space<vmem>>, vector<1x1x1x16xf32>,
        %swap3A_1910 = vector.shape_cast %swap3A_1909 : vector<1x1x1x16xf32> to vector<16xf32>
        %swap3A_1911 = vector.shape_cast %add3A_1902 : vector<16xf32> to vector<1x1x1x16xf32>
        tpu.vector_store %arg6[%swap3A_1905, %swap3A_1906, %swap3A_1907, %swap3A_1908], %swap3A_1911 {strides = array<i32>} : memref<3x4x4x2048xf32, #tpu.memory_space<vmem>>, vector<1x1x1x16xf32>,
        %add3A_1912 = arith.constant 32 : i32
        %add3A_1913 = arith.addi %mul3A_473, %add3A_1912 : i32
        %get3A_1914 = arith.constant 2 : i32
        %get3A_1915 = arith.index_cast %rem3A_281 : i32 to index
        %get3A_1916 = arith.index_cast %get3A_1914 : i32 to index
        %get3A_1917 = arith.index_cast %add3A_1913 : i32 to index
        %get3A_1918 = tpu.vector_load %arg5[%get3A_1915, %get3A_1916, %get3A_1917] {strides = array<i32>} : memref<3x4x2048xf32, #tpu.memory_space<vmem>>, vector<1x1x16xf32>,
        %get3A_1919 = vector.shape_cast %get3A_1918 : vector<1x1x16xf32> to vector<16xf32>
        %get3A_1920 = arith.constant 0 : i32
        %get3A_1921 = arith.constant 2 : i32
        %get3A_1922 = arith.index_cast %rem3A_281 : i32 to index
        %get3A_1923 = arith.index_cast %get3A_1920 : i32 to index
        %get3A_1924 = arith.index_cast %get3A_1921 : i32 to index
        %get3A_1925 = arith.index_cast %add3A_1913 : i32 to index
        %get3A_1926 = tpu.vector_load %arg6[%get3A_1922, %get3A_1923, %get3A_1924, %get3A_1925] {strides = array<i32>} : memref<3x4x4x2048xf32, #tpu.memory_space<vmem>>, vector<1x1x1x16xf32>,
        %get3A_1927 = vector.shape_cast %get3A_1926 : vector<1x1x1x16xf32> to vector<16xf32>
        %add3A_1928 = arith.addf %get3A_1927, %get3A_1919 : vector<16xf32>
        %swap3A_1929 = arith.constant 0 : i32
        %swap3A_1930 = arith.constant 2 : i32
        %swap3A_1931 = arith.index_cast %rem3A_281 : i32 to index
        %swap3A_1932 = arith.index_cast %swap3A_1929 : i32 to index
        %swap3A_1933 = arith.index_cast %swap3A_1930 : i32 to index
        %swap3A_1934 = arith.index_cast %add3A_1913 : i32 to index
        %swap3A_1935 = tpu.vector_load %arg6[%swap3A_1931, %swap3A_1932, %swap3A_1933, %swap3A_1934] {strides = array<i32>} : memref<3x4x4x2048xf32, #tpu.memory_space<vmem>>, vector<1x1x1x16xf32>,
        %swap3A_1936 = vector.shape_cast %swap3A_1935 : vector<1x1x1x16xf32> to vector<16xf32>
        %swap3A_1937 = vector.shape_cast %add3A_1928 : vector<16xf32> to vector<1x1x1x16xf32>
        tpu.vector_store %arg6[%swap3A_1931, %swap3A_1932, %swap3A_1933, %swap3A_1934], %swap3A_1937 {strides = array<i32>} : memref<3x4x4x2048xf32, #tpu.memory_space<vmem>>, vector<1x1x1x16xf32>,
        %get3A_1938 = arith.constant 1 : i32
        %get3A_1939 = arith.constant 2 : i32
        %get3A_1940 = arith.index_cast %rem3A_281 : i32 to index
        %get3A_1941 = arith.index_cast %get3A_1938 : i32 to index
        %get3A_1942 = arith.index_cast %get3A_1939 : i32 to index
        %get3A_1943 = arith.index_cast %add3A_1913 : i32 to index
        %get3A_1944 = tpu.vector_load %arg6[%get3A_1940, %get3A_1941, %get3A_1942, %get3A_1943] {strides = array<i32>} : memref<3x4x4x2048xf32, #tpu.memory_space<vmem>>, vector<1x1x1x16xf32>,
        %get3A_1945 = vector.shape_cast %get3A_1944 : vector<1x1x1x16xf32> to vector<16xf32>
        %add3A_1946 = arith.addf %get3A_1945, %get3A_1919 : vector<16xf32>
        %swap3A_1947 = arith.constant 1 : i32
        %swap3A_1948 = arith.constant 2 : i32
        %swap3A_1949 = arith.index_cast %rem3A_281 : i32 to index
        %swap3A_1950 = arith.index_cast %swap3A_1947 : i32 to index
        %swap3A_1951 = arith.index_cast %swap3A_1948 : i32 to index
        %swap3A_1952 = arith.index_cast %add3A_1913 : i32 to index
        %swap3A_1953 = tpu.vector_load %arg6[%swap3A_1949, %swap3A_1950, %swap3A_1951, %swap3A_1952] {strides = array<i32>} : memref<3x4x4x2048xf32, #tpu.memory_space<vmem>>, vector<1x1x1x16xf32>,
        %swap3A_1954 = vector.shape_cast %swap3A_1953 : vector<1x1x1x16xf32> to vector<16xf32>
        %swap3A_1955 = vector.shape_cast %add3A_1946 : vector<16xf32> to vector<1x1x1x16xf32>
        tpu.vector_store %arg6[%swap3A_1949, %swap3A_1950, %swap3A_1951, %swap3A_1952], %swap3A_1955 {strides = array<i32>} : memref<3x4x4x2048xf32, #tpu.memory_space<vmem>>, vector<1x1x1x16xf32>,
        %get3A_1956 = arith.constant 2 : i32
        %get3A_1957 = arith.constant 2 : i32
        %get3A_1958 = arith.index_cast %rem3A_281 : i32 to index
        %get3A_1959 = arith.index_cast %get3A_1956 : i32 to index
        %get3A_1960 = arith.index_cast %get3A_1957 : i32 to index
        %get3A_1961 = arith.index_cast %add3A_1913 : i32 to index
        %get3A_1962 = tpu.vector_load %arg6[%get3A_1958, %get3A_1959, %get3A_1960, %get3A_1961] {strides = array<i32>} : memref<3x4x4x2048xf32, #tpu.memory_space<vmem>>, vector<1x1x1x16xf32>,
        %get3A_1963 = vector.shape_cast %get3A_1962 : vector<1x1x1x16xf32> to vector<16xf32>
        %add3A_1964 = arith.addf %get3A_1963, %get3A_1919 : vector<16xf32>
        %swap3A_1965 = arith.constant 2 : i32
        %swap3A_1966 = arith.constant 2 : i32
        %swap3A_1967 = arith.index_cast %rem3A_281 : i32 to index
        %swap3A_1968 = arith.index_cast %swap3A_1965 : i32 to index
        %swap3A_1969 = arith.index_cast %swap3A_1966 : i32 to index
        %swap3A_1970 = arith.index_cast %add3A_1913 : i32 to index
        %swap3A_1971 = tpu.vector_load %arg6[%swap3A_1967, %swap3A_1968, %swap3A_1969, %swap3A_1970] {strides = array<i32>} : memref<3x4x4x2048xf32, #tpu.memory_space<vmem>>, vector<1x1x1x16xf32>,
        %swap3A_1972 = vector.shape_cast %swap3A_1971 : vector<1x1x1x16xf32> to vector<16xf32>
        %swap3A_1973 = vector.shape_cast %add3A_1964 : vector<16xf32> to vector<1x1x1x16xf32>
        tpu.vector_store %arg6[%swap3A_1967, %swap3A_1968, %swap3A_1969, %swap3A_1970], %swap3A_1973 {strides = array<i32>} : memref<3x4x4x2048xf32, #tpu.memory_space<vmem>>, vector<1x1x1x16xf32>,
        %get3A_1974 = arith.constant 3 : i32
        %get3A_1975 = arith.constant 2 : i32
        %get3A_1976 = arith.index_cast %rem3A_281 : i32 to index
        %get3A_1977 = arith.index_cast %get3A_1974 : i32 to index
        %get3A_1978 = arith.index_cast %get3A_1975 : i32 to index
        %get3A_1979 = arith.index_cast %add3A_1913 : i32 to index
        %get3A_1980 = tpu.vector_load %arg6[%get3A_1976, %get3A_1977, %get3A_1978, %get3A_1979] {strides = array<i32>} : memref<3x4x4x2048xf32, #tpu.memory_space<vmem>>, vector<1x1x1x16xf32>,
        %get3A_1981 = vector.shape_cast %get3A_1980 : vector<1x1x1x16xf32> to vector<16xf32>
        %add3A_1982 = arith.addf %get3A_1981, %get3A_1919 : vector<16xf32>
        %swap3A_1983 = arith.constant 3 : i32
        %swap3A_1984 = arith.constant 2 : i32
        %swap3A_1985 = arith.index_cast %rem3A_281 : i32 to index
        %swap3A_1986 = arith.index_cast %swap3A_1983 : i32 to index
        %swap3A_1987 = arith.index_cast %swap3A_1984 : i32 to index
        %swap3A_1988 = arith.index_cast %add3A_1913 : i32 to index
        %swap3A_1989 = tpu.vector_load %arg6[%swap3A_1985, %swap3A_1986, %swap3A_1987, %swap3A_1988] {strides = array<i32>} : memref<3x4x4x2048xf32, #tpu.memory_space<vmem>>, vector<1x1x1x16xf32>,
        %swap3A_1990 = vector.shape_cast %swap3A_1989 : vector<1x1x1x16xf32> to vector<16xf32>
        %swap3A_1991 = vector.shape_cast %add3A_1982 : vector<16xf32> to vector<1x1x1x16xf32>
        tpu.vector_store %arg6[%swap3A_1985, %swap3A_1986, %swap3A_1987, %swap3A_1988], %swap3A_1991 {strides = array<i32>} : memref<3x4x4x2048xf32, #tpu.memory_space<vmem>>, vector<1x1x1x16xf32>,
        %add3A_1992 = arith.constant 48 : i32
        %add3A_1993 = arith.addi %mul3A_473, %add3A_1992 : i32
        %get3A_1994 = arith.constant 2 : i32
        %get3A_1995 = arith.index_cast %rem3A_281 : i32 to index
        %get3A_1996 = arith.index_cast %get3A_1994 : i32 to index
        %get3A_1997 = arith.index_cast %add3A_1993 : i32 to index
        %get3A_1998 = tpu.vector_load %arg5[%get3A_1995, %get3A_1996, %get3A_1997] {strides = array<i32>} : memref<3x4x2048xf32, #tpu.memory_space<vmem>>, vector<1x1x16xf32>,
        %get3A_1999 = vector.shape_cast %get3A_1998 : vector<1x1x16xf32> to vector<16xf32>
        %get3A_2000 = arith.constant 0 : i32
        %get3A_2001 = arith.constant 2 : i32
        %get3A_2002 = arith.index_cast %rem3A_281 : i32 to index
        %get3A_2003 = arith.index_cast %get3A_2000 : i32 to index
        %get3A_2004 = arith.index_cast %get3A_2001 : i32 to index
        %get3A_2005 = arith.index_cast %add3A_1993 : i32 to index
        %get3A_2006 = tpu.vector_load %arg6[%get3A_2002, %get3A_2003, %get3A_2004, %get3A_2005] {strides = array<i32>} : memref<3x4x4x2048xf32, #tpu.memory_space<vmem>>, vector<1x1x1x16xf32>,
        %get3A_2007 = vector.shape_cast %get3A_2006 : vector<1x1x1x16xf32> to vector<16xf32>
        %add3A_2008 = arith.addf %get3A_2007, %get3A_1999 : vector<16xf32>
        %swap3A_2009 = arith.constant 0 : i32
        %swap3A_2010 = arith.constant 2 : i32
        %swap3A_2011 = arith.index_cast %rem3A_281 : i32 to index
        %swap3A_2012 = arith.index_cast %swap3A_2009 : i32 to index
        %swap3A_2013 = arith.index_cast %swap3A_2010 : i32 to index
        %swap3A_2014 = arith.index_cast %add3A_1993 : i32 to index
        %swap3A_2015 = tpu.vector_load %arg6[%swap3A_2011, %swap3A_2012, %swap3A_2013, %swap3A_2014] {strides = array<i32>} : memref<3x4x4x2048xf32, #tpu.memory_space<vmem>>, vector<1x1x1x16xf32>,
        %swap3A_2016 = vector.shape_cast %swap3A_2015 : vector<1x1x1x16xf32> to vector<16xf32>
        %swap3A_2017 = vector.shape_cast %add3A_2008 : vector<16xf32> to vector<1x1x1x16xf32>
        tpu.vector_store %arg6[%swap3A_2011, %swap3A_2012, %swap3A_2013, %swap3A_2014], %swap3A_2017 {strides = array<i32>} : memref<3x4x4x2048xf32, #tpu.memory_space<vmem>>, vector<1x1x1x16xf32>,
        %get3A_2018 = arith.constant 1 : i32
        %get3A_2019 = arith.constant 2 : i32
        %get3A_2020 = arith.index_cast %rem3A_281 : i32 to index
        %get3A_2021 = arith.index_cast %get3A_2018 : i32 to index
        %get3A_2022 = arith.index_cast %get3A_2019 : i32 to index
        %get3A_2023 = arith.index_cast %add3A_1993 : i32 to index
        %get3A_2024 = tpu.vector_load %arg6[%get3A_2020, %get3A_2021, %get3A_2022, %get3A_2023] {strides = array<i32>} : memref<3x4x4x2048xf32, #tpu.memory_space<vmem>>, vector<1x1x1x16xf32>,
        %get3A_2025 = vector.shape_cast %get3A_2024 : vector<1x1x1x16xf32> to vector<16xf32>
        %add3A_2026 = arith.addf %get3A_2025, %get3A_1999 : vector<16xf32>
        %swap3A_2027 = arith.constant 1 : i32
        %swap3A_2028 = arith.constant 2 : i32
        %swap3A_2029 = arith.index_cast %rem3A_281 : i32 to index
        %swap3A_2030 = arith.index_cast %swap3A_2027 : i32 to index
        %swap3A_2031 = arith.index_cast %swap3A_2028 : i32 to index
        %swap3A_2032 = arith.index_cast %add3A_1993 : i32 to index
        %swap3A_2033 = tpu.vector_load %arg6[%swap3A_2029, %swap3A_2030, %swap3A_2031, %swap3A_2032] {strides = array<i32>} : memref<3x4x4x2048xf32, #tpu.memory_space<vmem>>, vector<1x1x1x16xf32>,
        %swap3A_2034 = vector.shape_cast %swap3A_2033 : vector<1x1x1x16xf32> to vector<16xf32>
        %swap3A_2035 = vector.shape_cast %add3A_2026 : vector<16xf32> to vector<1x1x1x16xf32>
        tpu.vector_store %arg6[%swap3A_2029, %swap3A_2030, %swap3A_2031, %swap3A_2032], %swap3A_2035 {strides = array<i32>} : memref<3x4x4x2048xf32, #tpu.memory_space<vmem>>, vector<1x1x1x16xf32>,
        %get3A_2036 = arith.constant 2 : i32
        %get3A_2037 = arith.constant 2 : i32
        %get3A_2038 = arith.index_cast %rem3A_281 : i32 to index
        %get3A_2039 = arith.index_cast %get3A_2036 : i32 to index
        %get3A_2040 = arith.index_cast %get3A_2037 : i32 to index
        %get3A_2041 = arith.index_cast %add3A_1993 : i32 to index
        %get3A_2042 = tpu.vector_load %arg6[%get3A_2038, %get3A_2039, %get3A_2040, %get3A_2041] {strides = array<i32>} : memref<3x4x4x2048xf32, #tpu.memory_space<vmem>>, vector<1x1x1x16xf32>,
        %get3A_2043 = vector.shape_cast %get3A_2042 : vector<1x1x1x16xf32> to vector<16xf32>
        %add3A_2044 = arith.addf %get3A_2043, %get3A_1999 : vector<16xf32>
        %swap3A_2045 = arith.constant 2 : i32
        %swap3A_2046 = arith.constant 2 : i32
        %swap3A_2047 = arith.index_cast %rem3A_281 : i32 to index
        %swap3A_2048 = arith.index_cast %swap3A_2045 : i32 to index
        %swap3A_2049 = arith.index_cast %swap3A_2046 : i32 to index
        %swap3A_2050 = arith.index_cast %add3A_1993 : i32 to index
        %swap3A_2051 = tpu.vector_load %arg6[%swap3A_2047, %swap3A_2048, %swap3A_2049, %swap3A_2050] {strides = array<i32>} : memref<3x4x4x2048xf32, #tpu.memory_space<vmem>>, vector<1x1x1x16xf32>,
        %swap3A_2052 = vector.shape_cast %swap3A_2051 : vector<1x1x1x16xf32> to vector<16xf32>
        %swap3A_2053 = vector.shape_cast %add3A_2044 : vector<16xf32> to vector<1x1x1x16xf32>
        tpu.vector_store %arg6[%swap3A_2047, %swap3A_2048, %swap3A_2049, %swap3A_2050], %swap3A_2053 {strides = array<i32>} : memref<3x4x4x2048xf32, #tpu.memory_space<vmem>>, vector<1x1x1x16xf32>,
        %get3A_2054 = arith.constant 3 : i32
        %get3A_2055 = arith.constant 2 : i32
        %get3A_2056 = arith.index_cast %rem3A_281 : i32 to index
        %get3A_2057 = arith.index_cast %get3A_2054 : i32 to index
        %get3A_2058 = arith.index_cast %get3A_2055 : i32 to index
        %get3A_2059 = arith.index_cast %add3A_1993 : i32 to index
        %get3A_2060 = tpu.vector_load %arg6[%get3A_2056, %get3A_2057, %get3A_2058, %get3A_2059] {strides = array<i32>} : memref<3x4x4x2048xf32, #tpu.memory_space<vmem>>, vector<1x1x1x16xf32>,
        %get3A_2061 = vector.shape_cast %get3A_2060 : vector<1x1x1x16xf32> to vector<16xf32>
        %add3A_2062 = arith.addf %get3A_2061, %get3A_1999 : vector<16xf32>
        %swap3A_2063 = arith.constant 3 : i32
        %swap3A_2064 = arith.constant 2 : i32
        %swap3A_2065 = arith.index_cast %rem3A_281 : i32 to index
        %swap3A_2066 = arith.index_cast %swap3A_2063 : i32 to index
        %swap3A_2067 = arith.index_cast %swap3A_2064 : i32 to index
        %swap3A_2068 = arith.index_cast %add3A_1993 : i32 to index
        %swap3A_2069 = tpu.vector_load %arg6[%swap3A_2065, %swap3A_2066, %swap3A_2067, %swap3A_2068] {strides = array<i32>} : memref<3x4x4x2048xf32, #tpu.memory_space<vmem>>, vector<1x1x1x16xf32>,
        %swap3A_2070 = vector.shape_cast %swap3A_2069 : vector<1x1x1x16xf32> to vector<16xf32>
        %swap3A_2071 = vector.shape_cast %add3A_2062 : vector<16xf32> to vector<1x1x1x16xf32>
        tpu.vector_store %arg6[%swap3A_2065, %swap3A_2066, %swap3A_2067, %swap3A_2068], %swap3A_2071 {strides = array<i32>} : memref<3x4x4x2048xf32, #tpu.memory_space<vmem>>, vector<1x1x1x16xf32>,
        %add3A_2072 = arith.constant 64 : i32
        %add3A_2073 = arith.addi %mul3A_473, %add3A_2072 : i32
        %get3A_2074 = arith.constant 2 : i32
        %get3A_2075 = arith.index_cast %rem3A_281 : i32 to index
        %get3A_2076 = arith.index_cast %get3A_2074 : i32 to index
        %get3A_2077 = arith.index_cast %add3A_2073 : i32 to index
        %get3A_2078 = tpu.vector_load %arg5[%get3A_2075, %get3A_2076, %get3A_2077] {strides = array<i32>} : memref<3x4x2048xf32, #tpu.memory_space<vmem>>, vector<1x1x16xf32>,
        %get3A_2079 = vector.shape_cast %get3A_2078 : vector<1x1x16xf32> to vector<16xf32>
        %get3A_2080 = arith.constant 0 : i32
        %get3A_2081 = arith.constant 2 : i32
        %get3A_2082 = arith.index_cast %rem3A_281 : i32 to index
        %get3A_2083 = arith.index_cast %get3A_2080 : i32 to index
        %get3A_2084 = arith.index_cast %get3A_2081 : i32 to index
        %get3A_2085 = arith.index_cast %add3A_2073 : i32 to index
        %get3A_2086 = tpu.vector_load %arg6[%get3A_2082, %get3A_2083, %get3A_2084, %get3A_2085] {strides = array<i32>} : memref<3x4x4x2048xf32, #tpu.memory_space<vmem>>, vector<1x1x1x16xf32>,
        %get3A_2087 = vector.shape_cast %get3A_2086 : vector<1x1x1x16xf32> to vector<16xf32>
        %add3A_2088 = arith.addf %get3A_2087, %get3A_2079 : vector<16xf32>
        %swap3A_2089 = arith.constant 0 : i32
        %swap3A_2090 = arith.constant 2 : i32
        %swap3A_2091 = arith.index_cast %rem3A_281 : i32 to index
        %swap3A_2092 = arith.index_cast %swap3A_2089 : i32 to index
        %swap3A_2093 = arith.index_cast %swap3A_2090 : i32 to index
        %swap3A_2094 = arith.index_cast %add3A_2073 : i32 to index
        %swap3A_2095 = tpu.vector_load %arg6[%swap3A_2091, %swap3A_2092, %swap3A_2093, %swap3A_2094] {strides = array<i32>} : memref<3x4x4x2048xf32, #tpu.memory_space<vmem>>, vector<1x1x1x16xf32>,
        %swap3A_2096 = vector.shape_cast %swap3A_2095 : vector<1x1x1x16xf32> to vector<16xf32>
        %swap3A_2097 = vector.shape_cast %add3A_2088 : vector<16xf32> to vector<1x1x1x16xf32>
        tpu.vector_store %arg6[%swap3A_2091, %swap3A_2092, %swap3A_2093, %swap3A_2094], %swap3A_2097 {strides = array<i32>} : memref<3x4x4x2048xf32, #tpu.memory_space<vmem>>, vector<1x1x1x16xf32>,
        %get3A_2098 = arith.constant 1 : i32
        %get3A_2099 = arith.constant 2 : i32
        %get3A_2100 = arith.index_cast %rem3A_281 : i32 to index
        %get3A_2101 = arith.index_cast %get3A_2098 : i32 to index
        %get3A_2102 = arith.index_cast %get3A_2099 : i32 to index
        %get3A_2103 = arith.index_cast %add3A_2073 : i32 to index
        %get3A_2104 = tpu.vector_load %arg6[%get3A_2100, %get3A_2101, %get3A_2102, %get3A_2103] {strides = array<i32>} : memref<3x4x4x2048xf32, #tpu.memory_space<vmem>>, vector<1x1x1x16xf32>,
        %get3A_2105 = vector.shape_cast %get3A_2104 : vector<1x1x1x16xf32> to vector<16xf32>
        %add3A_2106 = arith.addf %get3A_2105, %get3A_2079 : vector<16xf32>
        %swap3A_2107 = arith.constant 1 : i32
        %swap3A_2108 = arith.constant 2 : i32
        %swap3A_2109 = arith.index_cast %rem3A_281 : i32 to index
        %swap3A_2110 = arith.index_cast %swap3A_2107 : i32 to index
        %swap3A_2111 = arith.index_cast %swap3A_2108 : i32 to index
        %swap3A_2112 = arith.index_cast %add3A_2073 : i32 to index
        %swap3A_2113 = tpu.vector_load %arg6[%swap3A_2109, %swap3A_2110, %swap3A_2111, %swap3A_2112] {strides = array<i32>} : memref<3x4x4x2048xf32, #tpu.memory_space<vmem>>, vector<1x1x1x16xf32>,
        %swap3A_2114 = vector.shape_cast %swap3A_2113 : vector<1x1x1x16xf32> to vector<16xf32>
        %swap3A_2115 = vector.shape_cast %add3A_2106 : vector<16xf32> to vector<1x1x1x16xf32>
        tpu.vector_store %arg6[%swap3A_2109, %swap3A_2110, %swap3A_2111, %swap3A_2112], %swap3A_2115 {strides = array<i32>} : memref<3x4x4x2048xf32, #tpu.memory_space<vmem>>, vector<1x1x1x16xf32>,
        %get3A_2116 = arith.constant 2 : i32
        %get3A_2117 = arith.constant 2 : i32
        %get3A_2118 = arith.index_cast %rem3A_281 : i32 to index
        %get3A_2119 = arith.index_cast %get3A_2116 : i32 to index
        %get3A_2120 = arith.index_cast %get3A_2117 : i32 to index
        %get3A_2121 = arith.index_cast %add3A_2073 : i32 to index
        %get3A_2122 = tpu.vector_load %arg6[%get3A_2118, %get3A_2119, %get3A_2120, %get3A_2121] {strides = array<i32>} : memref<3x4x4x2048xf32, #tpu.memory_space<vmem>>, vector<1x1x1x16xf32>,
        %get3A_2123 = vector.shape_cast %get3A_2122 : vector<1x1x1x16xf32> to vector<16xf32>
        %add3A_2124 = arith.addf %get3A_2123, %get3A_2079 : vector<16xf32>
        %swap3A_2125 = arith.constant 2 : i32
        %swap3A_2126 = arith.constant 2 : i32
        %swap3A_2127 = arith.index_cast %rem3A_281 : i32 to index
        %swap3A_2128 = arith.index_cast %swap3A_2125 : i32 to index
        %swap3A_2129 = arith.index_cast %swap3A_2126 : i32 to index
        %swap3A_2130 = arith.index_cast %add3A_2073 : i32 to index
        %swap3A_2131 = tpu.vector_load %arg6[%swap3A_2127, %swap3A_2128, %swap3A_2129, %swap3A_2130] {strides = array<i32>} : memref<3x4x4x2048xf32, #tpu.memory_space<vmem>>, vector<1x1x1x16xf32>,
        %swap3A_2132 = vector.shape_cast %swap3A_2131 : vector<1x1x1x16xf32> to vector<16xf32>
        %swap3A_2133 = vector.shape_cast %add3A_2124 : vector<16xf32> to vector<1x1x1x16xf32>
        tpu.vector_store %arg6[%swap3A_2127, %swap3A_2128, %swap3A_2129, %swap3A_2130], %swap3A_2133 {strides = array<i32>} : memref<3x4x4x2048xf32, #tpu.memory_space<vmem>>, vector<1x1x1x16xf32>,
        %get3A_2134 = arith.constant 3 : i32
        %get3A_2135 = arith.constant 2 : i32
        %get3A_2136 = arith.index_cast %rem3A_281 : i32 to index
        %get3A_2137 = arith.index_cast %get3A_2134 : i32 to index
        %get3A_2138 = arith.index_cast %get3A_2135 : i32 to index
        %get3A_2139 = arith.index_cast %add3A_2073 : i32 to index
        %get3A_2140 = tpu.vector_load %arg6[%get3A_2136, %get3A_2137, %get3A_2138, %get3A_2139] {strides = array<i32>} : memref<3x4x4x2048xf32, #tpu.memory_space<vmem>>, vector<1x1x1x16xf32>,
        %get3A_2141 = vector.shape_cast %get3A_2140 : vector<1x1x1x16xf32> to vector<16xf32>
        %add3A_2142 = arith.addf %get3A_2141, %get3A_2079 : vector<16xf32>
        %swap3A_2143 = arith.constant 3 : i32
        %swap3A_2144 = arith.constant 2 : i32
        %swap3A_2145 = arith.index_cast %rem3A_281 : i32 to index
        %swap3A_2146 = arith.index_cast %swap3A_2143 : i32 to index
        %swap3A_2147 = arith.index_cast %swap3A_2144 : i32 to index
        %swap3A_2148 = arith.index_cast %add3A_2073 : i32 to index
        %swap3A_2149 = tpu.vector_load %arg6[%swap3A_2145, %swap3A_2146, %swap3A_2147, %swap3A_2148] {strides = array<i32>} : memref<3x4x4x2048xf32, #tpu.memory_space<vmem>>, vector<1x1x1x16xf32>,
        %swap3A_2150 = vector.shape_cast %swap3A_2149 : vector<1x1x1x16xf32> to vector<16xf32>
        %swap3A_2151 = vector.shape_cast %add3A_2142 : vector<16xf32> to vector<1x1x1x16xf32>
        tpu.vector_store %arg6[%swap3A_2145, %swap3A_2146, %swap3A_2147, %swap3A_2148], %swap3A_2151 {strides = array<i32>} : memref<3x4x4x2048xf32, #tpu.memory_space<vmem>>, vector<1x1x1x16xf32>,
        %add3A_2152 = arith.constant 80 : i32
        %add3A_2153 = arith.addi %mul3A_473, %add3A_2152 : i32
        %get3A_2154 = arith.constant 2 : i32
        %get3A_2155 = arith.index_cast %rem3A_281 : i32 to index
        %get3A_2156 = arith.index_cast %get3A_2154 : i32 to index
        %get3A_2157 = arith.index_cast %add3A_2153 : i32 to index
        %get3A_2158 = tpu.vector_load %arg5[%get3A_2155, %get3A_2156, %get3A_2157] {strides = array<i32>} : memref<3x4x2048xf32, #tpu.memory_space<vmem>>, vector<1x1x16xf32>,
        %get3A_2159 = vector.shape_cast %get3A_2158 : vector<1x1x16xf32> to vector<16xf32>
        %get3A_2160 = arith.constant 0 : i32
        %get3A_2161 = arith.constant 2 : i32
        %get3A_2162 = arith.index_cast %rem3A_281 : i32 to index
        %get3A_2163 = arith.index_cast %get3A_2160 : i32 to index
        %get3A_2164 = arith.index_cast %get3A_2161 : i32 to index
        %get3A_2165 = arith.index_cast %add3A_2153 : i32 to index
        %get3A_2166 = tpu.vector_load %arg6[%get3A_2162, %get3A_2163, %get3A_2164, %get3A_2165] {strides = array<i32>} : memref<3x4x4x2048xf32, #tpu.memory_space<vmem>>, vector<1x1x1x16xf32>,
        %get3A_2167 = vector.shape_cast %get3A_2166 : vector<1x1x1x16xf32> to vector<16xf32>
        %add3A_2168 = arith.addf %get3A_2167, %get3A_2159 : vector<16xf32>
        %swap3A_2169 = arith.constant 0 : i32
        %swap3A_2170 = arith.constant 2 : i32
        %swap3A_2171 = arith.index_cast %rem3A_281 : i32 to index
        %swap3A_2172 = arith.index_cast %swap3A_2169 : i32 to index
        %swap3A_2173 = arith.index_cast %swap3A_2170 : i32 to index
        %swap3A_2174 = arith.index_cast %add3A_2153 : i32 to index
        %swap3A_2175 = tpu.vector_load %arg6[%swap3A_2171, %swap3A_2172, %swap3A_2173, %swap3A_2174] {strides = array<i32>} : memref<3x4x4x2048xf32, #tpu.memory_space<vmem>>, vector<1x1x1x16xf32>,
        %swap3A_2176 = vector.shape_cast %swap3A_2175 : vector<1x1x1x16xf32> to vector<16xf32>
        %swap3A_2177 = vector.shape_cast %add3A_2168 : vector<16xf32> to vector<1x1x1x16xf32>
        tpu.vector_store %arg6[%swap3A_2171, %swap3A_2172, %swap3A_2173, %swap3A_2174], %swap3A_2177 {strides = array<i32>} : memref<3x4x4x2048xf32, #tpu.memory_space<vmem>>, vector<1x1x1x16xf32>,
        %get3A_2178 = arith.constant 1 : i32
        %get3A_2179 = arith.constant 2 : i32
        %get3A_2180 = arith.index_cast %rem3A_281 : i32 to index
        %get3A_2181 = arith.index_cast %get3A_2178 : i32 to index
        %get3A_2182 = arith.index_cast %get3A_2179 : i32 to index
        %get3A_2183 = arith.index_cast %add3A_2153 : i32 to index
        %get3A_2184 = tpu.vector_load %arg6[%get3A_2180, %get3A_2181, %get3A_2182, %get3A_2183] {strides = array<i32>} : memref<3x4x4x2048xf32, #tpu.memory_space<vmem>>, vector<1x1x1x16xf32>,
        %get3A_2185 = vector.shape_cast %get3A_2184 : vector<1x1x1x16xf32> to vector<16xf32>
        %add3A_2186 = arith.addf %get3A_2185, %get3A_2159 : vector<16xf32>
        %swap3A_2187 = arith.constant 1 : i32
        %swap3A_2188 = arith.constant 2 : i32
        %swap3A_2189 = arith.index_cast %rem3A_281 : i32 to index
        %swap3A_2190 = arith.index_cast %swap3A_2187 : i32 to index
        %swap3A_2191 = arith.index_cast %swap3A_2188 : i32 to index
        %swap3A_2192 = arith.index_cast %add3A_2153 : i32 to index
        %swap3A_2193 = tpu.vector_load %arg6[%swap3A_2189, %swap3A_2190, %swap3A_2191, %swap3A_2192] {strides = array<i32>} : memref<3x4x4x2048xf32, #tpu.memory_space<vmem>>, vector<1x1x1x16xf32>,
        %swap3A_2194 = vector.shape_cast %swap3A_2193 : vector<1x1x1x16xf32> to vector<16xf32>
        %swap3A_2195 = vector.shape_cast %add3A_2186 : vector<16xf32> to vector<1x1x1x16xf32>
        tpu.vector_store %arg6[%swap3A_2189, %swap3A_2190, %swap3A_2191, %swap3A_2192], %swap3A_2195 {strides = array<i32>} : memref<3x4x4x2048xf32, #tpu.memory_space<vmem>>, vector<1x1x1x16xf32>,
        %get3A_2196 = arith.constant 2 : i32
        %get3A_2197 = arith.constant 2 : i32
        %get3A_2198 = arith.index_cast %rem3A_281 : i32 to index
        %get3A_2199 = arith.index_cast %get3A_2196 : i32 to index
        %get3A_2200 = arith.index_cast %get3A_2197 : i32 to index
        %get3A_2201 = arith.index_cast %add3A_2153 : i32 to index
        %get3A_2202 = tpu.vector_load %arg6[%get3A_2198, %get3A_2199, %get3A_2200, %get3A_2201] {strides = array<i32>} : memref<3x4x4x2048xf32, #tpu.memory_space<vmem>>, vector<1x1x1x16xf32>,
        %get3A_2203 = vector.shape_cast %get3A_2202 : vector<1x1x1x16xf32> to vector<16xf32>
        %add3A_2204 = arith.addf %get3A_2203, %get3A_2159 : vector<16xf32>
        %swap3A_2205 = arith.constant 2 : i32
        %swap3A_2206 = arith.constant 2 : i32
        %swap3A_2207 = arith.index_cast %rem3A_281 : i32 to index
        %swap3A_2208 = arith.index_cast %swap3A_2205 : i32 to index
        %swap3A_2209 = arith.index_cast %swap3A_2206 : i32 to index
        %swap3A_2210 = arith.index_cast %add3A_2153 : i32 to index
        %swap3A_2211 = tpu.vector_load %arg6[%swap3A_2207, %swap3A_2208, %swap3A_2209, %swap3A_2210] {strides = array<i32>} : memref<3x4x4x2048xf32, #tpu.memory_space<vmem>>, vector<1x1x1x16xf32>,
        %swap3A_2212 = vector.shape_cast %swap3A_2211 : vector<1x1x1x16xf32> to vector<16xf32>
        %swap3A_2213 = vector.shape_cast %add3A_2204 : vector<16xf32> to vector<1x1x1x16xf32>
        tpu.vector_store %arg6[%swap3A_2207, %swap3A_2208, %swap3A_2209, %swap3A_2210], %swap3A_2213 {strides = array<i32>} : memref<3x4x4x2048xf32, #tpu.memory_space<vmem>>, vector<1x1x1x16xf32>,
        %get3A_2214 = arith.constant 3 : i32
        %get3A_2215 = arith.constant 2 : i32
        %get3A_2216 = arith.index_cast %rem3A_281 : i32 to index
        %get3A_2217 = arith.index_cast %get3A_2214 : i32 to index
        %get3A_2218 = arith.index_cast %get3A_2215 : i32 to index
        %get3A_2219 = arith.index_cast %add3A_2153 : i32 to index
        %get3A_2220 = tpu.vector_load %arg6[%get3A_2216, %get3A_2217, %get3A_2218, %get3A_2219] {strides = array<i32>} : memref<3x4x4x2048xf32, #tpu.memory_space<vmem>>, vector<1x1x1x16xf32>,
        %get3A_2221 = vector.shape_cast %get3A_2220 : vector<1x1x1x16xf32> to vector<16xf32>
        %add3A_2222 = arith.addf %get3A_2221, %get3A_2159 : vector<16xf32>
        %swap3A_2223 = arith.constant 3 : i32
        %swap3A_2224 = arith.constant 2 : i32
        %swap3A_2225 = arith.index_cast %rem3A_281 : i32 to index
        %swap3A_2226 = arith.index_cast %swap3A_2223 : i32 to index
        %swap3A_2227 = arith.index_cast %swap3A_2224 : i32 to index
        %swap3A_2228 = arith.index_cast %add3A_2153 : i32 to index
        %swap3A_2229 = tpu.vector_load %arg6[%swap3A_2225, %swap3A_2226, %swap3A_2227, %swap3A_2228] {strides = array<i32>} : memref<3x4x4x2048xf32, #tpu.memory_space<vmem>>, vector<1x1x1x16xf32>,
        %swap3A_2230 = vector.shape_cast %swap3A_2229 : vector<1x1x1x16xf32> to vector<16xf32>
        %swap3A_2231 = vector.shape_cast %add3A_2222 : vector<16xf32> to vector<1x1x1x16xf32>
        tpu.vector_store %arg6[%swap3A_2225, %swap3A_2226, %swap3A_2227, %swap3A_2228], %swap3A_2231 {strides = array<i32>} : memref<3x4x4x2048xf32, #tpu.memory_space<vmem>>, vector<1x1x1x16xf32>,
        %add3A_2232 = arith.constant 96 : i32
        %add3A_2233 = arith.addi %mul3A_473, %add3A_2232 : i32
        %get3A_2234 = arith.constant 2 : i32
        %get3A_2235 = arith.index_cast %rem3A_281 : i32 to index
        %get3A_2236 = arith.index_cast %get3A_2234 : i32 to index
        %get3A_2237 = arith.index_cast %add3A_2233 : i32 to index
        %get3A_2238 = tpu.vector_load %arg5[%get3A_2235, %get3A_2236, %get3A_2237] {strides = array<i32>} : memref<3x4x2048xf32, #tpu.memory_space<vmem>>, vector<1x1x16xf32>,
        %get3A_2239 = vector.shape_cast %get3A_2238 : vector<1x1x16xf32> to vector<16xf32>
        %get3A_2240 = arith.constant 0 : i32
        %get3A_2241 = arith.constant 2 : i32
        %get3A_2242 = arith.index_cast %rem3A_281 : i32 to index
        %get3A_2243 = arith.index_cast %get3A_2240 : i32 to index
        %get3A_2244 = arith.index_cast %get3A_2241 : i32 to index
        %get3A_2245 = arith.index_cast %add3A_2233 : i32 to index
        %get3A_2246 = tpu.vector_load %arg6[%get3A_2242, %get3A_2243, %get3A_2244, %get3A_2245] {strides = array<i32>} : memref<3x4x4x2048xf32, #tpu.memory_space<vmem>>, vector<1x1x1x16xf32>,
        %get3A_2247 = vector.shape_cast %get3A_2246 : vector<1x1x1x16xf32> to vector<16xf32>
        %add3A_2248 = arith.addf %get3A_2247, %get3A_2239 : vector<16xf32>
        %swap3A_2249 = arith.constant 0 : i32
        %swap3A_2250 = arith.constant 2 : i32
        %swap3A_2251 = arith.index_cast %rem3A_281 : i32 to index
        %swap3A_2252 = arith.index_cast %swap3A_2249 : i32 to index
        %swap3A_2253 = arith.index_cast %swap3A_2250 : i32 to index
        %swap3A_2254 = arith.index_cast %add3A_2233 : i32 to index
        %swap3A_2255 = tpu.vector_load %arg6[%swap3A_2251, %swap3A_2252, %swap3A_2253, %swap3A_2254] {strides = array<i32>} : memref<3x4x4x2048xf32, #tpu.memory_space<vmem>>, vector<1x1x1x16xf32>,
        %swap3A_2256 = vector.shape_cast %swap3A_2255 : vector<1x1x1x16xf32> to vector<16xf32>
        %swap3A_2257 = vector.shape_cast %add3A_2248 : vector<16xf32> to vector<1x1x1x16xf32>
        tpu.vector_store %arg6[%swap3A_2251, %swap3A_2252, %swap3A_2253, %swap3A_2254], %swap3A_2257 {strides = array<i32>} : memref<3x4x4x2048xf32, #tpu.memory_space<vmem>>, vector<1x1x1x16xf32>,
        %get3A_2258 = arith.constant 1 : i32
        %get3A_2259 = arith.constant 2 : i32
        %get3A_2260 = arith.index_cast %rem3A_281 : i32 to index
        %get3A_2261 = arith.index_cast %get3A_2258 : i32 to index
        %get3A_2262 = arith.index_cast %get3A_2259 : i32 to index
        %get3A_2263 = arith.index_cast %add3A_2233 : i32 to index
        %get3A_2264 = tpu.vector_load %arg6[%get3A_2260, %get3A_2261, %get3A_2262, %get3A_2263] {strides = array<i32>} : memref<3x4x4x2048xf32, #tpu.memory_space<vmem>>, vector<1x1x1x16xf32>,
        %get3A_2265 = vector.shape_cast %get3A_2264 : vector<1x1x1x16xf32> to vector<16xf32>
        %add3A_2266 = arith.addf %get3A_2265, %get3A_2239 : vector<16xf32>
        %swap3A_2267 = arith.constant 1 : i32
        %swap3A_2268 = arith.constant 2 : i32
        %swap3A_2269 = arith.index_cast %rem3A_281 : i32 to index
        %swap3A_2270 = arith.index_cast %swap3A_2267 : i32 to index
        %swap3A_2271 = arith.index_cast %swap3A_2268 : i32 to index
        %swap3A_2272 = arith.index_cast %add3A_2233 : i32 to index
        %swap3A_2273 = tpu.vector_load %arg6[%swap3A_2269, %swap3A_2270, %swap3A_2271, %swap3A_2272] {strides = array<i32>} : memref<3x4x4x2048xf32, #tpu.memory_space<vmem>>, vector<1x1x1x16xf32>,
        %swap3A_2274 = vector.shape_cast %swap3A_2273 : vector<1x1x1x16xf32> to vector<16xf32>
        %swap3A_2275 = vector.shape_cast %add3A_2266 : vector<16xf32> to vector<1x1x1x16xf32>
        tpu.vector_store %arg6[%swap3A_2269, %swap3A_2270, %swap3A_2271, %swap3A_2272], %swap3A_2275 {strides = array<i32>} : memref<3x4x4x2048xf32, #tpu.memory_space<vmem>>, vector<1x1x1x16xf32>,
        %get3A_2276 = arith.constant 2 : i32
        %get3A_2277 = arith.constant 2 : i32
        %get3A_2278 = arith.index_cast %rem3A_281 : i32 to index
        %get3A_2279 = arith.index_cast %get3A_2276 : i32 to index
        %get3A_2280 = arith.index_cast %get3A_2277 : i32 to index
        %get3A_2281 = arith.index_cast %add3A_2233 : i32 to index
        %get3A_2282 = tpu.vector_load %arg6[%get3A_2278, %get3A_2279, %get3A_2280, %get3A_2281] {strides = array<i32>} : memref<3x4x4x2048xf32, #tpu.memory_space<vmem>>, vector<1x1x1x16xf32>,
        %get3A_2283 = vector.shape_cast %get3A_2282 : vector<1x1x1x16xf32> to vector<16xf32>
        %add3A_2284 = arith.addf %get3A_2283, %get3A_2239 : vector<16xf32>
        %swap3A_2285 = arith.constant 2 : i32
        %swap3A_2286 = arith.constant 2 : i32
        %swap3A_2287 = arith.index_cast %rem3A_281 : i32 to index
        %swap3A_2288 = arith.index_cast %swap3A_2285 : i32 to index
        %swap3A_2289 = arith.index_cast %swap3A_2286 : i32 to index
        %swap3A_2290 = arith.index_cast %add3A_2233 : i32 to index
        %swap3A_2291 = tpu.vector_load %arg6[%swap3A_2287, %swap3A_2288, %swap3A_2289, %swap3A_2290] {strides = array<i32>} : memref<3x4x4x2048xf32, #tpu.memory_space<vmem>>, vector<1x1x1x16xf32>,
        %swap3A_2292 = vector.shape_cast %swap3A_2291 : vector<1x1x1x16xf32> to vector<16xf32>
        %swap3A_2293 = vector.shape_cast %add3A_2284 : vector<16xf32> to vector<1x1x1x16xf32>
        tpu.vector_store %arg6[%swap3A_2287, %swap3A_2288, %swap3A_2289, %swap3A_2290], %swap3A_2293 {strides = array<i32>} : memref<3x4x4x2048xf32, #tpu.memory_space<vmem>>, vector<1x1x1x16xf32>,
        %get3A_2294 = arith.constant 3 : i32
        %get3A_2295 = arith.constant 2 : i32
        %get3A_2296 = arith.index_cast %rem3A_281 : i32 to index
        %get3A_2297 = arith.index_cast %get3A_2294 : i32 to index
        %get3A_2298 = arith.index_cast %get3A_2295 : i32 to index
        %get3A_2299 = arith.index_cast %add3A_2233 : i32 to index
        %get3A_2300 = tpu.vector_load %arg6[%get3A_2296, %get3A_2297, %get3A_2298, %get3A_2299] {strides = array<i32>} : memref<3x4x4x2048xf32, #tpu.memory_space<vmem>>, vector<1x1x1x16xf32>,
        %get3A_2301 = vector.shape_cast %get3A_2300 : vector<1x1x1x16xf32> to vector<16xf32>
        %add3A_2302 = arith.addf %get3A_2301, %get3A_2239 : vector<16xf32>
        %swap3A_2303 = arith.constant 3 : i32
        %swap3A_2304 = arith.constant 2 : i32
        %swap3A_2305 = arith.index_cast %rem3A_281 : i32 to index
        %swap3A_2306 = arith.index_cast %swap3A_2303 : i32 to index
        %swap3A_2307 = arith.index_cast %swap3A_2304 : i32 to index
        %swap3A_2308 = arith.index_cast %add3A_2233 : i32 to index
        %swap3A_2309 = tpu.vector_load %arg6[%swap3A_2305, %swap3A_2306, %swap3A_2307, %swap3A_2308] {strides = array<i32>} : memref<3x4x4x2048xf32, #tpu.memory_space<vmem>>, vector<1x1x1x16xf32>,
        %swap3A_2310 = vector.shape_cast %swap3A_2309 : vector<1x1x1x16xf32> to vector<16xf32>
        %swap3A_2311 = vector.shape_cast %add3A_2302 : vector<16xf32> to vector<1x1x1x16xf32>
        tpu.vector_store %arg6[%swap3A_2305, %swap3A_2306, %swap3A_2307, %swap3A_2308], %swap3A_2311 {strides = array<i32>} : memref<3x4x4x2048xf32, #tpu.memory_space<vmem>>, vector<1x1x1x16xf32>,
        %add3A_2312 = arith.constant 112 : i32
        %add3A_2313 = arith.addi %mul3A_473, %add3A_2312 : i32
        %get3A_2314 = arith.constant 2 : i32
        %get3A_2315 = arith.index_cast %rem3A_281 : i32 to index
        %get3A_2316 = arith.index_cast %get3A_2314 : i32 to index
        %get3A_2317 = arith.index_cast %add3A_2313 : i32 to index
        %get3A_2318 = tpu.vector_load %arg5[%get3A_2315, %get3A_2316, %get3A_2317] {strides = array<i32>} : memref<3x4x2048xf32, #tpu.memory_space<vmem>>, vector<1x1x16xf32>,
        %get3A_2319 = vector.shape_cast %get3A_2318 : vector<1x1x16xf32> to vector<16xf32>
        %get3A_2320 = arith.constant 0 : i32
        %get3A_2321 = arith.constant 2 : i32
        %get3A_2322 = arith.index_cast %rem3A_281 : i32 to index
        %get3A_2323 = arith.index_cast %get3A_2320 : i32 to index
        %get3A_2324 = arith.index_cast %get3A_2321 : i32 to index
        %get3A_2325 = arith.index_cast %add3A_2313 : i32 to index
        %get3A_2326 = tpu.vector_load %arg6[%get3A_2322, %get3A_2323, %get3A_2324, %get3A_2325] {strides = array<i32>} : memref<3x4x4x2048xf32, #tpu.memory_space<vmem>>, vector<1x1x1x16xf32>,
        %get3A_2327 = vector.shape_cast %get3A_2326 : vector<1x1x1x16xf32> to vector<16xf32>
        %add3A_2328 = arith.addf %get3A_2327, %get3A_2319 : vector<16xf32>
        %swap3A_2329 = arith.constant 0 : i32
        %swap3A_2330 = arith.constant 2 : i32
        %swap3A_2331 = arith.index_cast %rem3A_281 : i32 to index
        %swap3A_2332 = arith.index_cast %swap3A_2329 : i32 to index
        %swap3A_2333 = arith.index_cast %swap3A_2330 : i32 to index
        %swap3A_2334 = arith.index_cast %add3A_2313 : i32 to index
        %swap3A_2335 = tpu.vector_load %arg6[%swap3A_2331, %swap3A_2332, %swap3A_2333, %swap3A_2334] {strides = array<i32>} : memref<3x4x4x2048xf32, #tpu.memory_space<vmem>>, vector<1x1x1x16xf32>,
        %swap3A_2336 = vector.shape_cast %swap3A_2335 : vector<1x1x1x16xf32> to vector<16xf32>
        %swap3A_2337 = vector.shape_cast %add3A_2328 : vector<16xf32> to vector<1x1x1x16xf32>
        tpu.vector_store %arg6[%swap3A_2331, %swap3A_2332, %swap3A_2333, %swap3A_2334], %swap3A_2337 {strides = array<i32>} : memref<3x4x4x2048xf32, #tpu.memory_space<vmem>>, vector<1x1x1x16xf32>,
        %get3A_2338 = arith.constant 1 : i32
        %get3A_2339 = arith.constant 2 : i32
        %get3A_2340 = arith.index_cast %rem3A_281 : i32 to index
        %get3A_2341 = arith.index_cast %get3A_2338 : i32 to index
        %get3A_2342 = arith.index_cast %get3A_2339 : i32 to index
        %get3A_2343 = arith.index_cast %add3A_2313 : i32 to index
        %get3A_2344 = tpu.vector_load %arg6[%get3A_2340, %get3A_2341, %get3A_2342, %get3A_2343] {strides = array<i32>} : memref<3x4x4x2048xf32, #tpu.memory_space<vmem>>, vector<1x1x1x16xf32>,
        %get3A_2345 = vector.shape_cast %get3A_2344 : vector<1x1x1x16xf32> to vector<16xf32>
        %add3A_2346 = arith.addf %get3A_2345, %get3A_2319 : vector<16xf32>
        %swap3A_2347 = arith.constant 1 : i32
        %swap3A_2348 = arith.constant 2 : i32
        %swap3A_2349 = arith.index_cast %rem3A_281 : i32 to index
        %swap3A_2350 = arith.index_cast %swap3A_2347 : i32 to index
        %swap3A_2351 = arith.index_cast %swap3A_2348 : i32 to index
        %swap3A_2352 = arith.index_cast %add3A_2313 : i32 to index
        %swap3A_2353 = tpu.vector_load %arg6[%swap3A_2349, %swap3A_2350, %swap3A_2351, %swap3A_2352] {strides = array<i32>} : memref<3x4x4x2048xf32, #tpu.memory_space<vmem>>, vector<1x1x1x16xf32>,
        %swap3A_2354 = vector.shape_cast %swap3A_2353 : vector<1x1x1x16xf32> to vector<16xf32>
        %swap3A_2355 = vector.shape_cast %add3A_2346 : vector<16xf32> to vector<1x1x1x16xf32>
        tpu.vector_store %arg6[%swap3A_2349, %swap3A_2350, %swap3A_2351, %swap3A_2352], %swap3A_2355 {strides = array<i32>} : memref<3x4x4x2048xf32, #tpu.memory_space<vmem>>, vector<1x1x1x16xf32>,
        %get3A_2356 = arith.constant 2 : i32
        %get3A_2357 = arith.constant 2 : i32
        %get3A_2358 = arith.index_cast %rem3A_281 : i32 to index
        %get3A_2359 = arith.index_cast %get3A_2356 : i32 to index
        %get3A_2360 = arith.index_cast %get3A_2357 : i32 to index
        %get3A_2361 = arith.index_cast %add3A_2313 : i32 to index
        %get3A_2362 = tpu.vector_load %arg6[%get3A_2358, %get3A_2359, %get3A_2360, %get3A_2361] {strides = array<i32>} : memref<3x4x4x2048xf32, #tpu.memory_space<vmem>>, vector<1x1x1x16xf32>,
        %get3A_2363 = vector.shape_cast %get3A_2362 : vector<1x1x1x16xf32> to vector<16xf32>
        %add3A_2364 = arith.addf %get3A_2363, %get3A_2319 : vector<16xf32>
        %swap3A_2365 = arith.constant 2 : i32
        %swap3A_2366 = arith.constant 2 : i32
        %swap3A_2367 = arith.index_cast %rem3A_281 : i32 to index
        %swap3A_2368 = arith.index_cast %swap3A_2365 : i32 to index
        %swap3A_2369 = arith.index_cast %swap3A_2366 : i32 to index
        %swap3A_2370 = arith.index_cast %add3A_2313 : i32 to index
        %swap3A_2371 = tpu.vector_load %arg6[%swap3A_2367, %swap3A_2368, %swap3A_2369, %swap3A_2370] {strides = array<i32>} : memref<3x4x4x2048xf32, #tpu.memory_space<vmem>>, vector<1x1x1x16xf32>,
        %swap3A_2372 = vector.shape_cast %swap3A_2371 : vector<1x1x1x16xf32> to vector<16xf32>
        %swap3A_2373 = vector.shape_cast %add3A_2364 : vector<16xf32> to vector<1x1x1x16xf32>
        tpu.vector_store %arg6[%swap3A_2367, %swap3A_2368, %swap3A_2369, %swap3A_2370], %swap3A_2373 {strides = array<i32>} : memref<3x4x4x2048xf32, #tpu.memory_space<vmem>>, vector<1x1x1x16xf32>,
        %get3A_2374 = arith.constant 3 : i32
        %get3A_2375 = arith.constant 2 : i32
        %get3A_2376 = arith.index_cast %rem3A_281 : i32 to index
        %get3A_2377 = arith.index_cast %get3A_2374 : i32 to index
        %get3A_2378 = arith.index_cast %get3A_2375 : i32 to index
        %get3A_2379 = arith.index_cast %add3A_2313 : i32 to index
        %get3A_2380 = tpu.vector_load %arg6[%get3A_2376, %get3A_2377, %get3A_2378, %get3A_2379] {strides = array<i32>} : memref<3x4x4x2048xf32, #tpu.memory_space<vmem>>, vector<1x1x1x16xf32>,
        %get3A_2381 = vector.shape_cast %get3A_2380 : vector<1x1x1x16xf32> to vector<16xf32>
        %add3A_2382 = arith.addf %get3A_2381, %get3A_2319 : vector<16xf32>
        %swap3A_2383 = arith.constant 3 : i32
        %swap3A_2384 = arith.constant 2 : i32
        %swap3A_2385 = arith.index_cast %rem3A_281 : i32 to index
        %swap3A_2386 = arith.index_cast %swap3A_2383 : i32 to index
        %swap3A_2387 = arith.index_cast %swap3A_2384 : i32 to index
        %swap3A_2388 = arith.index_cast %add3A_2313 : i32 to index
        %swap3A_2389 = tpu.vector_load %arg6[%swap3A_2385, %swap3A_2386, %swap3A_2387, %swap3A_2388] {strides = array<i32>} : memref<3x4x4x2048xf32, #tpu.memory_space<vmem>>, vector<1x1x1x16xf32>,
        %swap3A_2390 = vector.shape_cast %swap3A_2389 : vector<1x1x1x16xf32> to vector<16xf32>
        %swap3A_2391 = vector.shape_cast %add3A_2382 : vector<16xf32> to vector<1x1x1x16xf32>
        tpu.vector_store %arg6[%swap3A_2385, %swap3A_2386, %swap3A_2387, %swap3A_2388], %swap3A_2391 {strides = array<i32>} : memref<3x4x4x2048xf32, #tpu.memory_space<vmem>>, vector<1x1x1x16xf32>,
        %add3A_2392 = arith.constant 0 : i32
        %add3A_2393 = arith.addi %mul3A_473, %add3A_2392 : i32
        %get3A_2394 = arith.constant 3 : i32
        %get3A_2395 = arith.index_cast %rem3A_281 : i32 to index
        %get3A_2396 = arith.index_cast %get3A_2394 : i32 to index
        %get3A_2397 = arith.index_cast %add3A_2393 : i32 to index
        %get3A_2398 = tpu.vector_load %arg5[%get3A_2395, %get3A_2396, %get3A_2397] {strides = array<i32>} : memref<3x4x2048xf32, #tpu.memory_space<vmem>>, vector<1x1x16xf32>,
        %get3A_2399 = vector.shape_cast %get3A_2398 : vector<1x1x16xf32> to vector<16xf32>
        %get3A_2400 = arith.constant 0 : i32
        %get3A_2401 = arith.constant 3 : i32
        %get3A_2402 = arith.index_cast %rem3A_281 : i32 to index
        %get3A_2403 = arith.index_cast %get3A_2400 : i32 to index
        %get3A_2404 = arith.index_cast %get3A_2401 : i32 to index
        %get3A_2405 = arith.index_cast %add3A_2393 : i32 to index
        %get3A_2406 = tpu.vector_load %arg6[%get3A_2402, %get3A_2403, %get3A_2404, %get3A_2405] {strides = array<i32>} : memref<3x4x4x2048xf32, #tpu.memory_space<vmem>>, vector<1x1x1x16xf32>,
        %get3A_2407 = vector.shape_cast %get3A_2406 : vector<1x1x1x16xf32> to vector<16xf32>
        %add3A_2408 = arith.addf %get3A_2407, %get3A_2399 : vector<16xf32>
        %swap3A_2409 = arith.constant 0 : i32
        %swap3A_2410 = arith.constant 3 : i32
        %swap3A_2411 = arith.index_cast %rem3A_281 : i32 to index
        %swap3A_2412 = arith.index_cast %swap3A_2409 : i32 to index
        %swap3A_2413 = arith.index_cast %swap3A_2410 : i32 to index
        %swap3A_2414 = arith.index_cast %add3A_2393 : i32 to index
        %swap3A_2415 = tpu.vector_load %arg6[%swap3A_2411, %swap3A_2412, %swap3A_2413, %swap3A_2414] {strides = array<i32>} : memref<3x4x4x2048xf32, #tpu.memory_space<vmem>>, vector<1x1x1x16xf32>,
        %swap3A_2416 = vector.shape_cast %swap3A_2415 : vector<1x1x1x16xf32> to vector<16xf32>
        %swap3A_2417 = vector.shape_cast %add3A_2408 : vector<16xf32> to vector<1x1x1x16xf32>
        tpu.vector_store %arg6[%swap3A_2411, %swap3A_2412, %swap3A_2413, %swap3A_2414], %swap3A_2417 {strides = array<i32>} : memref<3x4x4x2048xf32, #tpu.memory_space<vmem>>, vector<1x1x1x16xf32>,
        %get3A_2418 = arith.constant 1 : i32
        %get3A_2419 = arith.constant 3 : i32
        %get3A_2420 = arith.index_cast %rem3A_281 : i32 to index
        %get3A_2421 = arith.index_cast %get3A_2418 : i32 to index
        %get3A_2422 = arith.index_cast %get3A_2419 : i32 to index
        %get3A_2423 = arith.index_cast %add3A_2393 : i32 to index
        %get3A_2424 = tpu.vector_load %arg6[%get3A_2420, %get3A_2421, %get3A_2422, %get3A_2423] {strides = array<i32>} : memref<3x4x4x2048xf32, #tpu.memory_space<vmem>>, vector<1x1x1x16xf32>,
        %get3A_2425 = vector.shape_cast %get3A_2424 : vector<1x1x1x16xf32> to vector<16xf32>
        %add3A_2426 = arith.addf %get3A_2425, %get3A_2399 : vector<16xf32>
        %swap3A_2427 = arith.constant 1 : i32
        %swap3A_2428 = arith.constant 3 : i32
        %swap3A_2429 = arith.index_cast %rem3A_281 : i32 to index
        %swap3A_2430 = arith.index_cast %swap3A_2427 : i32 to index
        %swap3A_2431 = arith.index_cast %swap3A_2428 : i32 to index
        %swap3A_2432 = arith.index_cast %add3A_2393 : i32 to index
        %swap3A_2433 = tpu.vector_load %arg6[%swap3A_2429, %swap3A_2430, %swap3A_2431, %swap3A_2432] {strides = array<i32>} : memref<3x4x4x2048xf32, #tpu.memory_space<vmem>>, vector<1x1x1x16xf32>,
        %swap3A_2434 = vector.shape_cast %swap3A_2433 : vector<1x1x1x16xf32> to vector<16xf32>
        %swap3A_2435 = vector.shape_cast %add3A_2426 : vector<16xf32> to vector<1x1x1x16xf32>
        tpu.vector_store %arg6[%swap3A_2429, %swap3A_2430, %swap3A_2431, %swap3A_2432], %swap3A_2435 {strides = array<i32>} : memref<3x4x4x2048xf32, #tpu.memory_space<vmem>>, vector<1x1x1x16xf32>,
        %get3A_2436 = arith.constant 2 : i32
        %get3A_2437 = arith.constant 3 : i32
        %get3A_2438 = arith.index_cast %rem3A_281 : i32 to index
        %get3A_2439 = arith.index_cast %get3A_2436 : i32 to index
        %get3A_2440 = arith.index_cast %get3A_2437 : i32 to index
        %get3A_2441 = arith.index_cast %add3A_2393 : i32 to index
        %get3A_2442 = tpu.vector_load %arg6[%get3A_2438, %get3A_2439, %get3A_2440, %get3A_2441] {strides = array<i32>} : memref<3x4x4x2048xf32, #tpu.memory_space<vmem>>, vector<1x1x1x16xf32>,
        %get3A_2443 = vector.shape_cast %get3A_2442 : vector<1x1x1x16xf32> to vector<16xf32>
        %add3A_2444 = arith.addf %get3A_2443, %get3A_2399 : vector<16xf32>
        %swap3A_2445 = arith.constant 2 : i32
        %swap3A_2446 = arith.constant 3 : i32
        %swap3A_2447 = arith.index_cast %rem3A_281 : i32 to index
        %swap3A_2448 = arith.index_cast %swap3A_2445 : i32 to index
        %swap3A_2449 = arith.index_cast %swap3A_2446 : i32 to index
        %swap3A_2450 = arith.index_cast %add3A_2393 : i32 to index
        %swap3A_2451 = tpu.vector_load %arg6[%swap3A_2447, %swap3A_2448, %swap3A_2449, %swap3A_2450] {strides = array<i32>} : memref<3x4x4x2048xf32, #tpu.memory_space<vmem>>, vector<1x1x1x16xf32>,
        %swap3A_2452 = vector.shape_cast %swap3A_2451 : vector<1x1x1x16xf32> to vector<16xf32>
        %swap3A_2453 = vector.shape_cast %add3A_2444 : vector<16xf32> to vector<1x1x1x16xf32>
        tpu.vector_store %arg6[%swap3A_2447, %swap3A_2448, %swap3A_2449, %swap3A_2450], %swap3A_2453 {strides = array<i32>} : memref<3x4x4x2048xf32, #tpu.memory_space<vmem>>, vector<1x1x1x16xf32>,
        %get3A_2454 = arith.constant 3 : i32
        %get3A_2455 = arith.constant 3 : i32
        %get3A_2456 = arith.index_cast %rem3A_281 : i32 to index
        %get3A_2457 = arith.index_cast %get3A_2454 : i32 to index
        %get3A_2458 = arith.index_cast %get3A_2455 : i32 to index
        %get3A_2459 = arith.index_cast %add3A_2393 : i32 to index
        %get3A_2460 = tpu.vector_load %arg6[%get3A_2456, %get3A_2457, %get3A_2458, %get3A_2459] {strides = array<i32>} : memref<3x4x4x2048xf32, #tpu.memory_space<vmem>>, vector<1x1x1x16xf32>,
        %get3A_2461 = vector.shape_cast %get3A_2460 : vector<1x1x1x16xf32> to vector<16xf32>
        %add3A_2462 = arith.addf %get3A_2461, %get3A_2399 : vector<16xf32>
        %swap3A_2463 = arith.constant 3 : i32
        %swap3A_2464 = arith.constant 3 : i32
        %swap3A_2465 = arith.index_cast %rem3A_281 : i32 to index
        %swap3A_2466 = arith.index_cast %swap3A_2463 : i32 to index
        %swap3A_2467 = arith.index_cast %swap3A_2464 : i32 to index
        %swap3A_2468 = arith.index_cast %add3A_2393 : i32 to index
        %swap3A_2469 = tpu.vector_load %arg6[%swap3A_2465, %swap3A_2466, %swap3A_2467, %swap3A_2468] {strides = array<i32>} : memref<3x4x4x2048xf32, #tpu.memory_space<vmem>>, vector<1x1x1x16xf32>,
        %swap3A_2470 = vector.shape_cast %swap3A_2469 : vector<1x1x1x16xf32> to vector<16xf32>
        %swap3A_2471 = vector.shape_cast %add3A_2462 : vector<16xf32> to vector<1x1x1x16xf32>
        tpu.vector_store %arg6[%swap3A_2465, %swap3A_2466, %swap3A_2467, %swap3A_2468], %swap3A_2471 {strides = array<i32>} : memref<3x4x4x2048xf32, #tpu.memory_space<vmem>>, vector<1x1x1x16xf32>,
        %add3A_2472 = arith.constant 16 : i32
        %add3A_2473 = arith.addi %mul3A_473, %add3A_2472 : i32
        %get3A_2474 = arith.constant 3 : i32
        %get3A_2475 = arith.index_cast %rem3A_281 : i32 to index
        %get3A_2476 = arith.index_cast %get3A_2474 : i32 to index
        %get3A_2477 = arith.index_cast %add3A_2473 : i32 to index
        %get3A_2478 = tpu.vector_load %arg5[%get3A_2475, %get3A_2476, %get3A_2477] {strides = array<i32>} : memref<3x4x2048xf32, #tpu.memory_space<vmem>>, vector<1x1x16xf32>,
        %get3A_2479 = vector.shape_cast %get3A_2478 : vector<1x1x16xf32> to vector<16xf32>
        %get3A_2480 = arith.constant 0 : i32
        %get3A_2481 = arith.constant 3 : i32
        %get3A_2482 = arith.index_cast %rem3A_281 : i32 to index
        %get3A_2483 = arith.index_cast %get3A_2480 : i32 to index
        %get3A_2484 = arith.index_cast %get3A_2481 : i32 to index
        %get3A_2485 = arith.index_cast %add3A_2473 : i32 to index
        %get3A_2486 = tpu.vector_load %arg6[%get3A_2482, %get3A_2483, %get3A_2484, %get3A_2485] {strides = array<i32>} : memref<3x4x4x2048xf32, #tpu.memory_space<vmem>>, vector<1x1x1x16xf32>,
        %get3A_2487 = vector.shape_cast %get3A_2486 : vector<1x1x1x16xf32> to vector<16xf32>
        %add3A_2488 = arith.addf %get3A_2487, %get3A_2479 : vector<16xf32>
        %swap3A_2489 = arith.constant 0 : i32
        %swap3A_2490 = arith.constant 3 : i32
        %swap3A_2491 = arith.index_cast %rem3A_281 : i32 to index
        %swap3A_2492 = arith.index_cast %swap3A_2489 : i32 to index
        %swap3A_2493 = arith.index_cast %swap3A_2490 : i32 to index
        %swap3A_2494 = arith.index_cast %add3A_2473 : i32 to index
        %swap3A_2495 = tpu.vector_load %arg6[%swap3A_2491, %swap3A_2492, %swap3A_2493, %swap3A_2494] {strides = array<i32>} : memref<3x4x4x2048xf32, #tpu.memory_space<vmem>>, vector<1x1x1x16xf32>,
        %swap3A_2496 = vector.shape_cast %swap3A_2495 : vector<1x1x1x16xf32> to vector<16xf32>
        %swap3A_2497 = vector.shape_cast %add3A_2488 : vector<16xf32> to vector<1x1x1x16xf32>
        tpu.vector_store %arg6[%swap3A_2491, %swap3A_2492, %swap3A_2493, %swap3A_2494], %swap3A_2497 {strides = array<i32>} : memref<3x4x4x2048xf32, #tpu.memory_space<vmem>>, vector<1x1x1x16xf32>,
        %get3A_2498 = arith.constant 1 : i32
        %get3A_2499 = arith.constant 3 : i32
        %get3A_2500 = arith.index_cast %rem3A_281 : i32 to index
        %get3A_2501 = arith.index_cast %get3A_2498 : i32 to index
        %get3A_2502 = arith.index_cast %get3A_2499 : i32 to index
        %get3A_2503 = arith.index_cast %add3A_2473 : i32 to index
        %get3A_2504 = tpu.vector_load %arg6[%get3A_2500, %get3A_2501, %get3A_2502, %get3A_2503] {strides = array<i32>} : memref<3x4x4x2048xf32, #tpu.memory_space<vmem>>, vector<1x1x1x16xf32>,
        %get3A_2505 = vector.shape_cast %get3A_2504 : vector<1x1x1x16xf32> to vector<16xf32>
        %add3A_2506 = arith.addf %get3A_2505, %get3A_2479 : vector<16xf32>
        %swap3A_2507 = arith.constant 1 : i32
        %swap3A_2508 = arith.constant 3 : i32
        %swap3A_2509 = arith.index_cast %rem3A_281 : i32 to index
        %swap3A_2510 = arith.index_cast %swap3A_2507 : i32 to index
        %swap3A_2511 = arith.index_cast %swap3A_2508 : i32 to index
        %swap3A_2512 = arith.index_cast %add3A_2473 : i32 to index
        %swap3A_2513 = tpu.vector_load %arg6[%swap3A_2509, %swap3A_2510, %swap3A_2511, %swap3A_2512] {strides = array<i32>} : memref<3x4x4x2048xf32, #tpu.memory_space<vmem>>, vector<1x1x1x16xf32>,
        %swap3A_2514 = vector.shape_cast %swap3A_2513 : vector<1x1x1x16xf32> to vector<16xf32>
        %swap3A_2515 = vector.shape_cast %add3A_2506 : vector<16xf32> to vector<1x1x1x16xf32>
        tpu.vector_store %arg6[%swap3A_2509, %swap3A_2510, %swap3A_2511, %swap3A_2512], %swap3A_2515 {strides = array<i32>} : memref<3x4x4x2048xf32, #tpu.memory_space<vmem>>, vector<1x1x1x16xf32>,
        %get3A_2516 = arith.constant 2 : i32
        %get3A_2517 = arith.constant 3 : i32
        %get3A_2518 = arith.index_cast %rem3A_281 : i32 to index
        %get3A_2519 = arith.index_cast %get3A_2516 : i32 to index
        %get3A_2520 = arith.index_cast %get3A_2517 : i32 to index
        %get3A_2521 = arith.index_cast %add3A_2473 : i32 to index
        %get3A_2522 = tpu.vector_load %arg6[%get3A_2518, %get3A_2519, %get3A_2520, %get3A_2521] {strides = array<i32>} : memref<3x4x4x2048xf32, #tpu.memory_space<vmem>>, vector<1x1x1x16xf32>,
        %get3A_2523 = vector.shape_cast %get3A_2522 : vector<1x1x1x16xf32> to vector<16xf32>
        %add3A_2524 = arith.addf %get3A_2523, %get3A_2479 : vector<16xf32>
        %swap3A_2525 = arith.constant 2 : i32
        %swap3A_2526 = arith.constant 3 : i32
        %swap3A_2527 = arith.index_cast %rem3A_281 : i32 to index
        %swap3A_2528 = arith.index_cast %swap3A_2525 : i32 to index
        %swap3A_2529 = arith.index_cast %swap3A_2526 : i32 to index
        %swap3A_2530 = arith.index_cast %add3A_2473 : i32 to index
        %swap3A_2531 = tpu.vector_load %arg6[%swap3A_2527, %swap3A_2528, %swap3A_2529, %swap3A_2530] {strides = array<i32>} : memref<3x4x4x2048xf32, #tpu.memory_space<vmem>>, vector<1x1x1x16xf32>,
        %swap3A_2532 = vector.shape_cast %swap3A_2531 : vector<1x1x1x16xf32> to vector<16xf32>
        %swap3A_2533 = vector.shape_cast %add3A_2524 : vector<16xf32> to vector<1x1x1x16xf32>
        tpu.vector_store %arg6[%swap3A_2527, %swap3A_2528, %swap3A_2529, %swap3A_2530], %swap3A_2533 {strides = array<i32>} : memref<3x4x4x2048xf32, #tpu.memory_space<vmem>>, vector<1x1x1x16xf32>,
        %get3A_2534 = arith.constant 3 : i32
        %get3A_2535 = arith.constant 3 : i32
        %get3A_2536 = arith.index_cast %rem3A_281 : i32 to index
        %get3A_2537 = arith.index_cast %get3A_2534 : i32 to index
        %get3A_2538 = arith.index_cast %get3A_2535 : i32 to index
        %get3A_2539 = arith.index_cast %add3A_2473 : i32 to index
        %get3A_2540 = tpu.vector_load %arg6[%get3A_2536, %get3A_2537, %get3A_2538, %get3A_2539] {strides = array<i32>} : memref<3x4x4x2048xf32, #tpu.memory_space<vmem>>, vector<1x1x1x16xf32>,
        %get3A_2541 = vector.shape_cast %get3A_2540 : vector<1x1x1x16xf32> to vector<16xf32>
        %add3A_2542 = arith.addf %get3A_2541, %get3A_2479 : vector<16xf32>
        %swap3A_2543 = arith.constant 3 : i32
        %swap3A_2544 = arith.constant 3 : i32
        %swap3A_2545 = arith.index_cast %rem3A_281 : i32 to index
        %swap3A_2546 = arith.index_cast %swap3A_2543 : i32 to index
        %swap3A_2547 = arith.index_cast %swap3A_2544 : i32 to index
        %swap3A_2548 = arith.index_cast %add3A_2473 : i32 to index
        %swap3A_2549 = tpu.vector_load %arg6[%swap3A_2545, %swap3A_2546, %swap3A_2547, %swap3A_2548] {strides = array<i32>} : memref<3x4x4x2048xf32, #tpu.memory_space<vmem>>, vector<1x1x1x16xf32>,
        %swap3A_2550 = vector.shape_cast %swap3A_2549 : vector<1x1x1x16xf32> to vector<16xf32>
        %swap3A_2551 = vector.shape_cast %add3A_2542 : vector<16xf32> to vector<1x1x1x16xf32>
        tpu.vector_store %arg6[%swap3A_2545, %swap3A_2546, %swap3A_2547, %swap3A_2548], %swap3A_2551 {strides = array<i32>} : memref<3x4x4x2048xf32, #tpu.memory_space<vmem>>, vector<1x1x1x16xf32>,
        %add3A_2552 = arith.constant 32 : i32
        %add3A_2553 = arith.addi %mul3A_473, %add3A_2552 : i32
        %get3A_2554 = arith.constant 3 : i32
        %get3A_2555 = arith.index_cast %rem3A_281 : i32 to index
        %get3A_2556 = arith.index_cast %get3A_2554 : i32 to index
        %get3A_2557 = arith.index_cast %add3A_2553 : i32 to index
        %get3A_2558 = tpu.vector_load %arg5[%get3A_2555, %get3A_2556, %get3A_2557] {strides = array<i32>} : memref<3x4x2048xf32, #tpu.memory_space<vmem>>, vector<1x1x16xf32>,
        %get3A_2559 = vector.shape_cast %get3A_2558 : vector<1x1x16xf32> to vector<16xf32>
        %get3A_2560 = arith.constant 0 : i32
        %get3A_2561 = arith.constant 3 : i32
        %get3A_2562 = arith.index_cast %rem3A_281 : i32 to index
        %get3A_2563 = arith.index_cast %get3A_2560 : i32 to index
        %get3A_2564 = arith.index_cast %get3A_2561 : i32 to index
        %get3A_2565 = arith.index_cast %add3A_2553 : i32 to index
        %get3A_2566 = tpu.vector_load %arg6[%get3A_2562, %get3A_2563, %get3A_2564, %get3A_2565] {strides = array<i32>} : memref<3x4x4x2048xf32, #tpu.memory_space<vmem>>, vector<1x1x1x16xf32>,
        %get3A_2567 = vector.shape_cast %get3A_2566 : vector<1x1x1x16xf32> to vector<16xf32>
        %add3A_2568 = arith.addf %get3A_2567, %get3A_2559 : vector<16xf32>
        %swap3A_2569 = arith.constant 0 : i32
        %swap3A_2570 = arith.constant 3 : i32
        %swap3A_2571 = arith.index_cast %rem3A_281 : i32 to index
        %swap3A_2572 = arith.index_cast %swap3A_2569 : i32 to index
        %swap3A_2573 = arith.index_cast %swap3A_2570 : i32 to index
        %swap3A_2574 = arith.index_cast %add3A_2553 : i32 to index
        %swap3A_2575 = tpu.vector_load %arg6[%swap3A_2571, %swap3A_2572, %swap3A_2573, %swap3A_2574] {strides = array<i32>} : memref<3x4x4x2048xf32, #tpu.memory_space<vmem>>, vector<1x1x1x16xf32>,
        %swap3A_2576 = vector.shape_cast %swap3A_2575 : vector<1x1x1x16xf32> to vector<16xf32>
        %swap3A_2577 = vector.shape_cast %add3A_2568 : vector<16xf32> to vector<1x1x1x16xf32>
        tpu.vector_store %arg6[%swap3A_2571, %swap3A_2572, %swap3A_2573, %swap3A_2574], %swap3A_2577 {strides = array<i32>} : memref<3x4x4x2048xf32, #tpu.memory_space<vmem>>, vector<1x1x1x16xf32>,
        %get3A_2578 = arith.constant 1 : i32
        %get3A_2579 = arith.constant 3 : i32
        %get3A_2580 = arith.index_cast %rem3A_281 : i32 to index
        %get3A_2581 = arith.index_cast %get3A_2578 : i32 to index
        %get3A_2582 = arith.index_cast %get3A_2579 : i32 to index
        %get3A_2583 = arith.index_cast %add3A_2553 : i32 to index
        %get3A_2584 = tpu.vector_load %arg6[%get3A_2580, %get3A_2581, %get3A_2582, %get3A_2583] {strides = array<i32>} : memref<3x4x4x2048xf32, #tpu.memory_space<vmem>>, vector<1x1x1x16xf32>,
        %get3A_2585 = vector.shape_cast %get3A_2584 : vector<1x1x1x16xf32> to vector<16xf32>
        %add3A_2586 = arith.addf %get3A_2585, %get3A_2559 : vector<16xf32>
        %swap3A_2587 = arith.constant 1 : i32
        %swap3A_2588 = arith.constant 3 : i32
        %swap3A_2589 = arith.index_cast %rem3A_281 : i32 to index
        %swap3A_2590 = arith.index_cast %swap3A_2587 : i32 to index
        %swap3A_2591 = arith.index_cast %swap3A_2588 : i32 to index
        %swap3A_2592 = arith.index_cast %add3A_2553 : i32 to index
        %swap3A_2593 = tpu.vector_load %arg6[%swap3A_2589, %swap3A_2590, %swap3A_2591, %swap3A_2592] {strides = array<i32>} : memref<3x4x4x2048xf32, #tpu.memory_space<vmem>>, vector<1x1x1x16xf32>,
        %swap3A_2594 = vector.shape_cast %swap3A_2593 : vector<1x1x1x16xf32> to vector<16xf32>
        %swap3A_2595 = vector.shape_cast %add3A_2586 : vector<16xf32> to vector<1x1x1x16xf32>
        tpu.vector_store %arg6[%swap3A_2589, %swap3A_2590, %swap3A_2591, %swap3A_2592], %swap3A_2595 {strides = array<i32>} : memref<3x4x4x2048xf32, #tpu.memory_space<vmem>>, vector<1x1x1x16xf32>,
        %get3A_2596 = arith.constant 2 : i32
        %get3A_2597 = arith.constant 3 : i32
        %get3A_2598 = arith.index_cast %rem3A_281 : i32 to index
        %get3A_2599 = arith.index_cast %get3A_2596 : i32 to index
        %get3A_2600 = arith.index_cast %get3A_2597 : i32 to index
        %get3A_2601 = arith.index_cast %add3A_2553 : i32 to index
        %get3A_2602 = tpu.vector_load %arg6[%get3A_2598, %get3A_2599, %get3A_2600, %get3A_2601] {strides = array<i32>} : memref<3x4x4x2048xf32, #tpu.memory_space<vmem>>, vector<1x1x1x16xf32>,
        %get3A_2603 = vector.shape_cast %get3A_2602 : vector<1x1x1x16xf32> to vector<16xf32>
        %add3A_2604 = arith.addf %get3A_2603, %get3A_2559 : vector<16xf32>
        %swap3A_2605 = arith.constant 2 : i32
        %swap3A_2606 = arith.constant 3 : i32
        %swap3A_2607 = arith.index_cast %rem3A_281 : i32 to index
        %swap3A_2608 = arith.index_cast %swap3A_2605 : i32 to index
        %swap3A_2609 = arith.index_cast %swap3A_2606 : i32 to index
        %swap3A_2610 = arith.index_cast %add3A_2553 : i32 to index
        %swap3A_2611 = tpu.vector_load %arg6[%swap3A_2607, %swap3A_2608, %swap3A_2609, %swap3A_2610] {strides = array<i32>} : memref<3x4x4x2048xf32, #tpu.memory_space<vmem>>, vector<1x1x1x16xf32>,
        %swap3A_2612 = vector.shape_cast %swap3A_2611 : vector<1x1x1x16xf32> to vector<16xf32>
        %swap3A_2613 = vector.shape_cast %add3A_2604 : vector<16xf32> to vector<1x1x1x16xf32>
        tpu.vector_store %arg6[%swap3A_2607, %swap3A_2608, %swap3A_2609, %swap3A_2610], %swap3A_2613 {strides = array<i32>} : memref<3x4x4x2048xf32, #tpu.memory_space<vmem>>, vector<1x1x1x16xf32>,
        %get3A_2614 = arith.constant 3 : i32
        %get3A_2615 = arith.constant 3 : i32
        %get3A_2616 = arith.index_cast %rem3A_281 : i32 to index
        %get3A_2617 = arith.index_cast %get3A_2614 : i32 to index
        %get3A_2618 = arith.index_cast %get3A_2615 : i32 to index
        %get3A_2619 = arith.index_cast %add3A_2553 : i32 to index
        %get3A_2620 = tpu.vector_load %arg6[%get3A_2616, %get3A_2617, %get3A_2618, %get3A_2619] {strides = array<i32>} : memref<3x4x4x2048xf32, #tpu.memory_space<vmem>>, vector<1x1x1x16xf32>,
        %get3A_2621 = vector.shape_cast %get3A_2620 : vector<1x1x1x16xf32> to vector<16xf32>
        %add3A_2622 = arith.addf %get3A_2621, %get3A_2559 : vector<16xf32>
        %swap3A_2623 = arith.constant 3 : i32
        %swap3A_2624 = arith.constant 3 : i32
        %swap3A_2625 = arith.index_cast %rem3A_281 : i32 to index
        %swap3A_2626 = arith.index_cast %swap3A_2623 : i32 to index
        %swap3A_2627 = arith.index_cast %swap3A_2624 : i32 to index
        %swap3A_2628 = arith.index_cast %add3A_2553 : i32 to index
        %swap3A_2629 = tpu.vector_load %arg6[%swap3A_2625, %swap3A_2626, %swap3A_2627, %swap3A_2628] {strides = array<i32>} : memref<3x4x4x2048xf32, #tpu.memory_space<vmem>>, vector<1x1x1x16xf32>,
        %swap3A_2630 = vector.shape_cast %swap3A_2629 : vector<1x1x1x16xf32> to vector<16xf32>
        %swap3A_2631 = vector.shape_cast %add3A_2622 : vector<16xf32> to vector<1x1x1x16xf32>
        tpu.vector_store %arg6[%swap3A_2625, %swap3A_2626, %swap3A_2627, %swap3A_2628], %swap3A_2631 {strides = array<i32>} : memref<3x4x4x2048xf32, #tpu.memory_space<vmem>>, vector<1x1x1x16xf32>,
        %add3A_2632 = arith.constant 48 : i32
        %add3A_2633 = arith.addi %mul3A_473, %add3A_2632 : i32
        %get3A_2634 = arith.constant 3 : i32
        %get3A_2635 = arith.index_cast %rem3A_281 : i32 to index
        %get3A_2636 = arith.index_cast %get3A_2634 : i32 to index
        %get3A_2637 = arith.index_cast %add3A_2633 : i32 to index
        %get3A_2638 = tpu.vector_load %arg5[%get3A_2635, %get3A_2636, %get3A_2637] {strides = array<i32>} : memref<3x4x2048xf32, #tpu.memory_space<vmem>>, vector<1x1x16xf32>,
        %get3A_2639 = vector.shape_cast %get3A_2638 : vector<1x1x16xf32> to vector<16xf32>
        %get3A_2640 = arith.constant 0 : i32
        %get3A_2641 = arith.constant 3 : i32
        %get3A_2642 = arith.index_cast %rem3A_281 : i32 to index
        %get3A_2643 = arith.index_cast %get3A_2640 : i32 to index
        %get3A_2644 = arith.index_cast %get3A_2641 : i32 to index
        %get3A_2645 = arith.index_cast %add3A_2633 : i32 to index
        %get3A_2646 = tpu.vector_load %arg6[%get3A_2642, %get3A_2643, %get3A_2644, %get3A_2645] {strides = array<i32>} : memref<3x4x4x2048xf32, #tpu.memory_space<vmem>>, vector<1x1x1x16xf32>,
        %get3A_2647 = vector.shape_cast %get3A_2646 : vector<1x1x1x16xf32> to vector<16xf32>
        %add3A_2648 = arith.addf %get3A_2647, %get3A_2639 : vector<16xf32>
        %swap3A_2649 = arith.constant 0 : i32
        %swap3A_2650 = arith.constant 3 : i32
        %swap3A_2651 = arith.index_cast %rem3A_281 : i32 to index
        %swap3A_2652 = arith.index_cast %swap3A_2649 : i32 to index
        %swap3A_2653 = arith.index_cast %swap3A_2650 : i32 to index
        %swap3A_2654 = arith.index_cast %add3A_2633 : i32 to index
        %swap3A_2655 = tpu.vector_load %arg6[%swap3A_2651, %swap3A_2652, %swap3A_2653, %swap3A_2654] {strides = array<i32>} : memref<3x4x4x2048xf32, #tpu.memory_space<vmem>>, vector<1x1x1x16xf32>,
        %swap3A_2656 = vector.shape_cast %swap3A_2655 : vector<1x1x1x16xf32> to vector<16xf32>
        %swap3A_2657 = vector.shape_cast %add3A_2648 : vector<16xf32> to vector<1x1x1x16xf32>
        tpu.vector_store %arg6[%swap3A_2651, %swap3A_2652, %swap3A_2653, %swap3A_2654], %swap3A_2657 {strides = array<i32>} : memref<3x4x4x2048xf32, #tpu.memory_space<vmem>>, vector<1x1x1x16xf32>,
        %get3A_2658 = arith.constant 1 : i32
        %get3A_2659 = arith.constant 3 : i32
        %get3A_2660 = arith.index_cast %rem3A_281 : i32 to index
        %get3A_2661 = arith.index_cast %get3A_2658 : i32 to index
        %get3A_2662 = arith.index_cast %get3A_2659 : i32 to index
        %get3A_2663 = arith.index_cast %add3A_2633 : i32 to index
        %get3A_2664 = tpu.vector_load %arg6[%get3A_2660, %get3A_2661, %get3A_2662, %get3A_2663] {strides = array<i32>} : memref<3x4x4x2048xf32, #tpu.memory_space<vmem>>, vector<1x1x1x16xf32>,
        %get3A_2665 = vector.shape_cast %get3A_2664 : vector<1x1x1x16xf32> to vector<16xf32>
        %add3A_2666 = arith.addf %get3A_2665, %get3A_2639 : vector<16xf32>
        %swap3A_2667 = arith.constant 1 : i32
        %swap3A_2668 = arith.constant 3 : i32
        %swap3A_2669 = arith.index_cast %rem3A_281 : i32 to index
        %swap3A_2670 = arith.index_cast %swap3A_2667 : i32 to index
        %swap3A_2671 = arith.index_cast %swap3A_2668 : i32 to index
        %swap3A_2672 = arith.index_cast %add3A_2633 : i32 to index
        %swap3A_2673 = tpu.vector_load %arg6[%swap3A_2669, %swap3A_2670, %swap3A_2671, %swap3A_2672] {strides = array<i32>} : memref<3x4x4x2048xf32, #tpu.memory_space<vmem>>, vector<1x1x1x16xf32>,
        %swap3A_2674 = vector.shape_cast %swap3A_2673 : vector<1x1x1x16xf32> to vector<16xf32>
        %swap3A_2675 = vector.shape_cast %add3A_2666 : vector<16xf32> to vector<1x1x1x16xf32>
        tpu.vector_store %arg6[%swap3A_2669, %swap3A_2670, %swap3A_2671, %swap3A_2672], %swap3A_2675 {strides = array<i32>} : memref<3x4x4x2048xf32, #tpu.memory_space<vmem>>, vector<1x1x1x16xf32>,
        %get3A_2676 = arith.constant 2 : i32
        %get3A_2677 = arith.constant 3 : i32
        %get3A_2678 = arith.index_cast %rem3A_281 : i32 to index
        %get3A_2679 = arith.index_cast %get3A_2676 : i32 to index
        %get3A_2680 = arith.index_cast %get3A_2677 : i32 to index
        %get3A_2681 = arith.index_cast %add3A_2633 : i32 to index
        %get3A_2682 = tpu.vector_load %arg6[%get3A_2678, %get3A_2679, %get3A_2680, %get3A_2681] {strides = array<i32>} : memref<3x4x4x2048xf32, #tpu.memory_space<vmem>>, vector<1x1x1x16xf32>,
        %get3A_2683 = vector.shape_cast %get3A_2682 : vector<1x1x1x16xf32> to vector<16xf32>
        %add3A_2684 = arith.addf %get3A_2683, %get3A_2639 : vector<16xf32>
        %swap3A_2685 = arith.constant 2 : i32
        %swap3A_2686 = arith.constant 3 : i32
        %swap3A_2687 = arith.index_cast %rem3A_281 : i32 to index
        %swap3A_2688 = arith.index_cast %swap3A_2685 : i32 to index
        %swap3A_2689 = arith.index_cast %swap3A_2686 : i32 to index
        %swap3A_2690 = arith.index_cast %add3A_2633 : i32 to index
        %swap3A_2691 = tpu.vector_load %arg6[%swap3A_2687, %swap3A_2688, %swap3A_2689, %swap3A_2690] {strides = array<i32>} : memref<3x4x4x2048xf32, #tpu.memory_space<vmem>>, vector<1x1x1x16xf32>,
        %swap3A_2692 = vector.shape_cast %swap3A_2691 : vector<1x1x1x16xf32> to vector<16xf32>
        %swap3A_2693 = vector.shape_cast %add3A_2684 : vector<16xf32> to vector<1x1x1x16xf32>
        tpu.vector_store %arg6[%swap3A_2687, %swap3A_2688, %swap3A_2689, %swap3A_2690], %swap3A_2693 {strides = array<i32>} : memref<3x4x4x2048xf32, #tpu.memory_space<vmem>>, vector<1x1x1x16xf32>,
        %get3A_2694 = arith.constant 3 : i32
        %get3A_2695 = arith.constant 3 : i32
        %get3A_2696 = arith.index_cast %rem3A_281 : i32 to index
        %get3A_2697 = arith.index_cast %get3A_2694 : i32 to index
        %get3A_2698 = arith.index_cast %get3A_2695 : i32 to index
        %get3A_2699 = arith.index_cast %add3A_2633 : i32 to index
        %get3A_2700 = tpu.vector_load %arg6[%get3A_2696, %get3A_2697, %get3A_2698, %get3A_2699] {strides = array<i32>} : memref<3x4x4x2048xf32, #tpu.memory_space<vmem>>, vector<1x1x1x16xf32>,
        %get3A_2701 = vector.shape_cast %get3A_2700 : vector<1x1x1x16xf32> to vector<16xf32>
        %add3A_2702 = arith.addf %get3A_2701, %get3A_2639 : vector<16xf32>
        %swap3A_2703 = arith.constant 3 : i32
        %swap3A_2704 = arith.constant 3 : i32
        %swap3A_2705 = arith.index_cast %rem3A_281 : i32 to index
        %swap3A_2706 = arith.index_cast %swap3A_2703 : i32 to index
        %swap3A_2707 = arith.index_cast %swap3A_2704 : i32 to index
        %swap3A_2708 = arith.index_cast %add3A_2633 : i32 to index
        %swap3A_2709 = tpu.vector_load %arg6[%swap3A_2705, %swap3A_2706, %swap3A_2707, %swap3A_2708] {strides = array<i32>} : memref<3x4x4x2048xf32, #tpu.memory_space<vmem>>, vector<1x1x1x16xf32>,
        %swap3A_2710 = vector.shape_cast %swap3A_2709 : vector<1x1x1x16xf32> to vector<16xf32>
        %swap3A_2711 = vector.shape_cast %add3A_2702 : vector<16xf32> to vector<1x1x1x16xf32>
        tpu.vector_store %arg6[%swap3A_2705, %swap3A_2706, %swap3A_2707, %swap3A_2708], %swap3A_2711 {strides = array<i32>} : memref<3x4x4x2048xf32, #tpu.memory_space<vmem>>, vector<1x1x1x16xf32>,
        %add3A_2712 = arith.constant 64 : i32
        %add3A_2713 = arith.addi %mul3A_473, %add3A_2712 : i32
        %get3A_2714 = arith.constant 3 : i32
        %get3A_2715 = arith.index_cast %rem3A_281 : i32 to index
        %get3A_2716 = arith.index_cast %get3A_2714 : i32 to index
        %get3A_2717 = arith.index_cast %add3A_2713 : i32 to index
        %get3A_2718 = tpu.vector_load %arg5[%get3A_2715, %get3A_2716, %get3A_2717] {strides = array<i32>} : memref<3x4x2048xf32, #tpu.memory_space<vmem>>, vector<1x1x16xf32>,
        %get3A_2719 = vector.shape_cast %get3A_2718 : vector<1x1x16xf32> to vector<16xf32>
        %get3A_2720 = arith.constant 0 : i32
        %get3A_2721 = arith.constant 3 : i32
        %get3A_2722 = arith.index_cast %rem3A_281 : i32 to index
        %get3A_2723 = arith.index_cast %get3A_2720 : i32 to index
        %get3A_2724 = arith.index_cast %get3A_2721 : i32 to index
        %get3A_2725 = arith.index_cast %add3A_2713 : i32 to index
        %get3A_2726 = tpu.vector_load %arg6[%get3A_2722, %get3A_2723, %get3A_2724, %get3A_2725] {strides = array<i32>} : memref<3x4x4x2048xf32, #tpu.memory_space<vmem>>, vector<1x1x1x16xf32>,
        %get3A_2727 = vector.shape_cast %get3A_2726 : vector<1x1x1x16xf32> to vector<16xf32>
        %add3A_2728 = arith.addf %get3A_2727, %get3A_2719 : vector<16xf32>
        %swap3A_2729 = arith.constant 0 : i32
        %swap3A_2730 = arith.constant 3 : i32
        %swap3A_2731 = arith.index_cast %rem3A_281 : i32 to index
        %swap3A_2732 = arith.index_cast %swap3A_2729 : i32 to index
        %swap3A_2733 = arith.index_cast %swap3A_2730 : i32 to index
        %swap3A_2734 = arith.index_cast %add3A_2713 : i32 to index
        %swap3A_2735 = tpu.vector_load %arg6[%swap3A_2731, %swap3A_2732, %swap3A_2733, %swap3A_2734] {strides = array<i32>} : memref<3x4x4x2048xf32, #tpu.memory_space<vmem>>, vector<1x1x1x16xf32>,
        %swap3A_2736 = vector.shape_cast %swap3A_2735 : vector<1x1x1x16xf32> to vector<16xf32>
        %swap3A_2737 = vector.shape_cast %add3A_2728 : vector<16xf32> to vector<1x1x1x16xf32>
        tpu.vector_store %arg6[%swap3A_2731, %swap3A_2732, %swap3A_2733, %swap3A_2734], %swap3A_2737 {strides = array<i32>} : memref<3x4x4x2048xf32, #tpu.memory_space<vmem>>, vector<1x1x1x16xf32>,
        %get3A_2738 = arith.constant 1 : i32
        %get3A_2739 = arith.constant 3 : i32
        %get3A_2740 = arith.index_cast %rem3A_281 : i32 to index
        %get3A_2741 = arith.index_cast %get3A_2738 : i32 to index
        %get3A_2742 = arith.index_cast %get3A_2739 : i32 to index
        %get3A_2743 = arith.index_cast %add3A_2713 : i32 to index
        %get3A_2744 = tpu.vector_load %arg6[%get3A_2740, %get3A_2741, %get3A_2742, %get3A_2743] {strides = array<i32>} : memref<3x4x4x2048xf32, #tpu.memory_space<vmem>>, vector<1x1x1x16xf32>,
        %get3A_2745 = vector.shape_cast %get3A_2744 : vector<1x1x1x16xf32> to vector<16xf32>
        %add3A_2746 = arith.addf %get3A_2745, %get3A_2719 : vector<16xf32>
        %swap3A_2747 = arith.constant 1 : i32
        %swap3A_2748 = arith.constant 3 : i32
        %swap3A_2749 = arith.index_cast %rem3A_281 : i32 to index
        %swap3A_2750 = arith.index_cast %swap3A_2747 : i32 to index
        %swap3A_2751 = arith.index_cast %swap3A_2748 : i32 to index
        %swap3A_2752 = arith.index_cast %add3A_2713 : i32 to index
        %swap3A_2753 = tpu.vector_load %arg6[%swap3A_2749, %swap3A_2750, %swap3A_2751, %swap3A_2752] {strides = array<i32>} : memref<3x4x4x2048xf32, #tpu.memory_space<vmem>>, vector<1x1x1x16xf32>,
        %swap3A_2754 = vector.shape_cast %swap3A_2753 : vector<1x1x1x16xf32> to vector<16xf32>
        %swap3A_2755 = vector.shape_cast %add3A_2746 : vector<16xf32> to vector<1x1x1x16xf32>
        tpu.vector_store %arg6[%swap3A_2749, %swap3A_2750, %swap3A_2751, %swap3A_2752], %swap3A_2755 {strides = array<i32>} : memref<3x4x4x2048xf32, #tpu.memory_space<vmem>>, vector<1x1x1x16xf32>,
        %get3A_2756 = arith.constant 2 : i32
        %get3A_2757 = arith.constant 3 : i32
        %get3A_2758 = arith.index_cast %rem3A_281 : i32 to index
        %get3A_2759 = arith.index_cast %get3A_2756 : i32 to index
        %get3A_2760 = arith.index_cast %get3A_2757 : i32 to index
        %get3A_2761 = arith.index_cast %add3A_2713 : i32 to index
        %get3A_2762 = tpu.vector_load %arg6[%get3A_2758, %get3A_2759, %get3A_2760, %get3A_2761] {strides = array<i32>} : memref<3x4x4x2048xf32, #tpu.memory_space<vmem>>, vector<1x1x1x16xf32>,
        %get3A_2763 = vector.shape_cast %get3A_2762 : vector<1x1x1x16xf32> to vector<16xf32>
        %add3A_2764 = arith.addf %get3A_2763, %get3A_2719 : vector<16xf32>
        %swap3A_2765 = arith.constant 2 : i32
        %swap3A_2766 = arith.constant 3 : i32
        %swap3A_2767 = arith.index_cast %rem3A_281 : i32 to index
        %swap3A_2768 = arith.index_cast %swap3A_2765 : i32 to index
        %swap3A_2769 = arith.index_cast %swap3A_2766 : i32 to index
        %swap3A_2770 = arith.index_cast %add3A_2713 : i32 to index
        %swap3A_2771 = tpu.vector_load %arg6[%swap3A_2767, %swap3A_2768, %swap3A_2769, %swap3A_2770] {strides = array<i32>} : memref<3x4x4x2048xf32, #tpu.memory_space<vmem>>, vector<1x1x1x16xf32>,
        %swap3A_2772 = vector.shape_cast %swap3A_2771 : vector<1x1x1x16xf32> to vector<16xf32>
        %swap3A_2773 = vector.shape_cast %add3A_2764 : vector<16xf32> to vector<1x1x1x16xf32>
        tpu.vector_store %arg6[%swap3A_2767, %swap3A_2768, %swap3A_2769, %swap3A_2770], %swap3A_2773 {strides = array<i32>} : memref<3x4x4x2048xf32, #tpu.memory_space<vmem>>, vector<1x1x1x16xf32>,
        %get3A_2774 = arith.constant 3 : i32
        %get3A_2775 = arith.constant 3 : i32
        %get3A_2776 = arith.index_cast %rem3A_281 : i32 to index
        %get3A_2777 = arith.index_cast %get3A_2774 : i32 to index
        %get3A_2778 = arith.index_cast %get3A_2775 : i32 to index
        %get3A_2779 = arith.index_cast %add3A_2713 : i32 to index
        %get3A_2780 = tpu.vector_load %arg6[%get3A_2776, %get3A_2777, %get3A_2778, %get3A_2779] {strides = array<i32>} : memref<3x4x4x2048xf32, #tpu.memory_space<vmem>>, vector<1x1x1x16xf32>,
        %get3A_2781 = vector.shape_cast %get3A_2780 : vector<1x1x1x16xf32> to vector<16xf32>
        %add3A_2782 = arith.addf %get3A_2781, %get3A_2719 : vector<16xf32>
        %swap3A_2783 = arith.constant 3 : i32
        %swap3A_2784 = arith.constant 3 : i32
        %swap3A_2785 = arith.index_cast %rem3A_281 : i32 to index
        %swap3A_2786 = arith.index_cast %swap3A_2783 : i32 to index
        %swap3A_2787 = arith.index_cast %swap3A_2784 : i32 to index
        %swap3A_2788 = arith.index_cast %add3A_2713 : i32 to index
        %swap3A_2789 = tpu.vector_load %arg6[%swap3A_2785, %swap3A_2786, %swap3A_2787, %swap3A_2788] {strides = array<i32>} : memref<3x4x4x2048xf32, #tpu.memory_space<vmem>>, vector<1x1x1x16xf32>,
        %swap3A_2790 = vector.shape_cast %swap3A_2789 : vector<1x1x1x16xf32> to vector<16xf32>
        %swap3A_2791 = vector.shape_cast %add3A_2782 : vector<16xf32> to vector<1x1x1x16xf32>
        tpu.vector_store %arg6[%swap3A_2785, %swap3A_2786, %swap3A_2787, %swap3A_2788], %swap3A_2791 {strides = array<i32>} : memref<3x4x4x2048xf32, #tpu.memory_space<vmem>>, vector<1x1x1x16xf32>,
        %add3A_2792 = arith.constant 80 : i32
        %add3A_2793 = arith.addi %mul3A_473, %add3A_2792 : i32
        %get3A_2794 = arith.constant 3 : i32
        %get3A_2795 = arith.index_cast %rem3A_281 : i32 to index
        %get3A_2796 = arith.index_cast %get3A_2794 : i32 to index
        %get3A_2797 = arith.index_cast %add3A_2793 : i32 to index
        %get3A_2798 = tpu.vector_load %arg5[%get3A_2795, %get3A_2796, %get3A_2797] {strides = array<i32>} : memref<3x4x2048xf32, #tpu.memory_space<vmem>>, vector<1x1x16xf32>,
        %get3A_2799 = vector.shape_cast %get3A_2798 : vector<1x1x16xf32> to vector<16xf32>
        %get3A_2800 = arith.constant 0 : i32
        %get3A_2801 = arith.constant 3 : i32
        %get3A_2802 = arith.index_cast %rem3A_281 : i32 to index
        %get3A_2803 = arith.index_cast %get3A_2800 : i32 to index
        %get3A_2804 = arith.index_cast %get3A_2801 : i32 to index
        %get3A_2805 = arith.index_cast %add3A_2793 : i32 to index
        %get3A_2806 = tpu.vector_load %arg6[%get3A_2802, %get3A_2803, %get3A_2804, %get3A_2805] {strides = array<i32>} : memref<3x4x4x2048xf32, #tpu.memory_space<vmem>>, vector<1x1x1x16xf32>,
        %get3A_2807 = vector.shape_cast %get3A_2806 : vector<1x1x1x16xf32> to vector<16xf32>
        %add3A_2808 = arith.addf %get3A_2807, %get3A_2799 : vector<16xf32>
        %swap3A_2809 = arith.constant 0 : i32
        %swap3A_2810 = arith.constant 3 : i32
        %swap3A_2811 = arith.index_cast %rem3A_281 : i32 to index
        %swap3A_2812 = arith.index_cast %swap3A_2809 : i32 to index
        %swap3A_2813 = arith.index_cast %swap3A_2810 : i32 to index
        %swap3A_2814 = arith.index_cast %add3A_2793 : i32 to index
        %swap3A_2815 = tpu.vector_load %arg6[%swap3A_2811, %swap3A_2812, %swap3A_2813, %swap3A_2814] {strides = array<i32>} : memref<3x4x4x2048xf32, #tpu.memory_space<vmem>>, vector<1x1x1x16xf32>,
        %swap3A_2816 = vector.shape_cast %swap3A_2815 : vector<1x1x1x16xf32> to vector<16xf32>
        %swap3A_2817 = vector.shape_cast %add3A_2808 : vector<16xf32> to vector<1x1x1x16xf32>
        tpu.vector_store %arg6[%swap3A_2811, %swap3A_2812, %swap3A_2813, %swap3A_2814], %swap3A_2817 {strides = array<i32>} : memref<3x4x4x2048xf32, #tpu.memory_space<vmem>>, vector<1x1x1x16xf32>,
        %get3A_2818 = arith.constant 1 : i32
        %get3A_2819 = arith.constant 3 : i32
        %get3A_2820 = arith.index_cast %rem3A_281 : i32 to index
        %get3A_2821 = arith.index_cast %get3A_2818 : i32 to index
        %get3A_2822 = arith.index_cast %get3A_2819 : i32 to index
        %get3A_2823 = arith.index_cast %add3A_2793 : i32 to index
        %get3A_2824 = tpu.vector_load %arg6[%get3A_2820, %get3A_2821, %get3A_2822, %get3A_2823] {strides = array<i32>} : memref<3x4x4x2048xf32, #tpu.memory_space<vmem>>, vector<1x1x1x16xf32>,
        %get3A_2825 = vector.shape_cast %get3A_2824 : vector<1x1x1x16xf32> to vector<16xf32>
        %add3A_2826 = arith.addf %get3A_2825, %get3A_2799 : vector<16xf32>
        %swap3A_2827 = arith.constant 1 : i32
        %swap3A_2828 = arith.constant 3 : i32
        %swap3A_2829 = arith.index_cast %rem3A_281 : i32 to index
        %swap3A_2830 = arith.index_cast %swap3A_2827 : i32 to index
        %swap3A_2831 = arith.index_cast %swap3A_2828 : i32 to index
        %swap3A_2832 = arith.index_cast %add3A_2793 : i32 to index
        %swap3A_2833 = tpu.vector_load %arg6[%swap3A_2829, %swap3A_2830, %swap3A_2831, %swap3A_2832] {strides = array<i32>} : memref<3x4x4x2048xf32, #tpu.memory_space<vmem>>, vector<1x1x1x16xf32>,
        %swap3A_2834 = vector.shape_cast %swap3A_2833 : vector<1x1x1x16xf32> to vector<16xf32>
        %swap3A_2835 = vector.shape_cast %add3A_2826 : vector<16xf32> to vector<1x1x1x16xf32>
        tpu.vector_store %arg6[%swap3A_2829, %swap3A_2830, %swap3A_2831, %swap3A_2832], %swap3A_2835 {strides = array<i32>} : memref<3x4x4x2048xf32, #tpu.memory_space<vmem>>, vector<1x1x1x16xf32>,
        %get3A_2836 = arith.constant 2 : i32
        %get3A_2837 = arith.constant 3 : i32
        %get3A_2838 = arith.index_cast %rem3A_281 : i32 to index
        %get3A_2839 = arith.index_cast %get3A_2836 : i32 to index
        %get3A_2840 = arith.index_cast %get3A_2837 : i32 to index
        %get3A_2841 = arith.index_cast %add3A_2793 : i32 to index
        %get3A_2842 = tpu.vector_load %arg6[%get3A_2838, %get3A_2839, %get3A_2840, %get3A_2841] {strides = array<i32>} : memref<3x4x4x2048xf32, #tpu.memory_space<vmem>>, vector<1x1x1x16xf32>,
        %get3A_2843 = vector.shape_cast %get3A_2842 : vector<1x1x1x16xf32> to vector<16xf32>
        %add3A_2844 = arith.addf %get3A_2843, %get3A_2799 : vector<16xf32>
        %swap3A_2845 = arith.constant 2 : i32
        %swap3A_2846 = arith.constant 3 : i32
        %swap3A_2847 = arith.index_cast %rem3A_281 : i32 to index
        %swap3A_2848 = arith.index_cast %swap3A_2845 : i32 to index
        %swap3A_2849 = arith.index_cast %swap3A_2846 : i32 to index
        %swap3A_2850 = arith.index_cast %add3A_2793 : i32 to index
        %swap3A_2851 = tpu.vector_load %arg6[%swap3A_2847, %swap3A_2848, %swap3A_2849, %swap3A_2850] {strides = array<i32>} : memref<3x4x4x2048xf32, #tpu.memory_space<vmem>>, vector<1x1x1x16xf32>,
        %swap3A_2852 = vector.shape_cast %swap3A_2851 : vector<1x1x1x16xf32> to vector<16xf32>
        %swap3A_2853 = vector.shape_cast %add3A_2844 : vector<16xf32> to vector<1x1x1x16xf32>
        tpu.vector_store %arg6[%swap3A_2847, %swap3A_2848, %swap3A_2849, %swap3A_2850], %swap3A_2853 {strides = array<i32>} : memref<3x4x4x2048xf32, #tpu.memory_space<vmem>>, vector<1x1x1x16xf32>,
        %get3A_2854 = arith.constant 3 : i32
        %get3A_2855 = arith.constant 3 : i32
        %get3A_2856 = arith.index_cast %rem3A_281 : i32 to index
        %get3A_2857 = arith.index_cast %get3A_2854 : i32 to index
        %get3A_2858 = arith.index_cast %get3A_2855 : i32 to index
        %get3A_2859 = arith.index_cast %add3A_2793 : i32 to index
        %get3A_2860 = tpu.vector_load %arg6[%get3A_2856, %get3A_2857, %get3A_2858, %get3A_2859] {strides = array<i32>} : memref<3x4x4x2048xf32, #tpu.memory_space<vmem>>, vector<1x1x1x16xf32>,
        %get3A_2861 = vector.shape_cast %get3A_2860 : vector<1x1x1x16xf32> to vector<16xf32>
        %add3A_2862 = arith.addf %get3A_2861, %get3A_2799 : vector<16xf32>
        %swap3A_2863 = arith.constant 3 : i32
        %swap3A_2864 = arith.constant 3 : i32
        %swap3A_2865 = arith.index_cast %rem3A_281 : i32 to index
        %swap3A_2866 = arith.index_cast %swap3A_2863 : i32 to index
        %swap3A_2867 = arith.index_cast %swap3A_2864 : i32 to index
        %swap3A_2868 = arith.index_cast %add3A_2793 : i32 to index
        %swap3A_2869 = tpu.vector_load %arg6[%swap3A_2865, %swap3A_2866, %swap3A_2867, %swap3A_2868] {strides = array<i32>} : memref<3x4x4x2048xf32, #tpu.memory_space<vmem>>, vector<1x1x1x16xf32>,
        %swap3A_2870 = vector.shape_cast %swap3A_2869 : vector<1x1x1x16xf32> to vector<16xf32>
        %swap3A_2871 = vector.shape_cast %add3A_2862 : vector<16xf32> to vector<1x1x1x16xf32>
        tpu.vector_store %arg6[%swap3A_2865, %swap3A_2866, %swap3A_2867, %swap3A_2868], %swap3A_2871 {strides = array<i32>} : memref<3x4x4x2048xf32, #tpu.memory_space<vmem>>, vector<1x1x1x16xf32>,
        %add3A_2872 = arith.constant 96 : i32
        %add3A_2873 = arith.addi %mul3A_473, %add3A_2872 : i32
        %get3A_2874 = arith.constant 3 : i32
        %get3A_2875 = arith.index_cast %rem3A_281 : i32 to index
        %get3A_2876 = arith.index_cast %get3A_2874 : i32 to index
        %get3A_2877 = arith.index_cast %add3A_2873 : i32 to index
        %get3A_2878 = tpu.vector_load %arg5[%get3A_2875, %get3A_2876, %get3A_2877] {strides = array<i32>} : memref<3x4x2048xf32, #tpu.memory_space<vmem>>, vector<1x1x16xf32>,
        %get3A_2879 = vector.shape_cast %get3A_2878 : vector<1x1x16xf32> to vector<16xf32>
        %get3A_2880 = arith.constant 0 : i32
        %get3A_2881 = arith.constant 3 : i32
        %get3A_2882 = arith.index_cast %rem3A_281 : i32 to index
        %get3A_2883 = arith.index_cast %get3A_2880 : i32 to index
        %get3A_2884 = arith.index_cast %get3A_2881 : i32 to index
        %get3A_2885 = arith.index_cast %add3A_2873 : i32 to index
        %get3A_2886 = tpu.vector_load %arg6[%get3A_2882, %get3A_2883, %get3A_2884, %get3A_2885] {strides = array<i32>} : memref<3x4x4x2048xf32, #tpu.memory_space<vmem>>, vector<1x1x1x16xf32>,
        %get3A_2887 = vector.shape_cast %get3A_2886 : vector<1x1x1x16xf32> to vector<16xf32>
        %add3A_2888 = arith.addf %get3A_2887, %get3A_2879 : vector<16xf32>
        %swap3A_2889 = arith.constant 0 : i32
        %swap3A_2890 = arith.constant 3 : i32
        %swap3A_2891 = arith.index_cast %rem3A_281 : i32 to index
        %swap3A_2892 = arith.index_cast %swap3A_2889 : i32 to index
        %swap3A_2893 = arith.index_cast %swap3A_2890 : i32 to index
        %swap3A_2894 = arith.index_cast %add3A_2873 : i32 to index
        %swap3A_2895 = tpu.vector_load %arg6[%swap3A_2891, %swap3A_2892, %swap3A_2893, %swap3A_2894] {strides = array<i32>} : memref<3x4x4x2048xf32, #tpu.memory_space<vmem>>, vector<1x1x1x16xf32>,
        %swap3A_2896 = vector.shape_cast %swap3A_2895 : vector<1x1x1x16xf32> to vector<16xf32>
        %swap3A_2897 = vector.shape_cast %add3A_2888 : vector<16xf32> to vector<1x1x1x16xf32>
        tpu.vector_store %arg6[%swap3A_2891, %swap3A_2892, %swap3A_2893, %swap3A_2894], %swap3A_2897 {strides = array<i32>} : memref<3x4x4x2048xf32, #tpu.memory_space<vmem>>, vector<1x1x1x16xf32>,
        %get3A_2898 = arith.constant 1 : i32
        %get3A_2899 = arith.constant 3 : i32
        %get3A_2900 = arith.index_cast %rem3A_281 : i32 to index
        %get3A_2901 = arith.index_cast %get3A_2898 : i32 to index
        %get3A_2902 = arith.index_cast %get3A_2899 : i32 to index
        %get3A_2903 = arith.index_cast %add3A_2873 : i32 to index
        %get3A_2904 = tpu.vector_load %arg6[%get3A_2900, %get3A_2901, %get3A_2902, %get3A_2903] {strides = array<i32>} : memref<3x4x4x2048xf32, #tpu.memory_space<vmem>>, vector<1x1x1x16xf32>,
        %get3A_2905 = vector.shape_cast %get3A_2904 : vector<1x1x1x16xf32> to vector<16xf32>
        %add3A_2906 = arith.addf %get3A_2905, %get3A_2879 : vector<16xf32>
        %swap3A_2907 = arith.constant 1 : i32
        %swap3A_2908 = arith.constant 3 : i32
        %swap3A_2909 = arith.index_cast %rem3A_281 : i32 to index
        %swap3A_2910 = arith.index_cast %swap3A_2907 : i32 to index
        %swap3A_2911 = arith.index_cast %swap3A_2908 : i32 to index
        %swap3A_2912 = arith.index_cast %add3A_2873 : i32 to index
        %swap3A_2913 = tpu.vector_load %arg6[%swap3A_2909, %swap3A_2910, %swap3A_2911, %swap3A_2912] {strides = array<i32>} : memref<3x4x4x2048xf32, #tpu.memory_space<vmem>>, vector<1x1x1x16xf32>,
        %swap3A_2914 = vector.shape_cast %swap3A_2913 : vector<1x1x1x16xf32> to vector<16xf32>
        %swap3A_2915 = vector.shape_cast %add3A_2906 : vector<16xf32> to vector<1x1x1x16xf32>
        tpu.vector_store %arg6[%swap3A_2909, %swap3A_2910, %swap3A_2911, %swap3A_2912], %swap3A_2915 {strides = array<i32>} : memref<3x4x4x2048xf32, #tpu.memory_space<vmem>>, vector<1x1x1x16xf32>,
        %get3A_2916 = arith.constant 2 : i32
        %get3A_2917 = arith.constant 3 : i32
        %get3A_2918 = arith.index_cast %rem3A_281 : i32 to index
        %get3A_2919 = arith.index_cast %get3A_2916 : i32 to index
        %get3A_2920 = arith.index_cast %get3A_2917 : i32 to index
        %get3A_2921 = arith.index_cast %add3A_2873 : i32 to index
        %get3A_2922 = tpu.vector_load %arg6[%get3A_2918, %get3A_2919, %get3A_2920, %get3A_2921] {strides = array<i32>} : memref<3x4x4x2048xf32, #tpu.memory_space<vmem>>, vector<1x1x1x16xf32>,
        %get3A_2923 = vector.shape_cast %get3A_2922 : vector<1x1x1x16xf32> to vector<16xf32>
        %add3A_2924 = arith.addf %get3A_2923, %get3A_2879 : vector<16xf32>
        %swap3A_2925 = arith.constant 2 : i32
        %swap3A_2926 = arith.constant 3 : i32
        %swap3A_2927 = arith.index_cast %rem3A_281 : i32 to index
        %swap3A_2928 = arith.index_cast %swap3A_2925 : i32 to index
        %swap3A_2929 = arith.index_cast %swap3A_2926 : i32 to index
        %swap3A_2930 = arith.index_cast %add3A_2873 : i32 to index
        %swap3A_2931 = tpu.vector_load %arg6[%swap3A_2927, %swap3A_2928, %swap3A_2929, %swap3A_2930] {strides = array<i32>} : memref<3x4x4x2048xf32, #tpu.memory_space<vmem>>, vector<1x1x1x16xf32>,
        %swap3A_2932 = vector.shape_cast %swap3A_2931 : vector<1x1x1x16xf32> to vector<16xf32>
        %swap3A_2933 = vector.shape_cast %add3A_2924 : vector<16xf32> to vector<1x1x1x16xf32>
        tpu.vector_store %arg6[%swap3A_2927, %swap3A_2928, %swap3A_2929, %swap3A_2930], %swap3A_2933 {strides = array<i32>} : memref<3x4x4x2048xf32, #tpu.memory_space<vmem>>, vector<1x1x1x16xf32>,
        %get3A_2934 = arith.constant 3 : i32
        %get3A_2935 = arith.constant 3 : i32
        %get3A_2936 = arith.index_cast %rem3A_281 : i32 to index
        %get3A_2937 = arith.index_cast %get3A_2934 : i32 to index
        %get3A_2938 = arith.index_cast %get3A_2935 : i32 to index
        %get3A_2939 = arith.index_cast %add3A_2873 : i32 to index
        %get3A_2940 = tpu.vector_load %arg6[%get3A_2936, %get3A_2937, %get3A_2938, %get3A_2939] {strides = array<i32>} : memref<3x4x4x2048xf32, #tpu.memory_space<vmem>>, vector<1x1x1x16xf32>,
        %get3A_2941 = vector.shape_cast %get3A_2940 : vector<1x1x1x16xf32> to vector<16xf32>
        %add3A_2942 = arith.addf %get3A_2941, %get3A_2879 : vector<16xf32>
        %swap3A_2943 = arith.constant 3 : i32
        %swap3A_2944 = arith.constant 3 : i32
        %swap3A_2945 = arith.index_cast %rem3A_281 : i32 to index
        %swap3A_2946 = arith.index_cast %swap3A_2943 : i32 to index
        %swap3A_2947 = arith.index_cast %swap3A_2944 : i32 to index
        %swap3A_2948 = arith.index_cast %add3A_2873 : i32 to index
        %swap3A_2949 = tpu.vector_load %arg6[%swap3A_2945, %swap3A_2946, %swap3A_2947, %swap3A_2948] {strides = array<i32>} : memref<3x4x4x2048xf32, #tpu.memory_space<vmem>>, vector<1x1x1x16xf32>,
        %swap3A_2950 = vector.shape_cast %swap3A_2949 : vector<1x1x1x16xf32> to vector<16xf32>
        %swap3A_2951 = vector.shape_cast %add3A_2942 : vector<16xf32> to vector<1x1x1x16xf32>
        tpu.vector_store %arg6[%swap3A_2945, %swap3A_2946, %swap3A_2947, %swap3A_2948], %swap3A_2951 {strides = array<i32>} : memref<3x4x4x2048xf32, #tpu.memory_space<vmem>>, vector<1x1x1x16xf32>,
        %add3A_2952 = arith.constant 112 : i32
        %add3A_2953 = arith.addi %mul3A_473, %add3A_2952 : i32
        %get3A_2954 = arith.constant 3 : i32
        %get3A_2955 = arith.index_cast %rem3A_281 : i32 to index
        %get3A_2956 = arith.index_cast %get3A_2954 : i32 to index
        %get3A_2957 = arith.index_cast %add3A_2953 : i32 to index
        %get3A_2958 = tpu.vector_load %arg5[%get3A_2955, %get3A_2956, %get3A_2957] {strides = array<i32>} : memref<3x4x2048xf32, #tpu.memory_space<vmem>>, vector<1x1x16xf32>,
        %get3A_2959 = vector.shape_cast %get3A_2958 : vector<1x1x16xf32> to vector<16xf32>
        %get3A_2960 = arith.constant 0 : i32
        %get3A_2961 = arith.constant 3 : i32
        %get3A_2962 = arith.index_cast %rem3A_281 : i32 to index
        %get3A_2963 = arith.index_cast %get3A_2960 : i32 to index
        %get3A_2964 = arith.index_cast %get3A_2961 : i32 to index
        %get3A_2965 = arith.index_cast %add3A_2953 : i32 to index
        %get3A_2966 = tpu.vector_load %arg6[%get3A_2962, %get3A_2963, %get3A_2964, %get3A_2965] {strides = array<i32>} : memref<3x4x4x2048xf32, #tpu.memory_space<vmem>>, vector<1x1x1x16xf32>,
        %get3A_2967 = vector.shape_cast %get3A_2966 : vector<1x1x1x16xf32> to vector<16xf32>
        %add3A_2968 = arith.addf %get3A_2967, %get3A_2959 : vector<16xf32>
        %swap3A_2969 = arith.constant 0 : i32
        %swap3A_2970 = arith.constant 3 : i32
        %swap3A_2971 = arith.index_cast %rem3A_281 : i32 to index
        %swap3A_2972 = arith.index_cast %swap3A_2969 : i32 to index
        %swap3A_2973 = arith.index_cast %swap3A_2970 : i32 to index
        %swap3A_2974 = arith.index_cast %add3A_2953 : i32 to index
        %swap3A_2975 = tpu.vector_load %arg6[%swap3A_2971, %swap3A_2972, %swap3A_2973, %swap3A_2974] {strides = array<i32>} : memref<3x4x4x2048xf32, #tpu.memory_space<vmem>>, vector<1x1x1x16xf32>,
        %swap3A_2976 = vector.shape_cast %swap3A_2975 : vector<1x1x1x16xf32> to vector<16xf32>
        %swap3A_2977 = vector.shape_cast %add3A_2968 : vector<16xf32> to vector<1x1x1x16xf32>
        tpu.vector_store %arg6[%swap3A_2971, %swap3A_2972, %swap3A_2973, %swap3A_2974], %swap3A_2977 {strides = array<i32>} : memref<3x4x4x2048xf32, #tpu.memory_space<vmem>>, vector<1x1x1x16xf32>,
        %get3A_2978 = arith.constant 1 : i32
        %get3A_2979 = arith.constant 3 : i32
        %get3A_2980 = arith.index_cast %rem3A_281 : i32 to index
        %get3A_2981 = arith.index_cast %get3A_2978 : i32 to index
        %get3A_2982 = arith.index_cast %get3A_2979 : i32 to index
        %get3A_2983 = arith.index_cast %add3A_2953 : i32 to index
        %get3A_2984 = tpu.vector_load %arg6[%get3A_2980, %get3A_2981, %get3A_2982, %get3A_2983] {strides = array<i32>} : memref<3x4x4x2048xf32, #tpu.memory_space<vmem>>, vector<1x1x1x16xf32>,
        %get3A_2985 = vector.shape_cast %get3A_2984 : vector<1x1x1x16xf32> to vector<16xf32>
        %add3A_2986 = arith.addf %get3A_2985, %get3A_2959 : vector<16xf32>
        %swap3A_2987 = arith.constant 1 : i32
        %swap3A_2988 = arith.constant 3 : i32
        %swap3A_2989 = arith.index_cast %rem3A_281 : i32 to index
        %swap3A_2990 = arith.index_cast %swap3A_2987 : i32 to index
        %swap3A_2991 = arith.index_cast %swap3A_2988 : i32 to index
        %swap3A_2992 = arith.index_cast %add3A_2953 : i32 to index
        %swap3A_2993 = tpu.vector_load %arg6[%swap3A_2989, %swap3A_2990, %swap3A_2991, %swap3A_2992] {strides = array<i32>} : memref<3x4x4x2048xf32, #tpu.memory_space<vmem>>, vector<1x1x1x16xf32>,
        %swap3A_2994 = vector.shape_cast %swap3A_2993 : vector<1x1x1x16xf32> to vector<16xf32>
        %swap3A_2995 = vector.shape_cast %add3A_2986 : vector<16xf32> to vector<1x1x1x16xf32>
        tpu.vector_store %arg6[%swap3A_2989, %swap3A_2990, %swap3A_2991, %swap3A_2992], %swap3A_2995 {strides = array<i32>} : memref<3x4x4x2048xf32, #tpu.memory_space<vmem>>, vector<1x1x1x16xf32>,
        %get3A_2996 = arith.constant 2 : i32
        %get3A_2997 = arith.constant 3 : i32
        %get3A_2998 = arith.index_cast %rem3A_281 : i32 to index
        %get3A_2999 = arith.index_cast %get3A_2996 : i32 to index
        %get3A_3000 = arith.index_cast %get3A_2997 : i32 to index
        %get3A_3001 = arith.index_cast %add3A_2953 : i32 to index
        %get3A_3002 = tpu.vector_load %arg6[%get3A_2998, %get3A_2999, %get3A_3000, %get3A_3001] {strides = array<i32>} : memref<3x4x4x2048xf32, #tpu.memory_space<vmem>>, vector<1x1x1x16xf32>,
        %get3A_3003 = vector.shape_cast %get3A_3002 : vector<1x1x1x16xf32> to vector<16xf32>
        %add3A_3004 = arith.addf %get3A_3003, %get3A_2959 : vector<16xf32>
        %swap3A_3005 = arith.constant 2 : i32
        %swap3A_3006 = arith.constant 3 : i32
        %swap3A_3007 = arith.index_cast %rem3A_281 : i32 to index
        %swap3A_3008 = arith.index_cast %swap3A_3005 : i32 to index
        %swap3A_3009 = arith.index_cast %swap3A_3006 : i32 to index
        %swap3A_3010 = arith.index_cast %add3A_2953 : i32 to index
        %swap3A_3011 = tpu.vector_load %arg6[%swap3A_3007, %swap3A_3008, %swap3A_3009, %swap3A_3010] {strides = array<i32>} : memref<3x4x4x2048xf32, #tpu.memory_space<vmem>>, vector<1x1x1x16xf32>,
        %swap3A_3012 = vector.shape_cast %swap3A_3011 : vector<1x1x1x16xf32> to vector<16xf32>
        %swap3A_3013 = vector.shape_cast %add3A_3004 : vector<16xf32> to vector<1x1x1x16xf32>
        tpu.vector_store %arg6[%swap3A_3007, %swap3A_3008, %swap3A_3009, %swap3A_3010], %swap3A_3013 {strides = array<i32>} : memref<3x4x4x2048xf32, #tpu.memory_space<vmem>>, vector<1x1x1x16xf32>,
        %get3A_3014 = arith.constant 3 : i32
        %get3A_3015 = arith.constant 3 : i32
        %get3A_3016 = arith.index_cast %rem3A_281 : i32 to index
        %get3A_3017 = arith.index_cast %get3A_3014 : i32 to index
        %get3A_3018 = arith.index_cast %get3A_3015 : i32 to index
        %get3A_3019 = arith.index_cast %add3A_2953 : i32 to index
        %get3A_3020 = tpu.vector_load %arg6[%get3A_3016, %get3A_3017, %get3A_3018, %get3A_3019] {strides = array<i32>} : memref<3x4x4x2048xf32, #tpu.memory_space<vmem>>, vector<1x1x1x16xf32>,
        %get3A_3021 = vector.shape_cast %get3A_3020 : vector<1x1x1x16xf32> to vector<16xf32>
        %add3A_3022 = arith.addf %get3A_3021, %get3A_2959 : vector<16xf32>
        %swap3A_3023 = arith.constant 3 : i32
        %swap3A_3024 = arith.constant 3 : i32
        %swap3A_3025 = arith.index_cast %rem3A_281 : i32 to index
        %swap3A_3026 = arith.index_cast %swap3A_3023 : i32 to index
        %swap3A_3027 = arith.index_cast %swap3A_3024 : i32 to index
        %swap3A_3028 = arith.index_cast %add3A_2953 : i32 to index
        %swap3A_3029 = tpu.vector_load %arg6[%swap3A_3025, %swap3A_3026, %swap3A_3027, %swap3A_3028] {strides = array<i32>} : memref<3x4x4x2048xf32, #tpu.memory_space<vmem>>, vector<1x1x1x16xf32>,
        %swap3A_3030 = vector.shape_cast %swap3A_3029 : vector<1x1x1x16xf32> to vector<16xf32>
        %swap3A_3031 = vector.shape_cast %add3A_3022 : vector<16xf32> to vector<1x1x1x16xf32>
        tpu.vector_store %arg6[%swap3A_3025, %swap3A_3026, %swap3A_3027, %swap3A_3028], %swap3A_3031 {strides = array<i32>} : memref<3x4x4x2048xf32, #tpu.memory_space<vmem>>, vector<1x1x1x16xf32>,
      }
      %scan3A_395 = arith.constant 16 : i32
      %mul3A_396 = arith.constant 4 : i32
      %mul3A_397 = arith.muli %scan3A_280, %mul3A_396 : i32
      %add3A_398 = arith.addi %mul3A_2, %mul3A_397 : i32
      %dma_start3A_399 = arith.constant 0 : i32
      %dma_start3A_400 = arith.constant 0 : i32
      %dma_start3A_401 = arith.constant 0 : i32
      %dma_start3A_402 = arith.constant 0 : i32
      %dma_start3A_403 = tpu.memref_slice %arg6[%rem3A_281, %dma_start3A_399, %dma_start3A_401, %dma_start3A_402] : memref<3x4x4x2048xf32, #tpu.memory_space<vmem>> -> memref<1x1x4x2048xf32, #tpu.memory_space<vmem>>
      %dma_start3A_404 = tpu.memref_squeeze %dma_start3A_403 : memref<1x1x4x2048xf32, #tpu.memory_space<vmem>> -> memref<4x2048xf32, #tpu.memory_space<vmem>>
      %dma_start3A_405 = arith.constant 0 : i32
      %dma_start3A_406 = tpu.memref_slice %arg4[%dma_start3A_400, %add3A_398, %dma_start3A_405] : memref<4x2048x2048xf32, #tpu.memory_space<hbm>> -> memref<1x4x2048xf32, #tpu.memory_space<hbm>>
      %dma_start3A_407 = tpu.memref_squeeze %dma_start3A_406 : memref<1x4x2048xf32, #tpu.memory_space<hbm>> -> memref<4x2048xf32, #tpu.memory_space<hbm>>
      %dma_start3A_408 = tpu.memref_slice %arg8[%rem3A_281] : memref<3x!tpu.dma_semaphore, #tpu.memory_space<semaphore_mem>> -> memref<1x!tpu.dma_semaphore, #tpu.memory_space<semaphore_mem>>
      %dma_start3A_409 = tpu.memref_squeeze %dma_start3A_408 : memref<1x!tpu.dma_semaphore, #tpu.memory_space<semaphore_mem>> -> memref<!tpu.dma_semaphore, #tpu.memory_space<semaphore_mem>>
      %dma_start3A_410 = arith.constant 0 : i32
      %dma_start3A_411 = tpu.memref_slice %arg4[%dma_start3A_400, %add3A_398, %dma_start3A_410] : memref<4x2048x2048xf32, #tpu.memory_space<hbm>> -> memref<1x4x2048xf32, #tpu.memory_space<hbm>>
      %dma_start3A_412 = tpu.memref_squeeze %dma_start3A_411 : memref<1x4x2048xf32, #tpu.memory_space<hbm>> -> memref<4x2048xf32, #tpu.memory_space<hbm>>
      %dma_start3A_413 = arith.constant 0 : i32
      %dma_start3A_414 = arith.constant 0 : i32
      %dma_start3A_415 = tpu.memref_slice %arg6[%rem3A_281, %dma_start3A_399, %dma_start3A_413, %dma_start3A_414] : memref<3x4x4x2048xf32, #tpu.memory_space<vmem>> -> memref<1x1x4x2048xf32, #tpu.memory_space<vmem>>
      %dma_start3A_416 = tpu.memref_squeeze %dma_start3A_415 : memref<1x1x4x2048xf32, #tpu.memory_space<vmem>> -> memref<4x2048xf32, #tpu.memory_space<vmem>>
      tpu.enqueue_dma source(%dma_start3A_416 : memref<4x2048xf32, #tpu.memory_space<vmem>>) target(%dma_start3A_412 : memref<4x2048xf32, #tpu.memory_space<hbm>>) target_semaphore(%dma_start3A_409 : memref<!tpu.dma_semaphore, #tpu.memory_space<semaphore_mem>>)
      %dma_start3A_417 = arith.constant 1 : i32
      %dma_start3A_418 = arith.constant 1 : i32
      %dma_start3A_419 = arith.constant 0 : i32
      %dma_start3A_420 = arith.constant 0 : i32
      %dma_start3A_421 = tpu.memref_slice %arg6[%rem3A_281, %dma_start3A_417, %dma_start3A_419, %dma_start3A_420] : memref<3x4x4x2048xf32, #tpu.memory_space<vmem>> -> memref<1x1x4x2048xf32, #tpu.memory_space<vmem>>
      %dma_start3A_422 = tpu.memref_squeeze %dma_start3A_421 : memref<1x1x4x2048xf32, #tpu.memory_space<vmem>> -> memref<4x2048xf32, #tpu.memory_space<vmem>>
      %dma_start3A_423 = arith.constant 0 : i32
      %dma_start3A_424 = tpu.memref_slice %arg4[%dma_start3A_418, %add3A_398, %dma_start3A_423] : memref<4x2048x2048xf32, #tpu.memory_space<hbm>> -> memref<1x4x2048xf32, #tpu.memory_space<hbm>>
      %dma_start3A_425 = tpu.memref_squeeze %dma_start3A_424 : memref<1x4x2048xf32, #tpu.memory_space<hbm>> -> memref<4x2048xf32, #tpu.memory_space<hbm>>
      %dma_start3A_426 = tpu.memref_slice %arg8[%rem3A_281] : memref<3x!tpu.dma_semaphore, #tpu.memory_space<semaphore_mem>> -> memref<1x!tpu.dma_semaphore, #tpu.memory_space<semaphore_mem>>
      %dma_start3A_427 = tpu.memref_squeeze %dma_start3A_426 : memref<1x!tpu.dma_semaphore, #tpu.memory_space<semaphore_mem>> -> memref<!tpu.dma_semaphore, #tpu.memory_space<semaphore_mem>>
      %dma_start3A_428 = arith.constant 0 : i32
      %dma_start3A_429 = tpu.memref_slice %arg4[%dma_start3A_418, %add3A_398, %dma_start3A_428] : memref<4x2048x2048xf32, #tpu.memory_space<hbm>> -> memref<1x4x2048xf32, #tpu.memory_space<hbm>>
      %dma_start3A_430 = tpu.memref_squeeze %dma_start3A_429 : memref<1x4x2048xf32, #tpu.memory_space<hbm>> -> memref<4x2048xf32, #tpu.memory_space<hbm>>
      %dma_start3A_431 = arith.constant 0 : i32
      %dma_start3A_432 = arith.constant 0 : i32
      %dma_start3A_433 = tpu.memref_slice %arg6[%rem3A_281, %dma_start3A_417, %dma_start3A_431, %dma_start3A_432] : memref<3x4x4x2048xf32, #tpu.memory_space<vmem>> -> memref<1x1x4x2048xf32, #tpu.memory_space<vmem>>
      %dma_start3A_434 = tpu.memref_squeeze %dma_start3A_433 : memref<1x1x4x2048xf32, #tpu.memory_space<vmem>> -> memref<4x2048xf32, #tpu.memory_space<vmem>>
      tpu.enqueue_dma source(%dma_start3A_434 : memref<4x2048xf32, #tpu.memory_space<vmem>>) target(%dma_start3A_430 : memref<4x2048xf32, #tpu.memory_space<hbm>>) target_semaphore(%dma_start3A_427 : memref<!tpu.dma_semaphore, #tpu.memory_space<semaphore_mem>>)
      %dma_start3A_435 = arith.constant 2 : i32
      %dma_start3A_436 = arith.constant 2 : i32
      %dma_start3A_437 = arith.constant 0 : i32
      %dma_start3A_438 = arith.constant 0 : i32
      %dma_start3A_439 = tpu.memref_slice %arg6[%rem3A_281, %dma_start3A_435, %dma_start3A_437, %dma_start3A_438] : memref<3x4x4x2048xf32, #tpu.memory_space<vmem>> -> memref<1x1x4x2048xf32, #tpu.memory_space<vmem>>
      %dma_start3A_440 = tpu.memref_squeeze %dma_start3A_439 : memref<1x1x4x2048xf32, #tpu.memory_space<vmem>> -> memref<4x2048xf32, #tpu.memory_space<vmem>>
      %dma_start3A_441 = arith.constant 0 : i32
      %dma_start3A_442 = tpu.memref_slice %arg4[%dma_start3A_436, %add3A_398, %dma_start3A_441] : memref<4x2048x2048xf32, #tpu.memory_space<hbm>> -> memref<1x4x2048xf32, #tpu.memory_space<hbm>>
      %dma_start3A_443 = tpu.memref_squeeze %dma_start3A_442 : memref<1x4x2048xf32, #tpu.memory_space<hbm>> -> memref<4x2048xf32, #tpu.memory_space<hbm>>
      %dma_start3A_444 = tpu.memref_slice %arg8[%rem3A_281] : memref<3x!tpu.dma_semaphore, #tpu.memory_space<semaphore_mem>> -> memref<1x!tpu.dma_semaphore, #tpu.memory_space<semaphore_mem>>
      %dma_start3A_445 = tpu.memref_squeeze %dma_start3A_444 : memref<1x!tpu.dma_semaphore, #tpu.memory_space<semaphore_mem>> -> memref<!tpu.dma_semaphore, #tpu.memory_space<semaphore_mem>>
      %dma_start3A_446 = arith.constant 0 : i32
      %dma_start3A_447 = tpu.memref_slice %arg4[%dma_start3A_436, %add3A_398, %dma_start3A_446] : memref<4x2048x2048xf32, #tpu.memory_space<hbm>> -> memref<1x4x2048xf32, #tpu.memory_space<hbm>>
      %dma_start3A_448 = tpu.memref_squeeze %dma_start3A_447 : memref<1x4x2048xf32, #tpu.memory_space<hbm>> -> memref<4x2048xf32, #tpu.memory_space<hbm>>
      %dma_start3A_449 = arith.constant 0 : i32
      %dma_start3A_450 = arith.constant 0 : i32
      %dma_start3A_451 = tpu.memref_slice %arg6[%rem3A_281, %dma_start3A_435, %dma_start3A_449, %dma_start3A_450] : memref<3x4x4x2048xf32, #tpu.memory_space<vmem>> -> memref<1x1x4x2048xf32, #tpu.memory_space<vmem>>
      %dma_start3A_452 = tpu.memref_squeeze %dma_start3A_451 : memref<1x1x4x2048xf32, #tpu.memory_space<vmem>> -> memref<4x2048xf32, #tpu.memory_space<vmem>>
      tpu.enqueue_dma source(%dma_start3A_452 : memref<4x2048xf32, #tpu.memory_space<vmem>>) target(%dma_start3A_448 : memref<4x2048xf32, #tpu.memory_space<hbm>>) target_semaphore(%dma_start3A_445 : memref<!tpu.dma_semaphore, #tpu.memory_space<semaphore_mem>>)
      %dma_start3A_453 = arith.constant 3 : i32
      %dma_start3A_454 = arith.constant 3 : i32
      %dma_start3A_455 = arith.constant 0 : i32
      %dma_start3A_456 = arith.constant 0 : i32
      %dma_start3A_457 = tpu.memref_slice %arg6[%rem3A_281, %dma_start3A_453, %dma_start3A_455, %dma_start3A_456] : memref<3x4x4x2048xf32, #tpu.memory_space<vmem>> -> memref<1x1x4x2048xf32, #tpu.memory_space<vmem>>
      %dma_start3A_458 = tpu.memref_squeeze %dma_start3A_457 : memref<1x1x4x2048xf32, #tpu.memory_space<vmem>> -> memref<4x2048xf32, #tpu.memory_space<vmem>>
      %dma_start3A_459 = arith.constant 0 : i32
      %dma_start3A_460 = tpu.memref_slice %arg4[%dma_start3A_454, %add3A_398, %dma_start3A_459] : memref<4x2048x2048xf32, #tpu.memory_space<hbm>> -> memref<1x4x2048xf32, #tpu.memory_space<hbm>>
      %dma_start3A_461 = tpu.memref_squeeze %dma_start3A_460 : memref<1x4x2048xf32, #tpu.memory_space<hbm>> -> memref<4x2048xf32, #tpu.memory_space<hbm>>
      %dma_start3A_462 = tpu.memref_slice %arg8[%rem3A_281] : memref<3x!tpu.dma_semaphore, #tpu.memory_space<semaphore_mem>> -> memref<1x!tpu.dma_semaphore, #tpu.memory_space<semaphore_mem>>
      %dma_start3A_463 = tpu.memref_squeeze %dma_start3A_462 : memref<1x!tpu.dma_semaphore, #tpu.memory_space<semaphore_mem>> -> memref<!tpu.dma_semaphore, #tpu.memory_space<semaphore_mem>>
      %dma_start3A_464 = arith.constant 0 : i32
      %dma_start3A_465 = tpu.memref_slice %arg4[%dma_start3A_454, %add3A_398, %dma_start3A_464] : memref<4x2048x2048xf32, #tpu.memory_space<hbm>> -> memref<1x4x2048xf32, #tpu.memory_space<hbm>>
      %dma_start3A_466 = tpu.memref_squeeze %dma_start3A_465 : memref<1x4x2048xf32, #tpu.memory_space<hbm>> -> memref<4x2048xf32, #tpu.memory_space<hbm>>
      %dma_start3A_467 = arith.constant 0 : i32
      %dma_start3A_468 = arith.constant 0 : i32
      %dma_start3A_469 = tpu.memref_slice %arg6[%rem3A_281, %dma_start3A_453, %dma_start3A_467, %dma_start3A_468] : memref<3x4x4x2048xf32, #tpu.memory_space<vmem>> -> memref<1x1x4x2048xf32, #tpu.memory_space<vmem>>
      %dma_start3A_470 = tpu.memref_squeeze %dma_start3A_469 : memref<1x1x4x2048xf32, #tpu.memory_space<vmem>> -> memref<4x2048xf32, #tpu.memory_space<vmem>>
      tpu.enqueue_dma source(%dma_start3A_470 : memref<4x2048xf32, #tpu.memory_space<vmem>>) target(%dma_start3A_466 : memref<4x2048xf32, #tpu.memory_space<hbm>>) target_semaphore(%dma_start3A_463 : memref<!tpu.dma_semaphore, #tpu.memory_space<semaphore_mem>>)
    }
    %scan3A_104 = arith.constant 16 : i32
    %dma_wait3A = arith.constant 2 : i32
    %dma_wait3A_105 = arith.constant 0 : i32
    %dma_wait3A_106 = arith.constant 0 : i32
    %dma_wait3A_107 = arith.constant 2 : i32
    %dma_wait3A_108 = arith.constant 0 : i32
    %dma_wait3A_109 = arith.constant 0 : i32
    %dma_wait3A_110 = tpu.memref_slice %arg6[%dma_wait3A, %dma_wait3A_105, %dma_wait3A_108, %dma_wait3A_109] : memref<3x4x4x2048xf32, #tpu.memory_space<vmem>> -> memref<1x1x4x2048xf32, #tpu.memory_space<vmem>>
    %dma_wait3A_111 = tpu.memref_squeeze %dma_wait3A_110 : memref<1x1x4x2048xf32, #tpu.memory_space<vmem>> -> memref<4x2048xf32, #tpu.memory_space<vmem>>
    %dma_wait3A_112 = arith.constant 0 : i32
    %dma_wait3A_113 = arith.constant 0 : i32
    %dma_wait3A_114 = tpu.memref_slice %arg4[%dma_wait3A_106, %dma_wait3A_112, %dma_wait3A_113] : memref<4x2048x2048xf32, #tpu.memory_space<hbm>> -> memref<1x4x2048xf32, #tpu.memory_space<hbm>>
    %dma_wait3A_115 = tpu.memref_squeeze %dma_wait3A_114 : memref<1x4x2048xf32, #tpu.memory_space<hbm>> -> memref<4x2048xf32, #tpu.memory_space<hbm>>
    %dma_wait3A_116 = tpu.memref_slice %arg8[%dma_wait3A_107] : memref<3x!tpu.dma_semaphore, #tpu.memory_space<semaphore_mem>> -> memref<1x!tpu.dma_semaphore, #tpu.memory_space<semaphore_mem>>
    %dma_wait3A_117 = tpu.memref_squeeze %dma_wait3A_116 : memref<1x!tpu.dma_semaphore, #tpu.memory_space<semaphore_mem>> -> memref<!tpu.dma_semaphore, #tpu.memory_space<semaphore_mem>>
    %dma_wait3A_118 = arith.constant 0 : i32
    %dma_wait3A_119 = arith.constant 0 : i32
    %dma_wait3A_120 = tpu.memref_slice %arg4[%dma_wait3A_106, %dma_wait3A_118, %dma_wait3A_119] : memref<4x2048x2048xf32, #tpu.memory_space<hbm>> -> memref<1x4x2048xf32, #tpu.memory_space<hbm>>
    %dma_wait3A_121 = tpu.memref_squeeze %dma_wait3A_120 : memref<1x4x2048xf32, #tpu.memory_space<hbm>> -> memref<4x2048xf32, #tpu.memory_space<hbm>>
    %dma_wait3A_122 = arith.constant 0 : i32
    %dma_wait3A_123 = arith.constant 0 : i32
    %dma_wait3A_124 = tpu.memref_slice %arg6[%dma_wait3A, %dma_wait3A_105, %dma_wait3A_122, %dma_wait3A_123] : memref<3x4x4x2048xf32, #tpu.memory_space<vmem>> -> memref<1x1x4x2048xf32, #tpu.memory_space<vmem>>
    %dma_wait3A_125 = tpu.memref_squeeze %dma_wait3A_124 : memref<1x1x4x2048xf32, #tpu.memory_space<vmem>> -> memref<4x2048xf32, #tpu.memory_space<vmem>>
    tpu.wait_dma2 semaphore(%dma_wait3A_117 : memref<!tpu.dma_semaphore, #tpu.memory_space<semaphore_mem>>) src(%dma_wait3A_125 : memref<4x2048xf32, #tpu.memory_space<vmem>>) dst(%dma_wait3A_121 : memref<4x2048xf32, #tpu.memory_space<hbm>>)
    %dma_wait3A_126 = arith.constant 2 : i32
    %dma_wait3A_127 = arith.constant 1 : i32
    %dma_wait3A_128 = arith.constant 0 : i32
    %dma_wait3A_129 = arith.constant 2 : i32
    %dma_wait3A_130 = arith.constant 0 : i32
    %dma_wait3A_131 = arith.constant 0 : i32
    %dma_wait3A_132 = tpu.memref_slice %arg6[%dma_wait3A_126, %dma_wait3A_127, %dma_wait3A_130, %dma_wait3A_131] : memref<3x4x4x2048xf32, #tpu.memory_space<vmem>> -> memref<1x1x4x2048xf32, #tpu.memory_space<vmem>>
    %dma_wait3A_133 = tpu.memref_squeeze %dma_wait3A_132 : memref<1x1x4x2048xf32, #tpu.memory_space<vmem>> -> memref<4x2048xf32, #tpu.memory_space<vmem>>
    %dma_wait3A_134 = arith.constant 0 : i32
    %dma_wait3A_135 = arith.constant 0 : i32
    %dma_wait3A_136 = tpu.memref_slice %arg4[%dma_wait3A_128, %dma_wait3A_134, %dma_wait3A_135] : memref<4x2048x2048xf32, #tpu.memory_space<hbm>> -> memref<1x4x2048xf32, #tpu.memory_space<hbm>>
    %dma_wait3A_137 = tpu.memref_squeeze %dma_wait3A_136 : memref<1x4x2048xf32, #tpu.memory_space<hbm>> -> memref<4x2048xf32, #tpu.memory_space<hbm>>
    %dma_wait3A_138 = tpu.memref_slice %arg8[%dma_wait3A_129] : memref<3x!tpu.dma_semaphore, #tpu.memory_space<semaphore_mem>> -> memref<1x!tpu.dma_semaphore, #tpu.memory_space<semaphore_mem>>
    %dma_wait3A_139 = tpu.memref_squeeze %dma_wait3A_138 : memref<1x!tpu.dma_semaphore, #tpu.memory_space<semaphore_mem>> -> memref<!tpu.dma_semaphore, #tpu.memory_space<semaphore_mem>>
    %dma_wait3A_140 = arith.constant 0 : i32
    %dma_wait3A_141 = arith.constant 0 : i32
    %dma_wait3A_142 = tpu.memref_slice %arg4[%dma_wait3A_128, %dma_wait3A_140, %dma_wait3A_141] : memref<4x2048x2048xf32, #tpu.memory_space<hbm>> -> memref<1x4x2048xf32, #tpu.memory_space<hbm>>
    %dma_wait3A_143 = tpu.memref_squeeze %dma_wait3A_142 : memref<1x4x2048xf32, #tpu.memory_space<hbm>> -> memref<4x2048xf32, #tpu.memory_space<hbm>>
    %dma_wait3A_144 = arith.constant 0 : i32
    %dma_wait3A_145 = arith.constant 0 : i32
    %dma_wait3A_146 = tpu.memref_slice %arg6[%dma_wait3A_126, %dma_wait3A_127, %dma_wait3A_144, %dma_wait3A_145] : memref<3x4x4x2048xf32, #tpu.memory_space<vmem>> -> memref<1x1x4x2048xf32, #tpu.memory_space<vmem>>
    %dma_wait3A_147 = tpu.memref_squeeze %dma_wait3A_146 : memref<1x1x4x2048xf32, #tpu.memory_space<vmem>> -> memref<4x2048xf32, #tpu.memory_space<vmem>>
    tpu.wait_dma2 semaphore(%dma_wait3A_139 : memref<!tpu.dma_semaphore, #tpu.memory_space<semaphore_mem>>) src(%dma_wait3A_147 : memref<4x2048xf32, #tpu.memory_space<vmem>>) dst(%dma_wait3A_143 : memref<4x2048xf32, #tpu.memory_space<hbm>>)
    %dma_wait3A_148 = arith.constant 2 : i32
    %dma_wait3A_149 = arith.constant 2 : i32
    %dma_wait3A_150 = arith.constant 0 : i32
    %dma_wait3A_151 = arith.constant 2 : i32
    %dma_wait3A_152 = arith.constant 0 : i32
    %dma_wait3A_153 = arith.constant 0 : i32
    %dma_wait3A_154 = tpu.memref_slice %arg6[%dma_wait3A_148, %dma_wait3A_149, %dma_wait3A_152, %dma_wait3A_153] : memref<3x4x4x2048xf32, #tpu.memory_space<vmem>> -> memref<1x1x4x2048xf32, #tpu.memory_space<vmem>>
    %dma_wait3A_155 = tpu.memref_squeeze %dma_wait3A_154 : memref<1x1x4x2048xf32, #tpu.memory_space<vmem>> -> memref<4x2048xf32, #tpu.memory_space<vmem>>
    %dma_wait3A_156 = arith.constant 0 : i32
    %dma_wait3A_157 = arith.constant 0 : i32
    %dma_wait3A_158 = tpu.memref_slice %arg4[%dma_wait3A_150, %dma_wait3A_156, %dma_wait3A_157] : memref<4x2048x2048xf32, #tpu.memory_space<hbm>> -> memref<1x4x2048xf32, #tpu.memory_space<hbm>>
    %dma_wait3A_159 = tpu.memref_squeeze %dma_wait3A_158 : memref<1x4x2048xf32, #tpu.memory_space<hbm>> -> memref<4x2048xf32, #tpu.memory_space<hbm>>
    %dma_wait3A_160 = tpu.memref_slice %arg8[%dma_wait3A_151] : memref<3x!tpu.dma_semaphore, #tpu.memory_space<semaphore_mem>> -> memref<1x!tpu.dma_semaphore, #tpu.memory_space<semaphore_mem>>
    %dma_wait3A_161 = tpu.memref_squeeze %dma_wait3A_160 : memref<1x!tpu.dma_semaphore, #tpu.memory_space<semaphore_mem>> -> memref<!tpu.dma_semaphore, #tpu.memory_space<semaphore_mem>>
    %dma_wait3A_162 = arith.constant 0 : i32
    %dma_wait3A_163 = arith.constant 0 : i32
    %dma_wait3A_164 = tpu.memref_slice %arg4[%dma_wait3A_150, %dma_wait3A_162, %dma_wait3A_163] : memref<4x2048x2048xf32, #tpu.memory_space<hbm>> -> memref<1x4x2048xf32, #tpu.memory_space<hbm>>
    %dma_wait3A_165 = tpu.memref_squeeze %dma_wait3A_164 : memref<1x4x2048xf32, #tpu.memory_space<hbm>> -> memref<4x2048xf32, #tpu.memory_space<hbm>>
    %dma_wait3A_166 = arith.constant 0 : i32
    %dma_wait3A_167 = arith.constant 0 : i32
    %dma_wait3A_168 = tpu.memref_slice %arg6[%dma_wait3A_148, %dma_wait3A_149, %dma_wait3A_166, %dma_wait3A_167] : memref<3x4x4x2048xf32, #tpu.memory_space<vmem>> -> memref<1x1x4x2048xf32, #tpu.memory_space<vmem>>
    %dma_wait3A_169 = tpu.memref_squeeze %dma_wait3A_168 : memref<1x1x4x2048xf32, #tpu.memory_space<vmem>> -> memref<4x2048xf32, #tpu.memory_space<vmem>>
    tpu.wait_dma2 semaphore(%dma_wait3A_161 : memref<!tpu.dma_semaphore, #tpu.memory_space<semaphore_mem>>) src(%dma_wait3A_169 : memref<4x2048xf32, #tpu.memory_space<vmem>>) dst(%dma_wait3A_165 : memref<4x2048xf32, #tpu.memory_space<hbm>>)
    %dma_wait3A_170 = arith.constant 2 : i32
    %dma_wait3A_171 = arith.constant 3 : i32
    %dma_wait3A_172 = arith.constant 0 : i32
    %dma_wait3A_173 = arith.constant 2 : i32
    %dma_wait3A_174 = arith.constant 0 : i32
    %dma_wait3A_175 = arith.constant 0 : i32
    %dma_wait3A_176 = tpu.memref_slice %arg6[%dma_wait3A_170, %dma_wait3A_171, %dma_wait3A_174, %dma_wait3A_175] : memref<3x4x4x2048xf32, #tpu.memory_space<vmem>> -> memref<1x1x4x2048xf32, #tpu.memory_space<vmem>>
    %dma_wait3A_177 = tpu.memref_squeeze %dma_wait3A_176 : memref<1x1x4x2048xf32, #tpu.memory_space<vmem>> -> memref<4x2048xf32, #tpu.memory_space<vmem>>
    %dma_wait3A_178 = arith.constant 0 : i32
    %dma_wait3A_179 = arith.constant 0 : i32
    %dma_wait3A_180 = tpu.memref_slice %arg4[%dma_wait3A_172, %dma_wait3A_178, %dma_wait3A_179] : memref<4x2048x2048xf32, #tpu.memory_space<hbm>> -> memref<1x4x2048xf32, #tpu.memory_space<hbm>>
    %dma_wait3A_181 = tpu.memref_squeeze %dma_wait3A_180 : memref<1x4x2048xf32, #tpu.memory_space<hbm>> -> memref<4x2048xf32, #tpu.memory_space<hbm>>
    %dma_wait3A_182 = tpu.memref_slice %arg8[%dma_wait3A_173] : memref<3x!tpu.dma_semaphore, #tpu.memory_space<semaphore_mem>> -> memref<1x!tpu.dma_semaphore, #tpu.memory_space<semaphore_mem>>
    %dma_wait3A_183 = tpu.memref_squeeze %dma_wait3A_182 : memref<1x!tpu.dma_semaphore, #tpu.memory_space<semaphore_mem>> -> memref<!tpu.dma_semaphore, #tpu.memory_space<semaphore_mem>>
    %dma_wait3A_184 = arith.constant 0 : i32
    %dma_wait3A_185 = arith.constant 0 : i32
    %dma_wait3A_186 = tpu.memref_slice %arg4[%dma_wait3A_172, %dma_wait3A_184, %dma_wait3A_185] : memref<4x2048x2048xf32, #tpu.memory_space<hbm>> -> memref<1x4x2048xf32, #tpu.memory_space<hbm>>
    %dma_wait3A_187 = tpu.memref_squeeze %dma_wait3A_186 : memref<1x4x2048xf32, #tpu.memory_space<hbm>> -> memref<4x2048xf32, #tpu.memory_space<hbm>>
    %dma_wait3A_188 = arith.constant 0 : i32
    %dma_wait3A_189 = arith.constant 0 : i32
    %dma_wait3A_190 = tpu.memref_slice %arg6[%dma_wait3A_170, %dma_wait3A_171, %dma_wait3A_188, %dma_wait3A_189] : memref<3x4x4x2048xf32, #tpu.memory_space<vmem>> -> memref<1x1x4x2048xf32, #tpu.memory_space<vmem>>
    %dma_wait3A_191 = tpu.memref_squeeze %dma_wait3A_190 : memref<1x1x4x2048xf32, #tpu.memory_space<vmem>> -> memref<4x2048xf32, #tpu.memory_space<vmem>>
    tpu.wait_dma2 semaphore(%dma_wait3A_183 : memref<!tpu.dma_semaphore, #tpu.memory_space<semaphore_mem>>) src(%dma_wait3A_191 : memref<4x2048xf32, #tpu.memory_space<vmem>>) dst(%dma_wait3A_187 : memref<4x2048xf32, #tpu.memory_space<hbm>>)
    %dma_wait3A_192 = arith.constant 0 : i32
    %dma_wait3A_193 = arith.constant 0 : i32
    %dma_wait3A_194 = arith.constant 0 : i32
    %dma_wait3A_195 = arith.constant 0 : i32
    %dma_wait3A_196 = arith.constant 0 : i32
    %dma_wait3A_197 = arith.constant 0 : i32
    %dma_wait3A_198 = tpu.memref_slice %arg6[%dma_wait3A_192, %dma_wait3A_193, %dma_wait3A_196, %dma_wait3A_197] : memref<3x4x4x2048xf32, #tpu.memory_space<vmem>> -> memref<1x1x4x2048xf32, #tpu.memory_space<vmem>>
    %dma_wait3A_199 = tpu.memref_squeeze %dma_wait3A_198 : memref<1x1x4x2048xf32, #tpu.memory_space<vmem>> -> memref<4x2048xf32, #tpu.memory_space<vmem>>
    %dma_wait3A_200 = arith.constant 0 : i32
    %dma_wait3A_201 = arith.constant 0 : i32
    %dma_wait3A_202 = tpu.memref_slice %arg4[%dma_wait3A_194, %dma_wait3A_200, %dma_wait3A_201] : memref<4x2048x2048xf32, #tpu.memory_space<hbm>> -> memref<1x4x2048xf32, #tpu.memory_space<hbm>>
    %dma_wait3A_203 = tpu.memref_squeeze %dma_wait3A_202 : memref<1x4x2048xf32, #tpu.memory_space<hbm>> -> memref<4x2048xf32, #tpu.memory_space<hbm>>
    %dma_wait3A_204 = tpu.memref_slice %arg8[%dma_wait3A_195] : memref<3x!tpu.dma_semaphore, #tpu.memory_space<semaphore_mem>> -> memref<1x!tpu.dma_semaphore, #tpu.memory_space<semaphore_mem>>
    %dma_wait3A_205 = tpu.memref_squeeze %dma_wait3A_204 : memref<1x!tpu.dma_semaphore, #tpu.memory_space<semaphore_mem>> -> memref<!tpu.dma_semaphore, #tpu.memory_space<semaphore_mem>>
    %dma_wait3A_206 = arith.constant 0 : i32
    %dma_wait3A_207 = arith.constant 0 : i32
    %dma_wait3A_208 = tpu.memref_slice %arg4[%dma_wait3A_194, %dma_wait3A_206, %dma_wait3A_207] : memref<4x2048x2048xf32, #tpu.memory_space<hbm>> -> memref<1x4x2048xf32, #tpu.memory_space<hbm>>
    %dma_wait3A_209 = tpu.memref_squeeze %dma_wait3A_208 : memref<1x4x2048xf32, #tpu.memory_space<hbm>> -> memref<4x2048xf32, #tpu.memory_space<hbm>>
    %dma_wait3A_210 = arith.constant 0 : i32
    %dma_wait3A_211 = arith.constant 0 : i32
    %dma_wait3A_212 = tpu.memref_slice %arg6[%dma_wait3A_192, %dma_wait3A_193, %dma_wait3A_210, %dma_wait3A_211] : memref<3x4x4x2048xf32, #tpu.memory_space<vmem>> -> memref<1x1x4x2048xf32, #tpu.memory_space<vmem>>
    %dma_wait3A_213 = tpu.memref_squeeze %dma_wait3A_212 : memref<1x1x4x2048xf32, #tpu.memory_space<vmem>> -> memref<4x2048xf32, #tpu.memory_space<vmem>>
    tpu.wait_dma2 semaphore(%dma_wait3A_205 : memref<!tpu.dma_semaphore, #tpu.memory_space<semaphore_mem>>) src(%dma_wait3A_213 : memref<4x2048xf32, #tpu.memory_space<vmem>>) dst(%dma_wait3A_209 : memref<4x2048xf32, #tpu.memory_space<hbm>>)
    %dma_wait3A_214 = arith.constant 0 : i32
    %dma_wait3A_215 = arith.constant 1 : i32
    %dma_wait3A_216 = arith.constant 0 : i32
    %dma_wait3A_217 = arith.constant 0 : i32
    %dma_wait3A_218 = arith.constant 0 : i32
    %dma_wait3A_219 = arith.constant 0 : i32
    %dma_wait3A_220 = tpu.memref_slice %arg6[%dma_wait3A_214, %dma_wait3A_215, %dma_wait3A_218, %dma_wait3A_219] : memref<3x4x4x2048xf32, #tpu.memory_space<vmem>> -> memref<1x1x4x2048xf32, #tpu.memory_space<vmem>>
    %dma_wait3A_221 = tpu.memref_squeeze %dma_wait3A_220 : memref<1x1x4x2048xf32, #tpu.memory_space<vmem>> -> memref<4x2048xf32, #tpu.memory_space<vmem>>
    %dma_wait3A_222 = arith.constant 0 : i32
    %dma_wait3A_223 = arith.constant 0 : i32
    %dma_wait3A_224 = tpu.memref_slice %arg4[%dma_wait3A_216, %dma_wait3A_222, %dma_wait3A_223] : memref<4x2048x2048xf32, #tpu.memory_space<hbm>> -> memref<1x4x2048xf32, #tpu.memory_space<hbm>>
    %dma_wait3A_225 = tpu.memref_squeeze %dma_wait3A_224 : memref<1x4x2048xf32, #tpu.memory_space<hbm>> -> memref<4x2048xf32, #tpu.memory_space<hbm>>
    %dma_wait3A_226 = tpu.memref_slice %arg8[%dma_wait3A_217] : memref<3x!tpu.dma_semaphore, #tpu.memory_space<semaphore_mem>> -> memref<1x!tpu.dma_semaphore, #tpu.memory_space<semaphore_mem>>
    %dma_wait3A_227 = tpu.memref_squeeze %dma_wait3A_226 : memref<1x!tpu.dma_semaphore, #tpu.memory_space<semaphore_mem>> -> memref<!tpu.dma_semaphore, #tpu.memory_space<semaphore_mem>>
    %dma_wait3A_228 = arith.constant 0 : i32
    %dma_wait3A_229 = arith.constant 0 : i32
    %dma_wait3A_230 = tpu.memref_slice %arg4[%dma_wait3A_216, %dma_wait3A_228, %dma_wait3A_229] : memref<4x2048x2048xf32, #tpu.memory_space<hbm>> -> memref<1x4x2048xf32, #tpu.memory_space<hbm>>
    %dma_wait3A_231 = tpu.memref_squeeze %dma_wait3A_230 : memref<1x4x2048xf32, #tpu.memory_space<hbm>> -> memref<4x2048xf32, #tpu.memory_space<hbm>>
    %dma_wait3A_232 = arith.constant 0 : i32
    %dma_wait3A_233 = arith.constant 0 : i32
    %dma_wait3A_234 = tpu.memref_slice %arg6[%dma_wait3A_214, %dma_wait3A_215, %dma_wait3A_232, %dma_wait3A_233] : memref<3x4x4x2048xf32, #tpu.memory_space<vmem>> -> memref<1x1x4x2048xf32, #tpu.memory_space<vmem>>
    %dma_wait3A_235 = tpu.memref_squeeze %dma_wait3A_234 : memref<1x1x4x2048xf32, #tpu.memory_space<vmem>> -> memref<4x2048xf32, #tpu.memory_space<vmem>>
    tpu.wait_dma2 semaphore(%dma_wait3A_227 : memref<!tpu.dma_semaphore, #tpu.memory_space<semaphore_mem>>) src(%dma_wait3A_235 : memref<4x2048xf32, #tpu.memory_space<vmem>>) dst(%dma_wait3A_231 : memref<4x2048xf32, #tpu.memory_space<hbm>>)
    %dma_wait3A_236 = arith.constant 0 : i32
    %dma_wait3A_237 = arith.constant 2 : i32
    %dma_wait3A_238 = arith.constant 0 : i32
    %dma_wait3A_239 = arith.constant 0 : i32
    %dma_wait3A_240 = arith.constant 0 : i32
    %dma_wait3A_241 = arith.constant 0 : i32
    %dma_wait3A_242 = tpu.memref_slice %arg6[%dma_wait3A_236, %dma_wait3A_237, %dma_wait3A_240, %dma_wait3A_241] : memref<3x4x4x2048xf32, #tpu.memory_space<vmem>> -> memref<1x1x4x2048xf32, #tpu.memory_space<vmem>>
    %dma_wait3A_243 = tpu.memref_squeeze %dma_wait3A_242 : memref<1x1x4x2048xf32, #tpu.memory_space<vmem>> -> memref<4x2048xf32, #tpu.memory_space<vmem>>
    %dma_wait3A_244 = arith.constant 0 : i32
    %dma_wait3A_245 = arith.constant 0 : i32
    %dma_wait3A_246 = tpu.memref_slice %arg4[%dma_wait3A_238, %dma_wait3A_244, %dma_wait3A_245] : memref<4x2048x2048xf32, #tpu.memory_space<hbm>> -> memref<1x4x2048xf32, #tpu.memory_space<hbm>>
    %dma_wait3A_247 = tpu.memref_squeeze %dma_wait3A_246 : memref<1x4x2048xf32, #tpu.memory_space<hbm>> -> memref<4x2048xf32, #tpu.memory_space<hbm>>
    %dma_wait3A_248 = tpu.memref_slice %arg8[%dma_wait3A_239] : memref<3x!tpu.dma_semaphore, #tpu.memory_space<semaphore_mem>> -> memref<1x!tpu.dma_semaphore, #tpu.memory_space<semaphore_mem>>
    %dma_wait3A_249 = tpu.memref_squeeze %dma_wait3A_248 : memref<1x!tpu.dma_semaphore, #tpu.memory_space<semaphore_mem>> -> memref<!tpu.dma_semaphore, #tpu.memory_space<semaphore_mem>>
    %dma_wait3A_250 = arith.constant 0 : i32
    %dma_wait3A_251 = arith.constant 0 : i32
    %dma_wait3A_252 = tpu.memref_slice %arg4[%dma_wait3A_238, %dma_wait3A_250, %dma_wait3A_251] : memref<4x2048x2048xf32, #tpu.memory_space<hbm>> -> memref<1x4x2048xf32, #tpu.memory_space<hbm>>
    %dma_wait3A_253 = tpu.memref_squeeze %dma_wait3A_252 : memref<1x4x2048xf32, #tpu.memory_space<hbm>> -> memref<4x2048xf32, #tpu.memory_space<hbm>>
    %dma_wait3A_254 = arith.constant 0 : i32
    %dma_wait3A_255 = arith.constant 0 : i32
    %dma_wait3A_256 = tpu.memref_slice %arg6[%dma_wait3A_236, %dma_wait3A_237, %dma_wait3A_254, %dma_wait3A_255] : memref<3x4x4x2048xf32, #tpu.memory_space<vmem>> -> memref<1x1x4x2048xf32, #tpu.memory_space<vmem>>
    %dma_wait3A_257 = tpu.memref_squeeze %dma_wait3A_256 : memref<1x1x4x2048xf32, #tpu.memory_space<vmem>> -> memref<4x2048xf32, #tpu.memory_space<vmem>>
    tpu.wait_dma2 semaphore(%dma_wait3A_249 : memref<!tpu.dma_semaphore, #tpu.memory_space<semaphore_mem>>) src(%dma_wait3A_257 : memref<4x2048xf32, #tpu.memory_space<vmem>>) dst(%dma_wait3A_253 : memref<4x2048xf32, #tpu.memory_space<hbm>>)
    %dma_wait3A_258 = arith.constant 0 : i32
    %dma_wait3A_259 = arith.constant 3 : i32
    %dma_wait3A_260 = arith.constant 0 : i32
    %dma_wait3A_261 = arith.constant 0 : i32
    %dma_wait3A_262 = arith.constant 0 : i32
    %dma_wait3A_263 = arith.constant 0 : i32
    %dma_wait3A_264 = tpu.memref_slice %arg6[%dma_wait3A_258, %dma_wait3A_259, %dma_wait3A_262, %dma_wait3A_263] : memref<3x4x4x2048xf32, #tpu.memory_space<vmem>> -> memref<1x1x4x2048xf32, #tpu.memory_space<vmem>>
    %dma_wait3A_265 = tpu.memref_squeeze %dma_wait3A_264 : memref<1x1x4x2048xf32, #tpu.memory_space<vmem>> -> memref<4x2048xf32, #tpu.memory_space<vmem>>
    %dma_wait3A_266 = arith.constant 0 : i32
    %dma_wait3A_267 = arith.constant 0 : i32
    %dma_wait3A_268 = tpu.memref_slice %arg4[%dma_wait3A_260, %dma_wait3A_266, %dma_wait3A_267] : memref<4x2048x2048xf32, #tpu.memory_space<hbm>> -> memref<1x4x2048xf32, #tpu.memory_space<hbm>>
    %dma_wait3A_269 = tpu.memref_squeeze %dma_wait3A_268 : memref<1x4x2048xf32, #tpu.memory_space<hbm>> -> memref<4x2048xf32, #tpu.memory_space<hbm>>
    %dma_wait3A_270 = tpu.memref_slice %arg8[%dma_wait3A_261] : memref<3x!tpu.dma_semaphore, #tpu.memory_space<semaphore_mem>> -> memref<1x!tpu.dma_semaphore, #tpu.memory_space<semaphore_mem>>
    %dma_wait3A_271 = tpu.memref_squeeze %dma_wait3A_270 : memref<1x!tpu.dma_semaphore, #tpu.memory_space<semaphore_mem>> -> memref<!tpu.dma_semaphore, #tpu.memory_space<semaphore_mem>>
    %dma_wait3A_272 = arith.constant 0 : i32
    %dma_wait3A_273 = arith.constant 0 : i32
    %dma_wait3A_274 = tpu.memref_slice %arg4[%dma_wait3A_260, %dma_wait3A_272, %dma_wait3A_273] : memref<4x2048x2048xf32, #tpu.memory_space<hbm>> -> memref<1x4x2048xf32, #tpu.memory_space<hbm>>
    %dma_wait3A_275 = tpu.memref_squeeze %dma_wait3A_274 : memref<1x4x2048xf32, #tpu.memory_space<hbm>> -> memref<4x2048xf32, #tpu.memory_space<hbm>>
    %dma_wait3A_276 = arith.constant 0 : i32
    %dma_wait3A_277 = arith.constant 0 : i32
    %dma_wait3A_278 = tpu.memref_slice %arg6[%dma_wait3A_258, %dma_wait3A_259, %dma_wait3A_276, %dma_wait3A_277] : memref<3x4x4x2048xf32, #tpu.memory_space<vmem>> -> memref<1x1x4x2048xf32, #tpu.memory_space<vmem>>
    %dma_wait3A_279 = tpu.memref_squeeze %dma_wait3A_278 : memref<1x1x4x2048xf32, #tpu.memory_space<vmem>> -> memref<4x2048xf32, #tpu.memory_space<vmem>>
    tpu.wait_dma2 semaphore(%dma_wait3A_271 : memref<!tpu.dma_semaphore, #tpu.memory_space<semaphore_mem>>) src(%dma_wait3A_279 : memref<4x2048xf32, #tpu.memory_space<vmem>>) dst(%dma_wait3A_275 : memref<4x2048xf32, #tpu.memory_space<hbm>>)
    return
  }
}

</mosaic_0001>

<sc_bundles>
// kernel: kernel.3.cloned.1.call-start
scs
__scs_entry_jumppad:
0x0: {  	(pc) =	sbr.rel $0x88, $3  }
0x1: {  	(tag) =	ssettag $0x0;
	lr =	simm.s32 $0x1  }
0x2: {  	[smem:$0x3F9F] =	sst lr;
	_ =	strace $0xD0000000  }
0x3: {  	_ = 	snop  }
0x4: {  	_ = 	snop  }
0x5: {  	_ = 	snop  }
0x6: {  	_ = 	snop  }
0x7: {  	_ = 	snop  }
__scs_overlays_trampoline_lowered:
0x8: {  	[smem:$0x3FAE] =	sst s0  }
0x9: {  	[smem:$0x3FAF] =	sst s1  }
0xa: {  	[smem:$0x3FB0] =	sst s2  }
0xb: {  	[smem:$0x3FB1] =	sst s3  }
0xc: {  	[smem:$0x3FB2] =	sst s4  }
0xd: {  	[smem:$0x3FB3] =	sst s5  }
0xe: {  	[smem:$0x3FB4] =	sst s6  }
0xf: {  	[smem:$0x3FB5] =	sst s7  }
0x10: {  	[smem:$0x3FB6] =	sst s8  }
0x11: {  	[smem:$0x3FB7] =	sst s9;
	s0 =	simm.s32 @!p0 $0x0  }
0x12: {  	s1 =	sld [smem:$0x3F9D];
	s0 =	simm.s32 @p0 $0x1  }
0x13: {  	[smem:$0x3FB8] =	sst s0;
	s0 =	simm.s32 @!p1 $0x0  }
0x14: {  	s2 =	sld [smem:$0x3F9C];
	s0 =	simm.s32 @p1 $0x1  }
0x15: {  	[smem:$0x3FB9] =	sst s0;
	s0 =	simm.s32 @!p2 $0x0  }
0x16: {  	s3 =	sld [smem:$0x3FDB];
	s0 =	simm.s32 @p2 $0x1  }
0x17: {  	s4 =	simm.s32 $0x1BF5;
	[smem:$0x3FBB] =	sst s0  }
0x18: {  	s0 =	sld [smem:$0x3F9E];
	_ =	swait.ge [sflag:s4], $0x0  }
0x19: {  	s7 =	sld [smem:$0x3F9F]  }
0x1a: {  	s8 =	sadd.s32 $0xFFFFE003, lr  }
0x1b: {  	s9 =	sadd.s32 $0xFFFFFEF7, lr;
	s5 =	simm.s32 $0xFFFFFFFF;
	p2 =	slt.u32 s8, $0xFFFFF086  }
0x1c: {  	p1 =	slt.u32 s9, $0xF7A;
	s5 =	simm.s32 @!p2 $0x0  }
0x1d: {  	s5 =	simm.s32 @p1 $0x1;
	p0 =	seq.s32 s7, s2  }
0x1e: {  	s7 =	smul.u32 @!p0 $0xF7A, s2;
	p2 =	seq.s32 @!p0 s5, $0x0  }
0x1f: {  	s9 =	smul.u32 $0xF7A, s1;
	s8 =	simm.s32 @!p0 $0x1BF5;
	p2 =	por !p2, p0  }
0x20: {  	[sflag:s8] =	ssyncset.s32 @!p0 $0xFFFFF086;
	s6 =	sadd.s32 @!p0 s3, s7;
	s7 =	simm.s32 @!p0 $0x108  }
0x21: {  	s3 =	sadd.s32 s3, s9;
	s6 =	sadd.s32 @!p0 $0x88, s6;
	s7 =	simm.s32 @p2 $0x1082  }
0x22: {  	[simem:s7], [sflag:s8] =	dma.local @!p0 [hbm:s6], $0xF7A  }
0x23: {  	s9 =	sor.u32 $0xD0000000, s2;
	s6 =	simm.s32 $0x108;
	_ =	swait.ge @!p0 [sflag:s8], $0x0  }
0x24: {  	s3 =	sadd.s32 $0x88, s3;
	s6 =	simm.s32 @!p1 $0x1082;
	[sflag:s4] =	ssyncset.s32 $0xFFFFF086  }
0x25: {  	[simem:s6], [sflag:s4] =	dma.local [hbm:s3], $0xF7A  }
0x26: {  	[smem:$0x3F9F] =	sst s1;
	(tag) =	ssettag s2;
	_ =	strace s9  }
0x27: {  	s1 =	sld [smem:$0x3FAF]  }
0x28: {  	s2 =	sld [smem:$0x3FB0]  }
0x29: {  	s4 =	sld [smem:$0x3FB2]  }
0x2a: {  	p0 =	seq.s32 s5, $0x0;
	s5 =	sld [smem:$0x3FB3]  }
0x2b: {  	s6 =	sld [smem:$0x3FB4]  }
0x2c: {  	s7 =	sld [smem:$0x3FB5]  }
0x2d: {  	s3 =	simm.s32 $0x108;
	s8 =	sld [smem:$0x3FB6]  }
0x2e: {  	s3 =	simm.s32 @!p0 $0x1082;
	s9 =	sld [smem:$0x3FB7]  }
0x2f: {  	lr =	sadd.s32 s0, s3;
	s0 =	sld [smem:$0x3FAE]  }
0x30: {  	s3 =	sld [smem:$0x3FB1]  }
0x31: {  	[smem:$0x3FBA] =	sst s10  }
0x32: {  	s10 =	sld [smem:$0x3FB8];
	_ =	sdelay $0x3  }
0x33: {  	p0 =	seq.s32 s10, $0x1;
	s10 =	sld [smem:$0x3FBA];
	_ =	sdelay $0x3  }
0x34: {  	[smem:$0x3FBA] =	sst s10  }
0x35: {  	s10 =	sld [smem:$0x3FB9];
	_ =	sdelay $0x3  }
0x36: {  	p1 =	seq.s32 s10, $0x1;
	s10 =	sld [smem:$0x3FBA];
	_ =	sdelay $0x3  }
0x37: {  	[smem:$0x3FBA] =	sst s10  }
0x38: {  	s10 =	sld [smem:$0x3FBB]  }
0x39: {  	_ = 	snop;
	(pc) =	sbr.ind lr, $3  }
0x3a: {  	_ = 	snop  }
0x3b: {  	_ = 	snop  }
0x3c: {  	p2 =	seq.s32 s10, $0x1;
	s10 =	sld [smem:$0x3FBA]  }
0x3d: {  	_ =	shalt  }
0x3e: {  	_ =	shalt  }
0x3f: {  	_ =	shalt  }
0x40: {  	_ =	shalt  }
0x41: {  	_ =	shalt  }
0x42: {  	_ =	shalt  }
0x43: {  	_ =	shalt  }
0x44: {  	_ =	shalt  }
0x45: {  	_ =	shalt  }
0x46: {  	_ =	shalt  }
0x47: {  	_ =	shalt  }
0x48: {  	_ =	shalt  }
0x49: {  	_ =	shalt  }
0x4a: {  	_ =	shalt  }
0x4b: {  	_ =	shalt  }
0x4c: {  	_ =	shalt  }
0x4d: {  	_ =	shalt  }
0x4e: {  	_ =	shalt  }
0x4f: {  	_ =	shalt  }
0x50: {  	_ =	shalt  }
0x51: {  	_ =	shalt  }
0x52: {  	_ =	shalt  }
0x53: {  	_ =	shalt  }
0x54: {  	_ =	shalt  }
0x55: {  	_ =	shalt  }
0x56: {  	_ =	shalt  }
0x57: {  	_ =	shalt  }
0x58: {  	_ =	shalt  }
0x59: {  	_ =	shalt  }
0x5a: {  	_ =	shalt  }
0x5b: {  	_ =	shalt  }
0x5c: {  	_ =	shalt  }
0x5d: {  	_ =	shalt  }
0x5e: {  	_ =	shalt  }
0x5f: {  	_ =	shalt  }
0x60: {  	_ =	shalt  }
0x61: {  	_ =	shalt  }
0x62: {  	_ =	shalt  }
0x63: {  	_ =	shalt  }
0x64: {  	_ =	shalt  }
0x65: {  	_ =	shalt  }
0x66: {  	_ =	shalt  }
0x67: {  	_ =	shalt  }
0x68: {  	_ =	shalt  }
0x69: {  	_ =	shalt  }
0x6a: {  	_ =	shalt  }
0x6b: {  	_ =	shalt  }
0x6c: {  	_ =	shalt  }
0x6d: {  	_ =	shalt  }
0x6e: {  	_ =	shalt  }
0x6f: {  	_ =	shalt  }
0x70: {  	_ =	shalt  }
0x71: {  	_ =	shalt  }
0x72: {  	_ =	shalt  }
0x73: {  	_ =	shalt  }
0x74: {  	_ =	shalt  }
0x75: {  	_ =	shalt  }
0x76: {  	_ =	shalt  }
0x77: {  	_ =	shalt  }
0x78: {  	_ =	shalt  }
0x79: {  	_ =	shalt  }
0x7a: {  	_ =	shalt  }
0x7b: {  	_ =	shalt  }
0x7c: {  	_ =	shalt  }
0x7d: {  	_ =	shalt  }
0x7e: {  	_ =	shalt  }
0x7f: {  	_ =	shalt  }
0x80: {  	_ =	shalt  }
0x81: {  	_ =	shalt  }
0x82: {  	_ =	shalt  }
0x83: {  	_ =	shalt  }
0x84: {  	_ =	shalt  }
0x85: {  	_ =	shalt  }
0x86: {  	_ =	shalt  }
0x87: {  	_ =	shalt  }
.Lfunc_end0:
.L_simem_size_0:
called_computation_lowered:
.L_overlay_start_0:
0x88: {  	s2 =	sld [smem:$0x3FD9]  }
0x89: {  	s3 =	sld [smem:$0x3FFE];
	_ =	sdelay $0x1  }
0x8a: {  	s1 =	srdreg.scid  }
0x8b: {  	s0 =	sand.u32 $0x1, s1  }
0x8c: {  	s18 =	sshll.u32 s0, $0xA;
	s2 =	sadd.s32 s3, s2  }
0x8d: {  	s2 =	sadd.s32 s2, s18  }
0x8e: {  	[smem:$0x3FC6] =	sst s2  }
0x8f: {  	_ = 	snop  }
0x90: {  	s2 =	sld [smem:$0x3FC9]  }
0x91: {  	s19 =	sld [smem:$0x3FC8]  }
0x92: {  	s4 =	sld [smem:$0x3FD0];
	(tm) =	ssettm $0x1  }
0x93: {  	s5 =	sld [smem:$0x3FFB];
	_ =	sdelay $0x3  }
0x94: {  	_ =	strace s5  }
0x95: {  	s5 =	sld [smem:$0x3FFC];
	_ =	sdelay $0x3  }
0x96: {  	_ =	strace s5  }
0x97: {  	s5 =	sld [smem:$0x3FFD];
	_ =	sdelay $0x3  }
0x98: {  	_ =	strace s5  }
0x99: {  	_ =	strace $0x8FFFFFFF  }
0x9a: {  	s20 =	sld [smem:$0x3FDB];
	_ =	sdelay $0x1  }
0x9b: {  	s6 =	simm.s32 $_scs_section_size  }
0x9c: {  	s7 =	simm.s32 $_size__tile_overlayer_lowered;
	s8 =	simm.s32 $_tile_overlayer_lowered  }
0x9d: {  	s23 =	simm.s32 $0x1BFF;
	s22 =	sshll.u32 s8, $0x1;
	s5 =	sadd.s32 s6, s20  }
0x9e: {  	s9 =	simm.s32 $0x0;
	s21 =	sshll.u32 s7, $0x1;
	s7 =	sadd.s32 s22, s5  }
0x9f: {  	[timem:s9], [sflag:s23] =	dma.local [hbm:s7], s21  }
0xa0: {  	_ =	swait.ge [sflag:s23], s21  }
0xa1: {  	s6 =	ssub.s32 $0x0, s21;
	[sflag:s23] =	ssyncset.done $0x0  }
0xa2: {  	[sflag:s23] =	ssyncadd.s32 s6;
	_ =	sdelay $0x1  }
0xa3: {  	s24 =	simm.s32 $0x1B8B  }
0xa4: {  	_ =	swait.ge [sflag:s24], $0x1  }
0xa5: {  	[sflag:s24] =	ssyncset.done $0x0  }
0xa6: {  	s25 =	simm.s32 $0x1B8E;
	[sflag:s24] =	ssyncadd.s32 $0xFFFFFFFF  }
0xa7: {  	s26 =	simm.s32 $execute0_lowered;
	[smem:$0x3FD2] =	sst s25  }
0xa8: {  	s6 =	sshll.u32 s26, $0x1;
	_ =	strace $0x80000046;
	[dreg:$0x1] =	wrdreg $0xFFFFFFFF  }
0xa9: {  	s28 =	simm.s32 $_size_execute0_lowered;
	s5 =	sadd.s32 s5, s6;
	[dreg:$0x0] =	wrdreg $0x0  }
0xaa: {  	s6 =	sshll.u32 s28, $0x1;
	[dreg:$0x2] =	wrdreg s5  }
0xab: {  	[dreg:$0x3] =	wrdreg s6  }
0xac: {  	[dreg:$0x4] =	wrdreg $0xC0  }
0xad: {  	_ =	task [dreg:s9], $0x5FFFF  }
0xae: {  	[dreg:$0x1] =	wrdreg $0xFFFFFFFF  }
0xaf: {  	[dreg:$0x0] =	wrdreg $0x60  }
0xb0: {  	[dreg:$0x2] =	wrdreg s2  }
0xb1: {  	[dreg:$0x3] =	wrdreg s19  }
0xb2: {  	[dreg:$0x4] =	wrdreg s4  }
0xb3: {  	[dreg:$0x5] =	wrdreg $0x9  }
0xb4: {  	_ =	task.clear_ibuf [dreg:s9], $0x6FFFF;
	_ =	strace $0x90000046  }
0xb5: {  	s29 =	simm.s32 $0x9;
	_ =	strace $0x80000048  }
0xb6: {  	_ =	swait.ge [sflag:s29], $0x1  }
0xb7: {  	[sflag:s29] =	ssyncadd.s32 $0xFFFFFFFF  }
0xb8: {  	_ =	strace $0x90000048  }
0xb9: {  	_ =	sfence  }
0xba: {  	s30 =	sld [smem:$0x0];
	_ =	sdelay $0x2  }
0xbb: {  	s31 =	sshll.u32 s1, $0xD;
	s1 =	sshrl.u32 s1, $0x2  }
0xbc: {  	s3 =	sand.u32 $0x4000, s31;
	s1 =	sadd.s32 s1, s30  }
0xbd: {  	s0 =	sor.u32 s3, s0;
	s1 =	sshll.u32 s1, $0x11  }
0xbe: {  	s0 =	sor.u32 s1, s0  }
0xbf: {  	s0 =	sadd.s32 $0x8F2B, s0  }
0xc0: {  	[sflag:s0] =	ssyncadd.remote.s32 $0x1  }
0xc1: {  	_ =	sfence.sel $0xFFFF  }
0xc2: {  	[dreg:$0x0] =	wrdreg $0xFFFFFFFF;
	(pc) =	sbr.abs _section_cstart, $3  }
0xc3: {  	[dreg:$0x1] =	wrdreg $0xFFFFFFFF  }
0xc4: {  	_ =	task.clear_ibuf [dreg:s9], $0x2FFFF;
	_ =	strace $0x9FFFFFFF  }
0xc5: {  	(tm) =	ssettm $0x7FFFFFFF  }
tec
execute0_lowered:
.L_overlay_start_1:
0x0: {  	(tag) =	ssettag $0x1  }
0x1: {  	s1 =	rddreg [dreg:$0x0]  }
0x2: {  	s3 =	rddreg [dreg:$0x1]  }
0x3: {  	s4 =	rddreg [dreg:$0x2]  }
0x4: {  	s0 =	srdreg.scid;
	s2 =	stileid.u32;
	s5 =	simm.s32 $0x0  }
0x5: {  	s14 =	simm.s32 $0x200;
	s15 =	simm.s32 $0x400;
	s16 =	simm.s32 $0x6000  }
0x6: {  	s17 =	simm.s32 $0x8000;
	s18 =	simm.s32 $0xA000;
	s19 =	simm.s32 $0xC000  }
0x7: {  	s20 =	simm.s32 $0x6;
	s21 =	simm.s32 $0x4;
	s22 =	simm.s32 $0x0  }
0x8: {  	s0 =	sand.u32 $0x1, s0;
	s6 =	sshll.u32 s2, $0x7;
	[smem:$0x7FF] =	sst s5  }
0x9: {  	s10 =	sadd.s32 $0x100000, s1;
	s7 =	sshll.u32 s0, $0x6;
	s0 =	ssub.s32 $0x2, s0  }
0xa: {  	_ =	strace $0x80000047;
	s6 =	sor.u32 s7, s6;
	s31 =	sshrl.u32 s0, $0x1  }
0xb: {  	s11 =	sshll.u32 s6, $0x8;
	s0 =	ssub.s32 s0, s31;
	s6 =	sshll.u32 s6, $0xB  }
0xc: {  	s7 =	sadd.s32 s1, s11;
	s8 =	sadd.s32 s3, s11;
	s11 =	sadd.s32 s11, s10  }
0xd: {  	s13 =	smax.u32 s0, $0x1;
	s9 =	sadd.s32 $0x80000, s7;
	s12 =	sadd.s32 $0x180000, s7  }
.LBB2_1:
0xe: {  	[tilespmem:s5], [sflag:$0x1] =	stream.strided.gather [hbm4b:s8+s14], $0x2000, s15, s14, $0x38;
	[tilespmem:$0x1E000] =	vst v63  }
0xf: {  	_ = 	snop  }
0x10: {  	[tilespmem:s16], [sflag:$0x1] =	stream.strided.gather [hbm4b:s7+s14], $0x2000, s15, s14, $0x38;
	[tilespmem:$0x1E000] =	vst v63  }
0x11: {  	_ = 	snop  }
0x12: {  	[tilespmem:s17], [sflag:$0x1] =	stream.strided.gather [hbm4b:s9+s14], $0x2000, s15, s14, $0x38;
	[tilespmem:$0x1E000] =	vst v63  }
0x13: {  	_ = 	snop  }
0x14: {  	[tilespmem:s18], [sflag:$0x1] =	stream.strided.gather [hbm4b:s11+s14], $0x2000, s15, s14, $0x38;
	[tilespmem:$0x1E000] =	vst v63  }
0x15: {  	s24 =	simm.s32 $0x0  }
0x16: {  	[tilespmem:s19], [sflag:$0x1] =	stream.strided.gather [hbm4b:s12+s14], $0x2000, s15, s14, $0x38;
	[tilespmem:$0x1E000] =	vst v63  }
.LBB2_2:
0x17: {  	s0 =	smul.u32 $0xAB, s24;
	_ =	sdelay $0x1  }
0x18: {  	s23 =	sadd.s32 $0xAB, s0  }
0x19: {  	s23 =	sshrl.u32 s23, $0x9  }
0x1a: {  	s23 =	sand.u32 $0x7F, s23  }
0x1b: {  	s25 =	smul.u32 $0x3, s23  }
0x1c: {  	s23 =	sadd.s32 $0x1, s24  }
0x1d: {  	s25 =	ssub.s32 s23, s25  }
0x1e: {  	p0 =	slt.u32 s24, $0x2;
	s25 =	sand.u32 $0xFF, s25  }
0x1f: {  	s26 =	sadd.s32 @!p0 $0x4, s25  }
0x20: {  	_ =	swait.ge @!p0 [sflag:s26], $0x2000  }
0x21: {  	[sflag:s26] =	ssyncset.done @!p0 $0x0  }
0x22: {  	[sflag:s26] =	ssyncadd.s32 @!p0 $0xFFFFE000  }
0x23: {  	_ =	swait.ge @!p0 [sflag:s26], $0x2000  }
0x24: {  	[sflag:s26] =	ssyncset.done @!p0 $0x0  }
0x25: {  	[sflag:s26] =	ssyncadd.s32 @!p0 $0xFFFFE000  }
0x26: {  	_ =	swait.ge @!p0 [sflag:s26], $0x2000  }
0x27: {  	[sflag:s26] =	ssyncset.done @!p0 $0x0  }
0x28: {  	[sflag:s26] =	ssyncadd.s32 @!p0 $0xFFFFE000  }
0x29: {  	p1 =	seq.s32 @!p0 s24, $0xF;
	_ =	swait.ge @!p0 [sflag:s26], $0x2000  }
0x2a: {  	p1 =	por p0, !p1;
	[sflag:s26] =	ssyncset.done @!p0 $0x0  }
0x2b: {  	[sflag:s26] =	ssyncadd.s32 @!p0 $0xFFFFE000;
	s26 =	sshll.u32 @p1 s23, $0xD  }
0x2c: {  	s28 =	sshll.u32 @p1 s23, $0x9;
	s26 =	sadd.s32 @p1 s6, s26  }
0x2d: {  	s28 =	sand.u32 @p1 $0x200, s28;
	s26 =	sand.u32 @p1 $0x7FC000, s26  }
0x2e: {  	s26 =	sor.u32 @p1 s28, s26  }
0x2f: {  	s28 =	sshll.u32 @p1 s25, $0xF;
	s29 =	sshrl.u32 @p1 s26, $0x3  }
0x30: {  	s25 =	sadd.s32 @p1 $0x1, s25;
	s30 =	sshrl.u32 @p1 s28, $0x2;
	s31 =	sadd.s32 @p1 s3, s29  }
0x31: {  	[tilespmem:s30], [sflag:s25] =	stream.strided.gather @p1 [hbm4b:s31+s14], $0x2000, s15, s14, $0x38;
	[tilespmem:$0x1E000] =	vst v63  }
0x32: {  	s0 =	sshrl.u32 s0, $0x9;
	s30 =	sor.u32 @p1 $0x6000, s28;
	s31 =	sadd.s32 @p1 s1, s29  }
0x33: {  	[tilespmem:s30], [sflag:s25] =	stream.strided.gather @p1 [hbm4b:s31+s14], $0x2000, s15, s14, $0x38;
	[tilespmem:$0x1E000] =	vst v63  }
0x34: {  	s0 =	sand.u32 $0x7F, s0;
	s30 =	sadd.s32 @p1 $0x400000, s26  }
0x35: {  	s0 =	smul.u32 $0x3, s0;
	s30 =	sshrl.u32 @p1 s30, $0x3  }
0x36: {  	s31 =	sadd.s32 @p1 $0x8000, s28;
	s26 =	sadd.s32 @p1 $0xC00000, s26;
	s30 =	sadd.s32 @p1 s1, s30  }
0x37: {  	[tilespmem:s31], [sflag:s25] =	stream.strided.gather @p1 [hbm4b:s30+s14], $0x2000, s15, s14, $0x38;
	[tilespmem:$0x1E000] =	vst v63  }
0x38: {  	s29 =	sadd.s32 @p1 s29, s10;
	s26 =	sshrl.u32 @p1 s26, $0x3;
	s30 =	sadd.s32 @p1 $0xA000, s28  }
0x39: {  	[tilespmem:s30], [sflag:s25] =	stream.strided.gather @p1 [hbm4b:s29+s14], $0x2000, s15, s14, $0x38;
	[tilespmem:$0x1E000] =	vst v63  }
0x3a: {  	s0 =	ssub.s32 s24, s0;
	s26 =	sadd.s32 @p1 s1, s26;
	s28 =	sadd.s32 @p1 $0xC000, s28  }
0x3b: {  	[tilespmem:s28], [sflag:s25] =	stream.strided.gather @p1 [hbm4b:s26+s14], $0x2000, s15, s14, $0x38;
	[tilespmem:$0x1E000] =	vst v63  }
0x3c: {  	s25 =	sand.u32 $0xFF, s0  }
0x3d: {  	s0 =	sadd.s32 $0x1, s25  }
0x3e: {  	_ =	swait.ge [sflag:s0], $0x2000  }
0x3f: {  	[sflag:s0] =	ssyncset.done $0x0  }
0x40: {  	[sflag:s0] =	ssyncadd.s32 $0xFFFFE000  }
0x41: {  	_ =	swait.ge [sflag:s0], $0x2000  }
0x42: {  	[sflag:s0] =	ssyncset.done $0x0  }
0x43: {  	[sflag:s0] =	ssyncadd.s32 $0xFFFFE000  }
0x44: {  	_ =	swait.ge [sflag:s0], $0x2000  }
0x45: {  	[sflag:s0] =	ssyncset.done $0x0  }
0x46: {  	[sflag:s0] =	ssyncadd.s32 $0xFFFFE000  }
0x47: {  	s26 =	sshll.u32 s25, $0xF;
	_ =	swait.ge [sflag:s0], $0x2000  }
0x48: {  	s31 =	sshrl.u32 s26, $0x2;
	[sflag:s0] =	ssyncset.done $0x0  }
0x49: {  	s30 =	sor.u32 $0x6000, s26;
	v0 =	vmov s31;
	[sflag:s0] =	ssyncadd.s32 $0xFFFFE000  }
0x4a: {  	s29 =	sadd.s32 $0x8000, s26;
	v1 =	vmov s30;
	_ =	swait.ge [sflag:s0], $0x2000  }
0x4b: {  	s28 =	sadd.s32 $0xA000, s26;
	s26 =	sadd.s32 $0xC000, s26;
	[sflag:s0] =	ssyncset.done $0x0  }
0x4c: {  	s31 =	simm.s32 $0x0;
	v2 =	vmov s29;
	v3 =	vmov s28;
	v4 =	vmov s26;
	[sflag:s0] =	ssyncadd.s32 $0xFFFFE000  }
.LBB2_3:
0x4d: {  	s0 =	sshll.u32 s31, $0x9  }
0x4e: {  	v5 =	vld.idx.msk [tilespmem:v0+s0+$0x0 ss:$0x1], $0xffff  }
0x4f: {  	v6 =	vld.idx.msk [tilespmem:v1+s0+$0x0 ss:$0x1], $0xffff;
	_ =	sdelay $0x4  }
0x50: {  	v6 =	vadd.f32 v6, v5;
	_ =	sdelay $0x1  }
0x51: {  	[tilespmem:v1+s0+$0x0 ss:$0x1] =	vst.idx.msk $0xffff, v6  }
0x52: {  	v6 =	vld.idx.msk [tilespmem:v2+s0+$0x0 ss:$0x1], $0xffff;
	_ =	sdelay $0x4  }
0x53: {  	v6 =	vadd.f32 v6, v5;
	_ =	sdelay $0x1  }
0x54: {  	[tilespmem:v2+s0+$0x0 ss:$0x1] =	vst.idx.msk $0xffff, v6  }
0x55: {  	v6 =	vld.idx.msk [tilespmem:v3+s0+$0x0 ss:$0x1], $0xffff;
	_ =	sdelay $0x4  }
0x56: {  	v6 =	vadd.f32 v6, v5;
	_ =	sdelay $0x1  }
0x57: {  	[tilespmem:v3+s0+$0x0 ss:$0x1] =	vst.idx.msk $0xffff, v6  }
0x58: {  	v6 =	vld.idx.msk [tilespmem:v4+s0+$0x0 ss:$0x1], $0xffff;
	_ =	sdelay $0x4  }
0x59: {  	v5 =	vadd.f32 v6, v5;
	_ =	sdelay $0x1  }
0x5a: {  	[tilespmem:v4+s0+$0x0 ss:$0x1] =	vst.idx.msk $0xffff, v5  }
0x5b: {  	v5 =	vld.idx.msk [tilespmem:v0+s0+$0x10 ss:$0x1], $0xffff  }
0x5c: {  	v6 =	vld.idx.msk [tilespmem:v1+s0+$0x10 ss:$0x1], $0xffff;
	_ =	sdelay $0x4  }
0x5d: {  	v6 =	vadd.f32 v6, v5;
	_ =	sdelay $0x1  }
0x5e: {  	[tilespmem:v1+s0+$0x10 ss:$0x1] =	vst.idx.msk $0xffff, v6  }
0x5f: {  	v6 =	vld.idx.msk [tilespmem:v2+s0+$0x10 ss:$0x1], $0xffff;
	_ =	sdelay $0x4  }
0x60: {  	v6 =	vadd.f32 v6, v5;
	_ =	sdelay $0x1  }
0x61: {  	[tilespmem:v2+s0+$0x10 ss:$0x1] =	vst.idx.msk $0xffff, v6  }
0x62: {  	v6 =	vld.idx.msk [tilespmem:v3+s0+$0x10 ss:$0x1], $0xffff;
	_ =	sdelay $0x4  }
0x63: {  	v6 =	vadd.f32 v6, v5;
	_ =	sdelay $0x1  }
0x64: {  	[tilespmem:v3+s0+$0x10 ss:$0x1] =	vst.idx.msk $0xffff, v6  }
0x65: {  	v6 =	vld.idx.msk [tilespmem:v4+s0+$0x10 ss:$0x1], $0xffff;
	_ =	sdelay $0x4  }
0x66: {  	v5 =	vadd.f32 v6, v5;
	_ =	sdelay $0x1  }
0x67: {  	[tilespmem:v4+s0+$0x10 ss:$0x1] =	vst.idx.msk $0xffff, v5  }
0x68: {  	v5 =	vld.idx.msk [tilespmem:v0+s0+$0x20 ss:$0x1], $0xffff  }
0x69: {  	v6 =	vld.idx.msk [tilespmem:v1+s0+$0x20 ss:$0x1], $0xffff;
	_ =	sdelay $0x4  }
0x6a: {  	v6 =	vadd.f32 v6, v5;
	_ =	sdelay $0x1  }
0x6b: {  	[tilespmem:v1+s0+$0x20 ss:$0x1] =	vst.idx.msk $0xffff, v6  }
0x6c: {  	v6 =	vld.idx.msk [tilespmem:v2+s0+$0x20 ss:$0x1], $0xffff;
	_ =	sdelay $0x4  }
0x6d: {  	v6 =	vadd.f32 v6, v5;
	_ =	sdelay $0x1  }
0x6e: {  	[tilespmem:v2+s0+$0x20 ss:$0x1] =	vst.idx.msk $0xffff, v6  }
0x6f: {  	v6 =	vld.idx.msk [tilespmem:v3+s0+$0x20 ss:$0x1], $0xffff;
	_ =	sdelay $0x4  }
0x70: {  	v6 =	vadd.f32 v6, v5;
	_ =	sdelay $0x1  }
0x71: {  	[tilespmem:v3+s0+$0x20 ss:$0x1] =	vst.idx.msk $0xffff, v6  }
0x72: {  	v6 =	vld.idx.msk [tilespmem:v4+s0+$0x20 ss:$0x1], $0xffff;
	_ =	sdelay $0x4  }
0x73: {  	v5 =	vadd.f32 v6, v5;
	_ =	sdelay $0x1  }
0x74: {  	[tilespmem:v4+s0+$0x20 ss:$0x1] =	vst.idx.msk $0xffff, v5  }
0x75: {  	v5 =	vld.idx.msk [tilespmem:v0+s0+$0x30 ss:$0x1], $0xffff  }
0x76: {  	v6 =	vld.idx.msk [tilespmem:v1+s0+$0x30 ss:$0x1], $0xffff;
	_ =	sdelay $0x4  }
0x77: {  	v6 =	vadd.f32 v6, v5;
	_ =	sdelay $0x1  }
0x78: {  	[tilespmem:v1+s0+$0x30 ss:$0x1] =	vst.idx.msk $0xffff, v6  }
0x79: {  	v6 =	vld.idx.msk [tilespmem:v2+s0+$0x30 ss:$0x1], $0xffff;
	_ =	sdelay $0x4  }
0x7a: {  	v6 =	vadd.f32 v6, v5;
	_ =	sdelay $0x1  }
0x7b: {  	[tilespmem:v2+s0+$0x30 ss:$0x1] =	vst.idx.msk $0xffff, v6  }
0x7c: {  	v6 =	vld.idx.msk [tilespmem:v3+s0+$0x30 ss:$0x1], $0xffff;
	_ =	sdelay $0x4  }
0x7d: {  	v6 =	vadd.f32 v6, v5;
	_ =	sdelay $0x1  }
0x7e: {  	[tilespmem:v3+s0+$0x30 ss:$0x1] =	vst.idx.msk $0xffff, v6  }
0x7f: {  	v6 =	vld.idx.msk [tilespmem:v4+s0+$0x30 ss:$0x1], $0xffff;
	_ =	sdelay $0x4  }
0x80: {  	v5 =	vadd.f32 v6, v5;
	_ =	sdelay $0x1  }
0x81: {  	[tilespmem:v4+s0+$0x30 ss:$0x1] =	vst.idx.msk $0xffff, v5  }
0x82: {  	v5 =	vld.idx.msk [tilespmem:v0+s0+$0x40 ss:$0x1], $0xffff  }
0x83: {  	v6 =	vld.idx.msk [tilespmem:v1+s0+$0x40 ss:$0x1], $0xffff;
	_ =	sdelay $0x4  }
0x84: {  	v6 =	vadd.f32 v6, v5;
	_ =	sdelay $0x1  }
0x85: {  	[tilespmem:v1+s0+$0x40 ss:$0x1] =	vst.idx.msk $0xffff, v6  }
0x86: {  	v6 =	vld.idx.msk [tilespmem:v2+s0+$0x40 ss:$0x1], $0xffff;
	_ =	sdelay $0x4  }
0x87: {  	v6 =	vadd.f32 v6, v5;
	_ =	sdelay $0x1  }
0x88: {  	[tilespmem:v2+s0+$0x40 ss:$0x1] =	vst.idx.msk $0xffff, v6  }
0x89: {  	v6 =	vld.idx.msk [tilespmem:v3+s0+$0x40 ss:$0x1], $0xffff;
	_ =	sdelay $0x4  }
0x8a: {  	v6 =	vadd.f32 v6, v5;
	_ =	sdelay $0x1  }
0x8b: {  	[tilespmem:v3+s0+$0x40 ss:$0x1] =	vst.idx.msk $0xffff, v6  }
0x8c: {  	v6 =	vld.idx.msk [tilespmem:v4+s0+$0x40 ss:$0x1], $0xffff;
	_ =	sdelay $0x4  }
0x8d: {  	v5 =	vadd.f32 v6, v5;
	_ =	sdelay $0x1  }
0x8e: {  	[tilespmem:v4+s0+$0x40 ss:$0x1] =	vst.idx.msk $0xffff, v5  }
0x8f: {  	v5 =	vld.idx.msk [tilespmem:v0+s0+$0x50 ss:$0x1], $0xffff  }
0x90: {  	v6 =	vld.idx.msk [tilespmem:v1+s0+$0x50 ss:$0x1], $0xffff;
	_ =	sdelay $0x4  }
0x91: {  	v6 =	vadd.f32 v6, v5;
	_ =	sdelay $0x1  }
0x92: {  	[tilespmem:v1+s0+$0x50 ss:$0x1] =	vst.idx.msk $0xffff, v6  }
0x93: {  	v6 =	vld.idx.msk [tilespmem:v2+s0+$0x50 ss:$0x1], $0xffff;
	_ =	sdelay $0x4  }
0x94: {  	v6 =	vadd.f32 v6, v5;
	_ =	sdelay $0x1  }
0x95: {  	[tilespmem:v2+s0+$0x50 ss:$0x1] =	vst.idx.msk $0xffff, v6  }
0x96: {  	v6 =	vld.idx.msk [tilespmem:v3+s0+$0x50 ss:$0x1], $0xffff;
	_ =	sdelay $0x4  }
0x97: {  	v6 =	vadd.f32 v6, v5;
	_ =	sdelay $0x1  }
0x98: {  	[tilespmem:v3+s0+$0x50 ss:$0x1] =	vst.idx.msk $0xffff, v6  }
0x99: {  	v6 =	vld.idx.msk [tilespmem:v4+s0+$0x50 ss:$0x1], $0xffff;
	_ =	sdelay $0x4  }
0x9a: {  	v5 =	vadd.f32 v6, v5;
	_ =	sdelay $0x1  }
0x9b: {  	[tilespmem:v4+s0+$0x50 ss:$0x1] =	vst.idx.msk $0xffff, v5  }
0x9c: {  	v5 =	vld.idx.msk [tilespmem:v0+s0+$0x60 ss:$0x1], $0xffff  }
0x9d: {  	v6 =	vld.idx.msk [tilespmem:v1+s0+$0x60 ss:$0x1], $0xffff;
	_ =	sdelay $0x4  }
0x9e: {  	v6 =	vadd.f32 v6, v5;
	_ =	sdelay $0x1  }
0x9f: {  	[tilespmem:v1+s0+$0x60 ss:$0x1] =	vst.idx.msk $0xffff, v6  }
0xa0: {  	v6 =	vld.idx.msk [tilespmem:v2+s0+$0x60 ss:$0x1], $0xffff;
	_ =	sdelay $0x4  }
0xa1: {  	v6 =	vadd.f32 v6, v5;
	_ =	sdelay $0x1  }
0xa2: {  	[tilespmem:v2+s0+$0x60 ss:$0x1] =	vst.idx.msk $0xffff, v6  }
0xa3: {  	v6 =	vld.idx.msk [tilespmem:v3+s0+$0x60 ss:$0x1], $0xffff;
	_ =	sdelay $0x4  }
0xa4: {  	v6 =	vadd.f32 v6, v5;
	_ =	sdelay $0x1  }
0xa5: {  	[tilespmem:v3+s0+$0x60 ss:$0x1] =	vst.idx.msk $0xffff, v6  }
0xa6: {  	v6 =	vld.idx.msk [tilespmem:v4+s0+$0x60 ss:$0x1], $0xffff;
	_ =	sdelay $0x4  }
0xa7: {  	v5 =	vadd.f32 v6, v5;
	_ =	sdelay $0x1  }
0xa8: {  	[tilespmem:v4+s0+$0x60 ss:$0x1] =	vst.idx.msk $0xffff, v5  }
0xa9: {  	v5 =	vld.idx.msk [tilespmem:v0+s0+$0x70 ss:$0x1], $0xffff  }
0xaa: {  	v6 =	vld.idx.msk [tilespmem:v1+s0+$0x70 ss:$0x1], $0xffff;
	_ =	sdelay $0x4  }
0xab: {  	v6 =	vadd.f32 v6, v5;
	_ =	sdelay $0x1  }
0xac: {  	[tilespmem:v1+s0+$0x70 ss:$0x1] =	vst.idx.msk $0xffff, v6  }
0xad: {  	v6 =	vld.idx.msk [tilespmem:v2+s0+$0x70 ss:$0x1], $0xffff;
	_ =	sdelay $0x4  }
0xae: {  	v6 =	vadd.f32 v6, v5;
	_ =	sdelay $0x1  }
0xaf: {  	[tilespmem:v2+s0+$0x70 ss:$0x1] =	vst.idx.msk $0xffff, v6  }
0xb0: {  	v6 =	vld.idx.msk [tilespmem:v3+s0+$0x70 ss:$0x1], $0xffff;
	_ =	sdelay $0x4  }
0xb1: {  	v6 =	vadd.f32 v6, v5;
	_ =	sdelay $0x1  }
0xb2: {  	[tilespmem:v3+s0+$0x70 ss:$0x1] =	vst.idx.msk $0xffff, v6  }
0xb3: {  	v6 =	vld.idx.msk [tilespmem:v4+s0+$0x70 ss:$0x1], $0xffff;
	_ =	sdelay $0x4  }
0xb4: {  	v5 =	vadd.f32 v6, v5;
	_ =	sdelay $0x1  }
0xb5: {  	[tilespmem:v4+s0+$0x70 ss:$0x1] =	vst.idx.msk $0xffff, v5  }
0xb6: {  	v5 =	vld.idx.msk [tilespmem:v0+s0+$0x80 ss:$0x1], $0xffff  }
0xb7: {  	v6 =	vld.idx.msk [tilespmem:v1+s0+$0x80 ss:$0x1], $0xffff;
	_ =	sdelay $0x4  }
0xb8: {  	v6 =	vadd.f32 v6, v5;
	_ =	sdelay $0x1  }
0xb9: {  	[tilespmem:v1+s0+$0x80 ss:$0x1] =	vst.idx.msk $0xffff, v6  }
0xba: {  	v6 =	vld.idx.msk [tilespmem:v2+s0+$0x80 ss:$0x1], $0xffff;
	_ =	sdelay $0x4  }
0xbb: {  	v6 =	vadd.f32 v6, v5;
	_ =	sdelay $0x1  }
0xbc: {  	[tilespmem:v2+s0+$0x80 ss:$0x1] =	vst.idx.msk $0xffff, v6  }
0xbd: {  	v6 =	vld.idx.msk [tilespmem:v3+s0+$0x80 ss:$0x1], $0xffff;
	_ =	sdelay $0x4  }
0xbe: {  	v6 =	vadd.f32 v6, v5;
	_ =	sdelay $0x1  }
0xbf: {  	[tilespmem:v3+s0+$0x80 ss:$0x1] =	vst.idx.msk $0xffff, v6  }
0xc0: {  	v6 =	vld.idx.msk [tilespmem:v4+s0+$0x80 ss:$0x1], $0xffff;
	_ =	sdelay $0x4  }
0xc1: {  	v5 =	vadd.f32 v6, v5;
	_ =	sdelay $0x1  }
0xc2: {  	[tilespmem:v4+s0+$0x80 ss:$0x1] =	vst.idx.msk $0xffff, v5  }
0xc3: {  	v5 =	vld.idx.msk [tilespmem:v0+s0+$0x90 ss:$0x1], $0xffff  }
0xc4: {  	v6 =	vld.idx.msk [tilespmem:v1+s0+$0x90 ss:$0x1], $0xffff;
	_ =	sdelay $0x4  }
0xc5: {  	v6 =	vadd.f32 v6, v5;
	_ =	sdelay $0x1  }
0xc6: {  	[tilespmem:v1+s0+$0x90 ss:$0x1] =	vst.idx.msk $0xffff, v6  }
0xc7: {  	v6 =	vld.idx.msk [tilespmem:v2+s0+$0x90 ss:$0x1], $0xffff;
	_ =	sdelay $0x4  }
0xc8: {  	v6 =	vadd.f32 v6, v5;
	_ =	sdelay $0x1  }
0xc9: {  	[tilespmem:v2+s0+$0x90 ss:$0x1] =	vst.idx.msk $0xffff, v6  }
0xca: {  	v6 =	vld.idx.msk [tilespmem:v3+s0+$0x90 ss:$0x1], $0xffff;
	_ =	sdelay $0x4  }
0xcb: {  	v6 =	vadd.f32 v6, v5;
	_ =	sdelay $0x1  }
0xcc: {  	[tilespmem:v3+s0+$0x90 ss:$0x1] =	vst.idx.msk $0xffff, v6  }
0xcd: {  	v6 =	vld.idx.msk [tilespmem:v4+s0+$0x90 ss:$0x1], $0xffff;
	_ =	sdelay $0x4  }
0xce: {  	v5 =	vadd.f32 v6, v5;
	_ =	sdelay $0x1  }
0xcf: {  	[tilespmem:v4+s0+$0x90 ss:$0x1] =	vst.idx.msk $0xffff, v5  }
0xd0: {  	v5 =	vld.idx.msk [tilespmem:v0+s0+$0xA0 ss:$0x1], $0xffff  }
0xd1: {  	v6 =	vld.idx.msk [tilespmem:v1+s0+$0xA0 ss:$0x1], $0xffff;
	_ =	sdelay $0x4  }
0xd2: {  	v6 =	vadd.f32 v6, v5;
	_ =	sdelay $0x1  }
0xd3: {  	[tilespmem:v1+s0+$0xA0 ss:$0x1] =	vst.idx.msk $0xffff, v6  }
0xd4: {  	v6 =	vld.idx.msk [tilespmem:v2+s0+$0xA0 ss:$0x1], $0xffff;
	_ =	sdelay $0x4  }
0xd5: {  	v6 =	vadd.f32 v6, v5;
	_ =	sdelay $0x1  }
0xd6: {  	[tilespmem:v2+s0+$0xA0 ss:$0x1] =	vst.idx.msk $0xffff, v6  }
0xd7: {  	v6 =	vld.idx.msk [tilespmem:v3+s0+$0xA0 ss:$0x1], $0xffff;
	_ =	sdelay $0x4  }
0xd8: {  	v6 =	vadd.f32 v6, v5;
	_ =	sdelay $0x1  }
0xd9: {  	[tilespmem:v3+s0+$0xA0 ss:$0x1] =	vst.idx.msk $0xffff, v6  }
0xda: {  	v6 =	vld.idx.msk [tilespmem:v4+s0+$0xA0 ss:$0x1], $0xffff;
	_ =	sdelay $0x4  }
0xdb: {  	v5 =	vadd.f32 v6, v5;
	_ =	sdelay $0x1  }
0xdc: {  	[tilespmem:v4+s0+$0xA0 ss:$0x1] =	vst.idx.msk $0xffff, v5  }
0xdd: {  	v5 =	vld.idx.msk [tilespmem:v0+s0+$0xB0 ss:$0x1], $0xffff  }
0xde: {  	v6 =	vld.idx.msk [tilespmem:v1+s0+$0xB0 ss:$0x1], $0xffff;
	_ =	sdelay $0x4  }
0xdf: {  	v6 =	vadd.f32 v6, v5;
	_ =	sdelay $0x1  }
0xe0: {  	[tilespmem:v1+s0+$0xB0 ss:$0x1] =	vst.idx.msk $0xffff, v6  }
0xe1: {  	v6 =	vld.idx.msk [tilespmem:v2+s0+$0xB0 ss:$0x1], $0xffff;
	_ =	sdelay $0x4  }
0xe2: {  	v6 =	vadd.f32 v6, v5;
	_ =	sdelay $0x1  }
0xe3: {  	[tilespmem:v2+s0+$0xB0 ss:$0x1] =	vst.idx.msk $0xffff, v6  }
0xe4: {  	v6 =	vld.idx.msk [tilespmem:v3+s0+$0xB0 ss:$0x1], $0xffff;
	_ =	sdelay $0x4  }
0xe5: {  	v6 =	vadd.f32 v6, v5;
	_ =	sdelay $0x1  }
0xe6: {  	[tilespmem:v3+s0+$0xB0 ss:$0x1] =	vst.idx.msk $0xffff, v6  }
0xe7: {  	v6 =	vld.idx.msk [tilespmem:v4+s0+$0xB0 ss:$0x1], $0xffff;
	_ =	sdelay $0x4  }
0xe8: {  	v5 =	vadd.f32 v6, v5;
	_ =	sdelay $0x1  }
0xe9: {  	[tilespmem:v4+s0+$0xB0 ss:$0x1] =	vst.idx.msk $0xffff, v5  }
0xea: {  	v5 =	vld.idx.msk [tilespmem:v0+s0+$0xC0 ss:$0x1], $0xffff  }
0xeb: {  	v6 =	vld.idx.msk [tilespmem:v1+s0+$0xC0 ss:$0x1], $0xffff;
	_ =	sdelay $0x4  }
0xec: {  	v6 =	vadd.f32 v6, v5;
	_ =	sdelay $0x1  }
0xed: {  	[tilespmem:v1+s0+$0xC0 ss:$0x1] =	vst.idx.msk $0xffff, v6  }
0xee: {  	v6 =	vld.idx.msk [tilespmem:v2+s0+$0xC0 ss:$0x1], $0xffff;
	_ =	sdelay $0x4  }
0xef: {  	v6 =	vadd.f32 v6, v5;
	_ =	sdelay $0x1  }
0xf0: {  	[tilespmem:v2+s0+$0xC0 ss:$0x1] =	vst.idx.msk $0xffff, v6  }
0xf1: {  	v6 =	vld.idx.msk [tilespmem:v3+s0+$0xC0 ss:$0x1], $0xffff;
	_ =	sdelay $0x4  }
0xf2: {  	v6 =	vadd.f32 v6, v5;
	_ =	sdelay $0x1  }
0xf3: {  	[tilespmem:v3+s0+$0xC0 ss:$0x1] =	vst.idx.msk $0xffff, v6  }
0xf4: {  	v6 =	vld.idx.msk [tilespmem:v4+s0+$0xC0 ss:$0x1], $0xffff;
	_ =	sdelay $0x4  }
0xf5: {  	v5 =	vadd.f32 v6, v5;
	_ =	sdelay $0x1  }
0xf6: {  	[tilespmem:v4+s0+$0xC0 ss:$0x1] =	vst.idx.msk $0xffff, v5  }
0xf7: {  	v5 =	vld.idx.msk [tilespmem:v0+s0+$0xD0 ss:$0x1], $0xffff  }
0xf8: {  	v6 =	vld.idx.msk [tilespmem:v1+s0+$0xD0 ss:$0x1], $0xffff;
	_ =	sdelay $0x4  }
0xf9: {  	v6 =	vadd.f32 v6, v5;
	_ =	sdelay $0x1  }
0xfa: {  	[tilespmem:v1+s0+$0xD0 ss:$0x1] =	vst.idx.msk $0xffff, v6  }
0xfb: {  	v6 =	vld.idx.msk [tilespmem:v2+s0+$0xD0 ss:$0x1], $0xffff;
	_ =	sdelay $0x4  }
0xfc: {  	v6 =	vadd.f32 v6, v5;
	_ =	sdelay $0x1  }
0xfd: {  	[tilespmem:v2+s0+$0xD0 ss:$0x1] =	vst.idx.msk $0xffff, v6  }
0xfe: {  	v6 =	vld.idx.msk [tilespmem:v3+s0+$0xD0 ss:$0x1], $0xffff;
	_ =	sdelay $0x4  }
0xff: {  	v6 =	vadd.f32 v6, v5;
	_ =	sdelay $0x1  }
0x100: {  	[tilespmem:v3+s0+$0xD0 ss:$0x1] =	vst.idx.msk $0xffff, v6  }
0x101: {  	v6 =	vld.idx.msk [tilespmem:v4+s0+$0xD0 ss:$0x1], $0xffff;
	_ =	sdelay $0x4  }
0x102: {  	v5 =	vadd.f32 v6, v5;
	_ =	sdelay $0x1  }
0x103: {  	[tilespmem:v4+s0+$0xD0 ss:$0x1] =	vst.idx.msk $0xffff, v5  }
0x104: {  	v5 =	vld.idx.msk [tilespmem:v0+s0+$0xE0 ss:$0x1], $0xffff  }
0x105: {  	v6 =	vld.idx.msk [tilespmem:v1+s0+$0xE0 ss:$0x1], $0xffff;
	_ =	sdelay $0x4  }
0x106: {  	v6 =	vadd.f32 v6, v5;
	_ =	sdelay $0x1  }
0x107: {  	[tilespmem:v1+s0+$0xE0 ss:$0x1] =	vst.idx.msk $0xffff, v6  }
0x108: {  	v6 =	vld.idx.msk [tilespmem:v2+s0+$0xE0 ss:$0x1], $0xffff;
	_ =	sdelay $0x4  }
0x109: {  	v6 =	vadd.f32 v6, v5;
	_ =	sdelay $0x1  }
0x10a: {  	[tilespmem:v2+s0+$0xE0 ss:$0x1] =	vst.idx.msk $0xffff, v6  }
0x10b: {  	v6 =	vld.idx.msk [tilespmem:v3+s0+$0xE0 ss:$0x1], $0xffff;
	_ =	sdelay $0x4  }
0x10c: {  	v6 =	vadd.f32 v6, v5;
	_ =	sdelay $0x1  }
0x10d: {  	[tilespmem:v3+s0+$0xE0 ss:$0x1] =	vst.idx.msk $0xffff, v6  }
0x10e: {  	v6 =	vld.idx.msk [tilespmem:v4+s0+$0xE0 ss:$0x1], $0xffff;
	_ =	sdelay $0x4  }
0x10f: {  	v5 =	vadd.f32 v6, v5;
	_ =	sdelay $0x1  }
0x110: {  	[tilespmem:v4+s0+$0xE0 ss:$0x1] =	vst.idx.msk $0xffff, v5  }
0x111: {  	v5 =	vld.idx.msk [tilespmem:v0+s0+$0xF0 ss:$0x1], $0xffff  }
0x112: {  	v6 =	vld.idx.msk [tilespmem:v1+s0+$0xF0 ss:$0x1], $0xffff;
	_ =	sdelay $0x4  }
0x113: {  	v6 =	vadd.f32 v6, v5;
	_ =	sdelay $0x1  }
0x114: {  	[tilespmem:v1+s0+$0xF0 ss:$0x1] =	vst.idx.msk $0xffff, v6  }
0x115: {  	v6 =	vld.idx.msk [tilespmem:v2+s0+$0xF0 ss:$0x1], $0xffff;
	_ =	sdelay $0x4  }
0x116: {  	v6 =	vadd.f32 v6, v5;
	_ =	sdelay $0x1  }
0x117: {  	[tilespmem:v2+s0+$0xF0 ss:$0x1] =	vst.idx.msk $0xffff, v6  }
0x118: {  	v6 =	vld.idx.msk [tilespmem:v3+s0+$0xF0 ss:$0x1], $0xffff;
	_ =	sdelay $0x4  }
0x119: {  	v6 =	vadd.f32 v6, v5;
	_ =	sdelay $0x1  }
0x11a: {  	[tilespmem:v3+s0+$0xF0 ss:$0x1] =	vst.idx.msk $0xffff, v6  }
0x11b: {  	v6 =	vld.idx.msk [tilespmem:v4+s0+$0xF0 ss:$0x1], $0xffff;
	_ =	sdelay $0x4  }
0x11c: {  	v5 =	vadd.f32 v6, v5;
	_ =	sdelay $0x1  }
0x11d: {  	[tilespmem:v4+s0+$0xF0 ss:$0x1] =	vst.idx.msk $0xffff, v5  }
0x11e: {  	v5 =	vld.idx.msk [tilespmem:v0+s0+$0x100 ss:$0x1], $0xffff  }
0x11f: {  	v6 =	vld.idx.msk [tilespmem:v1+s0+$0x100 ss:$0x1], $0xffff;
	_ =	sdelay $0x4  }
0x120: {  	v6 =	vadd.f32 v6, v5;
	_ =	sdelay $0x1  }
0x121: {  	[tilespmem:v1+s0+$0x100 ss:$0x1] =	vst.idx.msk $0xffff, v6  }
0x122: {  	v6 =	vld.idx.msk [tilespmem:v2+s0+$0x100 ss:$0x1], $0xffff;
	_ =	sdelay $0x4  }
0x123: {  	v6 =	vadd.f32 v6, v5;
	_ =	sdelay $0x1  }
0x124: {  	[tilespmem:v2+s0+$0x100 ss:$0x1] =	vst.idx.msk $0xffff, v6  }
0x125: {  	v6 =	vld.idx.msk [tilespmem:v3+s0+$0x100 ss:$0x1], $0xffff;
	_ =	sdelay $0x4  }
0x126: {  	v6 =	vadd.f32 v6, v5;
	_ =	sdelay $0x1  }
0x127: {  	[tilespmem:v3+s0+$0x100 ss:$0x1] =	vst.idx.msk $0xffff, v6  }
0x128: {  	v6 =	vld.idx.msk [tilespmem:v4+s0+$0x100 ss:$0x1], $0xffff;
	_ =	sdelay $0x4  }
0x129: {  	v5 =	vadd.f32 v6, v5;
	_ =	sdelay $0x1  }
0x12a: {  	[tilespmem:v4+s0+$0x100 ss:$0x1] =	vst.idx.msk $0xffff, v5  }
0x12b: {  	v5 =	vld.idx.msk [tilespmem:v0+s0+$0x110 ss:$0x1], $0xffff  }
0x12c: {  	v6 =	vld.idx.msk [tilespmem:v1+s0+$0x110 ss:$0x1], $0xffff;
	_ =	sdelay $0x4  }
0x12d: {  	v6 =	vadd.f32 v6, v5;
	_ =	sdelay $0x1  }
0x12e: {  	[tilespmem:v1+s0+$0x110 ss:$0x1] =	vst.idx.msk $0xffff, v6  }
0x12f: {  	v6 =	vld.idx.msk [tilespmem:v2+s0+$0x110 ss:$0x1], $0xffff;
	_ =	sdelay $0x4  }
0x130: {  	v6 =	vadd.f32 v6, v5;
	_ =	sdelay $0x1  }
0x131: {  	[tilespmem:v2+s0+$0x110 ss:$0x1] =	vst.idx.msk $0xffff, v6  }
0x132: {  	v6 =	vld.idx.msk [tilespmem:v3+s0+$0x110 ss:$0x1], $0xffff;
	_ =	sdelay $0x4  }
0x133: {  	v6 =	vadd.f32 v6, v5;
	_ =	sdelay $0x1  }
0x134: {  	[tilespmem:v3+s0+$0x110 ss:$0x1] =	vst.idx.msk $0xffff, v6  }
0x135: {  	v6 =	vld.idx.msk [tilespmem:v4+s0+$0x110 ss:$0x1], $0xffff;
	_ =	sdelay $0x4  }
0x136: {  	v5 =	vadd.f32 v6, v5;
	_ =	sdelay $0x1  }
0x137: {  	[tilespmem:v4+s0+$0x110 ss:$0x1] =	vst.idx.msk $0xffff, v5  }
0x138: {  	v5 =	vld.idx.msk [tilespmem:v0+s0+$0x120 ss:$0x1], $0xffff  }
0x139: {  	v6 =	vld.idx.msk [tilespmem:v1+s0+$0x120 ss:$0x1], $0xffff;
	_ =	sdelay $0x4  }
0x13a: {  	v6 =	vadd.f32 v6, v5;
	_ =	sdelay $0x1  }
0x13b: {  	[tilespmem:v1+s0+$0x120 ss:$0x1] =	vst.idx.msk $0xffff, v6  }
0x13c: {  	v6 =	vld.idx.msk [tilespmem:v2+s0+$0x120 ss:$0x1], $0xffff;
	_ =	sdelay $0x4  }
0x13d: {  	v6 =	vadd.f32 v6, v5;
	_ =	sdelay $0x1  }
0x13e: {  	[tilespmem:v2+s0+$0x120 ss:$0x1] =	vst.idx.msk $0xffff, v6  }
0x13f: {  	v6 =	vld.idx.msk [tilespmem:v3+s0+$0x120 ss:$0x1], $0xffff;
	_ =	sdelay $0x4  }
0x140: {  	v6 =	vadd.f32 v6, v5;
	_ =	sdelay $0x1  }
0x141: {  	[tilespmem:v3+s0+$0x120 ss:$0x1] =	vst.idx.msk $0xffff, v6  }
0x142: {  	v6 =	vld.idx.msk [tilespmem:v4+s0+$0x120 ss:$0x1], $0xffff;
	_ =	sdelay $0x4  }
0x143: {  	v5 =	vadd.f32 v6, v5;
	_ =	sdelay $0x1  }
0x144: {  	[tilespmem:v4+s0+$0x120 ss:$0x1] =	vst.idx.msk $0xffff, v5  }
0x145: {  	v5 =	vld.idx.msk [tilespmem:v0+s0+$0x130 ss:$0x1], $0xffff  }
0x146: {  	v6 =	vld.idx.msk [tilespmem:v1+s0+$0x130 ss:$0x1], $0xffff;
	_ =	sdelay $0x4  }
0x147: {  	v6 =	vadd.f32 v6, v5;
	_ =	sdelay $0x1  }
0x148: {  	[tilespmem:v1+s0+$0x130 ss:$0x1] =	vst.idx.msk $0xffff, v6  }
0x149: {  	v6 =	vld.idx.msk [tilespmem:v2+s0+$0x130 ss:$0x1], $0xffff;
	_ =	sdelay $0x4  }
0x14a: {  	v6 =	vadd.f32 v6, v5;
	_ =	sdelay $0x1  }
0x14b: {  	[tilespmem:v2+s0+$0x130 ss:$0x1] =	vst.idx.msk $0xffff, v6  }
0x14c: {  	v6 =	vld.idx.msk [tilespmem:v3+s0+$0x130 ss:$0x1], $0xffff;
	_ =	sdelay $0x4  }
0x14d: {  	v6 =	vadd.f32 v6, v5;
	_ =	sdelay $0x1  }
0x14e: {  	[tilespmem:v3+s0+$0x130 ss:$0x1] =	vst.idx.msk $0xffff, v6  }
0x14f: {  	v6 =	vld.idx.msk [tilespmem:v4+s0+$0x130 ss:$0x1], $0xffff;
	_ =	sdelay $0x4  }
0x150: {  	v5 =	vadd.f32 v6, v5;
	_ =	sdelay $0x1  }
0x151: {  	[tilespmem:v4+s0+$0x130 ss:$0x1] =	vst.idx.msk $0xffff, v5  }
0x152: {  	v5 =	vld.idx.msk [tilespmem:v0+s0+$0x140 ss:$0x1], $0xffff  }
0x153: {  	v6 =	vld.idx.msk [tilespmem:v1+s0+$0x140 ss:$0x1], $0xffff;
	_ =	sdelay $0x4  }
0x154: {  	v6 =	vadd.f32 v6, v5;
	_ =	sdelay $0x1  }
0x155: {  	[tilespmem:v1+s0+$0x140 ss:$0x1] =	vst.idx.msk $0xffff, v6  }
0x156: {  	v6 =	vld.idx.msk [tilespmem:v2+s0+$0x140 ss:$0x1], $0xffff;
	_ =	sdelay $0x4  }
0x157: {  	v6 =	vadd.f32 v6, v5;
	_ =	sdelay $0x1  }
0x158: {  	[tilespmem:v2+s0+$0x140 ss:$0x1] =	vst.idx.msk $0xffff, v6  }
0x159: {  	v6 =	vld.idx.msk [tilespmem:v3+s0+$0x140 ss:$0x1], $0xffff;
	_ =	sdelay $0x4  }
0x15a: {  	v6 =	vadd.f32 v6, v5;
	_ =	sdelay $0x1  }
0x15b: {  	[tilespmem:v3+s0+$0x140 ss:$0x1] =	vst.idx.msk $0xffff, v6  }
0x15c: {  	v6 =	vld.idx.msk [tilespmem:v4+s0+$0x140 ss:$0x1], $0xffff;
	_ =	sdelay $0x4  }
0x15d: {  	v5 =	vadd.f32 v6, v5;
	_ =	sdelay $0x1  }
0x15e: {  	[tilespmem:v4+s0+$0x140 ss:$0x1] =	vst.idx.msk $0xffff, v5  }
0x15f: {  	v5 =	vld.idx.msk [tilespmem:v0+s0+$0x150 ss:$0x1], $0xffff  }
0x160: {  	v6 =	vld.idx.msk [tilespmem:v1+s0+$0x150 ss:$0x1], $0xffff;
	_ =	sdelay $0x4  }
0x161: {  	v6 =	vadd.f32 v6, v5;
	_ =	sdelay $0x1  }
0x162: {  	[tilespmem:v1+s0+$0x150 ss:$0x1] =	vst.idx.msk $0xffff, v6  }
0x163: {  	v6 =	vld.idx.msk [tilespmem:v2+s0+$0x150 ss:$0x1], $0xffff;
	_ =	sdelay $0x4  }
0x164: {  	v6 =	vadd.f32 v6, v5;
	_ =	sdelay $0x1  }
0x165: {  	[tilespmem:v2+s0+$0x150 ss:$0x1] =	vst.idx.msk $0xffff, v6  }
0x166: {  	v6 =	vld.idx.msk [tilespmem:v3+s0+$0x150 ss:$0x1], $0xffff;
	_ =	sdelay $0x4  }
0x167: {  	v6 =	vadd.f32 v6, v5;
	_ =	sdelay $0x1  }
0x168: {  	[tilespmem:v3+s0+$0x150 ss:$0x1] =	vst.idx.msk $0xffff, v6  }
0x169: {  	v6 =	vld.idx.msk [tilespmem:v4+s0+$0x150 ss:$0x1], $0xffff;
	_ =	sdelay $0x4  }
0x16a: {  	v5 =	vadd.f32 v6, v5;
	_ =	sdelay $0x1  }
0x16b: {  	[tilespmem:v4+s0+$0x150 ss:$0x1] =	vst.idx.msk $0xffff, v5  }
0x16c: {  	v5 =	vld.idx.msk [tilespmem:v0+s0+$0x160 ss:$0x1], $0xffff  }
0x16d: {  	v6 =	vld.idx.msk [tilespmem:v1+s0+$0x160 ss:$0x1], $0xffff;
	_ =	sdelay $0x4  }
0x16e: {  	v6 =	vadd.f32 v6, v5;
	_ =	sdelay $0x1  }
0x16f: {  	[tilespmem:v1+s0+$0x160 ss:$0x1] =	vst.idx.msk $0xffff, v6  }
0x170: {  	v6 =	vld.idx.msk [tilespmem:v2+s0+$0x160 ss:$0x1], $0xffff;
	_ =	sdelay $0x4  }
0x171: {  	v6 =	vadd.f32 v6, v5;
	_ =	sdelay $0x1  }
0x172: {  	[tilespmem:v2+s0+$0x160 ss:$0x1] =	vst.idx.msk $0xffff, v6  }
0x173: {  	v6 =	vld.idx.msk [tilespmem:v3+s0+$0x160 ss:$0x1], $0xffff;
	_ =	sdelay $0x4  }
0x174: {  	v6 =	vadd.f32 v6, v5;
	_ =	sdelay $0x1  }
0x175: {  	[tilespmem:v3+s0+$0x160 ss:$0x1] =	vst.idx.msk $0xffff, v6  }
0x176: {  	v6 =	vld.idx.msk [tilespmem:v4+s0+$0x160 ss:$0x1], $0xffff;
	_ =	sdelay $0x4  }
0x177: {  	v5 =	vadd.f32 v6, v5;
	_ =	sdelay $0x1  }
0x178: {  	[tilespmem:v4+s0+$0x160 ss:$0x1] =	vst.idx.msk $0xffff, v5  }
0x179: {  	v5 =	vld.idx.msk [tilespmem:v0+s0+$0x170 ss:$0x1], $0xffff  }
0x17a: {  	v6 =	vld.idx.msk [tilespmem:v1+s0+$0x170 ss:$0x1], $0xffff;
	_ =	sdelay $0x4  }
0x17b: {  	v6 =	vadd.f32 v6, v5;
	_ =	sdelay $0x1  }
0x17c: {  	[tilespmem:v1+s0+$0x170 ss:$0x1] =	vst.idx.msk $0xffff, v6  }
0x17d: {  	v6 =	vld.idx.msk [tilespmem:v2+s0+$0x170 ss:$0x1], $0xffff;
	_ =	sdelay $0x4  }
0x17e: {  	v6 =	vadd.f32 v6, v5;
	_ =	sdelay $0x1  }
0x17f: {  	[tilespmem:v2+s0+$0x170 ss:$0x1] =	vst.idx.msk $0xffff, v6  }
0x180: {  	v6 =	vld.idx.msk [tilespmem:v3+s0+$0x170 ss:$0x1], $0xffff;
	_ =	sdelay $0x4  }
0x181: {  	v6 =	vadd.f32 v6, v5;
	_ =	sdelay $0x1  }
0x182: {  	[tilespmem:v3+s0+$0x170 ss:$0x1] =	vst.idx.msk $0xffff, v6  }
0x183: {  	v6 =	vld.idx.msk [tilespmem:v4+s0+$0x170 ss:$0x1], $0xffff;
	_ =	sdelay $0x4  }
0x184: {  	v5 =	vadd.f32 v6, v5;
	_ =	sdelay $0x1  }
0x185: {  	[tilespmem:v4+s0+$0x170 ss:$0x1] =	vst.idx.msk $0xffff, v5  }
0x186: {  	v5 =	vld.idx.msk [tilespmem:v0+s0+$0x180 ss:$0x1], $0xffff  }
0x187: {  	v6 =	vld.idx.msk [tilespmem:v1+s0+$0x180 ss:$0x1], $0xffff;
	_ =	sdelay $0x4  }
0x188: {  	v6 =	vadd.f32 v6, v5;
	_ =	sdelay $0x1  }
0x189: {  	[tilespmem:v1+s0+$0x180 ss:$0x1] =	vst.idx.msk $0xffff, v6  }
0x18a: {  	v6 =	vld.idx.msk [tilespmem:v2+s0+$0x180 ss:$0x1], $0xffff;
	_ =	sdelay $0x4  }
0x18b: {  	v6 =	vadd.f32 v6, v5;
	_ =	sdelay $0x1  }
0x18c: {  	[tilespmem:v2+s0+$0x180 ss:$0x1] =	vst.idx.msk $0xffff, v6  }
0x18d: {  	v6 =	vld.idx.msk [tilespmem:v3+s0+$0x180 ss:$0x1], $0xffff;
	_ =	sdelay $0x4  }
0x18e: {  	v6 =	vadd.f32 v6, v5;
	_ =	sdelay $0x1  }
0x18f: {  	[tilespmem:v3+s0+$0x180 ss:$0x1] =	vst.idx.msk $0xffff, v6  }
0x190: {  	v6 =	vld.idx.msk [tilespmem:v4+s0+$0x180 ss:$0x1], $0xffff;
	_ =	sdelay $0x4  }
0x191: {  	v5 =	vadd.f32 v6, v5;
	_ =	sdelay $0x1  }
0x192: {  	[tilespmem:v4+s0+$0x180 ss:$0x1] =	vst.idx.msk $0xffff, v5  }
0x193: {  	v5 =	vld.idx.msk [tilespmem:v0+s0+$0x190 ss:$0x1], $0xffff  }
0x194: {  	v6 =	vld.idx.msk [tilespmem:v1+s0+$0x190 ss:$0x1], $0xffff;
	_ =	sdelay $0x4  }
0x195: {  	v6 =	vadd.f32 v6, v5;
	_ =	sdelay $0x1  }
0x196: {  	[tilespmem:v1+s0+$0x190 ss:$0x1] =	vst.idx.msk $0xffff, v6  }
0x197: {  	v6 =	vld.idx.msk [tilespmem:v2+s0+$0x190 ss:$0x1], $0xffff;
	_ =	sdelay $0x4  }
0x198: {  	v6 =	vadd.f32 v6, v5;
	_ =	sdelay $0x1  }
0x199: {  	[tilespmem:v2+s0+$0x190 ss:$0x1] =	vst.idx.msk $0xffff, v6  }
0x19a: {  	v6 =	vld.idx.msk [tilespmem:v3+s0+$0x190 ss:$0x1], $0xffff;
	_ =	sdelay $0x4  }
0x19b: {  	v6 =	vadd.f32 v6, v5;
	_ =	sdelay $0x1  }
0x19c: {  	[tilespmem:v3+s0+$0x190 ss:$0x1] =	vst.idx.msk $0xffff, v6  }
0x19d: {  	v6 =	vld.idx.msk [tilespmem:v4+s0+$0x190 ss:$0x1], $0xffff;
	_ =	sdelay $0x4  }
0x19e: {  	v5 =	vadd.f32 v6, v5;
	_ =	sdelay $0x1  }
0x19f: {  	[tilespmem:v4+s0+$0x190 ss:$0x1] =	vst.idx.msk $0xffff, v5  }
0x1a0: {  	v5 =	vld.idx.msk [tilespmem:v0+s0+$0x1A0 ss:$0x1], $0xffff  }
0x1a1: {  	v6 =	vld.idx.msk [tilespmem:v1+s0+$0x1A0 ss:$0x1], $0xffff;
	_ =	sdelay $0x4  }
0x1a2: {  	v6 =	vadd.f32 v6, v5;
	_ =	sdelay $0x1  }
0x1a3: {  	[tilespmem:v1+s0+$0x1A0 ss:$0x1] =	vst.idx.msk $0xffff, v6  }
0x1a4: {  	v6 =	vld.idx.msk [tilespmem:v2+s0+$0x1A0 ss:$0x1], $0xffff;
	_ =	sdelay $0x4  }
0x1a5: {  	v6 =	vadd.f32 v6, v5;
	_ =	sdelay $0x1  }
0x1a6: {  	[tilespmem:v2+s0+$0x1A0 ss:$0x1] =	vst.idx.msk $0xffff, v6  }
0x1a7: {  	v6 =	vld.idx.msk [tilespmem:v3+s0+$0x1A0 ss:$0x1], $0xffff;
	_ =	sdelay $0x4  }
0x1a8: {  	v6 =	vadd.f32 v6, v5;
	_ =	sdelay $0x1  }
0x1a9: {  	[tilespmem:v3+s0+$0x1A0 ss:$0x1] =	vst.idx.msk $0xffff, v6  }
0x1aa: {  	v6 =	vld.idx.msk [tilespmem:v4+s0+$0x1A0 ss:$0x1], $0xffff;
	_ =	sdelay $0x4  }
0x1ab: {  	v5 =	vadd.f32 v6, v5;
	_ =	sdelay $0x1  }
0x1ac: {  	[tilespmem:v4+s0+$0x1A0 ss:$0x1] =	vst.idx.msk $0xffff, v5  }
0x1ad: {  	v5 =	vld.idx.msk [tilespmem:v0+s0+$0x1B0 ss:$0x1], $0xffff  }
0x1ae: {  	v6 =	vld.idx.msk [tilespmem:v1+s0+$0x1B0 ss:$0x1], $0xffff;
	_ =	sdelay $0x4  }
0x1af: {  	v6 =	vadd.f32 v6, v5;
	_ =	sdelay $0x1  }
0x1b0: {  	[tilespmem:v1+s0+$0x1B0 ss:$0x1] =	vst.idx.msk $0xffff, v6  }
0x1b1: {  	v6 =	vld.idx.msk [tilespmem:v2+s0+$0x1B0 ss:$0x1], $0xffff;
	_ =	sdelay $0x4  }
0x1b2: {  	v6 =	vadd.f32 v6, v5;
	_ =	sdelay $0x1  }
0x1b3: {  	[tilespmem:v2+s0+$0x1B0 ss:$0x1] =	vst.idx.msk $0xffff, v6  }
0x1b4: {  	v6 =	vld.idx.msk [tilespmem:v3+s0+$0x1B0 ss:$0x1], $0xffff;
	_ =	sdelay $0x4  }
0x1b5: {  	v6 =	vadd.f32 v6, v5;
	_ =	sdelay $0x1  }
0x1b6: {  	[tilespmem:v3+s0+$0x1B0 ss:$0x1] =	vst.idx.msk $0xffff, v6  }
0x1b7: {  	v6 =	vld.idx.msk [tilespmem:v4+s0+$0x1B0 ss:$0x1], $0xffff;
	_ =	sdelay $0x4  }
0x1b8: {  	v5 =	vadd.f32 v6, v5;
	_ =	sdelay $0x1  }
0x1b9: {  	[tilespmem:v4+s0+$0x1B0 ss:$0x1] =	vst.idx.msk $0xffff, v5  }
0x1ba: {  	v5 =	vld.idx.msk [tilespmem:v0+s0+$0x1C0 ss:$0x1], $0xffff  }
0x1bb: {  	v6 =	vld.idx.msk [tilespmem:v1+s0+$0x1C0 ss:$0x1], $0xffff;
	_ =	sdelay $0x4  }
0x1bc: {  	v6 =	vadd.f32 v6, v5;
	_ =	sdelay $0x1  }
0x1bd: {  	[tilespmem:v1+s0+$0x1C0 ss:$0x1] =	vst.idx.msk $0xffff, v6  }
0x1be: {  	v6 =	vld.idx.msk [tilespmem:v2+s0+$0x1C0 ss:$0x1], $0xffff;
	_ =	sdelay $0x4  }
0x1bf: {  	v6 =	vadd.f32 v6, v5;
	_ =	sdelay $0x1  }
0x1c0: {  	[tilespmem:v2+s0+$0x1C0 ss:$0x1] =	vst.idx.msk $0xffff, v6  }
0x1c1: {  	v6 =	vld.idx.msk [tilespmem:v3+s0+$0x1C0 ss:$0x1], $0xffff;
	_ =	sdelay $0x4  }
0x1c2: {  	v6 =	vadd.f32 v6, v5;
	_ =	sdelay $0x1  }
0x1c3: {  	[tilespmem:v3+s0+$0x1C0 ss:$0x1] =	vst.idx.msk $0xffff, v6  }
0x1c4: {  	v6 =	vld.idx.msk [tilespmem:v4+s0+$0x1C0 ss:$0x1], $0xffff;
	_ =	sdelay $0x4  }
0x1c5: {  	v5 =	vadd.f32 v6, v5;
	_ =	sdelay $0x1  }
0x1c6: {  	[tilespmem:v4+s0+$0x1C0 ss:$0x1] =	vst.idx.msk $0xffff, v5  }
0x1c7: {  	v5 =	vld.idx.msk [tilespmem:v0+s0+$0x1D0 ss:$0x1], $0xffff  }
0x1c8: {  	v6 =	vld.idx.msk [tilespmem:v1+s0+$0x1D0 ss:$0x1], $0xffff;
	_ =	sdelay $0x4  }
0x1c9: {  	v6 =	vadd.f32 v6, v5;
	_ =	sdelay $0x1  }
0x1ca: {  	[tilespmem:v1+s0+$0x1D0 ss:$0x1] =	vst.idx.msk $0xffff, v6  }
0x1cb: {  	v6 =	vld.idx.msk [tilespmem:v2+s0+$0x1D0 ss:$0x1], $0xffff;
	_ =	sdelay $0x4  }
0x1cc: {  	v6 =	vadd.f32 v6, v5;
	_ =	sdelay $0x1  }
0x1cd: {  	[tilespmem:v2+s0+$0x1D0 ss:$0x1] =	vst.idx.msk $0xffff, v6  }
0x1ce: {  	v6 =	vld.idx.msk [tilespmem:v3+s0+$0x1D0 ss:$0x1], $0xffff;
	_ =	sdelay $0x4  }
0x1cf: {  	v6 =	vadd.f32 v6, v5;
	_ =	sdelay $0x1  }
0x1d0: {  	[tilespmem:v3+s0+$0x1D0 ss:$0x1] =	vst.idx.msk $0xffff, v6  }
0x1d1: {  	v6 =	vld.idx.msk [tilespmem:v4+s0+$0x1D0 ss:$0x1], $0xffff;
	_ =	sdelay $0x4  }
0x1d2: {  	v5 =	vadd.f32 v6, v5;
	_ =	sdelay $0x1  }
0x1d3: {  	[tilespmem:v4+s0+$0x1D0 ss:$0x1] =	vst.idx.msk $0xffff, v5  }
0x1d4: {  	v5 =	vld.idx.msk [tilespmem:v0+s0+$0x1E0 ss:$0x1], $0xffff  }
0x1d5: {  	v6 =	vld.idx.msk [tilespmem:v1+s0+$0x1E0 ss:$0x1], $0xffff;
	_ =	sdelay $0x4  }
0x1d6: {  	v6 =	vadd.f32 v6, v5;
	_ =	sdelay $0x1  }
0x1d7: {  	[tilespmem:v1+s0+$0x1E0 ss:$0x1] =	vst.idx.msk $0xffff, v6  }
0x1d8: {  	v6 =	vld.idx.msk [tilespmem:v2+s0+$0x1E0 ss:$0x1], $0xffff;
	_ =	sdelay $0x4  }
0x1d9: {  	v6 =	vadd.f32 v6, v5;
	_ =	sdelay $0x1  }
0x1da: {  	[tilespmem:v2+s0+$0x1E0 ss:$0x1] =	vst.idx.msk $0xffff, v6  }
0x1db: {  	v6 =	vld.idx.msk [tilespmem:v3+s0+$0x1E0 ss:$0x1], $0xffff;
	_ =	sdelay $0x4  }
0x1dc: {  	v6 =	vadd.f32 v6, v5;
	_ =	sdelay $0x1  }
0x1dd: {  	[tilespmem:v3+s0+$0x1E0 ss:$0x1] =	vst.idx.msk $0xffff, v6  }
0x1de: {  	v6 =	vld.idx.msk [tilespmem:v4+s0+$0x1E0 ss:$0x1], $0xffff;
	_ =	sdelay $0x4  }
0x1df: {  	v5 =	vadd.f32 v6, v5;
	_ =	sdelay $0x1  }
0x1e0: {  	[tilespmem:v4+s0+$0x1E0 ss:$0x1] =	vst.idx.msk $0xffff, v5  }
0x1e1: {  	v5 =	vld.idx.msk [tilespmem:v0+s0+$0x1F0 ss:$0x1], $0xffff  }
0x1e2: {  	v6 =	vld.idx.msk [tilespmem:v1+s0+$0x1F0 ss:$0x1], $0xffff;
	_ =	sdelay $0x4  }
0x1e3: {  	v6 =	vadd.f32 v6, v5;
	_ =	sdelay $0x1  }
0x1e4: {  	[tilespmem:v1+s0+$0x1F0 ss:$0x1] =	vst.idx.msk $0xffff, v6  }
0x1e5: {  	v6 =	vld.idx.msk [tilespmem:v2+s0+$0x1F0 ss:$0x1], $0xffff;
	_ =	sdelay $0x4  }
0x1e6: {  	v6 =	vadd.f32 v6, v5;
	_ =	sdelay $0x1  }
0x1e7: {  	[tilespmem:v2+s0+$0x1F0 ss:$0x1] =	vst.idx.msk $0xffff, v6  }
0x1e8: {  	v6 =	vld.idx.msk [tilespmem:v3+s0+$0x1F0 ss:$0x1], $0xffff;
	_ =	sdelay $0x4  }
0x1e9: {  	v6 =	vadd.f32 v6, v5;
	_ =	sdelay $0x1  }
0x1ea: {  	[tilespmem:v3+s0+$0x1F0 ss:$0x1] =	vst.idx.msk $0xffff, v6  }
0x1eb: {  	v6 =	vld.idx.msk [tilespmem:v4+s0+$0x1F0 ss:$0x1], $0xffff;
	_ =	sdelay $0x1  }
0x1ec: {  	p0 =	sne.s32 s31, $0xF  }
.Ltmp0:
0x1ed: {  	_ = 	snop;
	(pc) =	sbr.rel @p0 .LBB2_3-.Ltmp0, $3  }
0x1ee: {  	_ = 	snop  }
0x1ef: {  	v5 =	vadd.f32 v6, v5;
	_ =	sdelay $0x1  }
0x1f0: {  	s31 =	sadd.s32 $0x1, s31;
	[tilespmem:v4+s0+$0x1F0 ss:$0x1] =	vst.idx.msk $0xffff, v5  }
0x1f1: {  	s0 =	sshll.u32 s24, $0xD;
	s31 =	sshll.u32 s24, $0x9  }
0x1f2: {  	s0 =	sand.u32 $0x1C000, s0;
	s24 =	sand.u32 $0x200, s31  }
0x1f3: {  	s0 =	sor.u32 s0, s24  }
0x1f4: {  	s0 =	sor.u32 s6, s0  }
0x1f5: {  	s0 =	sshrl.u32 s0, $0x3  }
0x1f6: {  	s24 =	sadd.s32 $0x4, s25;
	s0 =	sadd.s32 s4, s0  }
0x1f7: {  	[hbm4b:s0+s14] =	stream.strided.scatter [tilespmem:s30], [sflag:s24], $0x2000, s15, s14, $0x38;
	[tilespmem:$0x1E000] =	vst v63  }
0x1f8: {  	p0 =	sne.s32 s23, $0x10;
	s30 =	sadd.s32 $0x80000, s0  }
0x1f9: {  	[hbm4b:s30+s14] =	stream.strided.scatter [tilespmem:s29], [sflag:s24], $0x2000, s15, s14, $0x38;
	[tilespmem:$0x1E000] =	vst v63  }
.Ltmp1:
0x1fa: {  	s31 =	sadd.s32 $0x100000, s0;
	(pc) =	sbr.rel @p0 .LBB2_2-.Ltmp1, $4  }
0x1fb: {  	[hbm4b:s31+s14] =	stream.strided.scatter [tilespmem:s28], [sflag:s24], $0x2000, s15, s14, $0x38;
	[tilespmem:$0x1E000] =	vst v63  }
0x1fc: {  	s0 =	sadd.s32 $0x180000, s0  }
0x1fd: {  	[hbm4b:s0+s14] =	stream.strided.scatter [tilespmem:s26], [sflag:s24], $0x2000, s15, s14, $0x38;
	[tilespmem:$0x1E000] =	vst v63  }
0x1fe: {  	s24 =	smov.u32 s23  }
0x1ff: {  	_ =	swait.ge [sflag:s20], $0x2000  }
0x200: {  	[sflag:s20] =	ssyncset.done $0x0  }
0x201: {  	[sflag:s20] =	ssyncadd.s32 $0xFFFFE000  }
0x202: {  	_ =	swait.ge [sflag:s20], $0x2000  }
0x203: {  	[sflag:s20] =	ssyncset.done $0x0  }
0x204: {  	[sflag:s20] =	ssyncadd.s32 $0xFFFFE000  }
0x205: {  	_ =	swait.ge [sflag:s20], $0x2000  }
0x206: {  	[sflag:s20] =	ssyncset.done $0x0  }
0x207: {  	[sflag:s20] =	ssyncadd.s32 $0xFFFFE000  }
0x208: {  	_ =	swait.ge [sflag:s20], $0x2000  }
0x209: {  	[sflag:s20] =	ssyncset.done $0x0  }
0x20a: {  	[sflag:s20] =	ssyncadd.s32 $0xFFFFE000  }
0x20b: {  	_ =	swait.ge [sflag:s21], $0x2000  }
0x20c: {  	[sflag:s21] =	ssyncset.done $0x0  }
0x20d: {  	[sflag:s21] =	ssyncadd.s32 $0xFFFFE000  }
0x20e: {  	_ =	swait.ge [sflag:s21], $0x2000  }
0x20f: {  	[sflag:s21] =	ssyncset.done $0x0  }
0x210: {  	s22 =	sadd.s32 $0x1, s22;
	[sflag:s21] =	ssyncadd.s32 $0xFFFFE000  }
0x211: {  	p0 =	sne.s32 s22, s13;
	_ =	swait.ge [sflag:s21], $0x2000  }
.Ltmp2:
0x212: {  	[sflag:s21] =	ssyncset.done $0x0;
	(pc) =	sbr.rel @p0 .LBB2_1-.Ltmp2, $4  }
0x213: {  	[sflag:s21] =	ssyncadd.s32 $0xFFFFE000  }
0x214: {  	_ =	swait.ge [sflag:s21], $0x2000  }
0x215: {  	[sflag:s21] =	ssyncset.done $0x0  }
0x216: {  	[sflag:s21] =	ssyncadd.s32 $0xFFFFE000  }
0x217: {  	_ =	sfence.sel $0x180000  }
0x218: {  	[bflag:$0x0] =	sbarrier.arrive $0xFFFF  }
0x219: {  	_ =	strace $0x90000047  }
0x21a: {  	[bflag:$0x2] =	sbarrier.arrive $0xFFFF  }
0x21b: {  	p0 =	sne.s32 s2, $0x0;
	s0 =	rddreg [dreg:$0x3]  }
0x21c: {  	s0 =	sadd.s32 @!p0 $0x100000, s0  }
0x21d: {  	[sflag:s0] =	ssyncadd.tile.s32 @!p0 $0x1;
	_ =	shalt  }
.Lfunc_end2:
_tile_overlayer_lowered:
.L_overlay_start_2:
0x21e: {  	(tag) =	ssettag $0x2  }
0x21f: {  	s0 =	rddreg [dreg:$0x0];
	s2 =	stileid.u32  }
0x220: {  	s1 =	rddreg [dreg:$0x1];
	p0 =	sne.s32 s2, $0x0  }
0x221: {  	s3 =	rddreg [dreg:$0x2];
	[bflag:$0x3] =	sbarrier.arrive $0xFFFF;
	s2 =	simm.s32 @!p0 $0x1C07  }
0x222: {  	[timem:s3], [sflag:s2] =	dma.local @!p0 [hbm:s0], s1  }
0x223: {  	s0 =	simm.s32 @!p0 $0x7  }
0x224: {  	_ =	swait.ge @!p0 [sflag:s0], s1  }
0x225: {  	s1 =	ssub.s32 @!p0 $0x0, s1;
	[sflag:s0] =	ssyncset.done @!p0 $0x0  }
0x226: {  	[sflag:s0] =	ssyncadd.s32 @!p0 s1  }
0x227: {  	[bflag:$0x3] =	sbarrier.arrive $0xFFFF  }
0x228: {  	_ =	shalt  }

</sc_bundles>
